<compile_context>
chip_gen: v7x
topology: tpu7x:2x2x1
jax: 0.10.2.dev20260603
libtpu: 0.0.44.dev20260713+nightly
codegen_flags: <defaults>
</compile_context>

<pallas_src>
import functools

import jax
import jax.numpy as jnp
from jax import lax
from jax.experimental import pallas as pl
from jax.experimental.pallas import tpu as pltpu
from jax.experimental.pallas import tpu_sc as plsc

T = 2048
D = 1024
E = 8
EP = 128
M = 128
NT = (2 * T) // M + E
NP = NT * M
MMG = 8

NC, NS = 2, 16
NW = NC * NS
TPW = T // NW


def _router_body(h_ref, gw_ref, gb_ref, dst1_ref, dst2_ref, te_ref,
                 bflag_ref, slot_ref, nre_ref, dopre_ref):
    h = h_ref[...]
    logits8 = jnp.dot(h, gw_ref[...], preferred_element_type=jnp.float32)
    logits8 = logits8 + gb_ref[...]
    logits = jnp.concatenate(
        [logits8, jnp.full((T, EP - E), -1e30, jnp.float32)], axis=1)
    mx = jnp.max(logits, axis=1, keepdims=True)
    un = jnp.exp(logits - mx)
    p = un / jnp.sum(un, axis=1, keepdims=True)

    iota_e = lax.broadcasted_iota(jnp.int32, (T, EP), 1)
    m1 = jnp.max(p, axis=1, keepdims=True)
    e1 = jnp.min(jnp.where(p == m1, iota_e, EP), axis=1, keepdims=True)
    p2 = jnp.where(iota_e == e1, -jnp.inf, p)
    m2 = jnp.max(p2, axis=1, keepdims=True)
    e2 = jnp.min(jnp.where(p2 == m2, iota_e, EP), axis=1, keepdims=True)

    oh1 = (iota_e == e1).astype(jnp.float32)
    oh2 = (iota_e == e2).astype(jnp.float32)

    def excl_cumsum_rows(x):
        acc = x
        s = 1
        while s < T:
            acc = acc + jnp.concatenate(
                [jnp.zeros((s, EP), jnp.float32), acc[: T - s, :]], axis=0)
            s *= 2
        return acc - x

    r1 = excl_cumsum_rows(oh1)
    r2 = excl_cumsum_rows(oh2)
    c1 = jnp.sum(oh1, axis=0, keepdims=True)
    c2 = jnp.sum(oh2, axis=0, keepdims=True)
    counts = c1 + c2
    pc = jnp.ceil(counts / M) * M

    incl = pc
    s = 1
    while s < EP:
        incl = incl + jnp.concatenate(
            [jnp.zeros((1, s), jnp.float32), incl[:, : EP - s]], axis=1)
        s *= 2
    off = incl - pc

    d1 = jnp.sum((r1 + off) * oh1, axis=1, keepdims=True)
    d2 = jnp.sum((r2 + off + c1) * oh2, axis=1, keepdims=True)
    dst1_ref[...] = d1.astype(jnp.int32).reshape(T // 128, 128)
    dst2_ref[...] = d2.astype(jnp.int32).reshape(T // 128, 128)

    starts = (lax.broadcasted_iota(jnp.int32, (NT, EP), 0) * M).astype(
        jnp.float32)
    te = jnp.sum((starts >= incl).astype(jnp.int32), axis=1, keepdims=True)
    present0 = (pc > 0.5)
    lane0 = lax.broadcasted_iota(jnp.int32, (NT, EP), 1)
    lp = jnp.max(jnp.where(present0, lane0, 0), axis=1, keepdims=True)
    te = jnp.minimum(te, lp)
    te_ref[...] = te

    te_prev = jnp.concatenate([jnp.full((1, 1), -1, jnp.int32), te[:-1, :]],
                              axis=0)
    bflag = (te != te_prev).astype(jnp.int32)
    runidx = bflag
    s = 1
    while s < NT:
        runidx = runidx + jnp.concatenate(
            [jnp.zeros((s, 1), jnp.int32), runidx[: NT - s, :]], axis=0)
        s *= 2
    slot = (runidx - 1) % 2
    cand = jnp.where((lane0 > te) & present0, lane0, EP)
    nre = jnp.min(cand, axis=1, keepdims=True)
    dopre = ((bflag == 1) & (nre < E)).astype(jnp.int32)
    bflag_ref[...] = bflag
    slot_ref[...] = slot
    nre_ref[...] = jnp.minimum(nre, E - 1)
    dopre_ref[...] = dopre


def _router(h, gw_p, gb_p):
    return pl.pallas_call(
        _router_body,
        out_shape=(
            jax.ShapeDtypeStruct((T // 128, 128), jnp.int32),
            jax.ShapeDtypeStruct((T // 128, 128), jnp.int32),
            jax.ShapeDtypeStruct((NT, 1), jnp.int32),
            jax.ShapeDtypeStruct((NT, 1), jnp.int32),
            jax.ShapeDtypeStruct((NT, 1), jnp.int32),
            jax.ShapeDtypeStruct((NT, 1), jnp.int32),
            jax.ShapeDtypeStruct((NT, 1), jnp.int32),
        ),
    )(h, gw_p, gb_p)


@functools.cache
def _get_dispatch():
    mesh = plsc.VectorSubcoreMesh(core_axis_name="c", subcore_axis_name="s")

    @functools.partial(
        pl.kernel,
        mesh=mesh,
        out_type=jax.ShapeDtypeStruct((NP, D), jnp.float32),
        scratch_types=[
            pltpu.VMEM((TPW,), jnp.int32),
            pltpu.VMEM((TPW,), jnp.int32),
            pltpu.VMEM((TPW, D), jnp.float32),
            pltpu.SemaphoreType.DMA,
            pltpu.SemaphoreType.DMA,
        ],
    )
    def _dispatch(h_hbm, d1_hbm, d2_hbm, hs_hbm, i1_v, i2_v, rows_v,
                  sem1, sem2):
        wid = lax.axis_index("s") * NC + lax.axis_index("c")
        base = wid * TPW
        pltpu.sync_copy(d1_hbm.at[pl.ds(base, TPW)], i1_v)
        pltpu.sync_copy(d2_hbm.at[pl.ds(base, TPW)], i2_v)
        pltpu.sync_copy(h_hbm.at[pl.ds(base, TPW)], rows_v)
        c1 = pltpu.async_copy(rows_v, hs_hbm.at[i1_v], sem1)
        c2 = pltpu.async_copy(rows_v, hs_hbm.at[i2_v], sem2)
        c1.wait()
        c2.wait()

    return _dispatch


def _mm_body(te_ref, bflag_ref, slot_ref, nre_ref, dopre_ref,
             hs_ref, w_hbm, ys_ref, wbuf, wsem):
    def _wcopy(expert, slot):
        return pltpu.make_async_copy(
            w_hbm.at[expert], wbuf.at[slot], wsem.at[slot])

    def tile_body(i, carry):
        e = te_ref[i, 0]
        s = slot_ref[i, 0]

        @pl.when(bflag_ref[i, 0] == 1)
        def _run_start():
            @pl.when(i == 0)
            def _first():
                _wcopy(e, s).start()

            _wcopy(e, s).wait()

            @pl.when(dopre_ref[i, 0] == 1)
            def _prefetch():
                _wcopy(nre_ref[i, 0], 1 - s).start()

        w_bf = wbuf[s].astype(jnp.bfloat16)
        j = i % (NT // MMG)
        hs_bf = hs_ref[pl.ds(j * M, M), :].astype(jnp.bfloat16)
        ys_ref[pl.ds(j * M, M), :] = jnp.dot(
            hs_bf, w_bf, preferred_element_type=jnp.float32)
        return carry

    p = pl.program_id(0)
    tpg = NT // MMG
    lax.fori_loop(p * tpg, (p + 1) * tpg, tile_body, 0)


def _expert_mm(te, bflag, slot, nre, dopre, hs, expert_w):
    grid_spec = pltpu.PrefetchScalarGridSpec(
        num_scalar_prefetch=5,
        grid=(MMG,),
        in_specs=[
            pl.BlockSpec((NP // MMG, D), lambda p, *_: (p, 0)),
            pl.BlockSpec(memory_space=pl.ANY),
        ],
        out_specs=pl.BlockSpec((NP // MMG, D), lambda p, *_: (p, 0)),
        scratch_shapes=[
            pltpu.VMEM((2, D, D), jnp.float32),
            pltpu.SemaphoreType.DMA((2,)),
        ],
    )
    return pl.pallas_call(
        _mm_body,
        grid_spec=grid_spec,
        out_shape=jax.ShapeDtypeStruct((NP, D), jnp.float32),
    )(te, bflag, slot, nre, dopre, hs, expert_w)


@functools.cache
def _get_combine():
    mesh = plsc.VectorSubcoreMesh(core_axis_name="c", subcore_axis_name="s")

    CH = 32

    @functools.partial(
        pl.kernel,
        mesh=mesh,
        out_type=jax.ShapeDtypeStruct((T, D), jnp.float32),
        scratch_types=[
            pltpu.VMEM((CH,), jnp.int32),
            pltpu.VMEM((CH,), jnp.int32),
            pltpu.VMEM((CH, D), jnp.float32),
            pltpu.VMEM((CH, D), jnp.float32),
            pltpu.SemaphoreType.DMA,
            pltpu.SemaphoreType.DMA,
        ],
    )
    def _combine(ys_hbm, d1_hbm, d2_hbm, out_hbm, i1_v, i2_v, b1_v, b2_v,
                 sem1, sem2):
        wid = lax.axis_index("s") * NC + lax.axis_index("c")
        for c in range(TPW // CH):
            base = wid * TPW + c * CH
            pltpu.sync_copy(d1_hbm.at[pl.ds(base, CH)], i1_v)
            pltpu.sync_copy(d2_hbm.at[pl.ds(base, CH)], i2_v)
            g1 = pltpu.async_copy(ys_hbm.at[i1_v], b1_v, sem1)
            g2 = pltpu.async_copy(ys_hbm.at[i2_v], b2_v, sem2)
            g1.wait()
            g2.wait()

            def row_body(r, _):
                for j in range(D // 16):
                    sl = pl.ds(j * 16, 16)
                    b1_v[r, sl] = b1_v[r, sl] + b2_v[r, sl]
                return 0

            lax.fori_loop(0, CH, row_body, 0)
            pltpu.sync_copy(b1_v, out_hbm.at[pl.ds(base, CH)])

    return _combine


@jax.jit
def kernel(E_symb, gate_w, gate_b, expert_w):
    h = E_symb.reshape(T, D)
    dst1, dst2, te, bflag, slot, nre, dopre = _router(
        h, gate_w, gate_b.reshape(1, E))
    dst1 = dst1.reshape(T)
    dst2 = dst2.reshape(T)

    hs = _get_dispatch()(h, dst1, dst2)
    ys = _expert_mm(te, bflag, slot, nre, dopre, hs, expert_w)
    out = _get_combine()(ys, dst1, dst2)
    return out.reshape(E_symb.shape)

# --- scband reference (transcript-rebuilt; emitter-appended) ---
"""Pipeline reference for scband-selective-embedding-60876866453789 (READ-ONLY COPY).

The authoritative reference and input builder live on the scoring server;
editing this copy changes nothing except your own understanding.
"""

import jax, jax.numpy as jnp
import numpy as np

NUM_EXPERTS = 8
TOP_K = 2
EMBED_DIM = 1024
BATCH = 1
SEQ = 2048


def setup_inputs(seed: int = 0) -> dict:
    key = jax.random.key(seed)
    k1, k2, k3, k4 = jax.random.split(key, 4)
    E_symb = jax.random.normal(k1, (BATCH, SEQ, EMBED_DIM), dtype=jnp.float32)
    # gate: nn.Linear(embed_dim, num_experts)
    gate_w = jax.random.normal(k2, (EMBED_DIM, NUM_EXPERTS), dtype=jnp.float32) * (1.0 / np.sqrt(EMBED_DIM))
    gate_b = jnp.zeros((NUM_EXPERTS,), dtype=jnp.float32)
    # experts: num_experts x nn.Embedding(embed_dim, embed_dim).weight used as [D, D] matmul weight
    expert_w = jax.random.normal(k3, (NUM_EXPERTS, EMBED_DIM, EMBED_DIM), dtype=jnp.float32)
    return {"E_symb": E_symb, "gate_w": gate_w, "gate_b": gate_b, "expert_w": expert_w}


def reference(E_symb, gate_w, gate_b, expert_w):
    batch_size, seq_length, embed_dim = E_symb.shape
    hidden_states = E_symb.reshape(-1, embed_dim)
    # router
    router_logits = hidden_states @ gate_w + gate_b
    routing_weights = jax.nn.softmax(router_logits.astype(jnp.float32), axis=1)
    routing_weights_top, selected_experts = jax.lax.top_k(routing_weights, TOP_K)
    # normalized routing weights are computed in the original module but NOT applied to the output
    routing_weights_top = routing_weights_top / jnp.sum(routing_weights_top, axis=-1, keepdims=True)
    # dispatch: each token's hidden state is multiplied by each of its selected expert
    # weight matrices and the (unweighted) results are scatter-added back (index_add_).
    E_bias = jnp.zeros((batch_size * seq_length, embed_dim), dtype=hidden_states.dtype)
    for expert_idx in range(NUM_EXPERTS):
        # token is routed to this expert if it appears in any of its top-k slots
        mask = jnp.any(selected_experts == expert_idx, axis=-1)  # [T]
        contrib = hidden_states @ expert_w[expert_idx]
        E_bias = E_bias + contrib * mask[:, None].astype(hidden_states.dtype)
    return E_bias.reshape(batch_size, seq_length, embed_dim)

if __name__ == "__main__":
    import jax
    _d = setup_inputs()
    print(jax.jit(kernel)(*tuple(_d.values())))

</pallas_src>

<mosaic_0001>
#map = affine_map<(d0, d1) -> (0, 0)>
#map1 = affine_map<(d0, d1) -> (0)>
module attributes {stable_mosaic.version = 14 : i64} {
  func.func @_dispatch(%arg0: i32, %arg1: i32, %arg2: memref<2048x1024xf32, #tpu.memory_space<hbm>>, %arg3: memref<2048xi32, #tpu.memory_space<hbm>>, %arg4: memref<2048xi32, #tpu.memory_space<hbm>>, %arg5: memref<5120x1024xf32, #tpu.memory_space<hbm>>, %arg6: memref<64xi32, #tpu.memory_space<vmem>>, %arg7: memref<64xi32, #tpu.memory_space<vmem>>, %arg8: memref<64x1024xf32, #tpu.memory_space<vmem>>, %arg9: memref<!tpu.dma_semaphore, #tpu.memory_space<semaphore_mem>>, %arg10: memref<!tpu.dma_semaphore, #tpu.memory_space<semaphore_mem>>) attributes {dimension_semantics = [#tpu.dimension_semantics<core_parallel>, #tpu.dimension_semantics<subcore_parallel>], iteration_bounds = array<i64: 2, 16>, scalar_prefetch = 0 : i64, scratch_operands = 5 : i64, tpu.core_type = #tpu.core_type<sc_vector_subcore>, window_params = [{transform_indices = #map}, {transform_indices = #map1}, {transform_indices = #map1}, {transform_indices = #map}]} {
    %mul3A = arith.constant 2 : i32
    %mul3A_0 = arith.muli %arg1, %mul3A : i32
    %add3A = arith.addi %mul3A_0, %arg0 : i32
    %mul3A_1 = arith.constant 64 : i32
    %mul3A_2 = arith.muli %add3A, %mul3A_1 : i32
    "tpu.region"() ({
      %run_scoped3A = tpu.sem_alloc : memref<!tpu.dma_semaphore, #tpu.memory_space<semaphore_mem>>
      %dma_start3A_13 = tpu.memref_slice %arg3[%mul3A_2] : memref<2048xi32, #tpu.memory_space<hbm>> -> memref<64xi32, #tpu.memory_space<hbm>>
      %dma_start3A_14 = tpu.memref_slice %arg3[%mul3A_2] : memref<2048xi32, #tpu.memory_space<hbm>> -> memref<64xi32, #tpu.memory_space<hbm>>
      tpu.enqueue_dma source(%dma_start3A_14 : memref<64xi32, #tpu.memory_space<hbm>>) target(%arg6 : memref<64xi32, #tpu.memory_space<vmem>>) target_semaphore(%run_scoped3A : memref<!tpu.dma_semaphore, #tpu.memory_space<semaphore_mem>>)
      %dma_wait3A_15 = tpu.memref_slice %arg3[%mul3A_2] : memref<2048xi32, #tpu.memory_space<hbm>> -> memref<64xi32, #tpu.memory_space<hbm>>
      %dma_wait3A_16 = tpu.memref_slice %arg3[%mul3A_2] : memref<2048xi32, #tpu.memory_space<hbm>> -> memref<64xi32, #tpu.memory_space<hbm>>
      tpu.wait_dma2 semaphore(%run_scoped3A : memref<!tpu.dma_semaphore, #tpu.memory_space<semaphore_mem>>) src(%dma_wait3A_16 : memref<64xi32, #tpu.memory_space<hbm>>) dst(%arg6 : memref<64xi32, #tpu.memory_space<vmem>>)
      tpu.yield
    }) : () -> ()
    "tpu.region"() ({
      %run_scoped3A = tpu.sem_alloc : memref<!tpu.dma_semaphore, #tpu.memory_space<semaphore_mem>>
      %dma_start3A_13 = tpu.memref_slice %arg4[%mul3A_2] : memref<2048xi32, #tpu.memory_space<hbm>> -> memref<64xi32, #tpu.memory_space<hbm>>
      %dma_start3A_14 = tpu.memref_slice %arg4[%mul3A_2] : memref<2048xi32, #tpu.memory_space<hbm>> -> memref<64xi32, #tpu.memory_space<hbm>>
      tpu.enqueue_dma source(%dma_start3A_14 : memref<64xi32, #tpu.memory_space<hbm>>) target(%arg7 : memref<64xi32, #tpu.memory_space<vmem>>) target_semaphore(%run_scoped3A : memref<!tpu.dma_semaphore, #tpu.memory_space<semaphore_mem>>)
      %dma_wait3A_15 = tpu.memref_slice %arg4[%mul3A_2] : memref<2048xi32, #tpu.memory_space<hbm>> -> memref<64xi32, #tpu.memory_space<hbm>>
      %dma_wait3A_16 = tpu.memref_slice %arg4[%mul3A_2] : memref<2048xi32, #tpu.memory_space<hbm>> -> memref<64xi32, #tpu.memory_space<hbm>>
      tpu.wait_dma2 semaphore(%run_scoped3A : memref<!tpu.dma_semaphore, #tpu.memory_space<semaphore_mem>>) src(%dma_wait3A_16 : memref<64xi32, #tpu.memory_space<hbm>>) dst(%arg7 : memref<64xi32, #tpu.memory_space<vmem>>)
      tpu.yield
    }) : () -> ()
    "tpu.region"() ({
      %run_scoped3A = tpu.sem_alloc : memref<!tpu.dma_semaphore, #tpu.memory_space<semaphore_mem>>
      %dma_start3A_13 = arith.constant 0 : i32
      %dma_start3A_14 = tpu.memref_slice %arg2[%mul3A_2, %dma_start3A_13] : memref<2048x1024xf32, #tpu.memory_space<hbm>> -> memref<64x1024xf32, #tpu.memory_space<hbm>>
      %dma_start3A_15 = arith.constant 0 : i32
      %dma_start3A_16 = tpu.memref_slice %arg2[%mul3A_2, %dma_start3A_15] : memref<2048x1024xf32, #tpu.memory_space<hbm>> -> memref<64x1024xf32, #tpu.memory_space<hbm>>
      tpu.enqueue_dma source(%dma_start3A_16 : memref<64x1024xf32, #tpu.memory_space<hbm>>) target(%arg8 : memref<64x1024xf32, #tpu.memory_space<vmem>>) target_semaphore(%run_scoped3A : memref<!tpu.dma_semaphore, #tpu.memory_space<semaphore_mem>>)
      %dma_wait3A_17 = arith.constant 0 : i32
      %dma_wait3A_18 = tpu.memref_slice %arg2[%mul3A_2, %dma_wait3A_17] : memref<2048x1024xf32, #tpu.memory_space<hbm>> -> memref<64x1024xf32, #tpu.memory_space<hbm>>
      %dma_wait3A_19 = arith.constant 0 : i32
      %dma_wait3A_20 = tpu.memref_slice %arg2[%mul3A_2, %dma_wait3A_19] : memref<2048x1024xf32, #tpu.memory_space<hbm>> -> memref<64x1024xf32, #tpu.memory_space<hbm>>
      tpu.wait_dma2 semaphore(%run_scoped3A : memref<!tpu.dma_semaphore, #tpu.memory_space<semaphore_mem>>) src(%dma_wait3A_20 : memref<64x1024xf32, #tpu.memory_space<hbm>>) dst(%arg8 : memref<64x1024xf32, #tpu.memory_space<vmem>>)
      tpu.yield
    }) : () -> ()
    %dma_start3A = arith.constant 0 : i32
    %dma_start3A_3 = arith.constant 0 : i32
    %dma_start3A_4 = tpu.memref_slice %arg5[%dma_start3A, %dma_start3A_3] : memref<5120x1024xf32, #tpu.memory_space<hbm>> -> memref<5120x1024xf32, #tpu.memory_space<hbm>>
    tpu.enqueue_indirect_dma source(%arg8 : memref<64x1024xf32, #tpu.memory_space<vmem>>) target(%dma_start3A_4 : memref<5120x1024xf32, #tpu.memory_space<hbm>>) offsets(%arg6 : memref<64xi32, #tpu.memory_space<vmem>>) semaphore(%arg9 : memref<!tpu.dma_semaphore, #tpu.memory_space<semaphore_mem>>)
    %dma_start3A_5 = arith.constant 0 : i32
    %dma_start3A_6 = arith.constant 0 : i32
    %dma_start3A_7 = tpu.memref_slice %arg5[%dma_start3A_5, %dma_start3A_6] : memref<5120x1024xf32, #tpu.memory_space<hbm>> -> memref<5120x1024xf32, #tpu.memory_space<hbm>>
    tpu.enqueue_indirect_dma source(%arg8 : memref<64x1024xf32, #tpu.memory_space<vmem>>) target(%dma_start3A_7 : memref<5120x1024xf32, #tpu.memory_space<hbm>>) offsets(%arg7 : memref<64xi32, #tpu.memory_space<vmem>>) semaphore(%arg10 : memref<!tpu.dma_semaphore, #tpu.memory_space<semaphore_mem>>)
    %dma_wait3A = arith.constant 0 : i32
    %dma_wait3A_8 = arith.constant 0 : i32
    %dma_wait3A_9 = tpu.memref_slice %arg5[%dma_wait3A, %dma_wait3A_8] : memref<5120x1024xf32, #tpu.memory_space<hbm>> -> memref<5120x1024xf32, #tpu.memory_space<hbm>>
    tpu.wait_indirect_dma semaphore(%arg9 : memref<!tpu.dma_semaphore, #tpu.memory_space<semaphore_mem>>) src(%arg8 : memref<64x1024xf32, #tpu.memory_space<vmem>>) dst(%dma_wait3A_9 : memref<5120x1024xf32, #tpu.memory_space<hbm>>)
    %dma_wait3A_10 = arith.constant 0 : i32
    %dma_wait3A_11 = arith.constant 0 : i32
    %dma_wait3A_12 = tpu.memref_slice %arg5[%dma_wait3A_10, %dma_wait3A_11] : memref<5120x1024xf32, #tpu.memory_space<hbm>> -> memref<5120x1024xf32, #tpu.memory_space<hbm>>
    tpu.wait_indirect_dma semaphore(%arg10 : memref<!tpu.dma_semaphore, #tpu.memory_space<semaphore_mem>>) src(%arg8 : memref<64x1024xf32, #tpu.memory_space<vmem>>) dst(%dma_wait3A_12 : memref<5120x1024xf32, #tpu.memory_space<hbm>>)
    return
  }
}

#map = affine_map<(d0, d1) -> (0, 0)>
#map1 = affine_map<(d0, d1) -> (0)>
module attributes {stable_mosaic.version = 14 : i64} {
  func.func @_combine(%arg0: i32, %arg1: i32, %arg2: memref<5120x1024xf32, #tpu.memory_space<hbm>>, %arg3: memref<2048xi32, #tpu.memory_space<hbm>>, %arg4: memref<2048xi32, #tpu.memory_space<hbm>>, %arg5: memref<2048x1024xf32, #tpu.memory_space<hbm>>, %arg6: memref<32xi32, #tpu.memory_space<vmem>>, %arg7: memref<32xi32, #tpu.memory_space<vmem>>, %arg8: memref<32x1024xf32, #tpu.memory_space<vmem>>, %arg9: memref<32x1024xf32, #tpu.memory_space<vmem>>, %arg10: memref<!tpu.dma_semaphore, #tpu.memory_space<semaphore_mem>>, %arg11: memref<!tpu.dma_semaphore, #tpu.memory_space<semaphore_mem>>) attributes {dimension_semantics = [#tpu.dimension_semantics<core_parallel>, #tpu.dimension_semantics<subcore_parallel>], iteration_bounds = array<i64: 2, 16>, scalar_prefetch = 0 : i64, scratch_operands = 6 : i64, tpu.core_type = #tpu.core_type<sc_vector_subcore>, window_params = [{transform_indices = #map}, {transform_indices = #map1}, {transform_indices = #map1}, {transform_indices = #map}]} {
    %mul3A = arith.constant 2 : i32
    %mul3A_0 = arith.muli %arg1, %mul3A : i32
    %add3A = arith.addi %mul3A_0, %arg0 : i32
    %mul3A_1 = arith.constant 64 : i32
    %mul3A_2 = arith.muli %add3A, %mul3A_1 : i32
    %add3A_3 = arith.constant 0 : i32
    %add3A_4 = arith.addi %mul3A_2, %add3A_3 : i32
    "tpu.region"() ({
      %run_scoped3A = tpu.sem_alloc : memref<!tpu.dma_semaphore, #tpu.memory_space<semaphore_mem>>
      %dma_start3A_44 = tpu.memref_slice %arg3[%add3A_4] : memref<2048xi32, #tpu.memory_space<hbm>> -> memref<32xi32, #tpu.memory_space<hbm>>
      %dma_start3A_45 = tpu.memref_slice %arg3[%add3A_4] : memref<2048xi32, #tpu.memory_space<hbm>> -> memref<32xi32, #tpu.memory_space<hbm>>
      tpu.enqueue_dma source(%dma_start3A_45 : memref<32xi32, #tpu.memory_space<hbm>>) target(%arg6 : memref<32xi32, #tpu.memory_space<vmem>>) target_semaphore(%run_scoped3A : memref<!tpu.dma_semaphore, #tpu.memory_space<semaphore_mem>>)
      %dma_wait3A_46 = tpu.memref_slice %arg3[%add3A_4] : memref<2048xi32, #tpu.memory_space<hbm>> -> memref<32xi32, #tpu.memory_space<hbm>>
      %dma_wait3A_47 = tpu.memref_slice %arg3[%add3A_4] : memref<2048xi32, #tpu.memory_space<hbm>> -> memref<32xi32, #tpu.memory_space<hbm>>
      tpu.wait_dma2 semaphore(%run_scoped3A : memref<!tpu.dma_semaphore, #tpu.memory_space<semaphore_mem>>) src(%dma_wait3A_47 : memref<32xi32, #tpu.memory_space<hbm>>) dst(%arg6 : memref<32xi32, #tpu.memory_space<vmem>>)
      tpu.yield
    }) : () -> ()
    "tpu.region"() ({
      %run_scoped3A = tpu.sem_alloc : memref<!tpu.dma_semaphore, #tpu.memory_space<semaphore_mem>>
      %dma_start3A_44 = tpu.memref_slice %arg4[%add3A_4] : memref<2048xi32, #tpu.memory_space<hbm>> -> memref<32xi32, #tpu.memory_space<hbm>>
      %dma_start3A_45 = tpu.memref_slice %arg4[%add3A_4] : memref<2048xi32, #tpu.memory_space<hbm>> -> memref<32xi32, #tpu.memory_space<hbm>>
      tpu.enqueue_dma source(%dma_start3A_45 : memref<32xi32, #tpu.memory_space<hbm>>) target(%arg7 : memref<32xi32, #tpu.memory_space<vmem>>) target_semaphore(%run_scoped3A : memref<!tpu.dma_semaphore, #tpu.memory_space<semaphore_mem>>)
      %dma_wait3A_46 = tpu.memref_slice %arg4[%add3A_4] : memref<2048xi32, #tpu.memory_space<hbm>> -> memref<32xi32, #tpu.memory_space<hbm>>
      %dma_wait3A_47 = tpu.memref_slice %arg4[%add3A_4] : memref<2048xi32, #tpu.memory_space<hbm>> -> memref<32xi32, #tpu.memory_space<hbm>>
      tpu.wait_dma2 semaphore(%run_scoped3A : memref<!tpu.dma_semaphore, #tpu.memory_space<semaphore_mem>>) src(%dma_wait3A_47 : memref<32xi32, #tpu.memory_space<hbm>>) dst(%arg7 : memref<32xi32, #tpu.memory_space<vmem>>)
      tpu.yield
    }) : () -> ()
    %dma_start3A = arith.constant 0 : i32
    %dma_start3A_5 = arith.constant 0 : i32
    %dma_start3A_6 = tpu.memref_slice %arg2[%dma_start3A, %dma_start3A_5] : memref<5120x1024xf32, #tpu.memory_space<hbm>> -> memref<5120x1024xf32, #tpu.memory_space<hbm>>
    tpu.enqueue_indirect_dma source(%dma_start3A_6 : memref<5120x1024xf32, #tpu.memory_space<hbm>>) target(%arg8 : memref<32x1024xf32, #tpu.memory_space<vmem>>) offsets(%arg6 : memref<32xi32, #tpu.memory_space<vmem>>) semaphore(%arg10 : memref<!tpu.dma_semaphore, #tpu.memory_space<semaphore_mem>>)
    %dma_start3A_7 = arith.constant 0 : i32
    %dma_start3A_8 = arith.constant 0 : i32
    %dma_start3A_9 = tpu.memref_slice %arg2[%dma_start3A_7, %dma_start3A_8] : memref<5120x1024xf32, #tpu.memory_space<hbm>> -> memref<5120x1024xf32, #tpu.memory_space<hbm>>
    tpu.enqueue_indirect_dma source(%dma_start3A_9 : memref<5120x1024xf32, #tpu.memory_space<hbm>>) target(%arg9 : memref<32x1024xf32, #tpu.memory_space<vmem>>) offsets(%arg7 : memref<32xi32, #tpu.memory_space<vmem>>) semaphore(%arg11 : memref<!tpu.dma_semaphore, #tpu.memory_space<semaphore_mem>>)
    %dma_wait3A = arith.constant 0 : i32
    %dma_wait3A_10 = arith.constant 0 : i32
    %dma_wait3A_11 = tpu.memref_slice %arg2[%dma_wait3A, %dma_wait3A_10] : memref<5120x1024xf32, #tpu.memory_space<hbm>> -> memref<5120x1024xf32, #tpu.memory_space<hbm>>
    tpu.wait_indirect_dma semaphore(%arg10 : memref<!tpu.dma_semaphore, #tpu.memory_space<semaphore_mem>>) src(%dma_wait3A_11 : memref<5120x1024xf32, #tpu.memory_space<hbm>>) dst(%arg8 : memref<32x1024xf32, #tpu.memory_space<vmem>>)
    %dma_wait3A_12 = arith.constant 0 : i32
    %dma_wait3A_13 = arith.constant 0 : i32
    %dma_wait3A_14 = tpu.memref_slice %arg2[%dma_wait3A_12, %dma_wait3A_13] : memref<5120x1024xf32, #tpu.memory_space<hbm>> -> memref<5120x1024xf32, #tpu.memory_space<hbm>>
    tpu.wait_indirect_dma semaphore(%arg11 : memref<!tpu.dma_semaphore, #tpu.memory_space<semaphore_mem>>) src(%dma_wait3A_14 : memref<5120x1024xf32, #tpu.memory_space<hbm>>) dst(%arg9 : memref<32x1024xf32, #tpu.memory_space<vmem>>)
    %scan3A = arith.constant 0 : i32
    %scan3A_15 = arith.constant 0 : i32
    %scan3A_16 = arith.constant 32 : i32
    %scan3A_17 = arith.addi %scan3A_15, %scan3A_16 : i32
    %scan3A_18 = arith.constant 1 : i32
    %scan3A_19 = scf.for %scan3A_44 = %scan3A_15 to %scan3A_17 step %scan3A_18 iter_args(%scan3A_45 = %scan3A) -> (i32)  : i32 {
      %get3A = arith.index_cast %scan3A_44 : i32 to index
      %get3A_46 = arith.constant 0 : index
      %get3A_47 = tpu.vector_load %arg8[%get3A, %get3A_46] {strides = array<i32>} : memref<32x1024xf32, #tpu.memory_space<vmem>>, vector<1x16xf32>,
      %get3A_48 = vector.shape_cast %get3A_47 : vector<1x16xf32> to vector<16xf32>
      %get3A_49 = arith.index_cast %scan3A_44 : i32 to index
      %get3A_50 = arith.constant 0 : index
      %get3A_51 = tpu.vector_load %arg9[%get3A_49, %get3A_50] {strides = array<i32>} : memref<32x1024xf32, #tpu.memory_space<vmem>>, vector<1x16xf32>,
      %get3A_52 = vector.shape_cast %get3A_51 : vector<1x16xf32> to vector<16xf32>
      %add3A_53 = arith.addf %get3A_48, %get3A_52 : vector<16xf32>
      %swap3A = arith.index_cast %scan3A_44 : i32 to index
      %swap3A_54 = arith.constant 0 : index
      %swap3A_55 = tpu.vector_load %arg8[%swap3A, %swap3A_54] {strides = array<i32>} : memref<32x1024xf32, #tpu.memory_space<vmem>>, vector<1x16xf32>,
      %swap3A_56 = vector.shape_cast %swap3A_55 : vector<1x16xf32> to vector<16xf32>
      %swap3A_57 = vector.shape_cast %add3A_53 : vector<16xf32> to vector<1x16xf32>
      tpu.vector_store %arg8[%swap3A, %swap3A_54], %swap3A_57 {strides = array<i32>} : memref<32x1024xf32, #tpu.memory_space<vmem>>, vector<1x16xf32>,
      %get3A_58 = arith.index_cast %scan3A_44 : i32 to index
      %get3A_59 = arith.constant 16 : index
      %get3A_60 = tpu.vector_load %arg8[%get3A_58, %get3A_59] {strides = array<i32>} : memref<32x1024xf32, #tpu.memory_space<vmem>>, vector<1x16xf32>,
      %get3A_61 = vector.shape_cast %get3A_60 : vector<1x16xf32> to vector<16xf32>
      %get3A_62 = arith.index_cast %scan3A_44 : i32 to index
      %get3A_63 = arith.constant 16 : index
      %get3A_64 = tpu.vector_load %arg9[%get3A_62, %get3A_63] {strides = array<i32>} : memref<32x1024xf32, #tpu.memory_space<vmem>>, vector<1x16xf32>,
      %get3A_65 = vector.shape_cast %get3A_64 : vector<1x16xf32> to vector<16xf32>
      %add3A_66 = arith.addf %get3A_61, %get3A_65 : vector<16xf32>
      %swap3A_67 = arith.index_cast %scan3A_44 : i32 to index
      %swap3A_68 = arith.constant 16 : index
      %swap3A_69 = tpu.vector_load %arg8[%swap3A_67, %swap3A_68] {strides = array<i32>} : memref<32x1024xf32, #tpu.memory_space<vmem>>, vector<1x16xf32>,
      %swap3A_70 = vector.shape_cast %swap3A_69 : vector<1x16xf32> to vector<16xf32>
      %swap3A_71 = vector.shape_cast %add3A_66 : vector<16xf32> to vector<1x16xf32>
      tpu.vector_store %arg8[%swap3A_67, %swap3A_68], %swap3A_71 {strides = array<i32>} : memref<32x1024xf32, #tpu.memory_space<vmem>>, vector<1x16xf32>,
      %get3A_72 = arith.index_cast %scan3A_44 : i32 to index
      %get3A_73 = arith.constant 32 : index
      %get3A_74 = tpu.vector_load %arg8[%get3A_72, %get3A_73] {strides = array<i32>} : memref<32x1024xf32, #tpu.memory_space<vmem>>, vector<1x16xf32>,
      %get3A_75 = vector.shape_cast %get3A_74 : vector<1x16xf32> to vector<16xf32>
      %get3A_76 = arith.index_cast %scan3A_44 : i32 to index
      %get3A_77 = arith.constant 32 : index
      %get3A_78 = tpu.vector_load %arg9[%get3A_76, %get3A_77] {strides = array<i32>} : memref<32x1024xf32, #tpu.memory_space<vmem>>, vector<1x16xf32>,
      %get3A_79 = vector.shape_cast %get3A_78 : vector<1x16xf32> to vector<16xf32>
      %add3A_80 = arith.addf %get3A_75, %get3A_79 : vector<16xf32>
      %swap3A_81 = arith.index_cast %scan3A_44 : i32 to index
      %swap3A_82 = arith.constant 32 : index
      %swap3A_83 = tpu.vector_load %arg8[%swap3A_81, %swap3A_82] {strides = array<i32>} : memref<32x1024xf32, #tpu.memory_space<vmem>>, vector<1x16xf32>,
      %swap3A_84 = vector.shape_cast %swap3A_83 : vector<1x16xf32> to vector<16xf32>
      %swap3A_85 = vector.shape_cast %add3A_80 : vector<16xf32> to vector<1x16xf32>
      tpu.vector_store %arg8[%swap3A_81, %swap3A_82], %swap3A_85 {strides = array<i32>} : memref<32x1024xf32, #tpu.memory_space<vmem>>, vector<1x16xf32>,
      %get3A_86 = arith.index_cast %scan3A_44 : i32 to index
      %get3A_87 = arith.constant 48 : index
      %get3A_88 = tpu.vector_load %arg8[%get3A_86, %get3A_87] {strides = array<i32>} : memref<32x1024xf32, #tpu.memory_space<vmem>>, vector<1x16xf32>,
      %get3A_89 = vector.shape_cast %get3A_88 : vector<1x16xf32> to vector<16xf32>
      %get3A_90 = arith.index_cast %scan3A_44 : i32 to index
      %get3A_91 = arith.constant 48 : index
      %get3A_92 = tpu.vector_load %arg9[%get3A_90, %get3A_91] {strides = array<i32>} : memref<32x1024xf32, #tpu.memory_space<vmem>>, vector<1x16xf32>,
      %get3A_93 = vector.shape_cast %get3A_92 : vector<1x16xf32> to vector<16xf32>
      %add3A_94 = arith.addf %get3A_89, %get3A_93 : vector<16xf32>
      %swap3A_95 = arith.index_cast %scan3A_44 : i32 to index
      %swap3A_96 = arith.constant 48 : index
      %swap3A_97 = tpu.vector_load %arg8[%swap3A_95, %swap3A_96] {strides = array<i32>} : memref<32x1024xf32, #tpu.memory_space<vmem>>, vector<1x16xf32>,
      %swap3A_98 = vector.shape_cast %swap3A_97 : vector<1x16xf32> to vector<16xf32>
      %swap3A_99 = vector.shape_cast %add3A_94 : vector<16xf32> to vector<1x16xf32>
      tpu.vector_store %arg8[%swap3A_95, %swap3A_96], %swap3A_99 {strides = array<i32>} : memref<32x1024xf32, #tpu.memory_space<vmem>>, vector<1x16xf32>,
      %get3A_100 = arith.index_cast %scan3A_44 : i32 to index
      %get3A_101 = arith.constant 64 : index
      %get3A_102 = tpu.vector_load %arg8[%get3A_100, %get3A_101] {strides = array<i32>} : memref<32x1024xf32, #tpu.memory_space<vmem>>, vector<1x16xf32>,
      %get3A_103 = vector.shape_cast %get3A_102 : vector<1x16xf32> to vector<16xf32>
      %get3A_104 = arith.index_cast %scan3A_44 : i32 to index
      %get3A_105 = arith.constant 64 : index
      %get3A_106 = tpu.vector_load %arg9[%get3A_104, %get3A_105] {strides = array<i32>} : memref<32x1024xf32, #tpu.memory_space<vmem>>, vector<1x16xf32>,
      %get3A_107 = vector.shape_cast %get3A_106 : vector<1x16xf32> to vector<16xf32>
      %add3A_108 = arith.addf %get3A_103, %get3A_107 : vector<16xf32>
      %swap3A_109 = arith.index_cast %scan3A_44 : i32 to index
      %swap3A_110 = arith.constant 64 : index
      %swap3A_111 = tpu.vector_load %arg8[%swap3A_109, %swap3A_110] {strides = array<i32>} : memref<32x1024xf32, #tpu.memory_space<vmem>>, vector<1x16xf32>,
      %swap3A_112 = vector.shape_cast %swap3A_111 : vector<1x16xf32> to vector<16xf32>
      %swap3A_113 = vector.shape_cast %add3A_108 : vector<16xf32> to vector<1x16xf32>
      tpu.vector_store %arg8[%swap3A_109, %swap3A_110], %swap3A_113 {strides = array<i32>} : memref<32x1024xf32, #tpu.memory_space<vmem>>, vector<1x16xf32>,
      %get3A_114 = arith.index_cast %scan3A_44 : i32 to index
      %get3A_115 = arith.constant 80 : index
      %get3A_116 = tpu.vector_load %arg8[%get3A_114, %get3A_115] {strides = array<i32>} : memref<32x1024xf32, #tpu.memory_space<vmem>>, vector<1x16xf32>,
      %get3A_117 = vector.shape_cast %get3A_116 : vector<1x16xf32> to vector<16xf32>
      %get3A_118 = arith.index_cast %scan3A_44 : i32 to index
      %get3A_119 = arith.constant 80 : index
      %get3A_120 = tpu.vector_load %arg9[%get3A_118, %get3A_119] {strides = array<i32>} : memref<32x1024xf32, #tpu.memory_space<vmem>>, vector<1x16xf32>,
      %get3A_121 = vector.shape_cast %get3A_120 : vector<1x16xf32> to vector<16xf32>
      %add3A_122 = arith.addf %get3A_117, %get3A_121 : vector<16xf32>
      %swap3A_123 = arith.index_cast %scan3A_44 : i32 to index
      %swap3A_124 = arith.constant 80 : index
      %swap3A_125 = tpu.vector_load %arg8[%swap3A_123, %swap3A_124] {strides = array<i32>} : memref<32x1024xf32, #tpu.memory_space<vmem>>, vector<1x16xf32>,
      %swap3A_126 = vector.shape_cast %swap3A_125 : vector<1x16xf32> to vector<16xf32>
      %swap3A_127 = vector.shape_cast %add3A_122 : vector<16xf32> to vector<1x16xf32>
      tpu.vector_store %arg8[%swap3A_123, %swap3A_124], %swap3A_127 {strides = array<i32>} : memref<32x1024xf32, #tpu.memory_space<vmem>>, vector<1x16xf32>,
      %get3A_128 = arith.index_cast %scan3A_44 : i32 to index
      %get3A_129 = arith.constant 96 : index
      %get3A_130 = tpu.vector_load %arg8[%get3A_128, %get3A_129] {strides = array<i32>} : memref<32x1024xf32, #tpu.memory_space<vmem>>, vector<1x16xf32>,
      %get3A_131 = vector.shape_cast %get3A_130 : vector<1x16xf32> to vector<16xf32>
      %get3A_132 = arith.index_cast %scan3A_44 : i32 to index
      %get3A_133 = arith.constant 96 : index
      %get3A_134 = tpu.vector_load %arg9[%get3A_132, %get3A_133] {strides = array<i32>} : memref<32x1024xf32, #tpu.memory_space<vmem>>, vector<1x16xf32>,
      %get3A_135 = vector.shape_cast %get3A_134 : vector<1x16xf32> to vector<16xf32>
      %add3A_136 = arith.addf %get3A_131, %get3A_135 : vector<16xf32>
      %swap3A_137 = arith.index_cast %scan3A_44 : i32 to index
      %swap3A_138 = arith.constant 96 : index
      %swap3A_139 = tpu.vector_load %arg8[%swap3A_137, %swap3A_138] {strides = array<i32>} : memref<32x1024xf32, #tpu.memory_space<vmem>>, vector<1x16xf32>,
      %swap3A_140 = vector.shape_cast %swap3A_139 : vector<1x16xf32> to vector<16xf32>
      %swap3A_141 = vector.shape_cast %add3A_136 : vector<16xf32> to vector<1x16xf32>
      tpu.vector_store %arg8[%swap3A_137, %swap3A_138], %swap3A_141 {strides = array<i32>} : memref<32x1024xf32, #tpu.memory_space<vmem>>, vector<1x16xf32>,
      %get3A_142 = arith.index_cast %scan3A_44 : i32 to index
      %get3A_143 = arith.constant 112 : index
      %get3A_144 = tpu.vector_load %arg8[%get3A_142, %get3A_143] {strides = array<i32>} : memref<32x1024xf32, #tpu.memory_space<vmem>>, vector<1x16xf32>,
      %get3A_145 = vector.shape_cast %get3A_144 : vector<1x16xf32> to vector<16xf32>
      %get3A_146 = arith.index_cast %scan3A_44 : i32 to index
      %get3A_147 = arith.constant 112 : index
      %get3A_148 = tpu.vector_load %arg9[%get3A_146, %get3A_147] {strides = array<i32>} : memref<32x1024xf32, #tpu.memory_space<vmem>>, vector<1x16xf32>,
      %get3A_149 = vector.shape_cast %get3A_148 : vector<1x16xf32> to vector<16xf32>
      %add3A_150 = arith.addf %get3A_145, %get3A_149 : vector<16xf32>
      %swap3A_151 = arith.index_cast %scan3A_44 : i32 to index
      %swap3A_152 = arith.constant 112 : index
      %swap3A_153 = tpu.vector_load %arg8[%swap3A_151, %swap3A_152] {strides = array<i32>} : memref<32x1024xf32, #tpu.memory_space<vmem>>, vector<1x16xf32>,
      %swap3A_154 = vector.shape_cast %swap3A_153 : vector<1x16xf32> to vector<16xf32>
      %swap3A_155 = vector.shape_cast %add3A_150 : vector<16xf32> to vector<1x16xf32>
      tpu.vector_store %arg8[%swap3A_151, %swap3A_152], %swap3A_155 {strides = array<i32>} : memref<32x1024xf32, #tpu.memory_space<vmem>>, vector<1x16xf32>,
      %get3A_156 = arith.index_cast %scan3A_44 : i32 to index
      %get3A_157 = arith.constant 128 : index
      %get3A_158 = tpu.vector_load %arg8[%get3A_156, %get3A_157] {strides = array<i32>} : memref<32x1024xf32, #tpu.memory_space<vmem>>, vector<1x16xf32>,
      %get3A_159 = vector.shape_cast %get3A_158 : vector<1x16xf32> to vector<16xf32>
      %get3A_160 = arith.index_cast %scan3A_44 : i32 to index
      %get3A_161 = arith.constant 128 : index
      %get3A_162 = tpu.vector_load %arg9[%get3A_160, %get3A_161] {strides = array<i32>} : memref<32x1024xf32, #tpu.memory_space<vmem>>, vector<1x16xf32>,
      %get3A_163 = vector.shape_cast %get3A_162 : vector<1x16xf32> to vector<16xf32>
      %add3A_164 = arith.addf %get3A_159, %get3A_163 : vector<16xf32>
      %swap3A_165 = arith.index_cast %scan3A_44 : i32 to index
      %swap3A_166 = arith.constant 128 : index
      %swap3A_167 = tpu.vector_load %arg8[%swap3A_165, %swap3A_166] {strides = array<i32>} : memref<32x1024xf32, #tpu.memory_space<vmem>>, vector<1x16xf32>,
      %swap3A_168 = vector.shape_cast %swap3A_167 : vector<1x16xf32> to vector<16xf32>
      %swap3A_169 = vector.shape_cast %add3A_164 : vector<16xf32> to vector<1x16xf32>
      tpu.vector_store %arg8[%swap3A_165, %swap3A_166], %swap3A_169 {strides = array<i32>} : memref<32x1024xf32, #tpu.memory_space<vmem>>, vector<1x16xf32>,
      %get3A_170 = arith.index_cast %scan3A_44 : i32 to index
      %get3A_171 = arith.constant 144 : index
      %get3A_172 = tpu.vector_load %arg8[%get3A_170, %get3A_171] {strides = array<i32>} : memref<32x1024xf32, #tpu.memory_space<vmem>>, vector<1x16xf32>,
      %get3A_173 = vector.shape_cast %get3A_172 : vector<1x16xf32> to vector<16xf32>
      %get3A_174 = arith.index_cast %scan3A_44 : i32 to index
      %get3A_175 = arith.constant 144 : index
      %get3A_176 = tpu.vector_load %arg9[%get3A_174, %get3A_175] {strides = array<i32>} : memref<32x1024xf32, #tpu.memory_space<vmem>>, vector<1x16xf32>,
      %get3A_177 = vector.shape_cast %get3A_176 : vector<1x16xf32> to vector<16xf32>
      %add3A_178 = arith.addf %get3A_173, %get3A_177 : vector<16xf32>
      %swap3A_179 = arith.index_cast %scan3A_44 : i32 to index
      %swap3A_180 = arith.constant 144 : index
      %swap3A_181 = tpu.vector_load %arg8[%swap3A_179, %swap3A_180] {strides = array<i32>} : memref<32x1024xf32, #tpu.memory_space<vmem>>, vector<1x16xf32>,
      %swap3A_182 = vector.shape_cast %swap3A_181 : vector<1x16xf32> to vector<16xf32>
      %swap3A_183 = vector.shape_cast %add3A_178 : vector<16xf32> to vector<1x16xf32>
      tpu.vector_store %arg8[%swap3A_179, %swap3A_180], %swap3A_183 {strides = array<i32>} : memref<32x1024xf32, #tpu.memory_space<vmem>>, vector<1x16xf32>,
      %get3A_184 = arith.index_cast %scan3A_44 : i32 to index
      %get3A_185 = arith.constant 160 : index
      %get3A_186 = tpu.vector_load %arg8[%get3A_184, %get3A_185] {strides = array<i32>} : memref<32x1024xf32, #tpu.memory_space<vmem>>, vector<1x16xf32>,
      %get3A_187 = vector.shape_cast %get3A_186 : vector<1x16xf32> to vector<16xf32>
      %get3A_188 = arith.index_cast %scan3A_44 : i32 to index
      %get3A_189 = arith.constant 160 : index
      %get3A_190 = tpu.vector_load %arg9[%get3A_188, %get3A_189] {strides = array<i32>} : memref<32x1024xf32, #tpu.memory_space<vmem>>, vector<1x16xf32>,
      %get3A_191 = vector.shape_cast %get3A_190 : vector<1x16xf32> to vector<16xf32>
      %add3A_192 = arith.addf %get3A_187, %get3A_191 : vector<16xf32>
      %swap3A_193 = arith.index_cast %scan3A_44 : i32 to index
      %swap3A_194 = arith.constant 160 : index
      %swap3A_195 = tpu.vector_load %arg8[%swap3A_193, %swap3A_194] {strides = array<i32>} : memref<32x1024xf32, #tpu.memory_space<vmem>>, vector<1x16xf32>,
      %swap3A_196 = vector.shape_cast %swap3A_195 : vector<1x16xf32> to vector<16xf32>
      %swap3A_197 = vector.shape_cast %add3A_192 : vector<16xf32> to vector<1x16xf32>
      tpu.vector_store %arg8[%swap3A_193, %swap3A_194], %swap3A_197 {strides = array<i32>} : memref<32x1024xf32, #tpu.memory_space<vmem>>, vector<1x16xf32>,
      %get3A_198 = arith.index_cast %scan3A_44 : i32 to index
      %get3A_199 = arith.constant 176 : index
      %get3A_200 = tpu.vector_load %arg8[%get3A_198, %get3A_199] {strides = array<i32>} : memref<32x1024xf32, #tpu.memory_space<vmem>>, vector<1x16xf32>,
      %get3A_201 = vector.shape_cast %get3A_200 : vector<1x16xf32> to vector<16xf32>
      %get3A_202 = arith.index_cast %scan3A_44 : i32 to index
      %get3A_203 = arith.constant 176 : index
      %get3A_204 = tpu.vector_load %arg9[%get3A_202, %get3A_203] {strides = array<i32>} : memref<32x1024xf32, #tpu.memory_space<vmem>>, vector<1x16xf32>,
      %get3A_205 = vector.shape_cast %get3A_204 : vector<1x16xf32> to vector<16xf32>
      %add3A_206 = arith.addf %get3A_201, %get3A_205 : vector<16xf32>
      %swap3A_207 = arith.index_cast %scan3A_44 : i32 to index
      %swap3A_208 = arith.constant 176 : index
      %swap3A_209 = tpu.vector_load %arg8[%swap3A_207, %swap3A_208] {strides = array<i32>} : memref<32x1024xf32, #tpu.memory_space<vmem>>, vector<1x16xf32>,
      %swap3A_210 = vector.shape_cast %swap3A_209 : vector<1x16xf32> to vector<16xf32>
      %swap3A_211 = vector.shape_cast %add3A_206 : vector<16xf32> to vector<1x16xf32>
      tpu.vector_store %arg8[%swap3A_207, %swap3A_208], %swap3A_211 {strides = array<i32>} : memref<32x1024xf32, #tpu.memory_space<vmem>>, vector<1x16xf32>,
      %get3A_212 = arith.index_cast %scan3A_44 : i32 to index
      %get3A_213 = arith.constant 192 : index
      %get3A_214 = tpu.vector_load %arg8[%get3A_212, %get3A_213] {strides = array<i32>} : memref<32x1024xf32, #tpu.memory_space<vmem>>, vector<1x16xf32>,
      %get3A_215 = vector.shape_cast %get3A_214 : vector<1x16xf32> to vector<16xf32>
      %get3A_216 = arith.index_cast %scan3A_44 : i32 to index
      %get3A_217 = arith.constant 192 : index
      %get3A_218 = tpu.vector_load %arg9[%get3A_216, %get3A_217] {strides = array<i32>} : memref<32x1024xf32, #tpu.memory_space<vmem>>, vector<1x16xf32>,
      %get3A_219 = vector.shape_cast %get3A_218 : vector<1x16xf32> to vector<16xf32>
      %add3A_220 = arith.addf %get3A_215, %get3A_219 : vector<16xf32>
      %swap3A_221 = arith.index_cast %scan3A_44 : i32 to index
      %swap3A_222 = arith.constant 192 : index
      %swap3A_223 = tpu.vector_load %arg8[%swap3A_221, %swap3A_222] {strides = array<i32>} : memref<32x1024xf32, #tpu.memory_space<vmem>>, vector<1x16xf32>,
      %swap3A_224 = vector.shape_cast %swap3A_223 : vector<1x16xf32> to vector<16xf32>
      %swap3A_225 = vector.shape_cast %add3A_220 : vector<16xf32> to vector<1x16xf32>
      tpu.vector_store %arg8[%swap3A_221, %swap3A_222], %swap3A_225 {strides = array<i32>} : memref<32x1024xf32, #tpu.memory_space<vmem>>, vector<1x16xf32>,
      %get3A_226 = arith.index_cast %scan3A_44 : i32 to index
      %get3A_227 = arith.constant 208 : index
      %get3A_228 = tpu.vector_load %arg8[%get3A_226, %get3A_227] {strides = array<i32>} : memref<32x1024xf32, #tpu.memory_space<vmem>>, vector<1x16xf32>,
      %get3A_229 = vector.shape_cast %get3A_228 : vector<1x16xf32> to vector<16xf32>
      %get3A_230 = arith.index_cast %scan3A_44 : i32 to index
      %get3A_231 = arith.constant 208 : index
      %get3A_232 = tpu.vector_load %arg9[%get3A_230, %get3A_231] {strides = array<i32>} : memref<32x1024xf32, #tpu.memory_space<vmem>>, vector<1x16xf32>,
      %get3A_233 = vector.shape_cast %get3A_232 : vector<1x16xf32> to vector<16xf32>
      %add3A_234 = arith.addf %get3A_229, %get3A_233 : vector<16xf32>
      %swap3A_235 = arith.index_cast %scan3A_44 : i32 to index
      %swap3A_236 = arith.constant 208 : index
      %swap3A_237 = tpu.vector_load %arg8[%swap3A_235, %swap3A_236] {strides = array<i32>} : memref<32x1024xf32, #tpu.memory_space<vmem>>, vector<1x16xf32>,
      %swap3A_238 = vector.shape_cast %swap3A_237 : vector<1x16xf32> to vector<16xf32>
      %swap3A_239 = vector.shape_cast %add3A_234 : vector<16xf32> to vector<1x16xf32>
      tpu.vector_store %arg8[%swap3A_235, %swap3A_236], %swap3A_239 {strides = array<i32>} : memref<32x1024xf32, #tpu.memory_space<vmem>>, vector<1x16xf32>,
      %get3A_240 = arith.index_cast %scan3A_44 : i32 to index
      %get3A_241 = arith.constant 224 : index
      %get3A_242 = tpu.vector_load %arg8[%get3A_240, %get3A_241] {strides = array<i32>} : memref<32x1024xf32, #tpu.memory_space<vmem>>, vector<1x16xf32>,
      %get3A_243 = vector.shape_cast %get3A_242 : vector<1x16xf32> to vector<16xf32>
      %get3A_244 = arith.index_cast %scan3A_44 : i32 to index
      %get3A_245 = arith.constant 224 : index
      %get3A_246 = tpu.vector_load %arg9[%get3A_244, %get3A_245] {strides = array<i32>} : memref<32x1024xf32, #tpu.memory_space<vmem>>, vector<1x16xf32>,
      %get3A_247 = vector.shape_cast %get3A_246 : vector<1x16xf32> to vector<16xf32>
      %add3A_248 = arith.addf %get3A_243, %get3A_247 : vector<16xf32>
      %swap3A_249 = arith.index_cast %scan3A_44 : i32 to index
      %swap3A_250 = arith.constant 224 : index
      %swap3A_251 = tpu.vector_load %arg8[%swap3A_249, %swap3A_250] {strides = array<i32>} : memref<32x1024xf32, #tpu.memory_space<vmem>>, vector<1x16xf32>,
      %swap3A_252 = vector.shape_cast %swap3A_251 : vector<1x16xf32> to vector<16xf32>
      %swap3A_253 = vector.shape_cast %add3A_248 : vector<16xf32> to vector<1x16xf32>
      tpu.vector_store %arg8[%swap3A_249, %swap3A_250], %swap3A_253 {strides = array<i32>} : memref<32x1024xf32, #tpu.memory_space<vmem>>, vector<1x16xf32>,
      %get3A_254 = arith.index_cast %scan3A_44 : i32 to index
      %get3A_255 = arith.constant 240 : index
      %get3A_256 = tpu.vector_load %arg8[%get3A_254, %get3A_255] {strides = array<i32>} : memref<32x1024xf32, #tpu.memory_space<vmem>>, vector<1x16xf32>,
      %get3A_257 = vector.shape_cast %get3A_256 : vector<1x16xf32> to vector<16xf32>
      %get3A_258 = arith.index_cast %scan3A_44 : i32 to index
      %get3A_259 = arith.constant 240 : index
      %get3A_260 = tpu.vector_load %arg9[%get3A_258, %get3A_259] {strides = array<i32>} : memref<32x1024xf32, #tpu.memory_space<vmem>>, vector<1x16xf32>,
      %get3A_261 = vector.shape_cast %get3A_260 : vector<1x16xf32> to vector<16xf32>
      %add3A_262 = arith.addf %get3A_257, %get3A_261 : vector<16xf32>
      %swap3A_263 = arith.index_cast %scan3A_44 : i32 to index
      %swap3A_264 = arith.constant 240 : index
      %swap3A_265 = tpu.vector_load %arg8[%swap3A_263, %swap3A_264] {strides = array<i32>} : memref<32x1024xf32, #tpu.memory_space<vmem>>, vector<1x16xf32>,
      %swap3A_266 = vector.shape_cast %swap3A_265 : vector<1x16xf32> to vector<16xf32>
      %swap3A_267 = vector.shape_cast %add3A_262 : vector<16xf32> to vector<1x16xf32>
      tpu.vector_store %arg8[%swap3A_263, %swap3A_264], %swap3A_267 {strides = array<i32>} : memref<32x1024xf32, #tpu.memory_space<vmem>>, vector<1x16xf32>,
      %get3A_268 = arith.index_cast %scan3A_44 : i32 to index
      %get3A_269 = arith.constant 256 : index
      %get3A_270 = tpu.vector_load %arg8[%get3A_268, %get3A_269] {strides = array<i32>} : memref<32x1024xf32, #tpu.memory_space<vmem>>, vector<1x16xf32>,
      %get3A_271 = vector.shape_cast %get3A_270 : vector<1x16xf32> to vector<16xf32>
      %get3A_272 = arith.index_cast %scan3A_44 : i32 to index
      %get3A_273 = arith.constant 256 : index
      %get3A_274 = tpu.vector_load %arg9[%get3A_272, %get3A_273] {strides = array<i32>} : memref<32x1024xf32, #tpu.memory_space<vmem>>, vector<1x16xf32>,
      %get3A_275 = vector.shape_cast %get3A_274 : vector<1x16xf32> to vector<16xf32>
      %add3A_276 = arith.addf %get3A_271, %get3A_275 : vector<16xf32>
      %swap3A_277 = arith.index_cast %scan3A_44 : i32 to index
      %swap3A_278 = arith.constant 256 : index
      %swap3A_279 = tpu.vector_load %arg8[%swap3A_277, %swap3A_278] {strides = array<i32>} : memref<32x1024xf32, #tpu.memory_space<vmem>>, vector<1x16xf32>,
      %swap3A_280 = vector.shape_cast %swap3A_279 : vector<1x16xf32> to vector<16xf32>
      %swap3A_281 = vector.shape_cast %add3A_276 : vector<16xf32> to vector<1x16xf32>
      tpu.vector_store %arg8[%swap3A_277, %swap3A_278], %swap3A_281 {strides = array<i32>} : memref<32x1024xf32, #tpu.memory_space<vmem>>, vector<1x16xf32>,
      %get3A_282 = arith.index_cast %scan3A_44 : i32 to index
      %get3A_283 = arith.constant 272 : index
      %get3A_284 = tpu.vector_load %arg8[%get3A_282, %get3A_283] {strides = array<i32>} : memref<32x1024xf32, #tpu.memory_space<vmem>>, vector<1x16xf32>,
      %get3A_285 = vector.shape_cast %get3A_284 : vector<1x16xf32> to vector<16xf32>
      %get3A_286 = arith.index_cast %scan3A_44 : i32 to index
      %get3A_287 = arith.constant 272 : index
      %get3A_288 = tpu.vector_load %arg9[%get3A_286, %get3A_287] {strides = array<i32>} : memref<32x1024xf32, #tpu.memory_space<vmem>>, vector<1x16xf32>,
      %get3A_289 = vector.shape_cast %get3A_288 : vector<1x16xf32> to vector<16xf32>
      %add3A_290 = arith.addf %get3A_285, %get3A_289 : vector<16xf32>
      %swap3A_291 = arith.index_cast %scan3A_44 : i32 to index
      %swap3A_292 = arith.constant 272 : index
      %swap3A_293 = tpu.vector_load %arg8[%swap3A_291, %swap3A_292] {strides = array<i32>} : memref<32x1024xf32, #tpu.memory_space<vmem>>, vector<1x16xf32>,
      %swap3A_294 = vector.shape_cast %swap3A_293 : vector<1x16xf32> to vector<16xf32>
      %swap3A_295 = vector.shape_cast %add3A_290 : vector<16xf32> to vector<1x16xf32>
      tpu.vector_store %arg8[%swap3A_291, %swap3A_292], %swap3A_295 {strides = array<i32>} : memref<32x1024xf32, #tpu.memory_space<vmem>>, vector<1x16xf32>,
      %get3A_296 = arith.index_cast %scan3A_44 : i32 to index
      %get3A_297 = arith.constant 288 : index
      %get3A_298 = tpu.vector_load %arg8[%get3A_296, %get3A_297] {strides = array<i32>} : memref<32x1024xf32, #tpu.memory_space<vmem>>, vector<1x16xf32>,
      %get3A_299 = vector.shape_cast %get3A_298 : vector<1x16xf32> to vector<16xf32>
      %get3A_300 = arith.index_cast %scan3A_44 : i32 to index
      %get3A_301 = arith.constant 288 : index
      %get3A_302 = tpu.vector_load %arg9[%get3A_300, %get3A_301] {strides = array<i32>} : memref<32x1024xf32, #tpu.memory_space<vmem>>, vector<1x16xf32>,
      %get3A_303 = vector.shape_cast %get3A_302 : vector<1x16xf32> to vector<16xf32>
      %add3A_304 = arith.addf %get3A_299, %get3A_303 : vector<16xf32>
      %swap3A_305 = arith.index_cast %scan3A_44 : i32 to index
      %swap3A_306 = arith.constant 288 : index
      %swap3A_307 = tpu.vector_load %arg8[%swap3A_305, %swap3A_306] {strides = array<i32>} : memref<32x1024xf32, #tpu.memory_space<vmem>>, vector<1x16xf32>,
      %swap3A_308 = vector.shape_cast %swap3A_307 : vector<1x16xf32> to vector<16xf32>
      %swap3A_309 = vector.shape_cast %add3A_304 : vector<16xf32> to vector<1x16xf32>
      tpu.vector_store %arg8[%swap3A_305, %swap3A_306], %swap3A_309 {strides = array<i32>} : memref<32x1024xf32, #tpu.memory_space<vmem>>, vector<1x16xf32>,
      %get3A_310 = arith.index_cast %scan3A_44 : i32 to index
      %get3A_311 = arith.constant 304 : index
      %get3A_312 = tpu.vector_load %arg8[%get3A_310, %get3A_311] {strides = array<i32>} : memref<32x1024xf32, #tpu.memory_space<vmem>>, vector<1x16xf32>,
      %get3A_313 = vector.shape_cast %get3A_312 : vector<1x16xf32> to vector<16xf32>
      %get3A_314 = arith.index_cast %scan3A_44 : i32 to index
      %get3A_315 = arith.constant 304 : index
      %get3A_316 = tpu.vector_load %arg9[%get3A_314, %get3A_315] {strides = array<i32>} : memref<32x1024xf32, #tpu.memory_space<vmem>>, vector<1x16xf32>,
      %get3A_317 = vector.shape_cast %get3A_316 : vector<1x16xf32> to vector<16xf32>
      %add3A_318 = arith.addf %get3A_313, %get3A_317 : vector<16xf32>
      %swap3A_319 = arith.index_cast %scan3A_44 : i32 to index
      %swap3A_320 = arith.constant 304 : index
      %swap3A_321 = tpu.vector_load %arg8[%swap3A_319, %swap3A_320] {strides = array<i32>} : memref<32x1024xf32, #tpu.memory_space<vmem>>, vector<1x16xf32>,
      %swap3A_322 = vector.shape_cast %swap3A_321 : vector<1x16xf32> to vector<16xf32>
      %swap3A_323 = vector.shape_cast %add3A_318 : vector<16xf32> to vector<1x16xf32>
      tpu.vector_store %arg8[%swap3A_319, %swap3A_320], %swap3A_323 {strides = array<i32>} : memref<32x1024xf32, #tpu.memory_space<vmem>>, vector<1x16xf32>,
      %get3A_324 = arith.index_cast %scan3A_44 : i32 to index
      %get3A_325 = arith.constant 320 : index
      %get3A_326 = tpu.vector_load %arg8[%get3A_324, %get3A_325] {strides = array<i32>} : memref<32x1024xf32, #tpu.memory_space<vmem>>, vector<1x16xf32>,
      %get3A_327 = vector.shape_cast %get3A_326 : vector<1x16xf32> to vector<16xf32>
      %get3A_328 = arith.index_cast %scan3A_44 : i32 to index
      %get3A_329 = arith.constant 320 : index
      %get3A_330 = tpu.vector_load %arg9[%get3A_328, %get3A_329] {strides = array<i32>} : memref<32x1024xf32, #tpu.memory_space<vmem>>, vector<1x16xf32>,
      %get3A_331 = vector.shape_cast %get3A_330 : vector<1x16xf32> to vector<16xf32>
      %add3A_332 = arith.addf %get3A_327, %get3A_331 : vector<16xf32>
      %swap3A_333 = arith.index_cast %scan3A_44 : i32 to index
      %swap3A_334 = arith.constant 320 : index
      %swap3A_335 = tpu.vector_load %arg8[%swap3A_333, %swap3A_334] {strides = array<i32>} : memref<32x1024xf32, #tpu.memory_space<vmem>>, vector<1x16xf32>,
      %swap3A_336 = vector.shape_cast %swap3A_335 : vector<1x16xf32> to vector<16xf32>
      %swap3A_337 = vector.shape_cast %add3A_332 : vector<16xf32> to vector<1x16xf32>
      tpu.vector_store %arg8[%swap3A_333, %swap3A_334], %swap3A_337 {strides = array<i32>} : memref<32x1024xf32, #tpu.memory_space<vmem>>, vector<1x16xf32>,
      %get3A_338 = arith.index_cast %scan3A_44 : i32 to index
      %get3A_339 = arith.constant 336 : index
      %get3A_340 = tpu.vector_load %arg8[%get3A_338, %get3A_339] {strides = array<i32>} : memref<32x1024xf32, #tpu.memory_space<vmem>>, vector<1x16xf32>,
      %get3A_341 = vector.shape_cast %get3A_340 : vector<1x16xf32> to vector<16xf32>
      %get3A_342 = arith.index_cast %scan3A_44 : i32 to index
      %get3A_343 = arith.constant 336 : index
      %get3A_344 = tpu.vector_load %arg9[%get3A_342, %get3A_343] {strides = array<i32>} : memref<32x1024xf32, #tpu.memory_space<vmem>>, vector<1x16xf32>,
      %get3A_345 = vector.shape_cast %get3A_344 : vector<1x16xf32> to vector<16xf32>
      %add3A_346 = arith.addf %get3A_341, %get3A_345 : vector<16xf32>
      %swap3A_347 = arith.index_cast %scan3A_44 : i32 to index
      %swap3A_348 = arith.constant 336 : index
      %swap3A_349 = tpu.vector_load %arg8[%swap3A_347, %swap3A_348] {strides = array<i32>} : memref<32x1024xf32, #tpu.memory_space<vmem>>, vector<1x16xf32>,
      %swap3A_350 = vector.shape_cast %swap3A_349 : vector<1x16xf32> to vector<16xf32>
      %swap3A_351 = vector.shape_cast %add3A_346 : vector<16xf32> to vector<1x16xf32>
      tpu.vector_store %arg8[%swap3A_347, %swap3A_348], %swap3A_351 {strides = array<i32>} : memref<32x1024xf32, #tpu.memory_space<vmem>>, vector<1x16xf32>,
      %get3A_352 = arith.index_cast %scan3A_44 : i32 to index
      %get3A_353 = arith.constant 352 : index
      %get3A_354 = tpu.vector_load %arg8[%get3A_352, %get3A_353] {strides = array<i32>} : memref<32x1024xf32, #tpu.memory_space<vmem>>, vector<1x16xf32>,
      %get3A_355 = vector.shape_cast %get3A_354 : vector<1x16xf32> to vector<16xf32>
      %get3A_356 = arith.index_cast %scan3A_44 : i32 to index
      %get3A_357 = arith.constant 352 : index
      %get3A_358 = tpu.vector_load %arg9[%get3A_356, %get3A_357] {strides = array<i32>} : memref<32x1024xf32, #tpu.memory_space<vmem>>, vector<1x16xf32>,
      %get3A_359 = vector.shape_cast %get3A_358 : vector<1x16xf32> to vector<16xf32>
      %add3A_360 = arith.addf %get3A_355, %get3A_359 : vector<16xf32>
      %swap3A_361 = arith.index_cast %scan3A_44 : i32 to index
      %swap3A_362 = arith.constant 352 : index
      %swap3A_363 = tpu.vector_load %arg8[%swap3A_361, %swap3A_362] {strides = array<i32>} : memref<32x1024xf32, #tpu.memory_space<vmem>>, vector<1x16xf32>,
      %swap3A_364 = vector.shape_cast %swap3A_363 : vector<1x16xf32> to vector<16xf32>
      %swap3A_365 = vector.shape_cast %add3A_360 : vector<16xf32> to vector<1x16xf32>
      tpu.vector_store %arg8[%swap3A_361, %swap3A_362], %swap3A_365 {strides = array<i32>} : memref<32x1024xf32, #tpu.memory_space<vmem>>, vector<1x16xf32>,
      %get3A_366 = arith.index_cast %scan3A_44 : i32 to index
      %get3A_367 = arith.constant 368 : index
      %get3A_368 = tpu.vector_load %arg8[%get3A_366, %get3A_367] {strides = array<i32>} : memref<32x1024xf32, #tpu.memory_space<vmem>>, vector<1x16xf32>,
      %get3A_369 = vector.shape_cast %get3A_368 : vector<1x16xf32> to vector<16xf32>
      %get3A_370 = arith.index_cast %scan3A_44 : i32 to index
      %get3A_371 = arith.constant 368 : index
      %get3A_372 = tpu.vector_load %arg9[%get3A_370, %get3A_371] {strides = array<i32>} : memref<32x1024xf32, #tpu.memory_space<vmem>>, vector<1x16xf32>,
      %get3A_373 = vector.shape_cast %get3A_372 : vector<1x16xf32> to vector<16xf32>
      %add3A_374 = arith.addf %get3A_369, %get3A_373 : vector<16xf32>
      %swap3A_375 = arith.index_cast %scan3A_44 : i32 to index
      %swap3A_376 = arith.constant 368 : index
      %swap3A_377 = tpu.vector_load %arg8[%swap3A_375, %swap3A_376] {strides = array<i32>} : memref<32x1024xf32, #tpu.memory_space<vmem>>, vector<1x16xf32>,
      %swap3A_378 = vector.shape_cast %swap3A_377 : vector<1x16xf32> to vector<16xf32>
      %swap3A_379 = vector.shape_cast %add3A_374 : vector<16xf32> to vector<1x16xf32>
      tpu.vector_store %arg8[%swap3A_375, %swap3A_376], %swap3A_379 {strides = array<i32>} : memref<32x1024xf32, #tpu.memory_space<vmem>>, vector<1x16xf32>,
      %get3A_380 = arith.index_cast %scan3A_44 : i32 to index
      %get3A_381 = arith.constant 384 : index
      %get3A_382 = tpu.vector_load %arg8[%get3A_380, %get3A_381] {strides = array<i32>} : memref<32x1024xf32, #tpu.memory_space<vmem>>, vector<1x16xf32>,
      %get3A_383 = vector.shape_cast %get3A_382 : vector<1x16xf32> to vector<16xf32>
      %get3A_384 = arith.index_cast %scan3A_44 : i32 to index
      %get3A_385 = arith.constant 384 : index
      %get3A_386 = tpu.vector_load %arg9[%get3A_384, %get3A_385] {strides = array<i32>} : memref<32x1024xf32, #tpu.memory_space<vmem>>, vector<1x16xf32>,
      %get3A_387 = vector.shape_cast %get3A_386 : vector<1x16xf32> to vector<16xf32>
      %add3A_388 = arith.addf %get3A_383, %get3A_387 : vector<16xf32>
      %swap3A_389 = arith.index_cast %scan3A_44 : i32 to index
      %swap3A_390 = arith.constant 384 : index
      %swap3A_391 = tpu.vector_load %arg8[%swap3A_389, %swap3A_390] {strides = array<i32>} : memref<32x1024xf32, #tpu.memory_space<vmem>>, vector<1x16xf32>,
      %swap3A_392 = vector.shape_cast %swap3A_391 : vector<1x16xf32> to vector<16xf32>
      %swap3A_393 = vector.shape_cast %add3A_388 : vector<16xf32> to vector<1x16xf32>
      tpu.vector_store %arg8[%swap3A_389, %swap3A_390], %swap3A_393 {strides = array<i32>} : memref<32x1024xf32, #tpu.memory_space<vmem>>, vector<1x16xf32>,
      %get3A_394 = arith.index_cast %scan3A_44 : i32 to index
      %get3A_395 = arith.constant 400 : index
      %get3A_396 = tpu.vector_load %arg8[%get3A_394, %get3A_395] {strides = array<i32>} : memref<32x1024xf32, #tpu.memory_space<vmem>>, vector<1x16xf32>,
      %get3A_397 = vector.shape_cast %get3A_396 : vector<1x16xf32> to vector<16xf32>
      %get3A_398 = arith.index_cast %scan3A_44 : i32 to index
      %get3A_399 = arith.constant 400 : index
      %get3A_400 = tpu.vector_load %arg9[%get3A_398, %get3A_399] {strides = array<i32>} : memref<32x1024xf32, #tpu.memory_space<vmem>>, vector<1x16xf32>,
      %get3A_401 = vector.shape_cast %get3A_400 : vector<1x16xf32> to vector<16xf32>
      %add3A_402 = arith.addf %get3A_397, %get3A_401 : vector<16xf32>
      %swap3A_403 = arith.index_cast %scan3A_44 : i32 to index
      %swap3A_404 = arith.constant 400 : index
      %swap3A_405 = tpu.vector_load %arg8[%swap3A_403, %swap3A_404] {strides = array<i32>} : memref<32x1024xf32, #tpu.memory_space<vmem>>, vector<1x16xf32>,
      %swap3A_406 = vector.shape_cast %swap3A_405 : vector<1x16xf32> to vector<16xf32>
      %swap3A_407 = vector.shape_cast %add3A_402 : vector<16xf32> to vector<1x16xf32>
      tpu.vector_store %arg8[%swap3A_403, %swap3A_404], %swap3A_407 {strides = array<i32>} : memref<32x1024xf32, #tpu.memory_space<vmem>>, vector<1x16xf32>,
      %get3A_408 = arith.index_cast %scan3A_44 : i32 to index
      %get3A_409 = arith.constant 416 : index
      %get3A_410 = tpu.vector_load %arg8[%get3A_408, %get3A_409] {strides = array<i32>} : memref<32x1024xf32, #tpu.memory_space<vmem>>, vector<1x16xf32>,
      %get3A_411 = vector.shape_cast %get3A_410 : vector<1x16xf32> to vector<16xf32>
      %get3A_412 = arith.index_cast %scan3A_44 : i32 to index
      %get3A_413 = arith.constant 416 : index
      %get3A_414 = tpu.vector_load %arg9[%get3A_412, %get3A_413] {strides = array<i32>} : memref<32x1024xf32, #tpu.memory_space<vmem>>, vector<1x16xf32>,
      %get3A_415 = vector.shape_cast %get3A_414 : vector<1x16xf32> to vector<16xf32>
      %add3A_416 = arith.addf %get3A_411, %get3A_415 : vector<16xf32>
      %swap3A_417 = arith.index_cast %scan3A_44 : i32 to index
      %swap3A_418 = arith.constant 416 : index
      %swap3A_419 = tpu.vector_load %arg8[%swap3A_417, %swap3A_418] {strides = array<i32>} : memref<32x1024xf32, #tpu.memory_space<vmem>>, vector<1x16xf32>,
      %swap3A_420 = vector.shape_cast %swap3A_419 : vector<1x16xf32> to vector<16xf32>
      %swap3A_421 = vector.shape_cast %add3A_416 : vector<16xf32> to vector<1x16xf32>
      tpu.vector_store %arg8[%swap3A_417, %swap3A_418], %swap3A_421 {strides = array<i32>} : memref<32x1024xf32, #tpu.memory_space<vmem>>, vector<1x16xf32>,
      %get3A_422 = arith.index_cast %scan3A_44 : i32 to index
      %get3A_423 = arith.constant 432 : index
      %get3A_424 = tpu.vector_load %arg8[%get3A_422, %get3A_423] {strides = array<i32>} : memref<32x1024xf32, #tpu.memory_space<vmem>>, vector<1x16xf32>,
      %get3A_425 = vector.shape_cast %get3A_424 : vector<1x16xf32> to vector<16xf32>
      %get3A_426 = arith.index_cast %scan3A_44 : i32 to index
      %get3A_427 = arith.constant 432 : index
      %get3A_428 = tpu.vector_load %arg9[%get3A_426, %get3A_427] {strides = array<i32>} : memref<32x1024xf32, #tpu.memory_space<vmem>>, vector<1x16xf32>,
      %get3A_429 = vector.shape_cast %get3A_428 : vector<1x16xf32> to vector<16xf32>
      %add3A_430 = arith.addf %get3A_425, %get3A_429 : vector<16xf32>
      %swap3A_431 = arith.index_cast %scan3A_44 : i32 to index
      %swap3A_432 = arith.constant 432 : index
      %swap3A_433 = tpu.vector_load %arg8[%swap3A_431, %swap3A_432] {strides = array<i32>} : memref<32x1024xf32, #tpu.memory_space<vmem>>, vector<1x16xf32>,
      %swap3A_434 = vector.shape_cast %swap3A_433 : vector<1x16xf32> to vector<16xf32>
      %swap3A_435 = vector.shape_cast %add3A_430 : vector<16xf32> to vector<1x16xf32>
      tpu.vector_store %arg8[%swap3A_431, %swap3A_432], %swap3A_435 {strides = array<i32>} : memref<32x1024xf32, #tpu.memory_space<vmem>>, vector<1x16xf32>,
      %get3A_436 = arith.index_cast %scan3A_44 : i32 to index
      %get3A_437 = arith.constant 448 : index
      %get3A_438 = tpu.vector_load %arg8[%get3A_436, %get3A_437] {strides = array<i32>} : memref<32x1024xf32, #tpu.memory_space<vmem>>, vector<1x16xf32>,
      %get3A_439 = vector.shape_cast %get3A_438 : vector<1x16xf32> to vector<16xf32>
      %get3A_440 = arith.index_cast %scan3A_44 : i32 to index
      %get3A_441 = arith.constant 448 : index
      %get3A_442 = tpu.vector_load %arg9[%get3A_440, %get3A_441] {strides = array<i32>} : memref<32x1024xf32, #tpu.memory_space<vmem>>, vector<1x16xf32>,
      %get3A_443 = vector.shape_cast %get3A_442 : vector<1x16xf32> to vector<16xf32>
      %add3A_444 = arith.addf %get3A_439, %get3A_443 : vector<16xf32>
      %swap3A_445 = arith.index_cast %scan3A_44 : i32 to index
      %swap3A_446 = arith.constant 448 : index
      %swap3A_447 = tpu.vector_load %arg8[%swap3A_445, %swap3A_446] {strides = array<i32>} : memref<32x1024xf32, #tpu.memory_space<vmem>>, vector<1x16xf32>,
      %swap3A_448 = vector.shape_cast %swap3A_447 : vector<1x16xf32> to vector<16xf32>
      %swap3A_449 = vector.shape_cast %add3A_444 : vector<16xf32> to vector<1x16xf32>
      tpu.vector_store %arg8[%swap3A_445, %swap3A_446], %swap3A_449 {strides = array<i32>} : memref<32x1024xf32, #tpu.memory_space<vmem>>, vector<1x16xf32>,
      %get3A_450 = arith.index_cast %scan3A_44 : i32 to index
      %get3A_451 = arith.constant 464 : index
      %get3A_452 = tpu.vector_load %arg8[%get3A_450, %get3A_451] {strides = array<i32>} : memref<32x1024xf32, #tpu.memory_space<vmem>>, vector<1x16xf32>,
      %get3A_453 = vector.shape_cast %get3A_452 : vector<1x16xf32> to vector<16xf32>
      %get3A_454 = arith.index_cast %scan3A_44 : i32 to index
      %get3A_455 = arith.constant 464 : index
      %get3A_456 = tpu.vector_load %arg9[%get3A_454, %get3A_455] {strides = array<i32>} : memref<32x1024xf32, #tpu.memory_space<vmem>>, vector<1x16xf32>,
      %get3A_457 = vector.shape_cast %get3A_456 : vector<1x16xf32> to vector<16xf32>
      %add3A_458 = arith.addf %get3A_453, %get3A_457 : vector<16xf32>
      %swap3A_459 = arith.index_cast %scan3A_44 : i32 to index
      %swap3A_460 = arith.constant 464 : index
      %swap3A_461 = tpu.vector_load %arg8[%swap3A_459, %swap3A_460] {strides = array<i32>} : memref<32x1024xf32, #tpu.memory_space<vmem>>, vector<1x16xf32>,
      %swap3A_462 = vector.shape_cast %swap3A_461 : vector<1x16xf32> to vector<16xf32>
      %swap3A_463 = vector.shape_cast %add3A_458 : vector<16xf32> to vector<1x16xf32>
      tpu.vector_store %arg8[%swap3A_459, %swap3A_460], %swap3A_463 {strides = array<i32>} : memref<32x1024xf32, #tpu.memory_space<vmem>>, vector<1x16xf32>,
      %get3A_464 = arith.index_cast %scan3A_44 : i32 to index
      %get3A_465 = arith.constant 480 : index
      %get3A_466 = tpu.vector_load %arg8[%get3A_464, %get3A_465] {strides = array<i32>} : memref<32x1024xf32, #tpu.memory_space<vmem>>, vector<1x16xf32>,
      %get3A_467 = vector.shape_cast %get3A_466 : vector<1x16xf32> to vector<16xf32>
      %get3A_468 = arith.index_cast %scan3A_44 : i32 to index
      %get3A_469 = arith.constant 480 : index
      %get3A_470 = tpu.vector_load %arg9[%get3A_468, %get3A_469] {strides = array<i32>} : memref<32x1024xf32, #tpu.memory_space<vmem>>, vector<1x16xf32>,
      %get3A_471 = vector.shape_cast %get3A_470 : vector<1x16xf32> to vector<16xf32>
      %add3A_472 = arith.addf %get3A_467, %get3A_471 : vector<16xf32>
      %swap3A_473 = arith.index_cast %scan3A_44 : i32 to index
      %swap3A_474 = arith.constant 480 : index
      %swap3A_475 = tpu.vector_load %arg8[%swap3A_473, %swap3A_474] {strides = array<i32>} : memref<32x1024xf32, #tpu.memory_space<vmem>>, vector<1x16xf32>,
      %swap3A_476 = vector.shape_cast %swap3A_475 : vector<1x16xf32> to vector<16xf32>
      %swap3A_477 = vector.shape_cast %add3A_472 : vector<16xf32> to vector<1x16xf32>
      tpu.vector_store %arg8[%swap3A_473, %swap3A_474], %swap3A_477 {strides = array<i32>} : memref<32x1024xf32, #tpu.memory_space<vmem>>, vector<1x16xf32>,
      %get3A_478 = arith.index_cast %scan3A_44 : i32 to index
      %get3A_479 = arith.constant 496 : index
      %get3A_480 = tpu.vector_load %arg8[%get3A_478, %get3A_479] {strides = array<i32>} : memref<32x1024xf32, #tpu.memory_space<vmem>>, vector<1x16xf32>,
      %get3A_481 = vector.shape_cast %get3A_480 : vector<1x16xf32> to vector<16xf32>
      %get3A_482 = arith.index_cast %scan3A_44 : i32 to index
      %get3A_483 = arith.constant 496 : index
      %get3A_484 = tpu.vector_load %arg9[%get3A_482, %get3A_483] {strides = array<i32>} : memref<32x1024xf32, #tpu.memory_space<vmem>>, vector<1x16xf32>,
      %get3A_485 = vector.shape_cast %get3A_484 : vector<1x16xf32> to vector<16xf32>
      %add3A_486 = arith.addf %get3A_481, %get3A_485 : vector<16xf32>
      %swap3A_487 = arith.index_cast %scan3A_44 : i32 to index
      %swap3A_488 = arith.constant 496 : index
      %swap3A_489 = tpu.vector_load %arg8[%swap3A_487, %swap3A_488] {strides = array<i32>} : memref<32x1024xf32, #tpu.memory_space<vmem>>, vector<1x16xf32>,
      %swap3A_490 = vector.shape_cast %swap3A_489 : vector<1x16xf32> to vector<16xf32>
      %swap3A_491 = vector.shape_cast %add3A_486 : vector<16xf32> to vector<1x16xf32>
      tpu.vector_store %arg8[%swap3A_487, %swap3A_488], %swap3A_491 {strides = array<i32>} : memref<32x1024xf32, #tpu.memory_space<vmem>>, vector<1x16xf32>,
      %get3A_492 = arith.index_cast %scan3A_44 : i32 to index
      %get3A_493 = arith.constant 512 : index
      %get3A_494 = tpu.vector_load %arg8[%get3A_492, %get3A_493] {strides = array<i32>} : memref<32x1024xf32, #tpu.memory_space<vmem>>, vector<1x16xf32>,
      %get3A_495 = vector.shape_cast %get3A_494 : vector<1x16xf32> to vector<16xf32>
      %get3A_496 = arith.index_cast %scan3A_44 : i32 to index
      %get3A_497 = arith.constant 512 : index
      %get3A_498 = tpu.vector_load %arg9[%get3A_496, %get3A_497] {strides = array<i32>} : memref<32x1024xf32, #tpu.memory_space<vmem>>, vector<1x16xf32>,
      %get3A_499 = vector.shape_cast %get3A_498 : vector<1x16xf32> to vector<16xf32>
      %add3A_500 = arith.addf %get3A_495, %get3A_499 : vector<16xf32>
      %swap3A_501 = arith.index_cast %scan3A_44 : i32 to index
      %swap3A_502 = arith.constant 512 : index
      %swap3A_503 = tpu.vector_load %arg8[%swap3A_501, %swap3A_502] {strides = array<i32>} : memref<32x1024xf32, #tpu.memory_space<vmem>>, vector<1x16xf32>,
      %swap3A_504 = vector.shape_cast %swap3A_503 : vector<1x16xf32> to vector<16xf32>
      %swap3A_505 = vector.shape_cast %add3A_500 : vector<16xf32> to vector<1x16xf32>
      tpu.vector_store %arg8[%swap3A_501, %swap3A_502], %swap3A_505 {strides = array<i32>} : memref<32x1024xf32, #tpu.memory_space<vmem>>, vector<1x16xf32>,
      %get3A_506 = arith.index_cast %scan3A_44 : i32 to index
      %get3A_507 = arith.constant 528 : index
      %get3A_508 = tpu.vector_load %arg8[%get3A_506, %get3A_507] {strides = array<i32>} : memref<32x1024xf32, #tpu.memory_space<vmem>>, vector<1x16xf32>,
      %get3A_509 = vector.shape_cast %get3A_508 : vector<1x16xf32> to vector<16xf32>
      %get3A_510 = arith.index_cast %scan3A_44 : i32 to index
      %get3A_511 = arith.constant 528 : index
      %get3A_512 = tpu.vector_load %arg9[%get3A_510, %get3A_511] {strides = array<i32>} : memref<32x1024xf32, #tpu.memory_space<vmem>>, vector<1x16xf32>,
      %get3A_513 = vector.shape_cast %get3A_512 : vector<1x16xf32> to vector<16xf32>
      %add3A_514 = arith.addf %get3A_509, %get3A_513 : vector<16xf32>
      %swap3A_515 = arith.index_cast %scan3A_44 : i32 to index
      %swap3A_516 = arith.constant 528 : index
      %swap3A_517 = tpu.vector_load %arg8[%swap3A_515, %swap3A_516] {strides = array<i32>} : memref<32x1024xf32, #tpu.memory_space<vmem>>, vector<1x16xf32>,
      %swap3A_518 = vector.shape_cast %swap3A_517 : vector<1x16xf32> to vector<16xf32>
      %swap3A_519 = vector.shape_cast %add3A_514 : vector<16xf32> to vector<1x16xf32>
      tpu.vector_store %arg8[%swap3A_515, %swap3A_516], %swap3A_519 {strides = array<i32>} : memref<32x1024xf32, #tpu.memory_space<vmem>>, vector<1x16xf32>,
      %get3A_520 = arith.index_cast %scan3A_44 : i32 to index
      %get3A_521 = arith.constant 544 : index
      %get3A_522 = tpu.vector_load %arg8[%get3A_520, %get3A_521] {strides = array<i32>} : memref<32x1024xf32, #tpu.memory_space<vmem>>, vector<1x16xf32>,
      %get3A_523 = vector.shape_cast %get3A_522 : vector<1x16xf32> to vector<16xf32>
      %get3A_524 = arith.index_cast %scan3A_44 : i32 to index
      %get3A_525 = arith.constant 544 : index
      %get3A_526 = tpu.vector_load %arg9[%get3A_524, %get3A_525] {strides = array<i32>} : memref<32x1024xf32, #tpu.memory_space<vmem>>, vector<1x16xf32>,
      %get3A_527 = vector.shape_cast %get3A_526 : vector<1x16xf32> to vector<16xf32>
      %add3A_528 = arith.addf %get3A_523, %get3A_527 : vector<16xf32>
      %swap3A_529 = arith.index_cast %scan3A_44 : i32 to index
      %swap3A_530 = arith.constant 544 : index
      %swap3A_531 = tpu.vector_load %arg8[%swap3A_529, %swap3A_530] {strides = array<i32>} : memref<32x1024xf32, #tpu.memory_space<vmem>>, vector<1x16xf32>,
      %swap3A_532 = vector.shape_cast %swap3A_531 : vector<1x16xf32> to vector<16xf32>
      %swap3A_533 = vector.shape_cast %add3A_528 : vector<16xf32> to vector<1x16xf32>
      tpu.vector_store %arg8[%swap3A_529, %swap3A_530], %swap3A_533 {strides = array<i32>} : memref<32x1024xf32, #tpu.memory_space<vmem>>, vector<1x16xf32>,
      %get3A_534 = arith.index_cast %scan3A_44 : i32 to index
      %get3A_535 = arith.constant 560 : index
      %get3A_536 = tpu.vector_load %arg8[%get3A_534, %get3A_535] {strides = array<i32>} : memref<32x1024xf32, #tpu.memory_space<vmem>>, vector<1x16xf32>,
      %get3A_537 = vector.shape_cast %get3A_536 : vector<1x16xf32> to vector<16xf32>
      %get3A_538 = arith.index_cast %scan3A_44 : i32 to index
      %get3A_539 = arith.constant 560 : index
      %get3A_540 = tpu.vector_load %arg9[%get3A_538, %get3A_539] {strides = array<i32>} : memref<32x1024xf32, #tpu.memory_space<vmem>>, vector<1x16xf32>,
      %get3A_541 = vector.shape_cast %get3A_540 : vector<1x16xf32> to vector<16xf32>
      %add3A_542 = arith.addf %get3A_537, %get3A_541 : vector<16xf32>
      %swap3A_543 = arith.index_cast %scan3A_44 : i32 to index
      %swap3A_544 = arith.constant 560 : index
      %swap3A_545 = tpu.vector_load %arg8[%swap3A_543, %swap3A_544] {strides = array<i32>} : memref<32x1024xf32, #tpu.memory_space<vmem>>, vector<1x16xf32>,
      %swap3A_546 = vector.shape_cast %swap3A_545 : vector<1x16xf32> to vector<16xf32>
      %swap3A_547 = vector.shape_cast %add3A_542 : vector<16xf32> to vector<1x16xf32>
      tpu.vector_store %arg8[%swap3A_543, %swap3A_544], %swap3A_547 {strides = array<i32>} : memref<32x1024xf32, #tpu.memory_space<vmem>>, vector<1x16xf32>,
      %get3A_548 = arith.index_cast %scan3A_44 : i32 to index
      %get3A_549 = arith.constant 576 : index
      %get3A_550 = tpu.vector_load %arg8[%get3A_548, %get3A_549] {strides = array<i32>} : memref<32x1024xf32, #tpu.memory_space<vmem>>, vector<1x16xf32>,
      %get3A_551 = vector.shape_cast %get3A_550 : vector<1x16xf32> to vector<16xf32>
      %get3A_552 = arith.index_cast %scan3A_44 : i32 to index
      %get3A_553 = arith.constant 576 : index
      %get3A_554 = tpu.vector_load %arg9[%get3A_552, %get3A_553] {strides = array<i32>} : memref<32x1024xf32, #tpu.memory_space<vmem>>, vector<1x16xf32>,
      %get3A_555 = vector.shape_cast %get3A_554 : vector<1x16xf32> to vector<16xf32>
      %add3A_556 = arith.addf %get3A_551, %get3A_555 : vector<16xf32>
      %swap3A_557 = arith.index_cast %scan3A_44 : i32 to index
      %swap3A_558 = arith.constant 576 : index
      %swap3A_559 = tpu.vector_load %arg8[%swap3A_557, %swap3A_558] {strides = array<i32>} : memref<32x1024xf32, #tpu.memory_space<vmem>>, vector<1x16xf32>,
      %swap3A_560 = vector.shape_cast %swap3A_559 : vector<1x16xf32> to vector<16xf32>
      %swap3A_561 = vector.shape_cast %add3A_556 : vector<16xf32> to vector<1x16xf32>
      tpu.vector_store %arg8[%swap3A_557, %swap3A_558], %swap3A_561 {strides = array<i32>} : memref<32x1024xf32, #tpu.memory_space<vmem>>, vector<1x16xf32>,
      %get3A_562 = arith.index_cast %scan3A_44 : i32 to index
      %get3A_563 = arith.constant 592 : index
      %get3A_564 = tpu.vector_load %arg8[%get3A_562, %get3A_563] {strides = array<i32>} : memref<32x1024xf32, #tpu.memory_space<vmem>>, vector<1x16xf32>,
      %get3A_565 = vector.shape_cast %get3A_564 : vector<1x16xf32> to vector<16xf32>
      %get3A_566 = arith.index_cast %scan3A_44 : i32 to index
      %get3A_567 = arith.constant 592 : index
      %get3A_568 = tpu.vector_load %arg9[%get3A_566, %get3A_567] {strides = array<i32>} : memref<32x1024xf32, #tpu.memory_space<vmem>>, vector<1x16xf32>,
      %get3A_569 = vector.shape_cast %get3A_568 : vector<1x16xf32> to vector<16xf32>
      %add3A_570 = arith.addf %get3A_565, %get3A_569 : vector<16xf32>
      %swap3A_571 = arith.index_cast %scan3A_44 : i32 to index
      %swap3A_572 = arith.constant 592 : index
      %swap3A_573 = tpu.vector_load %arg8[%swap3A_571, %swap3A_572] {strides = array<i32>} : memref<32x1024xf32, #tpu.memory_space<vmem>>, vector<1x16xf32>,
      %swap3A_574 = vector.shape_cast %swap3A_573 : vector<1x16xf32> to vector<16xf32>
      %swap3A_575 = vector.shape_cast %add3A_570 : vector<16xf32> to vector<1x16xf32>
      tpu.vector_store %arg8[%swap3A_571, %swap3A_572], %swap3A_575 {strides = array<i32>} : memref<32x1024xf32, #tpu.memory_space<vmem>>, vector<1x16xf32>,
      %get3A_576 = arith.index_cast %scan3A_44 : i32 to index
      %get3A_577 = arith.constant 608 : index
      %get3A_578 = tpu.vector_load %arg8[%get3A_576, %get3A_577] {strides = array<i32>} : memref<32x1024xf32, #tpu.memory_space<vmem>>, vector<1x16xf32>,
      %get3A_579 = vector.shape_cast %get3A_578 : vector<1x16xf32> to vector<16xf32>
      %get3A_580 = arith.index_cast %scan3A_44 : i32 to index
      %get3A_581 = arith.constant 608 : index
      %get3A_582 = tpu.vector_load %arg9[%get3A_580, %get3A_581] {strides = array<i32>} : memref<32x1024xf32, #tpu.memory_space<vmem>>, vector<1x16xf32>,
      %get3A_583 = vector.shape_cast %get3A_582 : vector<1x16xf32> to vector<16xf32>
      %add3A_584 = arith.addf %get3A_579, %get3A_583 : vector<16xf32>
      %swap3A_585 = arith.index_cast %scan3A_44 : i32 to index
      %swap3A_586 = arith.constant 608 : index
      %swap3A_587 = tpu.vector_load %arg8[%swap3A_585, %swap3A_586] {strides = array<i32>} : memref<32x1024xf32, #tpu.memory_space<vmem>>, vector<1x16xf32>,
      %swap3A_588 = vector.shape_cast %swap3A_587 : vector<1x16xf32> to vector<16xf32>
      %swap3A_589 = vector.shape_cast %add3A_584 : vector<16xf32> to vector<1x16xf32>
      tpu.vector_store %arg8[%swap3A_585, %swap3A_586], %swap3A_589 {strides = array<i32>} : memref<32x1024xf32, #tpu.memory_space<vmem>>, vector<1x16xf32>,
      %get3A_590 = arith.index_cast %scan3A_44 : i32 to index
      %get3A_591 = arith.constant 624 : index
      %get3A_592 = tpu.vector_load %arg8[%get3A_590, %get3A_591] {strides = array<i32>} : memref<32x1024xf32, #tpu.memory_space<vmem>>, vector<1x16xf32>,
      %get3A_593 = vector.shape_cast %get3A_592 : vector<1x16xf32> to vector<16xf32>
      %get3A_594 = arith.index_cast %scan3A_44 : i32 to index
      %get3A_595 = arith.constant 624 : index
      %get3A_596 = tpu.vector_load %arg9[%get3A_594, %get3A_595] {strides = array<i32>} : memref<32x1024xf32, #tpu.memory_space<vmem>>, vector<1x16xf32>,
      %get3A_597 = vector.shape_cast %get3A_596 : vector<1x16xf32> to vector<16xf32>
      %add3A_598 = arith.addf %get3A_593, %get3A_597 : vector<16xf32>
      %swap3A_599 = arith.index_cast %scan3A_44 : i32 to index
      %swap3A_600 = arith.constant 624 : index
      %swap3A_601 = tpu.vector_load %arg8[%swap3A_599, %swap3A_600] {strides = array<i32>} : memref<32x1024xf32, #tpu.memory_space<vmem>>, vector<1x16xf32>,
      %swap3A_602 = vector.shape_cast %swap3A_601 : vector<1x16xf32> to vector<16xf32>
      %swap3A_603 = vector.shape_cast %add3A_598 : vector<16xf32> to vector<1x16xf32>
      tpu.vector_store %arg8[%swap3A_599, %swap3A_600], %swap3A_603 {strides = array<i32>} : memref<32x1024xf32, #tpu.memory_space<vmem>>, vector<1x16xf32>,
      %get3A_604 = arith.index_cast %scan3A_44 : i32 to index
      %get3A_605 = arith.constant 640 : index
      %get3A_606 = tpu.vector_load %arg8[%get3A_604, %get3A_605] {strides = array<i32>} : memref<32x1024xf32, #tpu.memory_space<vmem>>, vector<1x16xf32>,
      %get3A_607 = vector.shape_cast %get3A_606 : vector<1x16xf32> to vector<16xf32>
      %get3A_608 = arith.index_cast %scan3A_44 : i32 to index
      %get3A_609 = arith.constant 640 : index
      %get3A_610 = tpu.vector_load %arg9[%get3A_608, %get3A_609] {strides = array<i32>} : memref<32x1024xf32, #tpu.memory_space<vmem>>, vector<1x16xf32>,
      %get3A_611 = vector.shape_cast %get3A_610 : vector<1x16xf32> to vector<16xf32>
      %add3A_612 = arith.addf %get3A_607, %get3A_611 : vector<16xf32>
      %swap3A_613 = arith.index_cast %scan3A_44 : i32 to index
      %swap3A_614 = arith.constant 640 : index
      %swap3A_615 = tpu.vector_load %arg8[%swap3A_613, %swap3A_614] {strides = array<i32>} : memref<32x1024xf32, #tpu.memory_space<vmem>>, vector<1x16xf32>,
      %swap3A_616 = vector.shape_cast %swap3A_615 : vector<1x16xf32> to vector<16xf32>
      %swap3A_617 = vector.shape_cast %add3A_612 : vector<16xf32> to vector<1x16xf32>
      tpu.vector_store %arg8[%swap3A_613, %swap3A_614], %swap3A_617 {strides = array<i32>} : memref<32x1024xf32, #tpu.memory_space<vmem>>, vector<1x16xf32>,
      %get3A_618 = arith.index_cast %scan3A_44 : i32 to index
      %get3A_619 = arith.constant 656 : index
      %get3A_620 = tpu.vector_load %arg8[%get3A_618, %get3A_619] {strides = array<i32>} : memref<32x1024xf32, #tpu.memory_space<vmem>>, vector<1x16xf32>,
      %get3A_621 = vector.shape_cast %get3A_620 : vector<1x16xf32> to vector<16xf32>
      %get3A_622 = arith.index_cast %scan3A_44 : i32 to index
      %get3A_623 = arith.constant 656 : index
      %get3A_624 = tpu.vector_load %arg9[%get3A_622, %get3A_623] {strides = array<i32>} : memref<32x1024xf32, #tpu.memory_space<vmem>>, vector<1x16xf32>,
      %get3A_625 = vector.shape_cast %get3A_624 : vector<1x16xf32> to vector<16xf32>
      %add3A_626 = arith.addf %get3A_621, %get3A_625 : vector<16xf32>
      %swap3A_627 = arith.index_cast %scan3A_44 : i32 to index
      %swap3A_628 = arith.constant 656 : index
      %swap3A_629 = tpu.vector_load %arg8[%swap3A_627, %swap3A_628] {strides = array<i32>} : memref<32x1024xf32, #tpu.memory_space<vmem>>, vector<1x16xf32>,
      %swap3A_630 = vector.shape_cast %swap3A_629 : vector<1x16xf32> to vector<16xf32>
      %swap3A_631 = vector.shape_cast %add3A_626 : vector<16xf32> to vector<1x16xf32>
      tpu.vector_store %arg8[%swap3A_627, %swap3A_628], %swap3A_631 {strides = array<i32>} : memref<32x1024xf32, #tpu.memory_space<vmem>>, vector<1x16xf32>,
      %get3A_632 = arith.index_cast %scan3A_44 : i32 to index
      %get3A_633 = arith.constant 672 : index
      %get3A_634 = tpu.vector_load %arg8[%get3A_632, %get3A_633] {strides = array<i32>} : memref<32x1024xf32, #tpu.memory_space<vmem>>, vector<1x16xf32>,
      %get3A_635 = vector.shape_cast %get3A_634 : vector<1x16xf32> to vector<16xf32>
      %get3A_636 = arith.index_cast %scan3A_44 : i32 to index
      %get3A_637 = arith.constant 672 : index
      %get3A_638 = tpu.vector_load %arg9[%get3A_636, %get3A_637] {strides = array<i32>} : memref<32x1024xf32, #tpu.memory_space<vmem>>, vector<1x16xf32>,
      %get3A_639 = vector.shape_cast %get3A_638 : vector<1x16xf32> to vector<16xf32>
      %add3A_640 = arith.addf %get3A_635, %get3A_639 : vector<16xf32>
      %swap3A_641 = arith.index_cast %scan3A_44 : i32 to index
      %swap3A_642 = arith.constant 672 : index
      %swap3A_643 = tpu.vector_load %arg8[%swap3A_641, %swap3A_642] {strides = array<i32>} : memref<32x1024xf32, #tpu.memory_space<vmem>>, vector<1x16xf32>,
      %swap3A_644 = vector.shape_cast %swap3A_643 : vector<1x16xf32> to vector<16xf32>
      %swap3A_645 = vector.shape_cast %add3A_640 : vector<16xf32> to vector<1x16xf32>
      tpu.vector_store %arg8[%swap3A_641, %swap3A_642], %swap3A_645 {strides = array<i32>} : memref<32x1024xf32, #tpu.memory_space<vmem>>, vector<1x16xf32>,
      %get3A_646 = arith.index_cast %scan3A_44 : i32 to index
      %get3A_647 = arith.constant 688 : index
      %get3A_648 = tpu.vector_load %arg8[%get3A_646, %get3A_647] {strides = array<i32>} : memref<32x1024xf32, #tpu.memory_space<vmem>>, vector<1x16xf32>,
      %get3A_649 = vector.shape_cast %get3A_648 : vector<1x16xf32> to vector<16xf32>
      %get3A_650 = arith.index_cast %scan3A_44 : i32 to index
      %get3A_651 = arith.constant 688 : index
      %get3A_652 = tpu.vector_load %arg9[%get3A_650, %get3A_651] {strides = array<i32>} : memref<32x1024xf32, #tpu.memory_space<vmem>>, vector<1x16xf32>,
      %get3A_653 = vector.shape_cast %get3A_652 : vector<1x16xf32> to vector<16xf32>
      %add3A_654 = arith.addf %get3A_649, %get3A_653 : vector<16xf32>
      %swap3A_655 = arith.index_cast %scan3A_44 : i32 to index
      %swap3A_656 = arith.constant 688 : index
      %swap3A_657 = tpu.vector_load %arg8[%swap3A_655, %swap3A_656] {strides = array<i32>} : memref<32x1024xf32, #tpu.memory_space<vmem>>, vector<1x16xf32>,
      %swap3A_658 = vector.shape_cast %swap3A_657 : vector<1x16xf32> to vector<16xf32>
      %swap3A_659 = vector.shape_cast %add3A_654 : vector<16xf32> to vector<1x16xf32>
      tpu.vector_store %arg8[%swap3A_655, %swap3A_656], %swap3A_659 {strides = array<i32>} : memref<32x1024xf32, #tpu.memory_space<vmem>>, vector<1x16xf32>,
      %get3A_660 = arith.index_cast %scan3A_44 : i32 to index
      %get3A_661 = arith.constant 704 : index
      %get3A_662 = tpu.vector_load %arg8[%get3A_660, %get3A_661] {strides = array<i32>} : memref<32x1024xf32, #tpu.memory_space<vmem>>, vector<1x16xf32>,
      %get3A_663 = vector.shape_cast %get3A_662 : vector<1x16xf32> to vector<16xf32>
      %get3A_664 = arith.index_cast %scan3A_44 : i32 to index
      %get3A_665 = arith.constant 704 : index
      %get3A_666 = tpu.vector_load %arg9[%get3A_664, %get3A_665] {strides = array<i32>} : memref<32x1024xf32, #tpu.memory_space<vmem>>, vector<1x16xf32>,
      %get3A_667 = vector.shape_cast %get3A_666 : vector<1x16xf32> to vector<16xf32>
      %add3A_668 = arith.addf %get3A_663, %get3A_667 : vector<16xf32>
      %swap3A_669 = arith.index_cast %scan3A_44 : i32 to index
      %swap3A_670 = arith.constant 704 : index
      %swap3A_671 = tpu.vector_load %arg8[%swap3A_669, %swap3A_670] {strides = array<i32>} : memref<32x1024xf32, #tpu.memory_space<vmem>>, vector<1x16xf32>,
      %swap3A_672 = vector.shape_cast %swap3A_671 : vector<1x16xf32> to vector<16xf32>
      %swap3A_673 = vector.shape_cast %add3A_668 : vector<16xf32> to vector<1x16xf32>
      tpu.vector_store %arg8[%swap3A_669, %swap3A_670], %swap3A_673 {strides = array<i32>} : memref<32x1024xf32, #tpu.memory_space<vmem>>, vector<1x16xf32>,
      %get3A_674 = arith.index_cast %scan3A_44 : i32 to index
      %get3A_675 = arith.constant 720 : index
      %get3A_676 = tpu.vector_load %arg8[%get3A_674, %get3A_675] {strides = array<i32>} : memref<32x1024xf32, #tpu.memory_space<vmem>>, vector<1x16xf32>,
      %get3A_677 = vector.shape_cast %get3A_676 : vector<1x16xf32> to vector<16xf32>
      %get3A_678 = arith.index_cast %scan3A_44 : i32 to index
      %get3A_679 = arith.constant 720 : index
      %get3A_680 = tpu.vector_load %arg9[%get3A_678, %get3A_679] {strides = array<i32>} : memref<32x1024xf32, #tpu.memory_space<vmem>>, vector<1x16xf32>,
      %get3A_681 = vector.shape_cast %get3A_680 : vector<1x16xf32> to vector<16xf32>
      %add3A_682 = arith.addf %get3A_677, %get3A_681 : vector<16xf32>
      %swap3A_683 = arith.index_cast %scan3A_44 : i32 to index
      %swap3A_684 = arith.constant 720 : index
      %swap3A_685 = tpu.vector_load %arg8[%swap3A_683, %swap3A_684] {strides = array<i32>} : memref<32x1024xf32, #tpu.memory_space<vmem>>, vector<1x16xf32>,
      %swap3A_686 = vector.shape_cast %swap3A_685 : vector<1x16xf32> to vector<16xf32>
      %swap3A_687 = vector.shape_cast %add3A_682 : vector<16xf32> to vector<1x16xf32>
      tpu.vector_store %arg8[%swap3A_683, %swap3A_684], %swap3A_687 {strides = array<i32>} : memref<32x1024xf32, #tpu.memory_space<vmem>>, vector<1x16xf32>,
      %get3A_688 = arith.index_cast %scan3A_44 : i32 to index
      %get3A_689 = arith.constant 736 : index
      %get3A_690 = tpu.vector_load %arg8[%get3A_688, %get3A_689] {strides = array<i32>} : memref<32x1024xf32, #tpu.memory_space<vmem>>, vector<1x16xf32>,
      %get3A_691 = vector.shape_cast %get3A_690 : vector<1x16xf32> to vector<16xf32>
      %get3A_692 = arith.index_cast %scan3A_44 : i32 to index
      %get3A_693 = arith.constant 736 : index
      %get3A_694 = tpu.vector_load %arg9[%get3A_692, %get3A_693] {strides = array<i32>} : memref<32x1024xf32, #tpu.memory_space<vmem>>, vector<1x16xf32>,
      %get3A_695 = vector.shape_cast %get3A_694 : vector<1x16xf32> to vector<16xf32>
      %add3A_696 = arith.addf %get3A_691, %get3A_695 : vector<16xf32>
      %swap3A_697 = arith.index_cast %scan3A_44 : i32 to index
      %swap3A_698 = arith.constant 736 : index
      %swap3A_699 = tpu.vector_load %arg8[%swap3A_697, %swap3A_698] {strides = array<i32>} : memref<32x1024xf32, #tpu.memory_space<vmem>>, vector<1x16xf32>,
      %swap3A_700 = vector.shape_cast %swap3A_699 : vector<1x16xf32> to vector<16xf32>
      %swap3A_701 = vector.shape_cast %add3A_696 : vector<16xf32> to vector<1x16xf32>
      tpu.vector_store %arg8[%swap3A_697, %swap3A_698], %swap3A_701 {strides = array<i32>} : memref<32x1024xf32, #tpu.memory_space<vmem>>, vector<1x16xf32>,
      %get3A_702 = arith.index_cast %scan3A_44 : i32 to index
      %get3A_703 = arith.constant 752 : index
      %get3A_704 = tpu.vector_load %arg8[%get3A_702, %get3A_703] {strides = array<i32>} : memref<32x1024xf32, #tpu.memory_space<vmem>>, vector<1x16xf32>,
      %get3A_705 = vector.shape_cast %get3A_704 : vector<1x16xf32> to vector<16xf32>
      %get3A_706 = arith.index_cast %scan3A_44 : i32 to index
      %get3A_707 = arith.constant 752 : index
      %get3A_708 = tpu.vector_load %arg9[%get3A_706, %get3A_707] {strides = array<i32>} : memref<32x1024xf32, #tpu.memory_space<vmem>>, vector<1x16xf32>,
      %get3A_709 = vector.shape_cast %get3A_708 : vector<1x16xf32> to vector<16xf32>
      %add3A_710 = arith.addf %get3A_705, %get3A_709 : vector<16xf32>
      %swap3A_711 = arith.index_cast %scan3A_44 : i32 to index
      %swap3A_712 = arith.constant 752 : index
      %swap3A_713 = tpu.vector_load %arg8[%swap3A_711, %swap3A_712] {strides = array<i32>} : memref<32x1024xf32, #tpu.memory_space<vmem>>, vector<1x16xf32>,
      %swap3A_714 = vector.shape_cast %swap3A_713 : vector<1x16xf32> to vector<16xf32>
      %swap3A_715 = vector.shape_cast %add3A_710 : vector<16xf32> to vector<1x16xf32>
      tpu.vector_store %arg8[%swap3A_711, %swap3A_712], %swap3A_715 {strides = array<i32>} : memref<32x1024xf32, #tpu.memory_space<vmem>>, vector<1x16xf32>,
      %get3A_716 = arith.index_cast %scan3A_44 : i32 to index
      %get3A_717 = arith.constant 768 : index
      %get3A_718 = tpu.vector_load %arg8[%get3A_716, %get3A_717] {strides = array<i32>} : memref<32x1024xf32, #tpu.memory_space<vmem>>, vector<1x16xf32>,
      %get3A_719 = vector.shape_cast %get3A_718 : vector<1x16xf32> to vector<16xf32>
      %get3A_720 = arith.index_cast %scan3A_44 : i32 to index
      %get3A_721 = arith.constant 768 : index
      %get3A_722 = tpu.vector_load %arg9[%get3A_720, %get3A_721] {strides = array<i32>} : memref<32x1024xf32, #tpu.memory_space<vmem>>, vector<1x16xf32>,
      %get3A_723 = vector.shape_cast %get3A_722 : vector<1x16xf32> to vector<16xf32>
      %add3A_724 = arith.addf %get3A_719, %get3A_723 : vector<16xf32>
      %swap3A_725 = arith.index_cast %scan3A_44 : i32 to index
      %swap3A_726 = arith.constant 768 : index
      %swap3A_727 = tpu.vector_load %arg8[%swap3A_725, %swap3A_726] {strides = array<i32>} : memref<32x1024xf32, #tpu.memory_space<vmem>>, vector<1x16xf32>,
      %swap3A_728 = vector.shape_cast %swap3A_727 : vector<1x16xf32> to vector<16xf32>
      %swap3A_729 = vector.shape_cast %add3A_724 : vector<16xf32> to vector<1x16xf32>
      tpu.vector_store %arg8[%swap3A_725, %swap3A_726], %swap3A_729 {strides = array<i32>} : memref<32x1024xf32, #tpu.memory_space<vmem>>, vector<1x16xf32>,
      %get3A_730 = arith.index_cast %scan3A_44 : i32 to index
      %get3A_731 = arith.constant 784 : index
      %get3A_732 = tpu.vector_load %arg8[%get3A_730, %get3A_731] {strides = array<i32>} : memref<32x1024xf32, #tpu.memory_space<vmem>>, vector<1x16xf32>,
      %get3A_733 = vector.shape_cast %get3A_732 : vector<1x16xf32> to vector<16xf32>
      %get3A_734 = arith.index_cast %scan3A_44 : i32 to index
      %get3A_735 = arith.constant 784 : index
      %get3A_736 = tpu.vector_load %arg9[%get3A_734, %get3A_735] {strides = array<i32>} : memref<32x1024xf32, #tpu.memory_space<vmem>>, vector<1x16xf32>,
      %get3A_737 = vector.shape_cast %get3A_736 : vector<1x16xf32> to vector<16xf32>
      %add3A_738 = arith.addf %get3A_733, %get3A_737 : vector<16xf32>
      %swap3A_739 = arith.index_cast %scan3A_44 : i32 to index
      %swap3A_740 = arith.constant 784 : index
      %swap3A_741 = tpu.vector_load %arg8[%swap3A_739, %swap3A_740] {strides = array<i32>} : memref<32x1024xf32, #tpu.memory_space<vmem>>, vector<1x16xf32>,
      %swap3A_742 = vector.shape_cast %swap3A_741 : vector<1x16xf32> to vector<16xf32>
      %swap3A_743 = vector.shape_cast %add3A_738 : vector<16xf32> to vector<1x16xf32>
      tpu.vector_store %arg8[%swap3A_739, %swap3A_740], %swap3A_743 {strides = array<i32>} : memref<32x1024xf32, #tpu.memory_space<vmem>>, vector<1x16xf32>,
      %get3A_744 = arith.index_cast %scan3A_44 : i32 to index
      %get3A_745 = arith.constant 800 : index
      %get3A_746 = tpu.vector_load %arg8[%get3A_744, %get3A_745] {strides = array<i32>} : memref<32x1024xf32, #tpu.memory_space<vmem>>, vector<1x16xf32>,
      %get3A_747 = vector.shape_cast %get3A_746 : vector<1x16xf32> to vector<16xf32>
      %get3A_748 = arith.index_cast %scan3A_44 : i32 to index
      %get3A_749 = arith.constant 800 : index
      %get3A_750 = tpu.vector_load %arg9[%get3A_748, %get3A_749] {strides = array<i32>} : memref<32x1024xf32, #tpu.memory_space<vmem>>, vector<1x16xf32>,
      %get3A_751 = vector.shape_cast %get3A_750 : vector<1x16xf32> to vector<16xf32>
      %add3A_752 = arith.addf %get3A_747, %get3A_751 : vector<16xf32>
      %swap3A_753 = arith.index_cast %scan3A_44 : i32 to index
      %swap3A_754 = arith.constant 800 : index
      %swap3A_755 = tpu.vector_load %arg8[%swap3A_753, %swap3A_754] {strides = array<i32>} : memref<32x1024xf32, #tpu.memory_space<vmem>>, vector<1x16xf32>,
      %swap3A_756 = vector.shape_cast %swap3A_755 : vector<1x16xf32> to vector<16xf32>
      %swap3A_757 = vector.shape_cast %add3A_752 : vector<16xf32> to vector<1x16xf32>
      tpu.vector_store %arg8[%swap3A_753, %swap3A_754], %swap3A_757 {strides = array<i32>} : memref<32x1024xf32, #tpu.memory_space<vmem>>, vector<1x16xf32>,
      %get3A_758 = arith.index_cast %scan3A_44 : i32 to index
      %get3A_759 = arith.constant 816 : index
      %get3A_760 = tpu.vector_load %arg8[%get3A_758, %get3A_759] {strides = array<i32>} : memref<32x1024xf32, #tpu.memory_space<vmem>>, vector<1x16xf32>,
      %get3A_761 = vector.shape_cast %get3A_760 : vector<1x16xf32> to vector<16xf32>
      %get3A_762 = arith.index_cast %scan3A_44 : i32 to index
      %get3A_763 = arith.constant 816 : index
      %get3A_764 = tpu.vector_load %arg9[%get3A_762, %get3A_763] {strides = array<i32>} : memref<32x1024xf32, #tpu.memory_space<vmem>>, vector<1x16xf32>,
      %get3A_765 = vector.shape_cast %get3A_764 : vector<1x16xf32> to vector<16xf32>
      %add3A_766 = arith.addf %get3A_761, %get3A_765 : vector<16xf32>
      %swap3A_767 = arith.index_cast %scan3A_44 : i32 to index
      %swap3A_768 = arith.constant 816 : index
      %swap3A_769 = tpu.vector_load %arg8[%swap3A_767, %swap3A_768] {strides = array<i32>} : memref<32x1024xf32, #tpu.memory_space<vmem>>, vector<1x16xf32>,
      %swap3A_770 = vector.shape_cast %swap3A_769 : vector<1x16xf32> to vector<16xf32>
      %swap3A_771 = vector.shape_cast %add3A_766 : vector<16xf32> to vector<1x16xf32>
      tpu.vector_store %arg8[%swap3A_767, %swap3A_768], %swap3A_771 {strides = array<i32>} : memref<32x1024xf32, #tpu.memory_space<vmem>>, vector<1x16xf32>,
      %get3A_772 = arith.index_cast %scan3A_44 : i32 to index
      %get3A_773 = arith.constant 832 : index
      %get3A_774 = tpu.vector_load %arg8[%get3A_772, %get3A_773] {strides = array<i32>} : memref<32x1024xf32, #tpu.memory_space<vmem>>, vector<1x16xf32>,
      %get3A_775 = vector.shape_cast %get3A_774 : vector<1x16xf32> to vector<16xf32>
      %get3A_776 = arith.index_cast %scan3A_44 : i32 to index
      %get3A_777 = arith.constant 832 : index
      %get3A_778 = tpu.vector_load %arg9[%get3A_776, %get3A_777] {strides = array<i32>} : memref<32x1024xf32, #tpu.memory_space<vmem>>, vector<1x16xf32>,
      %get3A_779 = vector.shape_cast %get3A_778 : vector<1x16xf32> to vector<16xf32>
      %add3A_780 = arith.addf %get3A_775, %get3A_779 : vector<16xf32>
      %swap3A_781 = arith.index_cast %scan3A_44 : i32 to index
      %swap3A_782 = arith.constant 832 : index
      %swap3A_783 = tpu.vector_load %arg8[%swap3A_781, %swap3A_782] {strides = array<i32>} : memref<32x1024xf32, #tpu.memory_space<vmem>>, vector<1x16xf32>,
      %swap3A_784 = vector.shape_cast %swap3A_783 : vector<1x16xf32> to vector<16xf32>
      %swap3A_785 = vector.shape_cast %add3A_780 : vector<16xf32> to vector<1x16xf32>
      tpu.vector_store %arg8[%swap3A_781, %swap3A_782], %swap3A_785 {strides = array<i32>} : memref<32x1024xf32, #tpu.memory_space<vmem>>, vector<1x16xf32>,
      %get3A_786 = arith.index_cast %scan3A_44 : i32 to index
      %get3A_787 = arith.constant 848 : index
      %get3A_788 = tpu.vector_load %arg8[%get3A_786, %get3A_787] {strides = array<i32>} : memref<32x1024xf32, #tpu.memory_space<vmem>>, vector<1x16xf32>,
      %get3A_789 = vector.shape_cast %get3A_788 : vector<1x16xf32> to vector<16xf32>
      %get3A_790 = arith.index_cast %scan3A_44 : i32 to index
      %get3A_791 = arith.constant 848 : index
      %get3A_792 = tpu.vector_load %arg9[%get3A_790, %get3A_791] {strides = array<i32>} : memref<32x1024xf32, #tpu.memory_space<vmem>>, vector<1x16xf32>,
      %get3A_793 = vector.shape_cast %get3A_792 : vector<1x16xf32> to vector<16xf32>
      %add3A_794 = arith.addf %get3A_789, %get3A_793 : vector<16xf32>
      %swap3A_795 = arith.index_cast %scan3A_44 : i32 to index
      %swap3A_796 = arith.constant 848 : index
      %swap3A_797 = tpu.vector_load %arg8[%swap3A_795, %swap3A_796] {strides = array<i32>} : memref<32x1024xf32, #tpu.memory_space<vmem>>, vector<1x16xf32>,
      %swap3A_798 = vector.shape_cast %swap3A_797 : vector<1x16xf32> to vector<16xf32>
      %swap3A_799 = vector.shape_cast %add3A_794 : vector<16xf32> to vector<1x16xf32>
      tpu.vector_store %arg8[%swap3A_795, %swap3A_796], %swap3A_799 {strides = array<i32>} : memref<32x1024xf32, #tpu.memory_space<vmem>>, vector<1x16xf32>,
      %get3A_800 = arith.index_cast %scan3A_44 : i32 to index
      %get3A_801 = arith.constant 864 : index
      %get3A_802 = tpu.vector_load %arg8[%get3A_800, %get3A_801] {strides = array<i32>} : memref<32x1024xf32, #tpu.memory_space<vmem>>, vector<1x16xf32>,
      %get3A_803 = vector.shape_cast %get3A_802 : vector<1x16xf32> to vector<16xf32>
      %get3A_804 = arith.index_cast %scan3A_44 : i32 to index
      %get3A_805 = arith.constant 864 : index
      %get3A_806 = tpu.vector_load %arg9[%get3A_804, %get3A_805] {strides = array<i32>} : memref<32x1024xf32, #tpu.memory_space<vmem>>, vector<1x16xf32>,
      %get3A_807 = vector.shape_cast %get3A_806 : vector<1x16xf32> to vector<16xf32>
      %add3A_808 = arith.addf %get3A_803, %get3A_807 : vector<16xf32>
      %swap3A_809 = arith.index_cast %scan3A_44 : i32 to index
      %swap3A_810 = arith.constant 864 : index
      %swap3A_811 = tpu.vector_load %arg8[%swap3A_809, %swap3A_810] {strides = array<i32>} : memref<32x1024xf32, #tpu.memory_space<vmem>>, vector<1x16xf32>,
      %swap3A_812 = vector.shape_cast %swap3A_811 : vector<1x16xf32> to vector<16xf32>
      %swap3A_813 = vector.shape_cast %add3A_808 : vector<16xf32> to vector<1x16xf32>
      tpu.vector_store %arg8[%swap3A_809, %swap3A_810], %swap3A_813 {strides = array<i32>} : memref<32x1024xf32, #tpu.memory_space<vmem>>, vector<1x16xf32>,
      %get3A_814 = arith.index_cast %scan3A_44 : i32 to index
      %get3A_815 = arith.constant 880 : index
      %get3A_816 = tpu.vector_load %arg8[%get3A_814, %get3A_815] {strides = array<i32>} : memref<32x1024xf32, #tpu.memory_space<vmem>>, vector<1x16xf32>,
      %get3A_817 = vector.shape_cast %get3A_816 : vector<1x16xf32> to vector<16xf32>
      %get3A_818 = arith.index_cast %scan3A_44 : i32 to index
      %get3A_819 = arith.constant 880 : index
      %get3A_820 = tpu.vector_load %arg9[%get3A_818, %get3A_819] {strides = array<i32>} : memref<32x1024xf32, #tpu.memory_space<vmem>>, vector<1x16xf32>,
      %get3A_821 = vector.shape_cast %get3A_820 : vector<1x16xf32> to vector<16xf32>
      %add3A_822 = arith.addf %get3A_817, %get3A_821 : vector<16xf32>
      %swap3A_823 = arith.index_cast %scan3A_44 : i32 to index
      %swap3A_824 = arith.constant 880 : index
      %swap3A_825 = tpu.vector_load %arg8[%swap3A_823, %swap3A_824] {strides = array<i32>} : memref<32x1024xf32, #tpu.memory_space<vmem>>, vector<1x16xf32>,
      %swap3A_826 = vector.shape_cast %swap3A_825 : vector<1x16xf32> to vector<16xf32>
      %swap3A_827 = vector.shape_cast %add3A_822 : vector<16xf32> to vector<1x16xf32>
      tpu.vector_store %arg8[%swap3A_823, %swap3A_824], %swap3A_827 {strides = array<i32>} : memref<32x1024xf32, #tpu.memory_space<vmem>>, vector<1x16xf32>,
      %get3A_828 = arith.index_cast %scan3A_44 : i32 to index
      %get3A_829 = arith.constant 896 : index
      %get3A_830 = tpu.vector_load %arg8[%get3A_828, %get3A_829] {strides = array<i32>} : memref<32x1024xf32, #tpu.memory_space<vmem>>, vector<1x16xf32>,
      %get3A_831 = vector.shape_cast %get3A_830 : vector<1x16xf32> to vector<16xf32>
      %get3A_832 = arith.index_cast %scan3A_44 : i32 to index
      %get3A_833 = arith.constant 896 : index
      %get3A_834 = tpu.vector_load %arg9[%get3A_832, %get3A_833] {strides = array<i32>} : memref<32x1024xf32, #tpu.memory_space<vmem>>, vector<1x16xf32>,
      %get3A_835 = vector.shape_cast %get3A_834 : vector<1x16xf32> to vector<16xf32>
      %add3A_836 = arith.addf %get3A_831, %get3A_835 : vector<16xf32>
      %swap3A_837 = arith.index_cast %scan3A_44 : i32 to index
      %swap3A_838 = arith.constant 896 : index
      %swap3A_839 = tpu.vector_load %arg8[%swap3A_837, %swap3A_838] {strides = array<i32>} : memref<32x1024xf32, #tpu.memory_space<vmem>>, vector<1x16xf32>,
      %swap3A_840 = vector.shape_cast %swap3A_839 : vector<1x16xf32> to vector<16xf32>
      %swap3A_841 = vector.shape_cast %add3A_836 : vector<16xf32> to vector<1x16xf32>
      tpu.vector_store %arg8[%swap3A_837, %swap3A_838], %swap3A_841 {strides = array<i32>} : memref<32x1024xf32, #tpu.memory_space<vmem>>, vector<1x16xf32>,
      %get3A_842 = arith.index_cast %scan3A_44 : i32 to index
      %get3A_843 = arith.constant 912 : index
      %get3A_844 = tpu.vector_load %arg8[%get3A_842, %get3A_843] {strides = array<i32>} : memref<32x1024xf32, #tpu.memory_space<vmem>>, vector<1x16xf32>,
      %get3A_845 = vector.shape_cast %get3A_844 : vector<1x16xf32> to vector<16xf32>
      %get3A_846 = arith.index_cast %scan3A_44 : i32 to index
      %get3A_847 = arith.constant 912 : index
      %get3A_848 = tpu.vector_load %arg9[%get3A_846, %get3A_847] {strides = array<i32>} : memref<32x1024xf32, #tpu.memory_space<vmem>>, vector<1x16xf32>,
      %get3A_849 = vector.shape_cast %get3A_848 : vector<1x16xf32> to vector<16xf32>
      %add3A_850 = arith.addf %get3A_845, %get3A_849 : vector<16xf32>
      %swap3A_851 = arith.index_cast %scan3A_44 : i32 to index
      %swap3A_852 = arith.constant 912 : index
      %swap3A_853 = tpu.vector_load %arg8[%swap3A_851, %swap3A_852] {strides = array<i32>} : memref<32x1024xf32, #tpu.memory_space<vmem>>, vector<1x16xf32>,
      %swap3A_854 = vector.shape_cast %swap3A_853 : vector<1x16xf32> to vector<16xf32>
      %swap3A_855 = vector.shape_cast %add3A_850 : vector<16xf32> to vector<1x16xf32>
      tpu.vector_store %arg8[%swap3A_851, %swap3A_852], %swap3A_855 {strides = array<i32>} : memref<32x1024xf32, #tpu.memory_space<vmem>>, vector<1x16xf32>,
      %get3A_856 = arith.index_cast %scan3A_44 : i32 to index
      %get3A_857 = arith.constant 928 : index
      %get3A_858 = tpu.vector_load %arg8[%get3A_856, %get3A_857] {strides = array<i32>} : memref<32x1024xf32, #tpu.memory_space<vmem>>, vector<1x16xf32>,
      %get3A_859 = vector.shape_cast %get3A_858 : vector<1x16xf32> to vector<16xf32>
      %get3A_860 = arith.index_cast %scan3A_44 : i32 to index
      %get3A_861 = arith.constant 928 : index
      %get3A_862 = tpu.vector_load %arg9[%get3A_860, %get3A_861] {strides = array<i32>} : memref<32x1024xf32, #tpu.memory_space<vmem>>, vector<1x16xf32>,
      %get3A_863 = vector.shape_cast %get3A_862 : vector<1x16xf32> to vector<16xf32>
      %add3A_864 = arith.addf %get3A_859, %get3A_863 : vector<16xf32>
      %swap3A_865 = arith.index_cast %scan3A_44 : i32 to index
      %swap3A_866 = arith.constant 928 : index
      %swap3A_867 = tpu.vector_load %arg8[%swap3A_865, %swap3A_866] {strides = array<i32>} : memref<32x1024xf32, #tpu.memory_space<vmem>>, vector<1x16xf32>,
      %swap3A_868 = vector.shape_cast %swap3A_867 : vector<1x16xf32> to vector<16xf32>
      %swap3A_869 = vector.shape_cast %add3A_864 : vector<16xf32> to vector<1x16xf32>
      tpu.vector_store %arg8[%swap3A_865, %swap3A_866], %swap3A_869 {strides = array<i32>} : memref<32x1024xf32, #tpu.memory_space<vmem>>, vector<1x16xf32>,
      %get3A_870 = arith.index_cast %scan3A_44 : i32 to index
      %get3A_871 = arith.constant 944 : index
      %get3A_872 = tpu.vector_load %arg8[%get3A_870, %get3A_871] {strides = array<i32>} : memref<32x1024xf32, #tpu.memory_space<vmem>>, vector<1x16xf32>,
      %get3A_873 = vector.shape_cast %get3A_872 : vector<1x16xf32> to vector<16xf32>
      %get3A_874 = arith.index_cast %scan3A_44 : i32 to index
      %get3A_875 = arith.constant 944 : index
      %get3A_876 = tpu.vector_load %arg9[%get3A_874, %get3A_875] {strides = array<i32>} : memref<32x1024xf32, #tpu.memory_space<vmem>>, vector<1x16xf32>,
      %get3A_877 = vector.shape_cast %get3A_876 : vector<1x16xf32> to vector<16xf32>
      %add3A_878 = arith.addf %get3A_873, %get3A_877 : vector<16xf32>
      %swap3A_879 = arith.index_cast %scan3A_44 : i32 to index
      %swap3A_880 = arith.constant 944 : index
      %swap3A_881 = tpu.vector_load %arg8[%swap3A_879, %swap3A_880] {strides = array<i32>} : memref<32x1024xf32, #tpu.memory_space<vmem>>, vector<1x16xf32>,
      %swap3A_882 = vector.shape_cast %swap3A_881 : vector<1x16xf32> to vector<16xf32>
      %swap3A_883 = vector.shape_cast %add3A_878 : vector<16xf32> to vector<1x16xf32>
      tpu.vector_store %arg8[%swap3A_879, %swap3A_880], %swap3A_883 {strides = array<i32>} : memref<32x1024xf32, #tpu.memory_space<vmem>>, vector<1x16xf32>,
      %get3A_884 = arith.index_cast %scan3A_44 : i32 to index
      %get3A_885 = arith.constant 960 : index
      %get3A_886 = tpu.vector_load %arg8[%get3A_884, %get3A_885] {strides = array<i32>} : memref<32x1024xf32, #tpu.memory_space<vmem>>, vector<1x16xf32>,
      %get3A_887 = vector.shape_cast %get3A_886 : vector<1x16xf32> to vector<16xf32>
      %get3A_888 = arith.index_cast %scan3A_44 : i32 to index
      %get3A_889 = arith.constant 960 : index
      %get3A_890 = tpu.vector_load %arg9[%get3A_888, %get3A_889] {strides = array<i32>} : memref<32x1024xf32, #tpu.memory_space<vmem>>, vector<1x16xf32>,
      %get3A_891 = vector.shape_cast %get3A_890 : vector<1x16xf32> to vector<16xf32>
      %add3A_892 = arith.addf %get3A_887, %get3A_891 : vector<16xf32>
      %swap3A_893 = arith.index_cast %scan3A_44 : i32 to index
      %swap3A_894 = arith.constant 960 : index
      %swap3A_895 = tpu.vector_load %arg8[%swap3A_893, %swap3A_894] {strides = array<i32>} : memref<32x1024xf32, #tpu.memory_space<vmem>>, vector<1x16xf32>,
      %swap3A_896 = vector.shape_cast %swap3A_895 : vector<1x16xf32> to vector<16xf32>
      %swap3A_897 = vector.shape_cast %add3A_892 : vector<16xf32> to vector<1x16xf32>
      tpu.vector_store %arg8[%swap3A_893, %swap3A_894], %swap3A_897 {strides = array<i32>} : memref<32x1024xf32, #tpu.memory_space<vmem>>, vector<1x16xf32>,
      %get3A_898 = arith.index_cast %scan3A_44 : i32 to index
      %get3A_899 = arith.constant 976 : index
      %get3A_900 = tpu.vector_load %arg8[%get3A_898, %get3A_899] {strides = array<i32>} : memref<32x1024xf32, #tpu.memory_space<vmem>>, vector<1x16xf32>,
      %get3A_901 = vector.shape_cast %get3A_900 : vector<1x16xf32> to vector<16xf32>
      %get3A_902 = arith.index_cast %scan3A_44 : i32 to index
      %get3A_903 = arith.constant 976 : index
      %get3A_904 = tpu.vector_load %arg9[%get3A_902, %get3A_903] {strides = array<i32>} : memref<32x1024xf32, #tpu.memory_space<vmem>>, vector<1x16xf32>,
      %get3A_905 = vector.shape_cast %get3A_904 : vector<1x16xf32> to vector<16xf32>
      %add3A_906 = arith.addf %get3A_901, %get3A_905 : vector<16xf32>
      %swap3A_907 = arith.index_cast %scan3A_44 : i32 to index
      %swap3A_908 = arith.constant 976 : index
      %swap3A_909 = tpu.vector_load %arg8[%swap3A_907, %swap3A_908] {strides = array<i32>} : memref<32x1024xf32, #tpu.memory_space<vmem>>, vector<1x16xf32>,
      %swap3A_910 = vector.shape_cast %swap3A_909 : vector<1x16xf32> to vector<16xf32>
      %swap3A_911 = vector.shape_cast %add3A_906 : vector<16xf32> to vector<1x16xf32>
      tpu.vector_store %arg8[%swap3A_907, %swap3A_908], %swap3A_911 {strides = array<i32>} : memref<32x1024xf32, #tpu.memory_space<vmem>>, vector<1x16xf32>,
      %get3A_912 = arith.index_cast %scan3A_44 : i32 to index
      %get3A_913 = arith.constant 992 : index
      %get3A_914 = tpu.vector_load %arg8[%get3A_912, %get3A_913] {strides = array<i32>} : memref<32x1024xf32, #tpu.memory_space<vmem>>, vector<1x16xf32>,
      %get3A_915 = vector.shape_cast %get3A_914 : vector<1x16xf32> to vector<16xf32>
      %get3A_916 = arith.index_cast %scan3A_44 : i32 to index
      %get3A_917 = arith.constant 992 : index
      %get3A_918 = tpu.vector_load %arg9[%get3A_916, %get3A_917] {strides = array<i32>} : memref<32x1024xf32, #tpu.memory_space<vmem>>, vector<1x16xf32>,
      %get3A_919 = vector.shape_cast %get3A_918 : vector<1x16xf32> to vector<16xf32>
      %add3A_920 = arith.addf %get3A_915, %get3A_919 : vector<16xf32>
      %swap3A_921 = arith.index_cast %scan3A_44 : i32 to index
      %swap3A_922 = arith.constant 992 : index
      %swap3A_923 = tpu.vector_load %arg8[%swap3A_921, %swap3A_922] {strides = array<i32>} : memref<32x1024xf32, #tpu.memory_space<vmem>>, vector<1x16xf32>,
      %swap3A_924 = vector.shape_cast %swap3A_923 : vector<1x16xf32> to vector<16xf32>
      %swap3A_925 = vector.shape_cast %add3A_920 : vector<16xf32> to vector<1x16xf32>
      tpu.vector_store %arg8[%swap3A_921, %swap3A_922], %swap3A_925 {strides = array<i32>} : memref<32x1024xf32, #tpu.memory_space<vmem>>, vector<1x16xf32>,
      %get3A_926 = arith.index_cast %scan3A_44 : i32 to index
      %get3A_927 = arith.constant 1008 : index
      %get3A_928 = tpu.vector_load %arg8[%get3A_926, %get3A_927] {strides = array<i32>} : memref<32x1024xf32, #tpu.memory_space<vmem>>, vector<1x16xf32>,
      %get3A_929 = vector.shape_cast %get3A_928 : vector<1x16xf32> to vector<16xf32>
      %get3A_930 = arith.index_cast %scan3A_44 : i32 to index
      %get3A_931 = arith.constant 1008 : index
      %get3A_932 = tpu.vector_load %arg9[%get3A_930, %get3A_931] {strides = array<i32>} : memref<32x1024xf32, #tpu.memory_space<vmem>>, vector<1x16xf32>,
      %get3A_933 = vector.shape_cast %get3A_932 : vector<1x16xf32> to vector<16xf32>
      %add3A_934 = arith.addf %get3A_929, %get3A_933 : vector<16xf32>
      %swap3A_935 = arith.index_cast %scan3A_44 : i32 to index
      %swap3A_936 = arith.constant 1008 : index
      %swap3A_937 = tpu.vector_load %arg8[%swap3A_935, %swap3A_936] {strides = array<i32>} : memref<32x1024xf32, #tpu.memory_space<vmem>>, vector<1x16xf32>,
      %swap3A_938 = vector.shape_cast %swap3A_937 : vector<1x16xf32> to vector<16xf32>
      %swap3A_939 = vector.shape_cast %add3A_934 : vector<16xf32> to vector<1x16xf32>
      tpu.vector_store %arg8[%swap3A_935, %swap3A_936], %swap3A_939 {strides = array<i32>} : memref<32x1024xf32, #tpu.memory_space<vmem>>, vector<1x16xf32>,
      %scan3A_940 = arith.constant 0 : i32
      scf.yield %scan3A_940 : i32
    }
    %scan3A_20 = arith.constant 32 : i32
    "tpu.region"() ({
      %run_scoped3A = tpu.sem_alloc : memref<!tpu.dma_semaphore, #tpu.memory_space<semaphore_mem>>
      %dma_start3A_44 = arith.constant 0 : i32
      %dma_start3A_45 = tpu.memref_slice %arg5[%add3A_4, %dma_start3A_44] : memref<2048x1024xf32, #tpu.memory_space<hbm>> -> memref<32x1024xf32, #tpu.memory_space<hbm>>
      %dma_start3A_46 = arith.constant 0 : i32
      %dma_start3A_47 = tpu.memref_slice %arg5[%add3A_4, %dma_start3A_46] : memref<2048x1024xf32, #tpu.memory_space<hbm>> -> memref<32x1024xf32, #tpu.memory_space<hbm>>
      tpu.enqueue_dma source(%arg8 : memref<32x1024xf32, #tpu.memory_space<vmem>>) target(%dma_start3A_47 : memref<32x1024xf32, #tpu.memory_space<hbm>>) target_semaphore(%run_scoped3A : memref<!tpu.dma_semaphore, #tpu.memory_space<semaphore_mem>>)
      %dma_wait3A_48 = arith.constant 0 : i32
      %dma_wait3A_49 = tpu.memref_slice %arg5[%add3A_4, %dma_wait3A_48] : memref<2048x1024xf32, #tpu.memory_space<hbm>> -> memref<32x1024xf32, #tpu.memory_space<hbm>>
      %dma_wait3A_50 = arith.constant 0 : i32
      %dma_wait3A_51 = tpu.memref_slice %arg5[%add3A_4, %dma_wait3A_50] : memref<2048x1024xf32, #tpu.memory_space<hbm>> -> memref<32x1024xf32, #tpu.memory_space<hbm>>
      tpu.wait_dma2 semaphore(%run_scoped3A : memref<!tpu.dma_semaphore, #tpu.memory_space<semaphore_mem>>) src(%arg8 : memref<32x1024xf32, #tpu.memory_space<vmem>>) dst(%dma_wait3A_51 : memref<32x1024xf32, #tpu.memory_space<hbm>>)
      tpu.yield
    }) : () -> ()
    %mul3A_21 = arith.constant 64 : i32
    %mul3A_22 = arith.muli %add3A, %mul3A_21 : i32
    %add3A_23 = arith.constant 32 : i32
    %add3A_24 = arith.addi %mul3A_22, %add3A_23 : i32
    "tpu.region"() ({
      %run_scoped3A = tpu.sem_alloc : memref<!tpu.dma_semaphore, #tpu.memory_space<semaphore_mem>>
      %dma_start3A_44 = tpu.memref_slice %arg3[%add3A_24] : memref<2048xi32, #tpu.memory_space<hbm>> -> memref<32xi32, #tpu.memory_space<hbm>>
      %dma_start3A_45 = tpu.memref_slice %arg3[%add3A_24] : memref<2048xi32, #tpu.memory_space<hbm>> -> memref<32xi32, #tpu.memory_space<hbm>>
      tpu.enqueue_dma source(%dma_start3A_45 : memref<32xi32, #tpu.memory_space<hbm>>) target(%arg6 : memref<32xi32, #tpu.memory_space<vmem>>) target_semaphore(%run_scoped3A : memref<!tpu.dma_semaphore, #tpu.memory_space<semaphore_mem>>)
      %dma_wait3A_46 = tpu.memref_slice %arg3[%add3A_24] : memref<2048xi32, #tpu.memory_space<hbm>> -> memref<32xi32, #tpu.memory_space<hbm>>
      %dma_wait3A_47 = tpu.memref_slice %arg3[%add3A_24] : memref<2048xi32, #tpu.memory_space<hbm>> -> memref<32xi32, #tpu.memory_space<hbm>>
      tpu.wait_dma2 semaphore(%run_scoped3A : memref<!tpu.dma_semaphore, #tpu.memory_space<semaphore_mem>>) src(%dma_wait3A_47 : memref<32xi32, #tpu.memory_space<hbm>>) dst(%arg6 : memref<32xi32, #tpu.memory_space<vmem>>)
      tpu.yield
    }) : () -> ()
    "tpu.region"() ({
      %run_scoped3A = tpu.sem_alloc : memref<!tpu.dma_semaphore, #tpu.memory_space<semaphore_mem>>
      %dma_start3A_44 = tpu.memref_slice %arg4[%add3A_24] : memref<2048xi32, #tpu.memory_space<hbm>> -> memref<32xi32, #tpu.memory_space<hbm>>
      %dma_start3A_45 = tpu.memref_slice %arg4[%add3A_24] : memref<2048xi32, #tpu.memory_space<hbm>> -> memref<32xi32, #tpu.memory_space<hbm>>
      tpu.enqueue_dma source(%dma_start3A_45 : memref<32xi32, #tpu.memory_space<hbm>>) target(%arg7 : memref<32xi32, #tpu.memory_space<vmem>>) target_semaphore(%run_scoped3A : memref<!tpu.dma_semaphore, #tpu.memory_space<semaphore_mem>>)
      %dma_wait3A_46 = tpu.memref_slice %arg4[%add3A_24] : memref<2048xi32, #tpu.memory_space<hbm>> -> memref<32xi32, #tpu.memory_space<hbm>>
      %dma_wait3A_47 = tpu.memref_slice %arg4[%add3A_24] : memref<2048xi32, #tpu.memory_space<hbm>> -> memref<32xi32, #tpu.memory_space<hbm>>
      tpu.wait_dma2 semaphore(%run_scoped3A : memref<!tpu.dma_semaphore, #tpu.memory_space<semaphore_mem>>) src(%dma_wait3A_47 : memref<32xi32, #tpu.memory_space<hbm>>) dst(%arg7 : memref<32xi32, #tpu.memory_space<vmem>>)
      tpu.yield
    }) : () -> ()
    %dma_start3A_25 = arith.constant 0 : i32
    %dma_start3A_26 = arith.constant 0 : i32
    %dma_start3A_27 = tpu.memref_slice %arg2[%dma_start3A_25, %dma_start3A_26] : memref<5120x1024xf32, #tpu.memory_space<hbm>> -> memref<5120x1024xf32, #tpu.memory_space<hbm>>
    tpu.enqueue_indirect_dma source(%dma_start3A_27 : memref<5120x1024xf32, #tpu.memory_space<hbm>>) target(%arg8 : memref<32x1024xf32, #tpu.memory_space<vmem>>) offsets(%arg6 : memref<32xi32, #tpu.memory_space<vmem>>) semaphore(%arg10 : memref<!tpu.dma_semaphore, #tpu.memory_space<semaphore_mem>>)
    %dma_start3A_28 = arith.constant 0 : i32
    %dma_start3A_29 = arith.constant 0 : i32
    %dma_start3A_30 = tpu.memref_slice %arg2[%dma_start3A_28, %dma_start3A_29] : memref<5120x1024xf32, #tpu.memory_space<hbm>> -> memref<5120x1024xf32, #tpu.memory_space<hbm>>
    tpu.enqueue_indirect_dma source(%dma_start3A_30 : memref<5120x1024xf32, #tpu.memory_space<hbm>>) target(%arg9 : memref<32x1024xf32, #tpu.memory_space<vmem>>) offsets(%arg7 : memref<32xi32, #tpu.memory_space<vmem>>) semaphore(%arg11 : memref<!tpu.dma_semaphore, #tpu.memory_space<semaphore_mem>>)
    %dma_wait3A_31 = arith.constant 0 : i32
    %dma_wait3A_32 = arith.constant 0 : i32
    %dma_wait3A_33 = tpu.memref_slice %arg2[%dma_wait3A_31, %dma_wait3A_32] : memref<5120x1024xf32, #tpu.memory_space<hbm>> -> memref<5120x1024xf32, #tpu.memory_space<hbm>>
    tpu.wait_indirect_dma semaphore(%arg10 : memref<!tpu.dma_semaphore, #tpu.memory_space<semaphore_mem>>) src(%dma_wait3A_33 : memref<5120x1024xf32, #tpu.memory_space<hbm>>) dst(%arg8 : memref<32x1024xf32, #tpu.memory_space<vmem>>)
    %dma_wait3A_34 = arith.constant 0 : i32
    %dma_wait3A_35 = arith.constant 0 : i32
    %dma_wait3A_36 = tpu.memref_slice %arg2[%dma_wait3A_34, %dma_wait3A_35] : memref<5120x1024xf32, #tpu.memory_space<hbm>> -> memref<5120x1024xf32, #tpu.memory_space<hbm>>
    tpu.wait_indirect_dma semaphore(%arg11 : memref<!tpu.dma_semaphore, #tpu.memory_space<semaphore_mem>>) src(%dma_wait3A_36 : memref<5120x1024xf32, #tpu.memory_space<hbm>>) dst(%arg9 : memref<32x1024xf32, #tpu.memory_space<vmem>>)
    %scan3A_37 = arith.constant 0 : i32
    %scan3A_38 = arith.constant 0 : i32
    %scan3A_39 = arith.constant 32 : i32
    %scan3A_40 = arith.addi %scan3A_38, %scan3A_39 : i32
    %scan3A_41 = arith.constant 1 : i32
    %scan3A_42 = scf.for %scan3A_44 = %scan3A_38 to %scan3A_40 step %scan3A_41 iter_args(%scan3A_45 = %scan3A_37) -> (i32)  : i32 {
      %get3A = arith.index_cast %scan3A_44 : i32 to index
      %get3A_46 = arith.constant 0 : index
      %get3A_47 = tpu.vector_load %arg8[%get3A, %get3A_46] {strides = array<i32>} : memref<32x1024xf32, #tpu.memory_space<vmem>>, vector<1x16xf32>,
      %get3A_48 = vector.shape_cast %get3A_47 : vector<1x16xf32> to vector<16xf32>
      %get3A_49 = arith.index_cast %scan3A_44 : i32 to index
      %get3A_50 = arith.constant 0 : index
      %get3A_51 = tpu.vector_load %arg9[%get3A_49, %get3A_50] {strides = array<i32>} : memref<32x1024xf32, #tpu.memory_space<vmem>>, vector<1x16xf32>,
      %get3A_52 = vector.shape_cast %get3A_51 : vector<1x16xf32> to vector<16xf32>
      %add3A_53 = arith.addf %get3A_48, %get3A_52 : vector<16xf32>
      %swap3A = arith.index_cast %scan3A_44 : i32 to index
      %swap3A_54 = arith.constant 0 : index
      %swap3A_55 = tpu.vector_load %arg8[%swap3A, %swap3A_54] {strides = array<i32>} : memref<32x1024xf32, #tpu.memory_space<vmem>>, vector<1x16xf32>,
      %swap3A_56 = vector.shape_cast %swap3A_55 : vector<1x16xf32> to vector<16xf32>
      %swap3A_57 = vector.shape_cast %add3A_53 : vector<16xf32> to vector<1x16xf32>
      tpu.vector_store %arg8[%swap3A, %swap3A_54], %swap3A_57 {strides = array<i32>} : memref<32x1024xf32, #tpu.memory_space<vmem>>, vector<1x16xf32>,
      %get3A_58 = arith.index_cast %scan3A_44 : i32 to index
      %get3A_59 = arith.constant 16 : index
      %get3A_60 = tpu.vector_load %arg8[%get3A_58, %get3A_59] {strides = array<i32>} : memref<32x1024xf32, #tpu.memory_space<vmem>>, vector<1x16xf32>,
      %get3A_61 = vector.shape_cast %get3A_60 : vector<1x16xf32> to vector<16xf32>
      %get3A_62 = arith.index_cast %scan3A_44 : i32 to index
      %get3A_63 = arith.constant 16 : index
      %get3A_64 = tpu.vector_load %arg9[%get3A_62, %get3A_63] {strides = array<i32>} : memref<32x1024xf32, #tpu.memory_space<vmem>>, vector<1x16xf32>,
      %get3A_65 = vector.shape_cast %get3A_64 : vector<1x16xf32> to vector<16xf32>
      %add3A_66 = arith.addf %get3A_61, %get3A_65 : vector<16xf32>
      %swap3A_67 = arith.index_cast %scan3A_44 : i32 to index
      %swap3A_68 = arith.constant 16 : index
      %swap3A_69 = tpu.vector_load %arg8[%swap3A_67, %swap3A_68] {strides = array<i32>} : memref<32x1024xf32, #tpu.memory_space<vmem>>, vector<1x16xf32>,
      %swap3A_70 = vector.shape_cast %swap3A_69 : vector<1x16xf32> to vector<16xf32>
      %swap3A_71 = vector.shape_cast %add3A_66 : vector<16xf32> to vector<1x16xf32>
      tpu.vector_store %arg8[%swap3A_67, %swap3A_68], %swap3A_71 {strides = array<i32>} : memref<32x1024xf32, #tpu.memory_space<vmem>>, vector<1x16xf32>,
      %get3A_72 = arith.index_cast %scan3A_44 : i32 to index
      %get3A_73 = arith.constant 32 : index
      %get3A_74 = tpu.vector_load %arg8[%get3A_72, %get3A_73] {strides = array<i32>} : memref<32x1024xf32, #tpu.memory_space<vmem>>, vector<1x16xf32>,
      %get3A_75 = vector.shape_cast %get3A_74 : vector<1x16xf32> to vector<16xf32>
      %get3A_76 = arith.index_cast %scan3A_44 : i32 to index
      %get3A_77 = arith.constant 32 : index
      %get3A_78 = tpu.vector_load %arg9[%get3A_76, %get3A_77] {strides = array<i32>} : memref<32x1024xf32, #tpu.memory_space<vmem>>, vector<1x16xf32>,
      %get3A_79 = vector.shape_cast %get3A_78 : vector<1x16xf32> to vector<16xf32>
      %add3A_80 = arith.addf %get3A_75, %get3A_79 : vector<16xf32>
      %swap3A_81 = arith.index_cast %scan3A_44 : i32 to index
      %swap3A_82 = arith.constant 32 : index
      %swap3A_83 = tpu.vector_load %arg8[%swap3A_81, %swap3A_82] {strides = array<i32>} : memref<32x1024xf32, #tpu.memory_space<vmem>>, vector<1x16xf32>,
      %swap3A_84 = vector.shape_cast %swap3A_83 : vector<1x16xf32> to vector<16xf32>
      %swap3A_85 = vector.shape_cast %add3A_80 : vector<16xf32> to vector<1x16xf32>
      tpu.vector_store %arg8[%swap3A_81, %swap3A_82], %swap3A_85 {strides = array<i32>} : memref<32x1024xf32, #tpu.memory_space<vmem>>, vector<1x16xf32>,
      %get3A_86 = arith.index_cast %scan3A_44 : i32 to index
      %get3A_87 = arith.constant 48 : index
      %get3A_88 = tpu.vector_load %arg8[%get3A_86, %get3A_87] {strides = array<i32>} : memref<32x1024xf32, #tpu.memory_space<vmem>>, vector<1x16xf32>,
      %get3A_89 = vector.shape_cast %get3A_88 : vector<1x16xf32> to vector<16xf32>
      %get3A_90 = arith.index_cast %scan3A_44 : i32 to index
      %get3A_91 = arith.constant 48 : index
      %get3A_92 = tpu.vector_load %arg9[%get3A_90, %get3A_91] {strides = array<i32>} : memref<32x1024xf32, #tpu.memory_space<vmem>>, vector<1x16xf32>,
      %get3A_93 = vector.shape_cast %get3A_92 : vector<1x16xf32> to vector<16xf32>
      %add3A_94 = arith.addf %get3A_89, %get3A_93 : vector<16xf32>
      %swap3A_95 = arith.index_cast %scan3A_44 : i32 to index
      %swap3A_96 = arith.constant 48 : index
      %swap3A_97 = tpu.vector_load %arg8[%swap3A_95, %swap3A_96] {strides = array<i32>} : memref<32x1024xf32, #tpu.memory_space<vmem>>, vector<1x16xf32>,
      %swap3A_98 = vector.shape_cast %swap3A_97 : vector<1x16xf32> to vector<16xf32>
      %swap3A_99 = vector.shape_cast %add3A_94 : vector<16xf32> to vector<1x16xf32>
      tpu.vector_store %arg8[%swap3A_95, %swap3A_96], %swap3A_99 {strides = array<i32>} : memref<32x1024xf32, #tpu.memory_space<vmem>>, vector<1x16xf32>,
      %get3A_100 = arith.index_cast %scan3A_44 : i32 to index
      %get3A_101 = arith.constant 64 : index
      %get3A_102 = tpu.vector_load %arg8[%get3A_100, %get3A_101] {strides = array<i32>} : memref<32x1024xf32, #tpu.memory_space<vmem>>, vector<1x16xf32>,
      %get3A_103 = vector.shape_cast %get3A_102 : vector<1x16xf32> to vector<16xf32>
      %get3A_104 = arith.index_cast %scan3A_44 : i32 to index
      %get3A_105 = arith.constant 64 : index
      %get3A_106 = tpu.vector_load %arg9[%get3A_104, %get3A_105] {strides = array<i32>} : memref<32x1024xf32, #tpu.memory_space<vmem>>, vector<1x16xf32>,
      %get3A_107 = vector.shape_cast %get3A_106 : vector<1x16xf32> to vector<16xf32>
      %add3A_108 = arith.addf %get3A_103, %get3A_107 : vector<16xf32>
      %swap3A_109 = arith.index_cast %scan3A_44 : i32 to index
      %swap3A_110 = arith.constant 64 : index
      %swap3A_111 = tpu.vector_load %arg8[%swap3A_109, %swap3A_110] {strides = array<i32>} : memref<32x1024xf32, #tpu.memory_space<vmem>>, vector<1x16xf32>,
      %swap3A_112 = vector.shape_cast %swap3A_111 : vector<1x16xf32> to vector<16xf32>
      %swap3A_113 = vector.shape_cast %add3A_108 : vector<16xf32> to vector<1x16xf32>
      tpu.vector_store %arg8[%swap3A_109, %swap3A_110], %swap3A_113 {strides = array<i32>} : memref<32x1024xf32, #tpu.memory_space<vmem>>, vector<1x16xf32>,
      %get3A_114 = arith.index_cast %scan3A_44 : i32 to index
      %get3A_115 = arith.constant 80 : index
      %get3A_116 = tpu.vector_load %arg8[%get3A_114, %get3A_115] {strides = array<i32>} : memref<32x1024xf32, #tpu.memory_space<vmem>>, vector<1x16xf32>,
      %get3A_117 = vector.shape_cast %get3A_116 : vector<1x16xf32> to vector<16xf32>
      %get3A_118 = arith.index_cast %scan3A_44 : i32 to index
      %get3A_119 = arith.constant 80 : index
      %get3A_120 = tpu.vector_load %arg9[%get3A_118, %get3A_119] {strides = array<i32>} : memref<32x1024xf32, #tpu.memory_space<vmem>>, vector<1x16xf32>,
      %get3A_121 = vector.shape_cast %get3A_120 : vector<1x16xf32> to vector<16xf32>
      %add3A_122 = arith.addf %get3A_117, %get3A_121 : vector<16xf32>
      %swap3A_123 = arith.index_cast %scan3A_44 : i32 to index
      %swap3A_124 = arith.constant 80 : index
      %swap3A_125 = tpu.vector_load %arg8[%swap3A_123, %swap3A_124] {strides = array<i32>} : memref<32x1024xf32, #tpu.memory_space<vmem>>, vector<1x16xf32>,
      %swap3A_126 = vector.shape_cast %swap3A_125 : vector<1x16xf32> to vector<16xf32>
      %swap3A_127 = vector.shape_cast %add3A_122 : vector<16xf32> to vector<1x16xf32>
      tpu.vector_store %arg8[%swap3A_123, %swap3A_124], %swap3A_127 {strides = array<i32>} : memref<32x1024xf32, #tpu.memory_space<vmem>>, vector<1x16xf32>,
      %get3A_128 = arith.index_cast %scan3A_44 : i32 to index
      %get3A_129 = arith.constant 96 : index
      %get3A_130 = tpu.vector_load %arg8[%get3A_128, %get3A_129] {strides = array<i32>} : memref<32x1024xf32, #tpu.memory_space<vmem>>, vector<1x16xf32>,
      %get3A_131 = vector.shape_cast %get3A_130 : vector<1x16xf32> to vector<16xf32>
      %get3A_132 = arith.index_cast %scan3A_44 : i32 to index
      %get3A_133 = arith.constant 96 : index
      %get3A_134 = tpu.vector_load %arg9[%get3A_132, %get3A_133] {strides = array<i32>} : memref<32x1024xf32, #tpu.memory_space<vmem>>, vector<1x16xf32>,
      %get3A_135 = vector.shape_cast %get3A_134 : vector<1x16xf32> to vector<16xf32>
      %add3A_136 = arith.addf %get3A_131, %get3A_135 : vector<16xf32>
      %swap3A_137 = arith.index_cast %scan3A_44 : i32 to index
      %swap3A_138 = arith.constant 96 : index
      %swap3A_139 = tpu.vector_load %arg8[%swap3A_137, %swap3A_138] {strides = array<i32>} : memref<32x1024xf32, #tpu.memory_space<vmem>>, vector<1x16xf32>,
      %swap3A_140 = vector.shape_cast %swap3A_139 : vector<1x16xf32> to vector<16xf32>
      %swap3A_141 = vector.shape_cast %add3A_136 : vector<16xf32> to vector<1x16xf32>
      tpu.vector_store %arg8[%swap3A_137, %swap3A_138], %swap3A_141 {strides = array<i32>} : memref<32x1024xf32, #tpu.memory_space<vmem>>, vector<1x16xf32>,
      %get3A_142 = arith.index_cast %scan3A_44 : i32 to index
      %get3A_143 = arith.constant 112 : index
      %get3A_144 = tpu.vector_load %arg8[%get3A_142, %get3A_143] {strides = array<i32>} : memref<32x1024xf32, #tpu.memory_space<vmem>>, vector<1x16xf32>,
      %get3A_145 = vector.shape_cast %get3A_144 : vector<1x16xf32> to vector<16xf32>
      %get3A_146 = arith.index_cast %scan3A_44 : i32 to index
      %get3A_147 = arith.constant 112 : index
      %get3A_148 = tpu.vector_load %arg9[%get3A_146, %get3A_147] {strides = array<i32>} : memref<32x1024xf32, #tpu.memory_space<vmem>>, vector<1x16xf32>,
      %get3A_149 = vector.shape_cast %get3A_148 : vector<1x16xf32> to vector<16xf32>
      %add3A_150 = arith.addf %get3A_145, %get3A_149 : vector<16xf32>
      %swap3A_151 = arith.index_cast %scan3A_44 : i32 to index
      %swap3A_152 = arith.constant 112 : index
      %swap3A_153 = tpu.vector_load %arg8[%swap3A_151, %swap3A_152] {strides = array<i32>} : memref<32x1024xf32, #tpu.memory_space<vmem>>, vector<1x16xf32>,
      %swap3A_154 = vector.shape_cast %swap3A_153 : vector<1x16xf32> to vector<16xf32>
      %swap3A_155 = vector.shape_cast %add3A_150 : vector<16xf32> to vector<1x16xf32>
      tpu.vector_store %arg8[%swap3A_151, %swap3A_152], %swap3A_155 {strides = array<i32>} : memref<32x1024xf32, #tpu.memory_space<vmem>>, vector<1x16xf32>,
      %get3A_156 = arith.index_cast %scan3A_44 : i32 to index
      %get3A_157 = arith.constant 128 : index
      %get3A_158 = tpu.vector_load %arg8[%get3A_156, %get3A_157] {strides = array<i32>} : memref<32x1024xf32, #tpu.memory_space<vmem>>, vector<1x16xf32>,
      %get3A_159 = vector.shape_cast %get3A_158 : vector<1x16xf32> to vector<16xf32>
      %get3A_160 = arith.index_cast %scan3A_44 : i32 to index
      %get3A_161 = arith.constant 128 : index
      %get3A_162 = tpu.vector_load %arg9[%get3A_160, %get3A_161] {strides = array<i32>} : memref<32x1024xf32, #tpu.memory_space<vmem>>, vector<1x16xf32>,
      %get3A_163 = vector.shape_cast %get3A_162 : vector<1x16xf32> to vector<16xf32>
      %add3A_164 = arith.addf %get3A_159, %get3A_163 : vector<16xf32>
      %swap3A_165 = arith.index_cast %scan3A_44 : i32 to index
      %swap3A_166 = arith.constant 128 : index
      %swap3A_167 = tpu.vector_load %arg8[%swap3A_165, %swap3A_166] {strides = array<i32>} : memref<32x1024xf32, #tpu.memory_space<vmem>>, vector<1x16xf32>,
      %swap3A_168 = vector.shape_cast %swap3A_167 : vector<1x16xf32> to vector<16xf32>
      %swap3A_169 = vector.shape_cast %add3A_164 : vector<16xf32> to vector<1x16xf32>
      tpu.vector_store %arg8[%swap3A_165, %swap3A_166], %swap3A_169 {strides = array<i32>} : memref<32x1024xf32, #tpu.memory_space<vmem>>, vector<1x16xf32>,
      %get3A_170 = arith.index_cast %scan3A_44 : i32 to index
      %get3A_171 = arith.constant 144 : index
      %get3A_172 = tpu.vector_load %arg8[%get3A_170, %get3A_171] {strides = array<i32>} : memref<32x1024xf32, #tpu.memory_space<vmem>>, vector<1x16xf32>,
      %get3A_173 = vector.shape_cast %get3A_172 : vector<1x16xf32> to vector<16xf32>
      %get3A_174 = arith.index_cast %scan3A_44 : i32 to index
      %get3A_175 = arith.constant 144 : index
      %get3A_176 = tpu.vector_load %arg9[%get3A_174, %get3A_175] {strides = array<i32>} : memref<32x1024xf32, #tpu.memory_space<vmem>>, vector<1x16xf32>,
      %get3A_177 = vector.shape_cast %get3A_176 : vector<1x16xf32> to vector<16xf32>
      %add3A_178 = arith.addf %get3A_173, %get3A_177 : vector<16xf32>
      %swap3A_179 = arith.index_cast %scan3A_44 : i32 to index
      %swap3A_180 = arith.constant 144 : index
      %swap3A_181 = tpu.vector_load %arg8[%swap3A_179, %swap3A_180] {strides = array<i32>} : memref<32x1024xf32, #tpu.memory_space<vmem>>, vector<1x16xf32>,
      %swap3A_182 = vector.shape_cast %swap3A_181 : vector<1x16xf32> to vector<16xf32>
      %swap3A_183 = vector.shape_cast %add3A_178 : vector<16xf32> to vector<1x16xf32>
      tpu.vector_store %arg8[%swap3A_179, %swap3A_180], %swap3A_183 {strides = array<i32>} : memref<32x1024xf32, #tpu.memory_space<vmem>>, vector<1x16xf32>,
      %get3A_184 = arith.index_cast %scan3A_44 : i32 to index
      %get3A_185 = arith.constant 160 : index
      %get3A_186 = tpu.vector_load %arg8[%get3A_184, %get3A_185] {strides = array<i32>} : memref<32x1024xf32, #tpu.memory_space<vmem>>, vector<1x16xf32>,
      %get3A_187 = vector.shape_cast %get3A_186 : vector<1x16xf32> to vector<16xf32>
      %get3A_188 = arith.index_cast %scan3A_44 : i32 to index
      %get3A_189 = arith.constant 160 : index
      %get3A_190 = tpu.vector_load %arg9[%get3A_188, %get3A_189] {strides = array<i32>} : memref<32x1024xf32, #tpu.memory_space<vmem>>, vector<1x16xf32>,
      %get3A_191 = vector.shape_cast %get3A_190 : vector<1x16xf32> to vector<16xf32>
      %add3A_192 = arith.addf %get3A_187, %get3A_191 : vector<16xf32>
      %swap3A_193 = arith.index_cast %scan3A_44 : i32 to index
      %swap3A_194 = arith.constant 160 : index
      %swap3A_195 = tpu.vector_load %arg8[%swap3A_193, %swap3A_194] {strides = array<i32>} : memref<32x1024xf32, #tpu.memory_space<vmem>>, vector<1x16xf32>,
      %swap3A_196 = vector.shape_cast %swap3A_195 : vector<1x16xf32> to vector<16xf32>
      %swap3A_197 = vector.shape_cast %add3A_192 : vector<16xf32> to vector<1x16xf32>
      tpu.vector_store %arg8[%swap3A_193, %swap3A_194], %swap3A_197 {strides = array<i32>} : memref<32x1024xf32, #tpu.memory_space<vmem>>, vector<1x16xf32>,
      %get3A_198 = arith.index_cast %scan3A_44 : i32 to index
      %get3A_199 = arith.constant 176 : index
      %get3A_200 = tpu.vector_load %arg8[%get3A_198, %get3A_199] {strides = array<i32>} : memref<32x1024xf32, #tpu.memory_space<vmem>>, vector<1x16xf32>,
      %get3A_201 = vector.shape_cast %get3A_200 : vector<1x16xf32> to vector<16xf32>
      %get3A_202 = arith.index_cast %scan3A_44 : i32 to index
      %get3A_203 = arith.constant 176 : index
      %get3A_204 = tpu.vector_load %arg9[%get3A_202, %get3A_203] {strides = array<i32>} : memref<32x1024xf32, #tpu.memory_space<vmem>>, vector<1x16xf32>,
      %get3A_205 = vector.shape_cast %get3A_204 : vector<1x16xf32> to vector<16xf32>
      %add3A_206 = arith.addf %get3A_201, %get3A_205 : vector<16xf32>
      %swap3A_207 = arith.index_cast %scan3A_44 : i32 to index
      %swap3A_208 = arith.constant 176 : index
      %swap3A_209 = tpu.vector_load %arg8[%swap3A_207, %swap3A_208] {strides = array<i32>} : memref<32x1024xf32, #tpu.memory_space<vmem>>, vector<1x16xf32>,
      %swap3A_210 = vector.shape_cast %swap3A_209 : vector<1x16xf32> to vector<16xf32>
      %swap3A_211 = vector.shape_cast %add3A_206 : vector<16xf32> to vector<1x16xf32>
      tpu.vector_store %arg8[%swap3A_207, %swap3A_208], %swap3A_211 {strides = array<i32>} : memref<32x1024xf32, #tpu.memory_space<vmem>>, vector<1x16xf32>,
      %get3A_212 = arith.index_cast %scan3A_44 : i32 to index
      %get3A_213 = arith.constant 192 : index
      %get3A_214 = tpu.vector_load %arg8[%get3A_212, %get3A_213] {strides = array<i32>} : memref<32x1024xf32, #tpu.memory_space<vmem>>, vector<1x16xf32>,
      %get3A_215 = vector.shape_cast %get3A_214 : vector<1x16xf32> to vector<16xf32>
      %get3A_216 = arith.index_cast %scan3A_44 : i32 to index
      %get3A_217 = arith.constant 192 : index
      %get3A_218 = tpu.vector_load %arg9[%get3A_216, %get3A_217] {strides = array<i32>} : memref<32x1024xf32, #tpu.memory_space<vmem>>, vector<1x16xf32>,
      %get3A_219 = vector.shape_cast %get3A_218 : vector<1x16xf32> to vector<16xf32>
      %add3A_220 = arith.addf %get3A_215, %get3A_219 : vector<16xf32>
      %swap3A_221 = arith.index_cast %scan3A_44 : i32 to index
      %swap3A_222 = arith.constant 192 : index
      %swap3A_223 = tpu.vector_load %arg8[%swap3A_221, %swap3A_222] {strides = array<i32>} : memref<32x1024xf32, #tpu.memory_space<vmem>>, vector<1x16xf32>,
      %swap3A_224 = vector.shape_cast %swap3A_223 : vector<1x16xf32> to vector<16xf32>
      %swap3A_225 = vector.shape_cast %add3A_220 : vector<16xf32> to vector<1x16xf32>
      tpu.vector_store %arg8[%swap3A_221, %swap3A_222], %swap3A_225 {strides = array<i32>} : memref<32x1024xf32, #tpu.memory_space<vmem>>, vector<1x16xf32>,
      %get3A_226 = arith.index_cast %scan3A_44 : i32 to index
      %get3A_227 = arith.constant 208 : index
      %get3A_228 = tpu.vector_load %arg8[%get3A_226, %get3A_227] {strides = array<i32>} : memref<32x1024xf32, #tpu.memory_space<vmem>>, vector<1x16xf32>,
      %get3A_229 = vector.shape_cast %get3A_228 : vector<1x16xf32> to vector<16xf32>
      %get3A_230 = arith.index_cast %scan3A_44 : i32 to index
      %get3A_231 = arith.constant 208 : index
      %get3A_232 = tpu.vector_load %arg9[%get3A_230, %get3A_231] {strides = array<i32>} : memref<32x1024xf32, #tpu.memory_space<vmem>>, vector<1x16xf32>,
      %get3A_233 = vector.shape_cast %get3A_232 : vector<1x16xf32> to vector<16xf32>
      %add3A_234 = arith.addf %get3A_229, %get3A_233 : vector<16xf32>
      %swap3A_235 = arith.index_cast %scan3A_44 : i32 to index
      %swap3A_236 = arith.constant 208 : index
      %swap3A_237 = tpu.vector_load %arg8[%swap3A_235, %swap3A_236] {strides = array<i32>} : memref<32x1024xf32, #tpu.memory_space<vmem>>, vector<1x16xf32>,
      %swap3A_238 = vector.shape_cast %swap3A_237 : vector<1x16xf32> to vector<16xf32>
      %swap3A_239 = vector.shape_cast %add3A_234 : vector<16xf32> to vector<1x16xf32>
      tpu.vector_store %arg8[%swap3A_235, %swap3A_236], %swap3A_239 {strides = array<i32>} : memref<32x1024xf32, #tpu.memory_space<vmem>>, vector<1x16xf32>,
      %get3A_240 = arith.index_cast %scan3A_44 : i32 to index
      %get3A_241 = arith.constant 224 : index
      %get3A_242 = tpu.vector_load %arg8[%get3A_240, %get3A_241] {strides = array<i32>} : memref<32x1024xf32, #tpu.memory_space<vmem>>, vector<1x16xf32>,
      %get3A_243 = vector.shape_cast %get3A_242 : vector<1x16xf32> to vector<16xf32>
      %get3A_244 = arith.index_cast %scan3A_44 : i32 to index
      %get3A_245 = arith.constant 224 : index
      %get3A_246 = tpu.vector_load %arg9[%get3A_244, %get3A_245] {strides = array<i32>} : memref<32x1024xf32, #tpu.memory_space<vmem>>, vector<1x16xf32>,
      %get3A_247 = vector.shape_cast %get3A_246 : vector<1x16xf32> to vector<16xf32>
      %add3A_248 = arith.addf %get3A_243, %get3A_247 : vector<16xf32>
      %swap3A_249 = arith.index_cast %scan3A_44 : i32 to index
      %swap3A_250 = arith.constant 224 : index
      %swap3A_251 = tpu.vector_load %arg8[%swap3A_249, %swap3A_250] {strides = array<i32>} : memref<32x1024xf32, #tpu.memory_space<vmem>>, vector<1x16xf32>,
      %swap3A_252 = vector.shape_cast %swap3A_251 : vector<1x16xf32> to vector<16xf32>
      %swap3A_253 = vector.shape_cast %add3A_248 : vector<16xf32> to vector<1x16xf32>
      tpu.vector_store %arg8[%swap3A_249, %swap3A_250], %swap3A_253 {strides = array<i32>} : memref<32x1024xf32, #tpu.memory_space<vmem>>, vector<1x16xf32>,
      %get3A_254 = arith.index_cast %scan3A_44 : i32 to index
      %get3A_255 = arith.constant 240 : index
      %get3A_256 = tpu.vector_load %arg8[%get3A_254, %get3A_255] {strides = array<i32>} : memref<32x1024xf32, #tpu.memory_space<vmem>>, vector<1x16xf32>,
      %get3A_257 = vector.shape_cast %get3A_256 : vector<1x16xf32> to vector<16xf32>
      %get3A_258 = arith.index_cast %scan3A_44 : i32 to index
      %get3A_259 = arith.constant 240 : index
      %get3A_260 = tpu.vector_load %arg9[%get3A_258, %get3A_259] {strides = array<i32>} : memref<32x1024xf32, #tpu.memory_space<vmem>>, vector<1x16xf32>,
      %get3A_261 = vector.shape_cast %get3A_260 : vector<1x16xf32> to vector<16xf32>
      %add3A_262 = arith.addf %get3A_257, %get3A_261 : vector<16xf32>
      %swap3A_263 = arith.index_cast %scan3A_44 : i32 to index
      %swap3A_264 = arith.constant 240 : index
      %swap3A_265 = tpu.vector_load %arg8[%swap3A_263, %swap3A_264] {strides = array<i32>} : memref<32x1024xf32, #tpu.memory_space<vmem>>, vector<1x16xf32>,
      %swap3A_266 = vector.shape_cast %swap3A_265 : vector<1x16xf32> to vector<16xf32>
      %swap3A_267 = vector.shape_cast %add3A_262 : vector<16xf32> to vector<1x16xf32>
      tpu.vector_store %arg8[%swap3A_263, %swap3A_264], %swap3A_267 {strides = array<i32>} : memref<32x1024xf32, #tpu.memory_space<vmem>>, vector<1x16xf32>,
      %get3A_268 = arith.index_cast %scan3A_44 : i32 to index
      %get3A_269 = arith.constant 256 : index
      %get3A_270 = tpu.vector_load %arg8[%get3A_268, %get3A_269] {strides = array<i32>} : memref<32x1024xf32, #tpu.memory_space<vmem>>, vector<1x16xf32>,
      %get3A_271 = vector.shape_cast %get3A_270 : vector<1x16xf32> to vector<16xf32>
      %get3A_272 = arith.index_cast %scan3A_44 : i32 to index
      %get3A_273 = arith.constant 256 : index
      %get3A_274 = tpu.vector_load %arg9[%get3A_272, %get3A_273] {strides = array<i32>} : memref<32x1024xf32, #tpu.memory_space<vmem>>, vector<1x16xf32>,
      %get3A_275 = vector.shape_cast %get3A_274 : vector<1x16xf32> to vector<16xf32>
      %add3A_276 = arith.addf %get3A_271, %get3A_275 : vector<16xf32>
      %swap3A_277 = arith.index_cast %scan3A_44 : i32 to index
      %swap3A_278 = arith.constant 256 : index
      %swap3A_279 = tpu.vector_load %arg8[%swap3A_277, %swap3A_278] {strides = array<i32>} : memref<32x1024xf32, #tpu.memory_space<vmem>>, vector<1x16xf32>,
      %swap3A_280 = vector.shape_cast %swap3A_279 : vector<1x16xf32> to vector<16xf32>
      %swap3A_281 = vector.shape_cast %add3A_276 : vector<16xf32> to vector<1x16xf32>
      tpu.vector_store %arg8[%swap3A_277, %swap3A_278], %swap3A_281 {strides = array<i32>} : memref<32x1024xf32, #tpu.memory_space<vmem>>, vector<1x16xf32>,
      %get3A_282 = arith.index_cast %scan3A_44 : i32 to index
      %get3A_283 = arith.constant 272 : index
      %get3A_284 = tpu.vector_load %arg8[%get3A_282, %get3A_283] {strides = array<i32>} : memref<32x1024xf32, #tpu.memory_space<vmem>>, vector<1x16xf32>,
      %get3A_285 = vector.shape_cast %get3A_284 : vector<1x16xf32> to vector<16xf32>
      %get3A_286 = arith.index_cast %scan3A_44 : i32 to index
      %get3A_287 = arith.constant 272 : index
      %get3A_288 = tpu.vector_load %arg9[%get3A_286, %get3A_287] {strides = array<i32>} : memref<32x1024xf32, #tpu.memory_space<vmem>>, vector<1x16xf32>,
      %get3A_289 = vector.shape_cast %get3A_288 : vector<1x16xf32> to vector<16xf32>
      %add3A_290 = arith.addf %get3A_285, %get3A_289 : vector<16xf32>
      %swap3A_291 = arith.index_cast %scan3A_44 : i32 to index
      %swap3A_292 = arith.constant 272 : index
      %swap3A_293 = tpu.vector_load %arg8[%swap3A_291, %swap3A_292] {strides = array<i32>} : memref<32x1024xf32, #tpu.memory_space<vmem>>, vector<1x16xf32>,
      %swap3A_294 = vector.shape_cast %swap3A_293 : vector<1x16xf32> to vector<16xf32>
      %swap3A_295 = vector.shape_cast %add3A_290 : vector<16xf32> to vector<1x16xf32>
      tpu.vector_store %arg8[%swap3A_291, %swap3A_292], %swap3A_295 {strides = array<i32>} : memref<32x1024xf32, #tpu.memory_space<vmem>>, vector<1x16xf32>,
      %get3A_296 = arith.index_cast %scan3A_44 : i32 to index
      %get3A_297 = arith.constant 288 : index
      %get3A_298 = tpu.vector_load %arg8[%get3A_296, %get3A_297] {strides = array<i32>} : memref<32x1024xf32, #tpu.memory_space<vmem>>, vector<1x16xf32>,
      %get3A_299 = vector.shape_cast %get3A_298 : vector<1x16xf32> to vector<16xf32>
      %get3A_300 = arith.index_cast %scan3A_44 : i32 to index
      %get3A_301 = arith.constant 288 : index
      %get3A_302 = tpu.vector_load %arg9[%get3A_300, %get3A_301] {strides = array<i32>} : memref<32x1024xf32, #tpu.memory_space<vmem>>, vector<1x16xf32>,
      %get3A_303 = vector.shape_cast %get3A_302 : vector<1x16xf32> to vector<16xf32>
      %add3A_304 = arith.addf %get3A_299, %get3A_303 : vector<16xf32>
      %swap3A_305 = arith.index_cast %scan3A_44 : i32 to index
      %swap3A_306 = arith.constant 288 : index
      %swap3A_307 = tpu.vector_load %arg8[%swap3A_305, %swap3A_306] {strides = array<i32>} : memref<32x1024xf32, #tpu.memory_space<vmem>>, vector<1x16xf32>,
      %swap3A_308 = vector.shape_cast %swap3A_307 : vector<1x16xf32> to vector<16xf32>
      %swap3A_309 = vector.shape_cast %add3A_304 : vector<16xf32> to vector<1x16xf32>
      tpu.vector_store %arg8[%swap3A_305, %swap3A_306], %swap3A_309 {strides = array<i32>} : memref<32x1024xf32, #tpu.memory_space<vmem>>, vector<1x16xf32>,
      %get3A_310 = arith.index_cast %scan3A_44 : i32 to index
      %get3A_311 = arith.constant 304 : index
      %get3A_312 = tpu.vector_load %arg8[%get3A_310, %get3A_311] {strides = array<i32>} : memref<32x1024xf32, #tpu.memory_space<vmem>>, vector<1x16xf32>,
      %get3A_313 = vector.shape_cast %get3A_312 : vector<1x16xf32> to vector<16xf32>
      %get3A_314 = arith.index_cast %scan3A_44 : i32 to index
      %get3A_315 = arith.constant 304 : index
      %get3A_316 = tpu.vector_load %arg9[%get3A_314, %get3A_315] {strides = array<i32>} : memref<32x1024xf32, #tpu.memory_space<vmem>>, vector<1x16xf32>,
      %get3A_317 = vector.shape_cast %get3A_316 : vector<1x16xf32> to vector<16xf32>
      %add3A_318 = arith.addf %get3A_313, %get3A_317 : vector<16xf32>
      %swap3A_319 = arith.index_cast %scan3A_44 : i32 to index
      %swap3A_320 = arith.constant 304 : index
      %swap3A_321 = tpu.vector_load %arg8[%swap3A_319, %swap3A_320] {strides = array<i32>} : memref<32x1024xf32, #tpu.memory_space<vmem>>, vector<1x16xf32>,
      %swap3A_322 = vector.shape_cast %swap3A_321 : vector<1x16xf32> to vector<16xf32>
      %swap3A_323 = vector.shape_cast %add3A_318 : vector<16xf32> to vector<1x16xf32>
      tpu.vector_store %arg8[%swap3A_319, %swap3A_320], %swap3A_323 {strides = array<i32>} : memref<32x1024xf32, #tpu.memory_space<vmem>>, vector<1x16xf32>,
      %get3A_324 = arith.index_cast %scan3A_44 : i32 to index
      %get3A_325 = arith.constant 320 : index
      %get3A_326 = tpu.vector_load %arg8[%get3A_324, %get3A_325] {strides = array<i32>} : memref<32x1024xf32, #tpu.memory_space<vmem>>, vector<1x16xf32>,
      %get3A_327 = vector.shape_cast %get3A_326 : vector<1x16xf32> to vector<16xf32>
      %get3A_328 = arith.index_cast %scan3A_44 : i32 to index
      %get3A_329 = arith.constant 320 : index
      %get3A_330 = tpu.vector_load %arg9[%get3A_328, %get3A_329] {strides = array<i32>} : memref<32x1024xf32, #tpu.memory_space<vmem>>, vector<1x16xf32>,
      %get3A_331 = vector.shape_cast %get3A_330 : vector<1x16xf32> to vector<16xf32>
      %add3A_332 = arith.addf %get3A_327, %get3A_331 : vector<16xf32>
      %swap3A_333 = arith.index_cast %scan3A_44 : i32 to index
      %swap3A_334 = arith.constant 320 : index
      %swap3A_335 = tpu.vector_load %arg8[%swap3A_333, %swap3A_334] {strides = array<i32>} : memref<32x1024xf32, #tpu.memory_space<vmem>>, vector<1x16xf32>,
      %swap3A_336 = vector.shape_cast %swap3A_335 : vector<1x16xf32> to vector<16xf32>
      %swap3A_337 = vector.shape_cast %add3A_332 : vector<16xf32> to vector<1x16xf32>
      tpu.vector_store %arg8[%swap3A_333, %swap3A_334], %swap3A_337 {strides = array<i32>} : memref<32x1024xf32, #tpu.memory_space<vmem>>, vector<1x16xf32>,
      %get3A_338 = arith.index_cast %scan3A_44 : i32 to index
      %get3A_339 = arith.constant 336 : index
      %get3A_340 = tpu.vector_load %arg8[%get3A_338, %get3A_339] {strides = array<i32>} : memref<32x1024xf32, #tpu.memory_space<vmem>>, vector<1x16xf32>,
      %get3A_341 = vector.shape_cast %get3A_340 : vector<1x16xf32> to vector<16xf32>
      %get3A_342 = arith.index_cast %scan3A_44 : i32 to index
      %get3A_343 = arith.constant 336 : index
      %get3A_344 = tpu.vector_load %arg9[%get3A_342, %get3A_343] {strides = array<i32>} : memref<32x1024xf32, #tpu.memory_space<vmem>>, vector<1x16xf32>,
      %get3A_345 = vector.shape_cast %get3A_344 : vector<1x16xf32> to vector<16xf32>
      %add3A_346 = arith.addf %get3A_341, %get3A_345 : vector<16xf32>
      %swap3A_347 = arith.index_cast %scan3A_44 : i32 to index
      %swap3A_348 = arith.constant 336 : index
      %swap3A_349 = tpu.vector_load %arg8[%swap3A_347, %swap3A_348] {strides = array<i32>} : memref<32x1024xf32, #tpu.memory_space<vmem>>, vector<1x16xf32>,
      %swap3A_350 = vector.shape_cast %swap3A_349 : vector<1x16xf32> to vector<16xf32>
      %swap3A_351 = vector.shape_cast %add3A_346 : vector<16xf32> to vector<1x16xf32>
      tpu.vector_store %arg8[%swap3A_347, %swap3A_348], %swap3A_351 {strides = array<i32>} : memref<32x1024xf32, #tpu.memory_space<vmem>>, vector<1x16xf32>,
      %get3A_352 = arith.index_cast %scan3A_44 : i32 to index
      %get3A_353 = arith.constant 352 : index
      %get3A_354 = tpu.vector_load %arg8[%get3A_352, %get3A_353] {strides = array<i32>} : memref<32x1024xf32, #tpu.memory_space<vmem>>, vector<1x16xf32>,
      %get3A_355 = vector.shape_cast %get3A_354 : vector<1x16xf32> to vector<16xf32>
      %get3A_356 = arith.index_cast %scan3A_44 : i32 to index
      %get3A_357 = arith.constant 352 : index
      %get3A_358 = tpu.vector_load %arg9[%get3A_356, %get3A_357] {strides = array<i32>} : memref<32x1024xf32, #tpu.memory_space<vmem>>, vector<1x16xf32>,
      %get3A_359 = vector.shape_cast %get3A_358 : vector<1x16xf32> to vector<16xf32>
      %add3A_360 = arith.addf %get3A_355, %get3A_359 : vector<16xf32>
      %swap3A_361 = arith.index_cast %scan3A_44 : i32 to index
      %swap3A_362 = arith.constant 352 : index
      %swap3A_363 = tpu.vector_load %arg8[%swap3A_361, %swap3A_362] {strides = array<i32>} : memref<32x1024xf32, #tpu.memory_space<vmem>>, vector<1x16xf32>,
      %swap3A_364 = vector.shape_cast %swap3A_363 : vector<1x16xf32> to vector<16xf32>
      %swap3A_365 = vector.shape_cast %add3A_360 : vector<16xf32> to vector<1x16xf32>
      tpu.vector_store %arg8[%swap3A_361, %swap3A_362], %swap3A_365 {strides = array<i32>} : memref<32x1024xf32, #tpu.memory_space<vmem>>, vector<1x16xf32>,
      %get3A_366 = arith.index_cast %scan3A_44 : i32 to index
      %get3A_367 = arith.constant 368 : index
      %get3A_368 = tpu.vector_load %arg8[%get3A_366, %get3A_367] {strides = array<i32>} : memref<32x1024xf32, #tpu.memory_space<vmem>>, vector<1x16xf32>,
      %get3A_369 = vector.shape_cast %get3A_368 : vector<1x16xf32> to vector<16xf32>
      %get3A_370 = arith.index_cast %scan3A_44 : i32 to index
      %get3A_371 = arith.constant 368 : index
      %get3A_372 = tpu.vector_load %arg9[%get3A_370, %get3A_371] {strides = array<i32>} : memref<32x1024xf32, #tpu.memory_space<vmem>>, vector<1x16xf32>,
      %get3A_373 = vector.shape_cast %get3A_372 : vector<1x16xf32> to vector<16xf32>
      %add3A_374 = arith.addf %get3A_369, %get3A_373 : vector<16xf32>
      %swap3A_375 = arith.index_cast %scan3A_44 : i32 to index
      %swap3A_376 = arith.constant 368 : index
      %swap3A_377 = tpu.vector_load %arg8[%swap3A_375, %swap3A_376] {strides = array<i32>} : memref<32x1024xf32, #tpu.memory_space<vmem>>, vector<1x16xf32>,
      %swap3A_378 = vector.shape_cast %swap3A_377 : vector<1x16xf32> to vector<16xf32>
      %swap3A_379 = vector.shape_cast %add3A_374 : vector<16xf32> to vector<1x16xf32>
      tpu.vector_store %arg8[%swap3A_375, %swap3A_376], %swap3A_379 {strides = array<i32>} : memref<32x1024xf32, #tpu.memory_space<vmem>>, vector<1x16xf32>,
      %get3A_380 = arith.index_cast %scan3A_44 : i32 to index
      %get3A_381 = arith.constant 384 : index
      %get3A_382 = tpu.vector_load %arg8[%get3A_380, %get3A_381] {strides = array<i32>} : memref<32x1024xf32, #tpu.memory_space<vmem>>, vector<1x16xf32>,
      %get3A_383 = vector.shape_cast %get3A_382 : vector<1x16xf32> to vector<16xf32>
      %get3A_384 = arith.index_cast %scan3A_44 : i32 to index
      %get3A_385 = arith.constant 384 : index
      %get3A_386 = tpu.vector_load %arg9[%get3A_384, %get3A_385] {strides = array<i32>} : memref<32x1024xf32, #tpu.memory_space<vmem>>, vector<1x16xf32>,
      %get3A_387 = vector.shape_cast %get3A_386 : vector<1x16xf32> to vector<16xf32>
      %add3A_388 = arith.addf %get3A_383, %get3A_387 : vector<16xf32>
      %swap3A_389 = arith.index_cast %scan3A_44 : i32 to index
      %swap3A_390 = arith.constant 384 : index
      %swap3A_391 = tpu.vector_load %arg8[%swap3A_389, %swap3A_390] {strides = array<i32>} : memref<32x1024xf32, #tpu.memory_space<vmem>>, vector<1x16xf32>,
      %swap3A_392 = vector.shape_cast %swap3A_391 : vector<1x16xf32> to vector<16xf32>
      %swap3A_393 = vector.shape_cast %add3A_388 : vector<16xf32> to vector<1x16xf32>
      tpu.vector_store %arg8[%swap3A_389, %swap3A_390], %swap3A_393 {strides = array<i32>} : memref<32x1024xf32, #tpu.memory_space<vmem>>, vector<1x16xf32>,
      %get3A_394 = arith.index_cast %scan3A_44 : i32 to index
      %get3A_395 = arith.constant 400 : index
      %get3A_396 = tpu.vector_load %arg8[%get3A_394, %get3A_395] {strides = array<i32>} : memref<32x1024xf32, #tpu.memory_space<vmem>>, vector<1x16xf32>,
      %get3A_397 = vector.shape_cast %get3A_396 : vector<1x16xf32> to vector<16xf32>
      %get3A_398 = arith.index_cast %scan3A_44 : i32 to index
      %get3A_399 = arith.constant 400 : index
      %get3A_400 = tpu.vector_load %arg9[%get3A_398, %get3A_399] {strides = array<i32>} : memref<32x1024xf32, #tpu.memory_space<vmem>>, vector<1x16xf32>,
      %get3A_401 = vector.shape_cast %get3A_400 : vector<1x16xf32> to vector<16xf32>
      %add3A_402 = arith.addf %get3A_397, %get3A_401 : vector<16xf32>
      %swap3A_403 = arith.index_cast %scan3A_44 : i32 to index
      %swap3A_404 = arith.constant 400 : index
      %swap3A_405 = tpu.vector_load %arg8[%swap3A_403, %swap3A_404] {strides = array<i32>} : memref<32x1024xf32, #tpu.memory_space<vmem>>, vector<1x16xf32>,
      %swap3A_406 = vector.shape_cast %swap3A_405 : vector<1x16xf32> to vector<16xf32>
      %swap3A_407 = vector.shape_cast %add3A_402 : vector<16xf32> to vector<1x16xf32>
      tpu.vector_store %arg8[%swap3A_403, %swap3A_404], %swap3A_407 {strides = array<i32>} : memref<32x1024xf32, #tpu.memory_space<vmem>>, vector<1x16xf32>,
      %get3A_408 = arith.index_cast %scan3A_44 : i32 to index
      %get3A_409 = arith.constant 416 : index
      %get3A_410 = tpu.vector_load %arg8[%get3A_408, %get3A_409] {strides = array<i32>} : memref<32x1024xf32, #tpu.memory_space<vmem>>, vector<1x16xf32>,
      %get3A_411 = vector.shape_cast %get3A_410 : vector<1x16xf32> to vector<16xf32>
      %get3A_412 = arith.index_cast %scan3A_44 : i32 to index
      %get3A_413 = arith.constant 416 : index
      %get3A_414 = tpu.vector_load %arg9[%get3A_412, %get3A_413] {strides = array<i32>} : memref<32x1024xf32, #tpu.memory_space<vmem>>, vector<1x16xf32>,
      %get3A_415 = vector.shape_cast %get3A_414 : vector<1x16xf32> to vector<16xf32>
      %add3A_416 = arith.addf %get3A_411, %get3A_415 : vector<16xf32>
      %swap3A_417 = arith.index_cast %scan3A_44 : i32 to index
      %swap3A_418 = arith.constant 416 : index
      %swap3A_419 = tpu.vector_load %arg8[%swap3A_417, %swap3A_418] {strides = array<i32>} : memref<32x1024xf32, #tpu.memory_space<vmem>>, vector<1x16xf32>,
      %swap3A_420 = vector.shape_cast %swap3A_419 : vector<1x16xf32> to vector<16xf32>
      %swap3A_421 = vector.shape_cast %add3A_416 : vector<16xf32> to vector<1x16xf32>
      tpu.vector_store %arg8[%swap3A_417, %swap3A_418], %swap3A_421 {strides = array<i32>} : memref<32x1024xf32, #tpu.memory_space<vmem>>, vector<1x16xf32>,
      %get3A_422 = arith.index_cast %scan3A_44 : i32 to index
      %get3A_423 = arith.constant 432 : index
      %get3A_424 = tpu.vector_load %arg8[%get3A_422, %get3A_423] {strides = array<i32>} : memref<32x1024xf32, #tpu.memory_space<vmem>>, vector<1x16xf32>,
      %get3A_425 = vector.shape_cast %get3A_424 : vector<1x16xf32> to vector<16xf32>
      %get3A_426 = arith.index_cast %scan3A_44 : i32 to index
      %get3A_427 = arith.constant 432 : index
      %get3A_428 = tpu.vector_load %arg9[%get3A_426, %get3A_427] {strides = array<i32>} : memref<32x1024xf32, #tpu.memory_space<vmem>>, vector<1x16xf32>,
      %get3A_429 = vector.shape_cast %get3A_428 : vector<1x16xf32> to vector<16xf32>
      %add3A_430 = arith.addf %get3A_425, %get3A_429 : vector<16xf32>
      %swap3A_431 = arith.index_cast %scan3A_44 : i32 to index
      %swap3A_432 = arith.constant 432 : index
      %swap3A_433 = tpu.vector_load %arg8[%swap3A_431, %swap3A_432] {strides = array<i32>} : memref<32x1024xf32, #tpu.memory_space<vmem>>, vector<1x16xf32>,
      %swap3A_434 = vector.shape_cast %swap3A_433 : vector<1x16xf32> to vector<16xf32>
      %swap3A_435 = vector.shape_cast %add3A_430 : vector<16xf32> to vector<1x16xf32>
      tpu.vector_store %arg8[%swap3A_431, %swap3A_432], %swap3A_435 {strides = array<i32>} : memref<32x1024xf32, #tpu.memory_space<vmem>>, vector<1x16xf32>,
      %get3A_436 = arith.index_cast %scan3A_44 : i32 to index
      %get3A_437 = arith.constant 448 : index
      %get3A_438 = tpu.vector_load %arg8[%get3A_436, %get3A_437] {strides = array<i32>} : memref<32x1024xf32, #tpu.memory_space<vmem>>, vector<1x16xf32>,
      %get3A_439 = vector.shape_cast %get3A_438 : vector<1x16xf32> to vector<16xf32>
      %get3A_440 = arith.index_cast %scan3A_44 : i32 to index
      %get3A_441 = arith.constant 448 : index
      %get3A_442 = tpu.vector_load %arg9[%get3A_440, %get3A_441] {strides = array<i32>} : memref<32x1024xf32, #tpu.memory_space<vmem>>, vector<1x16xf32>,
      %get3A_443 = vector.shape_cast %get3A_442 : vector<1x16xf32> to vector<16xf32>
      %add3A_444 = arith.addf %get3A_439, %get3A_443 : vector<16xf32>
      %swap3A_445 = arith.index_cast %scan3A_44 : i32 to index
      %swap3A_446 = arith.constant 448 : index
      %swap3A_447 = tpu.vector_load %arg8[%swap3A_445, %swap3A_446] {strides = array<i32>} : memref<32x1024xf32, #tpu.memory_space<vmem>>, vector<1x16xf32>,
      %swap3A_448 = vector.shape_cast %swap3A_447 : vector<1x16xf32> to vector<16xf32>
      %swap3A_449 = vector.shape_cast %add3A_444 : vector<16xf32> to vector<1x16xf32>
      tpu.vector_store %arg8[%swap3A_445, %swap3A_446], %swap3A_449 {strides = array<i32>} : memref<32x1024xf32, #tpu.memory_space<vmem>>, vector<1x16xf32>,
      %get3A_450 = arith.index_cast %scan3A_44 : i32 to index
      %get3A_451 = arith.constant 464 : index
      %get3A_452 = tpu.vector_load %arg8[%get3A_450, %get3A_451] {strides = array<i32>} : memref<32x1024xf32, #tpu.memory_space<vmem>>, vector<1x16xf32>,
      %get3A_453 = vector.shape_cast %get3A_452 : vector<1x16xf32> to vector<16xf32>
      %get3A_454 = arith.index_cast %scan3A_44 : i32 to index
      %get3A_455 = arith.constant 464 : index
      %get3A_456 = tpu.vector_load %arg9[%get3A_454, %get3A_455] {strides = array<i32>} : memref<32x1024xf32, #tpu.memory_space<vmem>>, vector<1x16xf32>,
      %get3A_457 = vector.shape_cast %get3A_456 : vector<1x16xf32> to vector<16xf32>
      %add3A_458 = arith.addf %get3A_453, %get3A_457 : vector<16xf32>
      %swap3A_459 = arith.index_cast %scan3A_44 : i32 to index
      %swap3A_460 = arith.constant 464 : index
      %swap3A_461 = tpu.vector_load %arg8[%swap3A_459, %swap3A_460] {strides = array<i32>} : memref<32x1024xf32, #tpu.memory_space<vmem>>, vector<1x16xf32>,
      %swap3A_462 = vector.shape_cast %swap3A_461 : vector<1x16xf32> to vector<16xf32>
      %swap3A_463 = vector.shape_cast %add3A_458 : vector<16xf32> to vector<1x16xf32>
      tpu.vector_store %arg8[%swap3A_459, %swap3A_460], %swap3A_463 {strides = array<i32>} : memref<32x1024xf32, #tpu.memory_space<vmem>>, vector<1x16xf32>,
      %get3A_464 = arith.index_cast %scan3A_44 : i32 to index
      %get3A_465 = arith.constant 480 : index
      %get3A_466 = tpu.vector_load %arg8[%get3A_464, %get3A_465] {strides = array<i32>} : memref<32x1024xf32, #tpu.memory_space<vmem>>, vector<1x16xf32>,
      %get3A_467 = vector.shape_cast %get3A_466 : vector<1x16xf32> to vector<16xf32>
      %get3A_468 = arith.index_cast %scan3A_44 : i32 to index
      %get3A_469 = arith.constant 480 : index
      %get3A_470 = tpu.vector_load %arg9[%get3A_468, %get3A_469] {strides = array<i32>} : memref<32x1024xf32, #tpu.memory_space<vmem>>, vector<1x16xf32>,
      %get3A_471 = vector.shape_cast %get3A_470 : vector<1x16xf32> to vector<16xf32>
      %add3A_472 = arith.addf %get3A_467, %get3A_471 : vector<16xf32>
      %swap3A_473 = arith.index_cast %scan3A_44 : i32 to index
      %swap3A_474 = arith.constant 480 : index
      %swap3A_475 = tpu.vector_load %arg8[%swap3A_473, %swap3A_474] {strides = array<i32>} : memref<32x1024xf32, #tpu.memory_space<vmem>>, vector<1x16xf32>,
      %swap3A_476 = vector.shape_cast %swap3A_475 : vector<1x16xf32> to vector<16xf32>
      %swap3A_477 = vector.shape_cast %add3A_472 : vector<16xf32> to vector<1x16xf32>
      tpu.vector_store %arg8[%swap3A_473, %swap3A_474], %swap3A_477 {strides = array<i32>} : memref<32x1024xf32, #tpu.memory_space<vmem>>, vector<1x16xf32>,
      %get3A_478 = arith.index_cast %scan3A_44 : i32 to index
      %get3A_479 = arith.constant 496 : index
      %get3A_480 = tpu.vector_load %arg8[%get3A_478, %get3A_479] {strides = array<i32>} : memref<32x1024xf32, #tpu.memory_space<vmem>>, vector<1x16xf32>,
      %get3A_481 = vector.shape_cast %get3A_480 : vector<1x16xf32> to vector<16xf32>
      %get3A_482 = arith.index_cast %scan3A_44 : i32 to index
      %get3A_483 = arith.constant 496 : index
      %get3A_484 = tpu.vector_load %arg9[%get3A_482, %get3A_483] {strides = array<i32>} : memref<32x1024xf32, #tpu.memory_space<vmem>>, vector<1x16xf32>,
      %get3A_485 = vector.shape_cast %get3A_484 : vector<1x16xf32> to vector<16xf32>
      %add3A_486 = arith.addf %get3A_481, %get3A_485 : vector<16xf32>
      %swap3A_487 = arith.index_cast %scan3A_44 : i32 to index
      %swap3A_488 = arith.constant 496 : index
      %swap3A_489 = tpu.vector_load %arg8[%swap3A_487, %swap3A_488] {strides = array<i32>} : memref<32x1024xf32, #tpu.memory_space<vmem>>, vector<1x16xf32>,
      %swap3A_490 = vector.shape_cast %swap3A_489 : vector<1x16xf32> to vector<16xf32>
      %swap3A_491 = vector.shape_cast %add3A_486 : vector<16xf32> to vector<1x16xf32>
      tpu.vector_store %arg8[%swap3A_487, %swap3A_488], %swap3A_491 {strides = array<i32>} : memref<32x1024xf32, #tpu.memory_space<vmem>>, vector<1x16xf32>,
      %get3A_492 = arith.index_cast %scan3A_44 : i32 to index
      %get3A_493 = arith.constant 512 : index
      %get3A_494 = tpu.vector_load %arg8[%get3A_492, %get3A_493] {strides = array<i32>} : memref<32x1024xf32, #tpu.memory_space<vmem>>, vector<1x16xf32>,
      %get3A_495 = vector.shape_cast %get3A_494 : vector<1x16xf32> to vector<16xf32>
      %get3A_496 = arith.index_cast %scan3A_44 : i32 to index
      %get3A_497 = arith.constant 512 : index
      %get3A_498 = tpu.vector_load %arg9[%get3A_496, %get3A_497] {strides = array<i32>} : memref<32x1024xf32, #tpu.memory_space<vmem>>, vector<1x16xf32>,
      %get3A_499 = vector.shape_cast %get3A_498 : vector<1x16xf32> to vector<16xf32>
      %add3A_500 = arith.addf %get3A_495, %get3A_499 : vector<16xf32>
      %swap3A_501 = arith.index_cast %scan3A_44 : i32 to index
      %swap3A_502 = arith.constant 512 : index
      %swap3A_503 = tpu.vector_load %arg8[%swap3A_501, %swap3A_502] {strides = array<i32>} : memref<32x1024xf32, #tpu.memory_space<vmem>>, vector<1x16xf32>,
      %swap3A_504 = vector.shape_cast %swap3A_503 : vector<1x16xf32> to vector<16xf32>
      %swap3A_505 = vector.shape_cast %add3A_500 : vector<16xf32> to vector<1x16xf32>
      tpu.vector_store %arg8[%swap3A_501, %swap3A_502], %swap3A_505 {strides = array<i32>} : memref<32x1024xf32, #tpu.memory_space<vmem>>, vector<1x16xf32>,
      %get3A_506 = arith.index_cast %scan3A_44 : i32 to index
      %get3A_507 = arith.constant 528 : index
      %get3A_508 = tpu.vector_load %arg8[%get3A_506, %get3A_507] {strides = array<i32>} : memref<32x1024xf32, #tpu.memory_space<vmem>>, vector<1x16xf32>,
      %get3A_509 = vector.shape_cast %get3A_508 : vector<1x16xf32> to vector<16xf32>
      %get3A_510 = arith.index_cast %scan3A_44 : i32 to index
      %get3A_511 = arith.constant 528 : index
      %get3A_512 = tpu.vector_load %arg9[%get3A_510, %get3A_511] {strides = array<i32>} : memref<32x1024xf32, #tpu.memory_space<vmem>>, vector<1x16xf32>,
      %get3A_513 = vector.shape_cast %get3A_512 : vector<1x16xf32> to vector<16xf32>
      %add3A_514 = arith.addf %get3A_509, %get3A_513 : vector<16xf32>
      %swap3A_515 = arith.index_cast %scan3A_44 : i32 to index
      %swap3A_516 = arith.constant 528 : index
      %swap3A_517 = tpu.vector_load %arg8[%swap3A_515, %swap3A_516] {strides = array<i32>} : memref<32x1024xf32, #tpu.memory_space<vmem>>, vector<1x16xf32>,
      %swap3A_518 = vector.shape_cast %swap3A_517 : vector<1x16xf32> to vector<16xf32>
      %swap3A_519 = vector.shape_cast %add3A_514 : vector<16xf32> to vector<1x16xf32>
      tpu.vector_store %arg8[%swap3A_515, %swap3A_516], %swap3A_519 {strides = array<i32>} : memref<32x1024xf32, #tpu.memory_space<vmem>>, vector<1x16xf32>,
      %get3A_520 = arith.index_cast %scan3A_44 : i32 to index
      %get3A_521 = arith.constant 544 : index
      %get3A_522 = tpu.vector_load %arg8[%get3A_520, %get3A_521] {strides = array<i32>} : memref<32x1024xf32, #tpu.memory_space<vmem>>, vector<1x16xf32>,
      %get3A_523 = vector.shape_cast %get3A_522 : vector<1x16xf32> to vector<16xf32>
      %get3A_524 = arith.index_cast %scan3A_44 : i32 to index
      %get3A_525 = arith.constant 544 : index
      %get3A_526 = tpu.vector_load %arg9[%get3A_524, %get3A_525] {strides = array<i32>} : memref<32x1024xf32, #tpu.memory_space<vmem>>, vector<1x16xf32>,
      %get3A_527 = vector.shape_cast %get3A_526 : vector<1x16xf32> to vector<16xf32>
      %add3A_528 = arith.addf %get3A_523, %get3A_527 : vector<16xf32>
      %swap3A_529 = arith.index_cast %scan3A_44 : i32 to index
      %swap3A_530 = arith.constant 544 : index
      %swap3A_531 = tpu.vector_load %arg8[%swap3A_529, %swap3A_530] {strides = array<i32>} : memref<32x1024xf32, #tpu.memory_space<vmem>>, vector<1x16xf32>,
      %swap3A_532 = vector.shape_cast %swap3A_531 : vector<1x16xf32> to vector<16xf32>
      %swap3A_533 = vector.shape_cast %add3A_528 : vector<16xf32> to vector<1x16xf32>
      tpu.vector_store %arg8[%swap3A_529, %swap3A_530], %swap3A_533 {strides = array<i32>} : memref<32x1024xf32, #tpu.memory_space<vmem>>, vector<1x16xf32>,
      %get3A_534 = arith.index_cast %scan3A_44 : i32 to index
      %get3A_535 = arith.constant 560 : index
      %get3A_536 = tpu.vector_load %arg8[%get3A_534, %get3A_535] {strides = array<i32>} : memref<32x1024xf32, #tpu.memory_space<vmem>>, vector<1x16xf32>,
      %get3A_537 = vector.shape_cast %get3A_536 : vector<1x16xf32> to vector<16xf32>
      %get3A_538 = arith.index_cast %scan3A_44 : i32 to index
      %get3A_539 = arith.constant 560 : index
      %get3A_540 = tpu.vector_load %arg9[%get3A_538, %get3A_539] {strides = array<i32>} : memref<32x1024xf32, #tpu.memory_space<vmem>>, vector<1x16xf32>,
      %get3A_541 = vector.shape_cast %get3A_540 : vector<1x16xf32> to vector<16xf32>
      %add3A_542 = arith.addf %get3A_537, %get3A_541 : vector<16xf32>
      %swap3A_543 = arith.index_cast %scan3A_44 : i32 to index
      %swap3A_544 = arith.constant 560 : index
      %swap3A_545 = tpu.vector_load %arg8[%swap3A_543, %swap3A_544] {strides = array<i32>} : memref<32x1024xf32, #tpu.memory_space<vmem>>, vector<1x16xf32>,
      %swap3A_546 = vector.shape_cast %swap3A_545 : vector<1x16xf32> to vector<16xf32>
      %swap3A_547 = vector.shape_cast %add3A_542 : vector<16xf32> to vector<1x16xf32>
      tpu.vector_store %arg8[%swap3A_543, %swap3A_544], %swap3A_547 {strides = array<i32>} : memref<32x1024xf32, #tpu.memory_space<vmem>>, vector<1x16xf32>,
      %get3A_548 = arith.index_cast %scan3A_44 : i32 to index
      %get3A_549 = arith.constant 576 : index
      %get3A_550 = tpu.vector_load %arg8[%get3A_548, %get3A_549] {strides = array<i32>} : memref<32x1024xf32, #tpu.memory_space<vmem>>, vector<1x16xf32>,
      %get3A_551 = vector.shape_cast %get3A_550 : vector<1x16xf32> to vector<16xf32>
      %get3A_552 = arith.index_cast %scan3A_44 : i32 to index
      %get3A_553 = arith.constant 576 : index
      %get3A_554 = tpu.vector_load %arg9[%get3A_552, %get3A_553] {strides = array<i32>} : memref<32x1024xf32, #tpu.memory_space<vmem>>, vector<1x16xf32>,
      %get3A_555 = vector.shape_cast %get3A_554 : vector<1x16xf32> to vector<16xf32>
      %add3A_556 = arith.addf %get3A_551, %get3A_555 : vector<16xf32>
      %swap3A_557 = arith.index_cast %scan3A_44 : i32 to index
      %swap3A_558 = arith.constant 576 : index
      %swap3A_559 = tpu.vector_load %arg8[%swap3A_557, %swap3A_558] {strides = array<i32>} : memref<32x1024xf32, #tpu.memory_space<vmem>>, vector<1x16xf32>,
      %swap3A_560 = vector.shape_cast %swap3A_559 : vector<1x16xf32> to vector<16xf32>
      %swap3A_561 = vector.shape_cast %add3A_556 : vector<16xf32> to vector<1x16xf32>
      tpu.vector_store %arg8[%swap3A_557, %swap3A_558], %swap3A_561 {strides = array<i32>} : memref<32x1024xf32, #tpu.memory_space<vmem>>, vector<1x16xf32>,
      %get3A_562 = arith.index_cast %scan3A_44 : i32 to index
      %get3A_563 = arith.constant 592 : index
      %get3A_564 = tpu.vector_load %arg8[%get3A_562, %get3A_563] {strides = array<i32>} : memref<32x1024xf32, #tpu.memory_space<vmem>>, vector<1x16xf32>,
      %get3A_565 = vector.shape_cast %get3A_564 : vector<1x16xf32> to vector<16xf32>
      %get3A_566 = arith.index_cast %scan3A_44 : i32 to index
      %get3A_567 = arith.constant 592 : index
      %get3A_568 = tpu.vector_load %arg9[%get3A_566, %get3A_567] {strides = array<i32>} : memref<32x1024xf32, #tpu.memory_space<vmem>>, vector<1x16xf32>,
      %get3A_569 = vector.shape_cast %get3A_568 : vector<1x16xf32> to vector<16xf32>
      %add3A_570 = arith.addf %get3A_565, %get3A_569 : vector<16xf32>
      %swap3A_571 = arith.index_cast %scan3A_44 : i32 to index
      %swap3A_572 = arith.constant 592 : index
      %swap3A_573 = tpu.vector_load %arg8[%swap3A_571, %swap3A_572] {strides = array<i32>} : memref<32x1024xf32, #tpu.memory_space<vmem>>, vector<1x16xf32>,
      %swap3A_574 = vector.shape_cast %swap3A_573 : vector<1x16xf32> to vector<16xf32>
      %swap3A_575 = vector.shape_cast %add3A_570 : vector<16xf32> to vector<1x16xf32>
      tpu.vector_store %arg8[%swap3A_571, %swap3A_572], %swap3A_575 {strides = array<i32>} : memref<32x1024xf32, #tpu.memory_space<vmem>>, vector<1x16xf32>,
      %get3A_576 = arith.index_cast %scan3A_44 : i32 to index
      %get3A_577 = arith.constant 608 : index
      %get3A_578 = tpu.vector_load %arg8[%get3A_576, %get3A_577] {strides = array<i32>} : memref<32x1024xf32, #tpu.memory_space<vmem>>, vector<1x16xf32>,
      %get3A_579 = vector.shape_cast %get3A_578 : vector<1x16xf32> to vector<16xf32>
      %get3A_580 = arith.index_cast %scan3A_44 : i32 to index
      %get3A_581 = arith.constant 608 : index
      %get3A_582 = tpu.vector_load %arg9[%get3A_580, %get3A_581] {strides = array<i32>} : memref<32x1024xf32, #tpu.memory_space<vmem>>, vector<1x16xf32>,
      %get3A_583 = vector.shape_cast %get3A_582 : vector<1x16xf32> to vector<16xf32>
      %add3A_584 = arith.addf %get3A_579, %get3A_583 : vector<16xf32>
      %swap3A_585 = arith.index_cast %scan3A_44 : i32 to index
      %swap3A_586 = arith.constant 608 : index
      %swap3A_587 = tpu.vector_load %arg8[%swap3A_585, %swap3A_586] {strides = array<i32>} : memref<32x1024xf32, #tpu.memory_space<vmem>>, vector<1x16xf32>,
      %swap3A_588 = vector.shape_cast %swap3A_587 : vector<1x16xf32> to vector<16xf32>
      %swap3A_589 = vector.shape_cast %add3A_584 : vector<16xf32> to vector<1x16xf32>
      tpu.vector_store %arg8[%swap3A_585, %swap3A_586], %swap3A_589 {strides = array<i32>} : memref<32x1024xf32, #tpu.memory_space<vmem>>, vector<1x16xf32>,
      %get3A_590 = arith.index_cast %scan3A_44 : i32 to index
      %get3A_591 = arith.constant 624 : index
      %get3A_592 = tpu.vector_load %arg8[%get3A_590, %get3A_591] {strides = array<i32>} : memref<32x1024xf32, #tpu.memory_space<vmem>>, vector<1x16xf32>,
      %get3A_593 = vector.shape_cast %get3A_592 : vector<1x16xf32> to vector<16xf32>
      %get3A_594 = arith.index_cast %scan3A_44 : i32 to index
      %get3A_595 = arith.constant 624 : index
      %get3A_596 = tpu.vector_load %arg9[%get3A_594, %get3A_595] {strides = array<i32>} : memref<32x1024xf32, #tpu.memory_space<vmem>>, vector<1x16xf32>,
      %get3A_597 = vector.shape_cast %get3A_596 : vector<1x16xf32> to vector<16xf32>
      %add3A_598 = arith.addf %get3A_593, %get3A_597 : vector<16xf32>
      %swap3A_599 = arith.index_cast %scan3A_44 : i32 to index
      %swap3A_600 = arith.constant 624 : index
      %swap3A_601 = tpu.vector_load %arg8[%swap3A_599, %swap3A_600] {strides = array<i32>} : memref<32x1024xf32, #tpu.memory_space<vmem>>, vector<1x16xf32>,
      %swap3A_602 = vector.shape_cast %swap3A_601 : vector<1x16xf32> to vector<16xf32>
      %swap3A_603 = vector.shape_cast %add3A_598 : vector<16xf32> to vector<1x16xf32>
      tpu.vector_store %arg8[%swap3A_599, %swap3A_600], %swap3A_603 {strides = array<i32>} : memref<32x1024xf32, #tpu.memory_space<vmem>>, vector<1x16xf32>,
      %get3A_604 = arith.index_cast %scan3A_44 : i32 to index
      %get3A_605 = arith.constant 640 : index
      %get3A_606 = tpu.vector_load %arg8[%get3A_604, %get3A_605] {strides = array<i32>} : memref<32x1024xf32, #tpu.memory_space<vmem>>, vector<1x16xf32>,
      %get3A_607 = vector.shape_cast %get3A_606 : vector<1x16xf32> to vector<16xf32>
      %get3A_608 = arith.index_cast %scan3A_44 : i32 to index
      %get3A_609 = arith.constant 640 : index
      %get3A_610 = tpu.vector_load %arg9[%get3A_608, %get3A_609] {strides = array<i32>} : memref<32x1024xf32, #tpu.memory_space<vmem>>, vector<1x16xf32>,
      %get3A_611 = vector.shape_cast %get3A_610 : vector<1x16xf32> to vector<16xf32>
      %add3A_612 = arith.addf %get3A_607, %get3A_611 : vector<16xf32>
      %swap3A_613 = arith.index_cast %scan3A_44 : i32 to index
      %swap3A_614 = arith.constant 640 : index
      %swap3A_615 = tpu.vector_load %arg8[%swap3A_613, %swap3A_614] {strides = array<i32>} : memref<32x1024xf32, #tpu.memory_space<vmem>>, vector<1x16xf32>,
      %swap3A_616 = vector.shape_cast %swap3A_615 : vector<1x16xf32> to vector<16xf32>
      %swap3A_617 = vector.shape_cast %add3A_612 : vector<16xf32> to vector<1x16xf32>
      tpu.vector_store %arg8[%swap3A_613, %swap3A_614], %swap3A_617 {strides = array<i32>} : memref<32x1024xf32, #tpu.memory_space<vmem>>, vector<1x16xf32>,
      %get3A_618 = arith.index_cast %scan3A_44 : i32 to index
      %get3A_619 = arith.constant 656 : index
      %get3A_620 = tpu.vector_load %arg8[%get3A_618, %get3A_619] {strides = array<i32>} : memref<32x1024xf32, #tpu.memory_space<vmem>>, vector<1x16xf32>,
      %get3A_621 = vector.shape_cast %get3A_620 : vector<1x16xf32> to vector<16xf32>
      %get3A_622 = arith.index_cast %scan3A_44 : i32 to index
      %get3A_623 = arith.constant 656 : index
      %get3A_624 = tpu.vector_load %arg9[%get3A_622, %get3A_623] {strides = array<i32>} : memref<32x1024xf32, #tpu.memory_space<vmem>>, vector<1x16xf32>,
      %get3A_625 = vector.shape_cast %get3A_624 : vector<1x16xf32> to vector<16xf32>
      %add3A_626 = arith.addf %get3A_621, %get3A_625 : vector<16xf32>
      %swap3A_627 = arith.index_cast %scan3A_44 : i32 to index
      %swap3A_628 = arith.constant 656 : index
      %swap3A_629 = tpu.vector_load %arg8[%swap3A_627, %swap3A_628] {strides = array<i32>} : memref<32x1024xf32, #tpu.memory_space<vmem>>, vector<1x16xf32>,
      %swap3A_630 = vector.shape_cast %swap3A_629 : vector<1x16xf32> to vector<16xf32>
      %swap3A_631 = vector.shape_cast %add3A_626 : vector<16xf32> to vector<1x16xf32>
      tpu.vector_store %arg8[%swap3A_627, %swap3A_628], %swap3A_631 {strides = array<i32>} : memref<32x1024xf32, #tpu.memory_space<vmem>>, vector<1x16xf32>,
      %get3A_632 = arith.index_cast %scan3A_44 : i32 to index
      %get3A_633 = arith.constant 672 : index
      %get3A_634 = tpu.vector_load %arg8[%get3A_632, %get3A_633] {strides = array<i32>} : memref<32x1024xf32, #tpu.memory_space<vmem>>, vector<1x16xf32>,
      %get3A_635 = vector.shape_cast %get3A_634 : vector<1x16xf32> to vector<16xf32>
      %get3A_636 = arith.index_cast %scan3A_44 : i32 to index
      %get3A_637 = arith.constant 672 : index
      %get3A_638 = tpu.vector_load %arg9[%get3A_636, %get3A_637] {strides = array<i32>} : memref<32x1024xf32, #tpu.memory_space<vmem>>, vector<1x16xf32>,
      %get3A_639 = vector.shape_cast %get3A_638 : vector<1x16xf32> to vector<16xf32>
      %add3A_640 = arith.addf %get3A_635, %get3A_639 : vector<16xf32>
      %swap3A_641 = arith.index_cast %scan3A_44 : i32 to index
      %swap3A_642 = arith.constant 672 : index
      %swap3A_643 = tpu.vector_load %arg8[%swap3A_641, %swap3A_642] {strides = array<i32>} : memref<32x1024xf32, #tpu.memory_space<vmem>>, vector<1x16xf32>,
      %swap3A_644 = vector.shape_cast %swap3A_643 : vector<1x16xf32> to vector<16xf32>
      %swap3A_645 = vector.shape_cast %add3A_640 : vector<16xf32> to vector<1x16xf32>
      tpu.vector_store %arg8[%swap3A_641, %swap3A_642], %swap3A_645 {strides = array<i32>} : memref<32x1024xf32, #tpu.memory_space<vmem>>, vector<1x16xf32>,
      %get3A_646 = arith.index_cast %scan3A_44 : i32 to index
      %get3A_647 = arith.constant 688 : index
      %get3A_648 = tpu.vector_load %arg8[%get3A_646, %get3A_647] {strides = array<i32>} : memref<32x1024xf32, #tpu.memory_space<vmem>>, vector<1x16xf32>,
      %get3A_649 = vector.shape_cast %get3A_648 : vector<1x16xf32> to vector<16xf32>
      %get3A_650 = arith.index_cast %scan3A_44 : i32 to index
      %get3A_651 = arith.constant 688 : index
      %get3A_652 = tpu.vector_load %arg9[%get3A_650, %get3A_651] {strides = array<i32>} : memref<32x1024xf32, #tpu.memory_space<vmem>>, vector<1x16xf32>,
      %get3A_653 = vector.shape_cast %get3A_652 : vector<1x16xf32> to vector<16xf32>
      %add3A_654 = arith.addf %get3A_649, %get3A_653 : vector<16xf32>
      %swap3A_655 = arith.index_cast %scan3A_44 : i32 to index
      %swap3A_656 = arith.constant 688 : index
      %swap3A_657 = tpu.vector_load %arg8[%swap3A_655, %swap3A_656] {strides = array<i32>} : memref<32x1024xf32, #tpu.memory_space<vmem>>, vector<1x16xf32>,
      %swap3A_658 = vector.shape_cast %swap3A_657 : vector<1x16xf32> to vector<16xf32>
      %swap3A_659 = vector.shape_cast %add3A_654 : vector<16xf32> to vector<1x16xf32>
      tpu.vector_store %arg8[%swap3A_655, %swap3A_656], %swap3A_659 {strides = array<i32>} : memref<32x1024xf32, #tpu.memory_space<vmem>>, vector<1x16xf32>,
      %get3A_660 = arith.index_cast %scan3A_44 : i32 to index
      %get3A_661 = arith.constant 704 : index
      %get3A_662 = tpu.vector_load %arg8[%get3A_660, %get3A_661] {strides = array<i32>} : memref<32x1024xf32, #tpu.memory_space<vmem>>, vector<1x16xf32>,
      %get3A_663 = vector.shape_cast %get3A_662 : vector<1x16xf32> to vector<16xf32>
      %get3A_664 = arith.index_cast %scan3A_44 : i32 to index
      %get3A_665 = arith.constant 704 : index
      %get3A_666 = tpu.vector_load %arg9[%get3A_664, %get3A_665] {strides = array<i32>} : memref<32x1024xf32, #tpu.memory_space<vmem>>, vector<1x16xf32>,
      %get3A_667 = vector.shape_cast %get3A_666 : vector<1x16xf32> to vector<16xf32>
      %add3A_668 = arith.addf %get3A_663, %get3A_667 : vector<16xf32>
      %swap3A_669 = arith.index_cast %scan3A_44 : i32 to index
      %swap3A_670 = arith.constant 704 : index
      %swap3A_671 = tpu.vector_load %arg8[%swap3A_669, %swap3A_670] {strides = array<i32>} : memref<32x1024xf32, #tpu.memory_space<vmem>>, vector<1x16xf32>,
      %swap3A_672 = vector.shape_cast %swap3A_671 : vector<1x16xf32> to vector<16xf32>
      %swap3A_673 = vector.shape_cast %add3A_668 : vector<16xf32> to vector<1x16xf32>
      tpu.vector_store %arg8[%swap3A_669, %swap3A_670], %swap3A_673 {strides = array<i32>} : memref<32x1024xf32, #tpu.memory_space<vmem>>, vector<1x16xf32>,
      %get3A_674 = arith.index_cast %scan3A_44 : i32 to index
      %get3A_675 = arith.constant 720 : index
      %get3A_676 = tpu.vector_load %arg8[%get3A_674, %get3A_675] {strides = array<i32>} : memref<32x1024xf32, #tpu.memory_space<vmem>>, vector<1x16xf32>,
      %get3A_677 = vector.shape_cast %get3A_676 : vector<1x16xf32> to vector<16xf32>
      %get3A_678 = arith.index_cast %scan3A_44 : i32 to index
      %get3A_679 = arith.constant 720 : index
      %get3A_680 = tpu.vector_load %arg9[%get3A_678, %get3A_679] {strides = array<i32>} : memref<32x1024xf32, #tpu.memory_space<vmem>>, vector<1x16xf32>,
      %get3A_681 = vector.shape_cast %get3A_680 : vector<1x16xf32> to vector<16xf32>
      %add3A_682 = arith.addf %get3A_677, %get3A_681 : vector<16xf32>
      %swap3A_683 = arith.index_cast %scan3A_44 : i32 to index
      %swap3A_684 = arith.constant 720 : index
      %swap3A_685 = tpu.vector_load %arg8[%swap3A_683, %swap3A_684] {strides = array<i32>} : memref<32x1024xf32, #tpu.memory_space<vmem>>, vector<1x16xf32>,
      %swap3A_686 = vector.shape_cast %swap3A_685 : vector<1x16xf32> to vector<16xf32>
      %swap3A_687 = vector.shape_cast %add3A_682 : vector<16xf32> to vector<1x16xf32>
      tpu.vector_store %arg8[%swap3A_683, %swap3A_684], %swap3A_687 {strides = array<i32>} : memref<32x1024xf32, #tpu.memory_space<vmem>>, vector<1x16xf32>,
      %get3A_688 = arith.index_cast %scan3A_44 : i32 to index
      %get3A_689 = arith.constant 736 : index
      %get3A_690 = tpu.vector_load %arg8[%get3A_688, %get3A_689] {strides = array<i32>} : memref<32x1024xf32, #tpu.memory_space<vmem>>, vector<1x16xf32>,
      %get3A_691 = vector.shape_cast %get3A_690 : vector<1x16xf32> to vector<16xf32>
      %get3A_692 = arith.index_cast %scan3A_44 : i32 to index
      %get3A_693 = arith.constant 736 : index
      %get3A_694 = tpu.vector_load %arg9[%get3A_692, %get3A_693] {strides = array<i32>} : memref<32x1024xf32, #tpu.memory_space<vmem>>, vector<1x16xf32>,
      %get3A_695 = vector.shape_cast %get3A_694 : vector<1x16xf32> to vector<16xf32>
      %add3A_696 = arith.addf %get3A_691, %get3A_695 : vector<16xf32>
      %swap3A_697 = arith.index_cast %scan3A_44 : i32 to index
      %swap3A_698 = arith.constant 736 : index
      %swap3A_699 = tpu.vector_load %arg8[%swap3A_697, %swap3A_698] {strides = array<i32>} : memref<32x1024xf32, #tpu.memory_space<vmem>>, vector<1x16xf32>,
      %swap3A_700 = vector.shape_cast %swap3A_699 : vector<1x16xf32> to vector<16xf32>
      %swap3A_701 = vector.shape_cast %add3A_696 : vector<16xf32> to vector<1x16xf32>
      tpu.vector_store %arg8[%swap3A_697, %swap3A_698], %swap3A_701 {strides = array<i32>} : memref<32x1024xf32, #tpu.memory_space<vmem>>, vector<1x16xf32>,
      %get3A_702 = arith.index_cast %scan3A_44 : i32 to index
      %get3A_703 = arith.constant 752 : index
      %get3A_704 = tpu.vector_load %arg8[%get3A_702, %get3A_703] {strides = array<i32>} : memref<32x1024xf32, #tpu.memory_space<vmem>>, vector<1x16xf32>,
      %get3A_705 = vector.shape_cast %get3A_704 : vector<1x16xf32> to vector<16xf32>
      %get3A_706 = arith.index_cast %scan3A_44 : i32 to index
      %get3A_707 = arith.constant 752 : index
      %get3A_708 = tpu.vector_load %arg9[%get3A_706, %get3A_707] {strides = array<i32>} : memref<32x1024xf32, #tpu.memory_space<vmem>>, vector<1x16xf32>,
      %get3A_709 = vector.shape_cast %get3A_708 : vector<1x16xf32> to vector<16xf32>
      %add3A_710 = arith.addf %get3A_705, %get3A_709 : vector<16xf32>
      %swap3A_711 = arith.index_cast %scan3A_44 : i32 to index
      %swap3A_712 = arith.constant 752 : index
      %swap3A_713 = tpu.vector_load %arg8[%swap3A_711, %swap3A_712] {strides = array<i32>} : memref<32x1024xf32, #tpu.memory_space<vmem>>, vector<1x16xf32>,
      %swap3A_714 = vector.shape_cast %swap3A_713 : vector<1x16xf32> to vector<16xf32>
      %swap3A_715 = vector.shape_cast %add3A_710 : vector<16xf32> to vector<1x16xf32>
      tpu.vector_store %arg8[%swap3A_711, %swap3A_712], %swap3A_715 {strides = array<i32>} : memref<32x1024xf32, #tpu.memory_space<vmem>>, vector<1x16xf32>,
      %get3A_716 = arith.index_cast %scan3A_44 : i32 to index
      %get3A_717 = arith.constant 768 : index
      %get3A_718 = tpu.vector_load %arg8[%get3A_716, %get3A_717] {strides = array<i32>} : memref<32x1024xf32, #tpu.memory_space<vmem>>, vector<1x16xf32>,
      %get3A_719 = vector.shape_cast %get3A_718 : vector<1x16xf32> to vector<16xf32>
      %get3A_720 = arith.index_cast %scan3A_44 : i32 to index
      %get3A_721 = arith.constant 768 : index
      %get3A_722 = tpu.vector_load %arg9[%get3A_720, %get3A_721] {strides = array<i32>} : memref<32x1024xf32, #tpu.memory_space<vmem>>, vector<1x16xf32>,
      %get3A_723 = vector.shape_cast %get3A_722 : vector<1x16xf32> to vector<16xf32>
      %add3A_724 = arith.addf %get3A_719, %get3A_723 : vector<16xf32>
      %swap3A_725 = arith.index_cast %scan3A_44 : i32 to index
      %swap3A_726 = arith.constant 768 : index
      %swap3A_727 = tpu.vector_load %arg8[%swap3A_725, %swap3A_726] {strides = array<i32>} : memref<32x1024xf32, #tpu.memory_space<vmem>>, vector<1x16xf32>,
      %swap3A_728 = vector.shape_cast %swap3A_727 : vector<1x16xf32> to vector<16xf32>
      %swap3A_729 = vector.shape_cast %add3A_724 : vector<16xf32> to vector<1x16xf32>
      tpu.vector_store %arg8[%swap3A_725, %swap3A_726], %swap3A_729 {strides = array<i32>} : memref<32x1024xf32, #tpu.memory_space<vmem>>, vector<1x16xf32>,
      %get3A_730 = arith.index_cast %scan3A_44 : i32 to index
      %get3A_731 = arith.constant 784 : index
      %get3A_732 = tpu.vector_load %arg8[%get3A_730, %get3A_731] {strides = array<i32>} : memref<32x1024xf32, #tpu.memory_space<vmem>>, vector<1x16xf32>,
      %get3A_733 = vector.shape_cast %get3A_732 : vector<1x16xf32> to vector<16xf32>
      %get3A_734 = arith.index_cast %scan3A_44 : i32 to index
      %get3A_735 = arith.constant 784 : index
      %get3A_736 = tpu.vector_load %arg9[%get3A_734, %get3A_735] {strides = array<i32>} : memref<32x1024xf32, #tpu.memory_space<vmem>>, vector<1x16xf32>,
      %get3A_737 = vector.shape_cast %get3A_736 : vector<1x16xf32> to vector<16xf32>
      %add3A_738 = arith.addf %get3A_733, %get3A_737 : vector<16xf32>
      %swap3A_739 = arith.index_cast %scan3A_44 : i32 to index
      %swap3A_740 = arith.constant 784 : index
      %swap3A_741 = tpu.vector_load %arg8[%swap3A_739, %swap3A_740] {strides = array<i32>} : memref<32x1024xf32, #tpu.memory_space<vmem>>, vector<1x16xf32>,
      %swap3A_742 = vector.shape_cast %swap3A_741 : vector<1x16xf32> to vector<16xf32>
      %swap3A_743 = vector.shape_cast %add3A_738 : vector<16xf32> to vector<1x16xf32>
      tpu.vector_store %arg8[%swap3A_739, %swap3A_740], %swap3A_743 {strides = array<i32>} : memref<32x1024xf32, #tpu.memory_space<vmem>>, vector<1x16xf32>,
      %get3A_744 = arith.index_cast %scan3A_44 : i32 to index
      %get3A_745 = arith.constant 800 : index
      %get3A_746 = tpu.vector_load %arg8[%get3A_744, %get3A_745] {strides = array<i32>} : memref<32x1024xf32, #tpu.memory_space<vmem>>, vector<1x16xf32>,
      %get3A_747 = vector.shape_cast %get3A_746 : vector<1x16xf32> to vector<16xf32>
      %get3A_748 = arith.index_cast %scan3A_44 : i32 to index
      %get3A_749 = arith.constant 800 : index
      %get3A_750 = tpu.vector_load %arg9[%get3A_748, %get3A_749] {strides = array<i32>} : memref<32x1024xf32, #tpu.memory_space<vmem>>, vector<1x16xf32>,
      %get3A_751 = vector.shape_cast %get3A_750 : vector<1x16xf32> to vector<16xf32>
      %add3A_752 = arith.addf %get3A_747, %get3A_751 : vector<16xf32>
      %swap3A_753 = arith.index_cast %scan3A_44 : i32 to index
      %swap3A_754 = arith.constant 800 : index
      %swap3A_755 = tpu.vector_load %arg8[%swap3A_753, %swap3A_754] {strides = array<i32>} : memref<32x1024xf32, #tpu.memory_space<vmem>>, vector<1x16xf32>,
      %swap3A_756 = vector.shape_cast %swap3A_755 : vector<1x16xf32> to vector<16xf32>
      %swap3A_757 = vector.shape_cast %add3A_752 : vector<16xf32> to vector<1x16xf32>
      tpu.vector_store %arg8[%swap3A_753, %swap3A_754], %swap3A_757 {strides = array<i32>} : memref<32x1024xf32, #tpu.memory_space<vmem>>, vector<1x16xf32>,
      %get3A_758 = arith.index_cast %scan3A_44 : i32 to index
      %get3A_759 = arith.constant 816 : index
      %get3A_760 = tpu.vector_load %arg8[%get3A_758, %get3A_759] {strides = array<i32>} : memref<32x1024xf32, #tpu.memory_space<vmem>>, vector<1x16xf32>,
      %get3A_761 = vector.shape_cast %get3A_760 : vector<1x16xf32> to vector<16xf32>
      %get3A_762 = arith.index_cast %scan3A_44 : i32 to index
      %get3A_763 = arith.constant 816 : index
      %get3A_764 = tpu.vector_load %arg9[%get3A_762, %get3A_763] {strides = array<i32>} : memref<32x1024xf32, #tpu.memory_space<vmem>>, vector<1x16xf32>,
      %get3A_765 = vector.shape_cast %get3A_764 : vector<1x16xf32> to vector<16xf32>
      %add3A_766 = arith.addf %get3A_761, %get3A_765 : vector<16xf32>
      %swap3A_767 = arith.index_cast %scan3A_44 : i32 to index
      %swap3A_768 = arith.constant 816 : index
      %swap3A_769 = tpu.vector_load %arg8[%swap3A_767, %swap3A_768] {strides = array<i32>} : memref<32x1024xf32, #tpu.memory_space<vmem>>, vector<1x16xf32>,
      %swap3A_770 = vector.shape_cast %swap3A_769 : vector<1x16xf32> to vector<16xf32>
      %swap3A_771 = vector.shape_cast %add3A_766 : vector<16xf32> to vector<1x16xf32>
      tpu.vector_store %arg8[%swap3A_767, %swap3A_768], %swap3A_771 {strides = array<i32>} : memref<32x1024xf32, #tpu.memory_space<vmem>>, vector<1x16xf32>,
      %get3A_772 = arith.index_cast %scan3A_44 : i32 to index
      %get3A_773 = arith.constant 832 : index
      %get3A_774 = tpu.vector_load %arg8[%get3A_772, %get3A_773] {strides = array<i32>} : memref<32x1024xf32, #tpu.memory_space<vmem>>, vector<1x16xf32>,
      %get3A_775 = vector.shape_cast %get3A_774 : vector<1x16xf32> to vector<16xf32>
      %get3A_776 = arith.index_cast %scan3A_44 : i32 to index
      %get3A_777 = arith.constant 832 : index
      %get3A_778 = tpu.vector_load %arg9[%get3A_776, %get3A_777] {strides = array<i32>} : memref<32x1024xf32, #tpu.memory_space<vmem>>, vector<1x16xf32>,
      %get3A_779 = vector.shape_cast %get3A_778 : vector<1x16xf32> to vector<16xf32>
      %add3A_780 = arith.addf %get3A_775, %get3A_779 : vector<16xf32>
      %swap3A_781 = arith.index_cast %scan3A_44 : i32 to index
      %swap3A_782 = arith.constant 832 : index
      %swap3A_783 = tpu.vector_load %arg8[%swap3A_781, %swap3A_782] {strides = array<i32>} : memref<32x1024xf32, #tpu.memory_space<vmem>>, vector<1x16xf32>,
      %swap3A_784 = vector.shape_cast %swap3A_783 : vector<1x16xf32> to vector<16xf32>
      %swap3A_785 = vector.shape_cast %add3A_780 : vector<16xf32> to vector<1x16xf32>
      tpu.vector_store %arg8[%swap3A_781, %swap3A_782], %swap3A_785 {strides = array<i32>} : memref<32x1024xf32, #tpu.memory_space<vmem>>, vector<1x16xf32>,
      %get3A_786 = arith.index_cast %scan3A_44 : i32 to index
      %get3A_787 = arith.constant 848 : index
      %get3A_788 = tpu.vector_load %arg8[%get3A_786, %get3A_787] {strides = array<i32>} : memref<32x1024xf32, #tpu.memory_space<vmem>>, vector<1x16xf32>,
      %get3A_789 = vector.shape_cast %get3A_788 : vector<1x16xf32> to vector<16xf32>
      %get3A_790 = arith.index_cast %scan3A_44 : i32 to index
      %get3A_791 = arith.constant 848 : index
      %get3A_792 = tpu.vector_load %arg9[%get3A_790, %get3A_791] {strides = array<i32>} : memref<32x1024xf32, #tpu.memory_space<vmem>>, vector<1x16xf32>,
      %get3A_793 = vector.shape_cast %get3A_792 : vector<1x16xf32> to vector<16xf32>
      %add3A_794 = arith.addf %get3A_789, %get3A_793 : vector<16xf32>
      %swap3A_795 = arith.index_cast %scan3A_44 : i32 to index
      %swap3A_796 = arith.constant 848 : index
      %swap3A_797 = tpu.vector_load %arg8[%swap3A_795, %swap3A_796] {strides = array<i32>} : memref<32x1024xf32, #tpu.memory_space<vmem>>, vector<1x16xf32>,
      %swap3A_798 = vector.shape_cast %swap3A_797 : vector<1x16xf32> to vector<16xf32>
      %swap3A_799 = vector.shape_cast %add3A_794 : vector<16xf32> to vector<1x16xf32>
      tpu.vector_store %arg8[%swap3A_795, %swap3A_796], %swap3A_799 {strides = array<i32>} : memref<32x1024xf32, #tpu.memory_space<vmem>>, vector<1x16xf32>,
      %get3A_800 = arith.index_cast %scan3A_44 : i32 to index
      %get3A_801 = arith.constant 864 : index
      %get3A_802 = tpu.vector_load %arg8[%get3A_800, %get3A_801] {strides = array<i32>} : memref<32x1024xf32, #tpu.memory_space<vmem>>, vector<1x16xf32>,
      %get3A_803 = vector.shape_cast %get3A_802 : vector<1x16xf32> to vector<16xf32>
      %get3A_804 = arith.index_cast %scan3A_44 : i32 to index
      %get3A_805 = arith.constant 864 : index
      %get3A_806 = tpu.vector_load %arg9[%get3A_804, %get3A_805] {strides = array<i32>} : memref<32x1024xf32, #tpu.memory_space<vmem>>, vector<1x16xf32>,
      %get3A_807 = vector.shape_cast %get3A_806 : vector<1x16xf32> to vector<16xf32>
      %add3A_808 = arith.addf %get3A_803, %get3A_807 : vector<16xf32>
      %swap3A_809 = arith.index_cast %scan3A_44 : i32 to index
      %swap3A_810 = arith.constant 864 : index
      %swap3A_811 = tpu.vector_load %arg8[%swap3A_809, %swap3A_810] {strides = array<i32>} : memref<32x1024xf32, #tpu.memory_space<vmem>>, vector<1x16xf32>,
      %swap3A_812 = vector.shape_cast %swap3A_811 : vector<1x16xf32> to vector<16xf32>
      %swap3A_813 = vector.shape_cast %add3A_808 : vector<16xf32> to vector<1x16xf32>
      tpu.vector_store %arg8[%swap3A_809, %swap3A_810], %swap3A_813 {strides = array<i32>} : memref<32x1024xf32, #tpu.memory_space<vmem>>, vector<1x16xf32>,
      %get3A_814 = arith.index_cast %scan3A_44 : i32 to index
      %get3A_815 = arith.constant 880 : index
      %get3A_816 = tpu.vector_load %arg8[%get3A_814, %get3A_815] {strides = array<i32>} : memref<32x1024xf32, #tpu.memory_space<vmem>>, vector<1x16xf32>,
      %get3A_817 = vector.shape_cast %get3A_816 : vector<1x16xf32> to vector<16xf32>
      %get3A_818 = arith.index_cast %scan3A_44 : i32 to index
      %get3A_819 = arith.constant 880 : index
      %get3A_820 = tpu.vector_load %arg9[%get3A_818, %get3A_819] {strides = array<i32>} : memref<32x1024xf32, #tpu.memory_space<vmem>>, vector<1x16xf32>,
      %get3A_821 = vector.shape_cast %get3A_820 : vector<1x16xf32> to vector<16xf32>
      %add3A_822 = arith.addf %get3A_817, %get3A_821 : vector<16xf32>
      %swap3A_823 = arith.index_cast %scan3A_44 : i32 to index
      %swap3A_824 = arith.constant 880 : index
      %swap3A_825 = tpu.vector_load %arg8[%swap3A_823, %swap3A_824] {strides = array<i32>} : memref<32x1024xf32, #tpu.memory_space<vmem>>, vector<1x16xf32>,
      %swap3A_826 = vector.shape_cast %swap3A_825 : vector<1x16xf32> to vector<16xf32>
      %swap3A_827 = vector.shape_cast %add3A_822 : vector<16xf32> to vector<1x16xf32>
      tpu.vector_store %arg8[%swap3A_823, %swap3A_824], %swap3A_827 {strides = array<i32>} : memref<32x1024xf32, #tpu.memory_space<vmem>>, vector<1x16xf32>,
      %get3A_828 = arith.index_cast %scan3A_44 : i32 to index
      %get3A_829 = arith.constant 896 : index
      %get3A_830 = tpu.vector_load %arg8[%get3A_828, %get3A_829] {strides = array<i32>} : memref<32x1024xf32, #tpu.memory_space<vmem>>, vector<1x16xf32>,
      %get3A_831 = vector.shape_cast %get3A_830 : vector<1x16xf32> to vector<16xf32>
      %get3A_832 = arith.index_cast %scan3A_44 : i32 to index
      %get3A_833 = arith.constant 896 : index
      %get3A_834 = tpu.vector_load %arg9[%get3A_832, %get3A_833] {strides = array<i32>} : memref<32x1024xf32, #tpu.memory_space<vmem>>, vector<1x16xf32>,
      %get3A_835 = vector.shape_cast %get3A_834 : vector<1x16xf32> to vector<16xf32>
      %add3A_836 = arith.addf %get3A_831, %get3A_835 : vector<16xf32>
      %swap3A_837 = arith.index_cast %scan3A_44 : i32 to index
      %swap3A_838 = arith.constant 896 : index
      %swap3A_839 = tpu.vector_load %arg8[%swap3A_837, %swap3A_838] {strides = array<i32>} : memref<32x1024xf32, #tpu.memory_space<vmem>>, vector<1x16xf32>,
      %swap3A_840 = vector.shape_cast %swap3A_839 : vector<1x16xf32> to vector<16xf32>
      %swap3A_841 = vector.shape_cast %add3A_836 : vector<16xf32> to vector<1x16xf32>
      tpu.vector_store %arg8[%swap3A_837, %swap3A_838], %swap3A_841 {strides = array<i32>} : memref<32x1024xf32, #tpu.memory_space<vmem>>, vector<1x16xf32>,
      %get3A_842 = arith.index_cast %scan3A_44 : i32 to index
      %get3A_843 = arith.constant 912 : index
      %get3A_844 = tpu.vector_load %arg8[%get3A_842, %get3A_843] {strides = array<i32>} : memref<32x1024xf32, #tpu.memory_space<vmem>>, vector<1x16xf32>,
      %get3A_845 = vector.shape_cast %get3A_844 : vector<1x16xf32> to vector<16xf32>
      %get3A_846 = arith.index_cast %scan3A_44 : i32 to index
      %get3A_847 = arith.constant 912 : index
      %get3A_848 = tpu.vector_load %arg9[%get3A_846, %get3A_847] {strides = array<i32>} : memref<32x1024xf32, #tpu.memory_space<vmem>>, vector<1x16xf32>,
      %get3A_849 = vector.shape_cast %get3A_848 : vector<1x16xf32> to vector<16xf32>
      %add3A_850 = arith.addf %get3A_845, %get3A_849 : vector<16xf32>
      %swap3A_851 = arith.index_cast %scan3A_44 : i32 to index
      %swap3A_852 = arith.constant 912 : index
      %swap3A_853 = tpu.vector_load %arg8[%swap3A_851, %swap3A_852] {strides = array<i32>} : memref<32x1024xf32, #tpu.memory_space<vmem>>, vector<1x16xf32>,
      %swap3A_854 = vector.shape_cast %swap3A_853 : vector<1x16xf32> to vector<16xf32>
      %swap3A_855 = vector.shape_cast %add3A_850 : vector<16xf32> to vector<1x16xf32>
      tpu.vector_store %arg8[%swap3A_851, %swap3A_852], %swap3A_855 {strides = array<i32>} : memref<32x1024xf32, #tpu.memory_space<vmem>>, vector<1x16xf32>,
      %get3A_856 = arith.index_cast %scan3A_44 : i32 to index
      %get3A_857 = arith.constant 928 : index
      %get3A_858 = tpu.vector_load %arg8[%get3A_856, %get3A_857] {strides = array<i32>} : memref<32x1024xf32, #tpu.memory_space<vmem>>, vector<1x16xf32>,
      %get3A_859 = vector.shape_cast %get3A_858 : vector<1x16xf32> to vector<16xf32>
      %get3A_860 = arith.index_cast %scan3A_44 : i32 to index
      %get3A_861 = arith.constant 928 : index
      %get3A_862 = tpu.vector_load %arg9[%get3A_860, %get3A_861] {strides = array<i32>} : memref<32x1024xf32, #tpu.memory_space<vmem>>, vector<1x16xf32>,
      %get3A_863 = vector.shape_cast %get3A_862 : vector<1x16xf32> to vector<16xf32>
      %add3A_864 = arith.addf %get3A_859, %get3A_863 : vector<16xf32>
      %swap3A_865 = arith.index_cast %scan3A_44 : i32 to index
      %swap3A_866 = arith.constant 928 : index
      %swap3A_867 = tpu.vector_load %arg8[%swap3A_865, %swap3A_866] {strides = array<i32>} : memref<32x1024xf32, #tpu.memory_space<vmem>>, vector<1x16xf32>,
      %swap3A_868 = vector.shape_cast %swap3A_867 : vector<1x16xf32> to vector<16xf32>
      %swap3A_869 = vector.shape_cast %add3A_864 : vector<16xf32> to vector<1x16xf32>
      tpu.vector_store %arg8[%swap3A_865, %swap3A_866], %swap3A_869 {strides = array<i32>} : memref<32x1024xf32, #tpu.memory_space<vmem>>, vector<1x16xf32>,
      %get3A_870 = arith.index_cast %scan3A_44 : i32 to index
      %get3A_871 = arith.constant 944 : index
      %get3A_872 = tpu.vector_load %arg8[%get3A_870, %get3A_871] {strides = array<i32>} : memref<32x1024xf32, #tpu.memory_space<vmem>>, vector<1x16xf32>,
      %get3A_873 = vector.shape_cast %get3A_872 : vector<1x16xf32> to vector<16xf32>
      %get3A_874 = arith.index_cast %scan3A_44 : i32 to index
      %get3A_875 = arith.constant 944 : index
      %get3A_876 = tpu.vector_load %arg9[%get3A_874, %get3A_875] {strides = array<i32>} : memref<32x1024xf32, #tpu.memory_space<vmem>>, vector<1x16xf32>,
      %get3A_877 = vector.shape_cast %get3A_876 : vector<1x16xf32> to vector<16xf32>
      %add3A_878 = arith.addf %get3A_873, %get3A_877 : vector<16xf32>
      %swap3A_879 = arith.index_cast %scan3A_44 : i32 to index
      %swap3A_880 = arith.constant 944 : index
      %swap3A_881 = tpu.vector_load %arg8[%swap3A_879, %swap3A_880] {strides = array<i32>} : memref<32x1024xf32, #tpu.memory_space<vmem>>, vector<1x16xf32>,
      %swap3A_882 = vector.shape_cast %swap3A_881 : vector<1x16xf32> to vector<16xf32>
      %swap3A_883 = vector.shape_cast %add3A_878 : vector<16xf32> to vector<1x16xf32>
      tpu.vector_store %arg8[%swap3A_879, %swap3A_880], %swap3A_883 {strides = array<i32>} : memref<32x1024xf32, #tpu.memory_space<vmem>>, vector<1x16xf32>,
      %get3A_884 = arith.index_cast %scan3A_44 : i32 to index
      %get3A_885 = arith.constant 960 : index
      %get3A_886 = tpu.vector_load %arg8[%get3A_884, %get3A_885] {strides = array<i32>} : memref<32x1024xf32, #tpu.memory_space<vmem>>, vector<1x16xf32>,
      %get3A_887 = vector.shape_cast %get3A_886 : vector<1x16xf32> to vector<16xf32>
      %get3A_888 = arith.index_cast %scan3A_44 : i32 to index
      %get3A_889 = arith.constant 960 : index
      %get3A_890 = tpu.vector_load %arg9[%get3A_888, %get3A_889] {strides = array<i32>} : memref<32x1024xf32, #tpu.memory_space<vmem>>, vector<1x16xf32>,
      %get3A_891 = vector.shape_cast %get3A_890 : vector<1x16xf32> to vector<16xf32>
      %add3A_892 = arith.addf %get3A_887, %get3A_891 : vector<16xf32>
      %swap3A_893 = arith.index_cast %scan3A_44 : i32 to index
      %swap3A_894 = arith.constant 960 : index
      %swap3A_895 = tpu.vector_load %arg8[%swap3A_893, %swap3A_894] {strides = array<i32>} : memref<32x1024xf32, #tpu.memory_space<vmem>>, vector<1x16xf32>,
      %swap3A_896 = vector.shape_cast %swap3A_895 : vector<1x16xf32> to vector<16xf32>
      %swap3A_897 = vector.shape_cast %add3A_892 : vector<16xf32> to vector<1x16xf32>
      tpu.vector_store %arg8[%swap3A_893, %swap3A_894], %swap3A_897 {strides = array<i32>} : memref<32x1024xf32, #tpu.memory_space<vmem>>, vector<1x16xf32>,
      %get3A_898 = arith.index_cast %scan3A_44 : i32 to index
      %get3A_899 = arith.constant 976 : index
      %get3A_900 = tpu.vector_load %arg8[%get3A_898, %get3A_899] {strides = array<i32>} : memref<32x1024xf32, #tpu.memory_space<vmem>>, vector<1x16xf32>,
      %get3A_901 = vector.shape_cast %get3A_900 : vector<1x16xf32> to vector<16xf32>
      %get3A_902 = arith.index_cast %scan3A_44 : i32 to index
      %get3A_903 = arith.constant 976 : index
      %get3A_904 = tpu.vector_load %arg9[%get3A_902, %get3A_903] {strides = array<i32>} : memref<32x1024xf32, #tpu.memory_space<vmem>>, vector<1x16xf32>,
      %get3A_905 = vector.shape_cast %get3A_904 : vector<1x16xf32> to vector<16xf32>
      %add3A_906 = arith.addf %get3A_901, %get3A_905 : vector<16xf32>
      %swap3A_907 = arith.index_cast %scan3A_44 : i32 to index
      %swap3A_908 = arith.constant 976 : index
      %swap3A_909 = tpu.vector_load %arg8[%swap3A_907, %swap3A_908] {strides = array<i32>} : memref<32x1024xf32, #tpu.memory_space<vmem>>, vector<1x16xf32>,
      %swap3A_910 = vector.shape_cast %swap3A_909 : vector<1x16xf32> to vector<16xf32>
      %swap3A_911 = vector.shape_cast %add3A_906 : vector<16xf32> to vector<1x16xf32>
      tpu.vector_store %arg8[%swap3A_907, %swap3A_908], %swap3A_911 {strides = array<i32>} : memref<32x1024xf32, #tpu.memory_space<vmem>>, vector<1x16xf32>,
      %get3A_912 = arith.index_cast %scan3A_44 : i32 to index
      %get3A_913 = arith.constant 992 : index
      %get3A_914 = tpu.vector_load %arg8[%get3A_912, %get3A_913] {strides = array<i32>} : memref<32x1024xf32, #tpu.memory_space<vmem>>, vector<1x16xf32>,
      %get3A_915 = vector.shape_cast %get3A_914 : vector<1x16xf32> to vector<16xf32>
      %get3A_916 = arith.index_cast %scan3A_44 : i32 to index
      %get3A_917 = arith.constant 992 : index
      %get3A_918 = tpu.vector_load %arg9[%get3A_916, %get3A_917] {strides = array<i32>} : memref<32x1024xf32, #tpu.memory_space<vmem>>, vector<1x16xf32>,
      %get3A_919 = vector.shape_cast %get3A_918 : vector<1x16xf32> to vector<16xf32>
      %add3A_920 = arith.addf %get3A_915, %get3A_919 : vector<16xf32>
      %swap3A_921 = arith.index_cast %scan3A_44 : i32 to index
      %swap3A_922 = arith.constant 992 : index
      %swap3A_923 = tpu.vector_load %arg8[%swap3A_921, %swap3A_922] {strides = array<i32>} : memref<32x1024xf32, #tpu.memory_space<vmem>>, vector<1x16xf32>,
      %swap3A_924 = vector.shape_cast %swap3A_923 : vector<1x16xf32> to vector<16xf32>
      %swap3A_925 = vector.shape_cast %add3A_920 : vector<16xf32> to vector<1x16xf32>
      tpu.vector_store %arg8[%swap3A_921, %swap3A_922], %swap3A_925 {strides = array<i32>} : memref<32x1024xf32, #tpu.memory_space<vmem>>, vector<1x16xf32>,
      %get3A_926 = arith.index_cast %scan3A_44 : i32 to index
      %get3A_927 = arith.constant 1008 : index
      %get3A_928 = tpu.vector_load %arg8[%get3A_926, %get3A_927] {strides = array<i32>} : memref<32x1024xf32, #tpu.memory_space<vmem>>, vector<1x16xf32>,
      %get3A_929 = vector.shape_cast %get3A_928 : vector<1x16xf32> to vector<16xf32>
      %get3A_930 = arith.index_cast %scan3A_44 : i32 to index
      %get3A_931 = arith.constant 1008 : index
      %get3A_932 = tpu.vector_load %arg9[%get3A_930, %get3A_931] {strides = array<i32>} : memref<32x1024xf32, #tpu.memory_space<vmem>>, vector<1x16xf32>,
      %get3A_933 = vector.shape_cast %get3A_932 : vector<1x16xf32> to vector<16xf32>
      %add3A_934 = arith.addf %get3A_929, %get3A_933 : vector<16xf32>
      %swap3A_935 = arith.index_cast %scan3A_44 : i32 to index
      %swap3A_936 = arith.constant 1008 : index
      %swap3A_937 = tpu.vector_load %arg8[%swap3A_935, %swap3A_936] {strides = array<i32>} : memref<32x1024xf32, #tpu.memory_space<vmem>>, vector<1x16xf32>,
      %swap3A_938 = vector.shape_cast %swap3A_937 : vector<1x16xf32> to vector<16xf32>
      %swap3A_939 = vector.shape_cast %add3A_934 : vector<16xf32> to vector<1x16xf32>
      tpu.vector_store %arg8[%swap3A_935, %swap3A_936], %swap3A_939 {strides = array<i32>} : memref<32x1024xf32, #tpu.memory_space<vmem>>, vector<1x16xf32>,
      %scan3A_940 = arith.constant 0 : i32
      scf.yield %scan3A_940 : i32
    }
    %scan3A_43 = arith.constant 32 : i32
    "tpu.region"() ({
      %run_scoped3A = tpu.sem_alloc : memref<!tpu.dma_semaphore, #tpu.memory_space<semaphore_mem>>
      %dma_start3A_44 = arith.constant 0 : i32
      %dma_start3A_45 = tpu.memref_slice %arg5[%add3A_24, %dma_start3A_44] : memref<2048x1024xf32, #tpu.memory_space<hbm>> -> memref<32x1024xf32, #tpu.memory_space<hbm>>
      %dma_start3A_46 = arith.constant 0 : i32
      %dma_start3A_47 = tpu.memref_slice %arg5[%add3A_24, %dma_start3A_46] : memref<2048x1024xf32, #tpu.memory_space<hbm>> -> memref<32x1024xf32, #tpu.memory_space<hbm>>
      tpu.enqueue_dma source(%arg8 : memref<32x1024xf32, #tpu.memory_space<vmem>>) target(%dma_start3A_47 : memref<32x1024xf32, #tpu.memory_space<hbm>>) target_semaphore(%run_scoped3A : memref<!tpu.dma_semaphore, #tpu.memory_space<semaphore_mem>>)
      %dma_wait3A_48 = arith.constant 0 : i32
      %dma_wait3A_49 = tpu.memref_slice %arg5[%add3A_24, %dma_wait3A_48] : memref<2048x1024xf32, #tpu.memory_space<hbm>> -> memref<32x1024xf32, #tpu.memory_space<hbm>>
      %dma_wait3A_50 = arith.constant 0 : i32
      %dma_wait3A_51 = tpu.memref_slice %arg5[%add3A_24, %dma_wait3A_50] : memref<2048x1024xf32, #tpu.memory_space<hbm>> -> memref<32x1024xf32, #tpu.memory_space<hbm>>
      tpu.wait_dma2 semaphore(%run_scoped3A : memref<!tpu.dma_semaphore, #tpu.memory_space<semaphore_mem>>) src(%arg8 : memref<32x1024xf32, #tpu.memory_space<vmem>>) dst(%dma_wait3A_51 : memref<32x1024xf32, #tpu.memory_space<hbm>>)
      tpu.yield
    }) : () -> ()
    return
  }
}

module attributes {stable_mosaic.version = 14 : i64} {
  func.func @_router_body(%arg0: memref<2048x1024xf32, #tpu.memory_space<vmem>>, %arg1: memref<1024x8xf32, #tpu.memory_space<vmem>>, %arg2: memref<1x8xf32, #tpu.memory_space<vmem>>, %arg3: memref<16x128xi32, #tpu.memory_space<vmem>>, %arg4: memref<16x128xi32, #tpu.memory_space<vmem>>, %arg5: memref<40x1xi32, #tpu.memory_space<vmem>>, %arg6: memref<40x1xi32, #tpu.memory_space<vmem>>, %arg7: memref<40x1xi32, #tpu.memory_space<vmem>>, %arg8: memref<40x1xi32, #tpu.memory_space<vmem>>, %arg9: memref<40x1xi32, #tpu.memory_space<vmem>>) attributes {dimension_semantics = [], scalar_prefetch = 0 : i64, scratch_operands = 0 : i64, tpu.core_type = #tpu.core_type<tc>} {
    %get3A = arith.constant 0 : index
    %get3A_0 = arith.constant 0 : index
    %get3A_1 = vector.load %arg0[%get3A, %get3A_0] : memref<2048x1024xf32, #tpu.memory_space<vmem>>, vector<2048x1024xf32>
    %get3A_2 = arith.constant 0 : index
    %get3A_3 = arith.constant 0 : index
    %get3A_4 = vector.load %arg1[%get3A_2, %get3A_3] : memref<1024x8xf32, #tpu.memory_space<vmem>>, vector<1024x8xf32>
    %dot_general3A = arith.constant dense<0.000000e+00> : vector<2048x8xf32>
    %dot_general3A_5 = tpu.matmul %get3A_1, %get3A_4, %dot_general3A {dimension_numbers = #tpu.dot_dimension_numbers<[1], [0], [0], [1], [0, 0, 1, 1], [], []>, transpose_lhs_hint = false} : vector<2048x1024xf32>, vector<1024x8xf32>, vector<2048x8xf32> -> vector<2048x8xf32>
    %get3A_6 = arith.constant 0 : index
    %get3A_7 = arith.constant 0 : index
    %get3A_8 = vector.load %arg2[%get3A_6, %get3A_7] : memref<1x8xf32, #tpu.memory_space<vmem>>, vector<1x8xf32>
    %add3A = vector.broadcast %get3A_8 : vector<1x8xf32> to vector<2048x8xf32>
    %add3A_9 = arith.addf %dot_general3A_5, %add3A : vector<2048x8xf32>
    %broadcast_in_dim3A = arith.constant -1.000000e+30 : f32
    %broadcast_in_dim3A_10 = vector.broadcast %broadcast_in_dim3A : f32 to vector<2048x120xf32>
    %concatenate3A = tpu.concatenate %add3A_9, %broadcast_in_dim3A_10 in 1 : vector<2048x8xf32>, vector<2048x120xf32> -> vector<2048x128xf32>
    %reduce_max3A = arith.constant dense<0xFF800000> : vector<2048xf32>
    %reduce_max3A_11 = vector.multi_reduction <maximumf>, %concatenate3A, %reduce_max3A [1] : vector<2048x128xf32> to vector<2048xf32>
    %broadcast_in_dim3A_12 = vector.shape_cast %reduce_max3A_11 : vector<2048xf32> to vector<2048x1xf32>
    %sub3A = vector.broadcast %broadcast_in_dim3A_12 : vector<2048x1xf32> to vector<2048x128xf32>
    %sub3A_13 = arith.subf %concatenate3A, %sub3A : vector<2048x128xf32>
    %exp3A = math.exp %sub3A_13 : vector<2048x128xf32>
    %reduce_sum3A = arith.constant dense<0.000000e+00> : vector<2048xf32>
    %reduce_sum3A_14 = vector.multi_reduction <add>, %exp3A, %reduce_sum3A [1] : vector<2048x128xf32> to vector<2048xf32>
    %broadcast_in_dim3A_15 = vector.shape_cast %reduce_sum3A_14 : vector<2048xf32> to vector<2048x1xf32>
    %div3A = vector.broadcast %broadcast_in_dim3A_15 : vector<2048x1xf32> to vector<2048x128xf32>
    %div3A_16 = arith.divf %exp3A, %div3A : vector<2048x128xf32>
    %iota3A = tpu.iota {dimensions = array<i32: 1>} : vector<2048x128xi32>
    %reduce_max3A_17 = arith.constant dense<0xFF800000> : vector<2048xf32>
    %reduce_max3A_18 = vector.multi_reduction <maximumf>, %div3A_16, %reduce_max3A_17 [1] : vector<2048x128xf32> to vector<2048xf32>
    %broadcast_in_dim3A_19 = vector.shape_cast %reduce_max3A_18 : vector<2048xf32> to vector<2048x1xf32>
    %eq3A = vector.broadcast %broadcast_in_dim3A_19 : vector<2048x1xf32> to vector<2048x128xf32>
    %eq3A_20 = arith.cmpf oeq, %div3A_16, %eq3A : vector<2048x128xf32>
    %jit3A = arith.constant 128 : i32
    %broadcast_in_dim3A_21 = vector.broadcast %jit3A : i32 to vector<2048x128xi32>
    %select_n3A = arith.select %eq3A_20, %iota3A, %broadcast_in_dim3A_21 : vector<2048x128xi1>, vector<2048x128xi32>
    %reduce_min3A = arith.constant dense<2147483647> : vector<2048xi32>
    %reduce_min3A_22 = vector.multi_reduction <minsi>, %select_n3A, %reduce_min3A [1] : vector<2048x128xi32> to vector<2048xi32>
    %broadcast_in_dim3A_23 = vector.shape_cast %reduce_min3A_22 : vector<2048xi32> to vector<2048x1xi32>
    %eq3A_24 = vector.broadcast %broadcast_in_dim3A_23 : vector<2048x1xi32> to vector<2048x128xi32>
    %eq3A_25 = arith.cmpi eq, %iota3A, %eq3A_24 : vector<2048x128xi32>
    %jit3A_26 = arith.constant 0xFF800000 : f32
    %broadcast_in_dim3A_27 = vector.broadcast %jit3A_26 : f32 to vector<2048x128xf32>
    %select_n3A_28 = arith.select %eq3A_25, %broadcast_in_dim3A_27, %div3A_16 : vector<2048x128xi1>, vector<2048x128xf32>
    %reduce_max3A_29 = arith.constant dense<0xFF800000> : vector<2048xf32>
    %reduce_max3A_30 = vector.multi_reduction <maximumf>, %select_n3A_28, %reduce_max3A_29 [1] : vector<2048x128xf32> to vector<2048xf32>
    %broadcast_in_dim3A_31 = vector.shape_cast %reduce_max3A_30 : vector<2048xf32> to vector<2048x1xf32>
    %eq3A_32 = vector.broadcast %broadcast_in_dim3A_31 : vector<2048x1xf32> to vector<2048x128xf32>
    %eq3A_33 = arith.cmpf oeq, %select_n3A_28, %eq3A_32 : vector<2048x128xf32>
    %jit3A_34 = arith.constant 128 : i32
    %broadcast_in_dim3A_35 = vector.broadcast %jit3A_34 : i32 to vector<2048x128xi32>
    %select_n3A_36 = arith.select %eq3A_33, %iota3A, %broadcast_in_dim3A_35 : vector<2048x128xi1>, vector<2048x128xi32>
    %reduce_min3A_37 = arith.constant dense<2147483647> : vector<2048xi32>
    %reduce_min3A_38 = vector.multi_reduction <minsi>, %select_n3A_36, %reduce_min3A_37 [1] : vector<2048x128xi32> to vector<2048xi32>
    %broadcast_in_dim3A_39 = vector.shape_cast %reduce_min3A_38 : vector<2048xi32> to vector<2048x1xi32>
    %eq3A_40 = vector.broadcast %broadcast_in_dim3A_23 : vector<2048x1xi32> to vector<2048x128xi32>
    %eq3A_41 = arith.cmpi eq, %iota3A, %eq3A_40 : vector<2048x128xi32>
    %convert_element_type3A = arith.extui %eq3A_41 : vector<2048x128xi1> to vector<2048x128xi32>
    %convert_element_type3A_42 = arith.sitofp %convert_element_type3A : vector<2048x128xi32> to vector<2048x128xf32>
    %eq3A_43 = vector.broadcast %broadcast_in_dim3A_39 : vector<2048x1xi32> to vector<2048x128xi32>
    %eq3A_44 = arith.cmpi eq, %iota3A, %eq3A_43 : vector<2048x128xi32>
    %convert_element_type3A_45 = arith.extui %eq3A_44 : vector<2048x128xi1> to vector<2048x128xi32>
    %convert_element_type3A_46 = arith.sitofp %convert_element_type3A_45 : vector<2048x128xi32> to vector<2048x128xf32>
    %broadcast_in_dim3A_47 = arith.constant 0.000000e+00 : f32
    %broadcast_in_dim3A_48 = vector.broadcast %broadcast_in_dim3A_47 : f32 to vector<1x128xf32>
    %slice3A = vector.extract_strided_slice %convert_element_type3A_42 {offsets = [0, 0], sizes = [2047, 128], strides = [1, 1]} : vector<2048x128xf32> to vector<2047x128xf32>
    %concatenate3A_49 = tpu.concatenate %broadcast_in_dim3A_48, %slice3A in 0 : vector<1x128xf32>, vector<2047x128xf32> -> vector<2048x128xf32>
    %add3A_50 = arith.addf %convert_element_type3A_42, %concatenate3A_49 : vector<2048x128xf32>
    %broadcast_in_dim3A_51 = arith.constant 0.000000e+00 : f32
    %broadcast_in_dim3A_52 = vector.broadcast %broadcast_in_dim3A_51 : f32 to vector<2x128xf32>
    %slice3A_53 = vector.extract_strided_slice %add3A_50 {offsets = [0, 0], sizes = [2046, 128], strides = [1, 1]} : vector<2048x128xf32> to vector<2046x128xf32>
    %concatenate3A_54 = tpu.concatenate %broadcast_in_dim3A_52, %slice3A_53 in 0 : vector<2x128xf32>, vector<2046x128xf32> -> vector<2048x128xf32>
    %add3A_55 = arith.addf %add3A_50, %concatenate3A_54 : vector<2048x128xf32>
    %broadcast_in_dim3A_56 = arith.constant 0.000000e+00 : f32
    %broadcast_in_dim3A_57 = vector.broadcast %broadcast_in_dim3A_56 : f32 to vector<4x128xf32>
    %slice3A_58 = vector.extract_strided_slice %add3A_55 {offsets = [0, 0], sizes = [2044, 128], strides = [1, 1]} : vector<2048x128xf32> to vector<2044x128xf32>
    %concatenate3A_59 = tpu.concatenate %broadcast_in_dim3A_57, %slice3A_58 in 0 : vector<4x128xf32>, vector<2044x128xf32> -> vector<2048x128xf32>
    %add3A_60 = arith.addf %add3A_55, %concatenate3A_59 : vector<2048x128xf32>
    %broadcast_in_dim3A_61 = arith.constant 0.000000e+00 : f32
    %broadcast_in_dim3A_62 = vector.broadcast %broadcast_in_dim3A_61 : f32 to vector<8x128xf32>
    %slice3A_63 = vector.extract_strided_slice %add3A_60 {offsets = [0, 0], sizes = [2040, 128], strides = [1, 1]} : vector<2048x128xf32> to vector<2040x128xf32>
    %concatenate3A_64 = tpu.concatenate %broadcast_in_dim3A_62, %slice3A_63 in 0 : vector<8x128xf32>, vector<2040x128xf32> -> vector<2048x128xf32>
    %add3A_65 = arith.addf %add3A_60, %concatenate3A_64 : vector<2048x128xf32>
    %broadcast_in_dim3A_66 = arith.constant 0.000000e+00 : f32
    %broadcast_in_dim3A_67 = vector.broadcast %broadcast_in_dim3A_66 : f32 to vector<16x128xf32>
    %slice3A_68 = vector.extract_strided_slice %add3A_65 {offsets = [0, 0], sizes = [2032, 128], strides = [1, 1]} : vector<2048x128xf32> to vector<2032x128xf32>
    %concatenate3A_69 = tpu.concatenate %broadcast_in_dim3A_67, %slice3A_68 in 0 : vector<16x128xf32>, vector<2032x128xf32> -> vector<2048x128xf32>
    %add3A_70 = arith.addf %add3A_65, %concatenate3A_69 : vector<2048x128xf32>
    %broadcast_in_dim3A_71 = arith.constant 0.000000e+00 : f32
    %broadcast_in_dim3A_72 = vector.broadcast %broadcast_in_dim3A_71 : f32 to vector<32x128xf32>
    %slice3A_73 = vector.extract_strided_slice %add3A_70 {offsets = [0, 0], sizes = [2016, 128], strides = [1, 1]} : vector<2048x128xf32> to vector<2016x128xf32>
    %concatenate3A_74 = tpu.concatenate %broadcast_in_dim3A_72, %slice3A_73 in 0 : vector<32x128xf32>, vector<2016x128xf32> -> vector<2048x128xf32>
    %add3A_75 = arith.addf %add3A_70, %concatenate3A_74 : vector<2048x128xf32>
    %broadcast_in_dim3A_76 = arith.constant 0.000000e+00 : f32
    %broadcast_in_dim3A_77 = vector.broadcast %broadcast_in_dim3A_76 : f32 to vector<64x128xf32>
    %slice3A_78 = vector.extract_strided_slice %add3A_75 {offsets = [0, 0], sizes = [1984, 128], strides = [1, 1]} : vector<2048x128xf32> to vector<1984x128xf32>
    %concatenate3A_79 = tpu.concatenate %broadcast_in_dim3A_77, %slice3A_78 in 0 : vector<64x128xf32>, vector<1984x128xf32> -> vector<2048x128xf32>
    %add3A_80 = arith.addf %add3A_75, %concatenate3A_79 : vector<2048x128xf32>
    %broadcast_in_dim3A_81 = arith.constant 0.000000e+00 : f32
    %broadcast_in_dim3A_82 = vector.broadcast %broadcast_in_dim3A_81 : f32 to vector<128x128xf32>
    %slice3A_83 = vector.extract_strided_slice %add3A_80 {offsets = [0, 0], sizes = [1920, 128], strides = [1, 1]} : vector<2048x128xf32> to vector<1920x128xf32>
    %concatenate3A_84 = tpu.concatenate %broadcast_in_dim3A_82, %slice3A_83 in 0 : vector<128x128xf32>, vector<1920x128xf32> -> vector<2048x128xf32>
    %add3A_85 = arith.addf %add3A_80, %concatenate3A_84 : vector<2048x128xf32>
    %broadcast_in_dim3A_86 = arith.constant 0.000000e+00 : f32
    %broadcast_in_dim3A_87 = vector.broadcast %broadcast_in_dim3A_86 : f32 to vector<256x128xf32>
    %slice3A_88 = vector.extract_strided_slice %add3A_85 {offsets = [0, 0], sizes = [1792, 128], strides = [1, 1]} : vector<2048x128xf32> to vector<1792x128xf32>
    %concatenate3A_89 = tpu.concatenate %broadcast_in_dim3A_87, %slice3A_88 in 0 : vector<256x128xf32>, vector<1792x128xf32> -> vector<2048x128xf32>
    %add3A_90 = arith.addf %add3A_85, %concatenate3A_89 : vector<2048x128xf32>
    %broadcast_in_dim3A_91 = arith.constant 0.000000e+00 : f32
    %broadcast_in_dim3A_92 = vector.broadcast %broadcast_in_dim3A_91 : f32 to vector<512x128xf32>
    %slice3A_93 = vector.extract_strided_slice %add3A_90 {offsets = [0, 0], sizes = [1536, 128], strides = [1, 1]} : vector<2048x128xf32> to vector<1536x128xf32>
    %concatenate3A_94 = tpu.concatenate %broadcast_in_dim3A_92, %slice3A_93 in 0 : vector<512x128xf32>, vector<1536x128xf32> -> vector<2048x128xf32>
    %add3A_95 = arith.addf %add3A_90, %concatenate3A_94 : vector<2048x128xf32>
    %broadcast_in_dim3A_96 = arith.constant 0.000000e+00 : f32
    %broadcast_in_dim3A_97 = vector.broadcast %broadcast_in_dim3A_96 : f32 to vector<1024x128xf32>
    %slice3A_98 = vector.extract_strided_slice %add3A_95 {offsets = [0, 0], sizes = [1024, 128], strides = [1, 1]} : vector<2048x128xf32> to vector<1024x128xf32>
    %concatenate3A_99 = tpu.concatenate %broadcast_in_dim3A_97, %slice3A_98 in 0 : vector<1024x128xf32>, vector<1024x128xf32> -> vector<2048x128xf32>
    %add3A_100 = arith.addf %add3A_95, %concatenate3A_99 : vector<2048x128xf32>
    %sub3A_101 = arith.subf %add3A_100, %convert_element_type3A_42 : vector<2048x128xf32>
    %broadcast_in_dim3A_102 = arith.constant 0.000000e+00 : f32
    %broadcast_in_dim3A_103 = vector.broadcast %broadcast_in_dim3A_102 : f32 to vector<1x128xf32>
    %slice3A_104 = vector.extract_strided_slice %convert_element_type3A_46 {offsets = [0, 0], sizes = [2047, 128], strides = [1, 1]} : vector<2048x128xf32> to vector<2047x128xf32>
    %concatenate3A_105 = tpu.concatenate %broadcast_in_dim3A_103, %slice3A_104 in 0 : vector<1x128xf32>, vector<2047x128xf32> -> vector<2048x128xf32>
    %add3A_106 = arith.addf %convert_element_type3A_46, %concatenate3A_105 : vector<2048x128xf32>
    %broadcast_in_dim3A_107 = arith.constant 0.000000e+00 : f32
    %broadcast_in_dim3A_108 = vector.broadcast %broadcast_in_dim3A_107 : f32 to vector<2x128xf32>
    %slice3A_109 = vector.extract_strided_slice %add3A_106 {offsets = [0, 0], sizes = [2046, 128], strides = [1, 1]} : vector<2048x128xf32> to vector<2046x128xf32>
    %concatenate3A_110 = tpu.concatenate %broadcast_in_dim3A_108, %slice3A_109 in 0 : vector<2x128xf32>, vector<2046x128xf32> -> vector<2048x128xf32>
    %add3A_111 = arith.addf %add3A_106, %concatenate3A_110 : vector<2048x128xf32>
    %broadcast_in_dim3A_112 = arith.constant 0.000000e+00 : f32
    %broadcast_in_dim3A_113 = vector.broadcast %broadcast_in_dim3A_112 : f32 to vector<4x128xf32>
    %slice3A_114 = vector.extract_strided_slice %add3A_111 {offsets = [0, 0], sizes = [2044, 128], strides = [1, 1]} : vector<2048x128xf32> to vector<2044x128xf32>
    %concatenate3A_115 = tpu.concatenate %broadcast_in_dim3A_113, %slice3A_114 in 0 : vector<4x128xf32>, vector<2044x128xf32> -> vector<2048x128xf32>
    %add3A_116 = arith.addf %add3A_111, %concatenate3A_115 : vector<2048x128xf32>
    %broadcast_in_dim3A_117 = arith.constant 0.000000e+00 : f32
    %broadcast_in_dim3A_118 = vector.broadcast %broadcast_in_dim3A_117 : f32 to vector<8x128xf32>
    %slice3A_119 = vector.extract_strided_slice %add3A_116 {offsets = [0, 0], sizes = [2040, 128], strides = [1, 1]} : vector<2048x128xf32> to vector<2040x128xf32>
    %concatenate3A_120 = tpu.concatenate %broadcast_in_dim3A_118, %slice3A_119 in 0 : vector<8x128xf32>, vector<2040x128xf32> -> vector<2048x128xf32>
    %add3A_121 = arith.addf %add3A_116, %concatenate3A_120 : vector<2048x128xf32>
    %broadcast_in_dim3A_122 = arith.constant 0.000000e+00 : f32
    %broadcast_in_dim3A_123 = vector.broadcast %broadcast_in_dim3A_122 : f32 to vector<16x128xf32>
    %slice3A_124 = vector.extract_strided_slice %add3A_121 {offsets = [0, 0], sizes = [2032, 128], strides = [1, 1]} : vector<2048x128xf32> to vector<2032x128xf32>
    %concatenate3A_125 = tpu.concatenate %broadcast_in_dim3A_123, %slice3A_124 in 0 : vector<16x128xf32>, vector<2032x128xf32> -> vector<2048x128xf32>
    %add3A_126 = arith.addf %add3A_121, %concatenate3A_125 : vector<2048x128xf32>
    %broadcast_in_dim3A_127 = arith.constant 0.000000e+00 : f32
    %broadcast_in_dim3A_128 = vector.broadcast %broadcast_in_dim3A_127 : f32 to vector<32x128xf32>
    %slice3A_129 = vector.extract_strided_slice %add3A_126 {offsets = [0, 0], sizes = [2016, 128], strides = [1, 1]} : vector<2048x128xf32> to vector<2016x128xf32>
    %concatenate3A_130 = tpu.concatenate %broadcast_in_dim3A_128, %slice3A_129 in 0 : vector<32x128xf32>, vector<2016x128xf32> -> vector<2048x128xf32>
    %add3A_131 = arith.addf %add3A_126, %concatenate3A_130 : vector<2048x128xf32>
    %broadcast_in_dim3A_132 = arith.constant 0.000000e+00 : f32
    %broadcast_in_dim3A_133 = vector.broadcast %broadcast_in_dim3A_132 : f32 to vector<64x128xf32>
    %slice3A_134 = vector.extract_strided_slice %add3A_131 {offsets = [0, 0], sizes = [1984, 128], strides = [1, 1]} : vector<2048x128xf32> to vector<1984x128xf32>
    %concatenate3A_135 = tpu.concatenate %broadcast_in_dim3A_133, %slice3A_134 in 0 : vector<64x128xf32>, vector<1984x128xf32> -> vector<2048x128xf32>
    %add3A_136 = arith.addf %add3A_131, %concatenate3A_135 : vector<2048x128xf32>
    %broadcast_in_dim3A_137 = arith.constant 0.000000e+00 : f32
    %broadcast_in_dim3A_138 = vector.broadcast %broadcast_in_dim3A_137 : f32 to vector<128x128xf32>
    %slice3A_139 = vector.extract_strided_slice %add3A_136 {offsets = [0, 0], sizes = [1920, 128], strides = [1, 1]} : vector<2048x128xf32> to vector<1920x128xf32>
    %concatenate3A_140 = tpu.concatenate %broadcast_in_dim3A_138, %slice3A_139 in 0 : vector<128x128xf32>, vector<1920x128xf32> -> vector<2048x128xf32>
    %add3A_141 = arith.addf %add3A_136, %concatenate3A_140 : vector<2048x128xf32>
    %broadcast_in_dim3A_142 = arith.constant 0.000000e+00 : f32
    %broadcast_in_dim3A_143 = vector.broadcast %broadcast_in_dim3A_142 : f32 to vector<256x128xf32>
    %slice3A_144 = vector.extract_strided_slice %add3A_141 {offsets = [0, 0], sizes = [1792, 128], strides = [1, 1]} : vector<2048x128xf32> to vector<1792x128xf32>
    %concatenate3A_145 = tpu.concatenate %broadcast_in_dim3A_143, %slice3A_144 in 0 : vector<256x128xf32>, vector<1792x128xf32> -> vector<2048x128xf32>
    %add3A_146 = arith.addf %add3A_141, %concatenate3A_145 : vector<2048x128xf32>
    %broadcast_in_dim3A_147 = arith.constant 0.000000e+00 : f32
    %broadcast_in_dim3A_148 = vector.broadcast %broadcast_in_dim3A_147 : f32 to vector<512x128xf32>
    %slice3A_149 = vector.extract_strided_slice %add3A_146 {offsets = [0, 0], sizes = [1536, 128], strides = [1, 1]} : vector<2048x128xf32> to vector<1536x128xf32>
    %concatenate3A_150 = tpu.concatenate %broadcast_in_dim3A_148, %slice3A_149 in 0 : vector<512x128xf32>, vector<1536x128xf32> -> vector<2048x128xf32>
    %add3A_151 = arith.addf %add3A_146, %concatenate3A_150 : vector<2048x128xf32>
    %broadcast_in_dim3A_152 = arith.constant 0.000000e+00 : f32
    %broadcast_in_dim3A_153 = vector.broadcast %broadcast_in_dim3A_152 : f32 to vector<1024x128xf32>
    %slice3A_154 = vector.extract_strided_slice %add3A_151 {offsets = [0, 0], sizes = [1024, 128], strides = [1, 1]} : vector<2048x128xf32> to vector<1024x128xf32>
    %concatenate3A_155 = tpu.concatenate %broadcast_in_dim3A_153, %slice3A_154 in 0 : vector<1024x128xf32>, vector<1024x128xf32> -> vector<2048x128xf32>
    %add3A_156 = arith.addf %add3A_151, %concatenate3A_155 : vector<2048x128xf32>
    %sub3A_157 = arith.subf %add3A_156, %convert_element_type3A_46 : vector<2048x128xf32>
    %reduce_sum3A_158 = arith.constant dense<0.000000e+00> : vector<128xf32>
    %reduce_sum3A_159 = vector.multi_reduction <add>, %convert_element_type3A_42, %reduce_sum3A_158 [0] : vector<2048x128xf32> to vector<128xf32>
    %broadcast_in_dim3A_160 = vector.shape_cast %reduce_sum3A_159 : vector<128xf32> to vector<1x128xf32>
    %reduce_sum3A_161 = arith.constant dense<0.000000e+00> : vector<128xf32>
    %reduce_sum3A_162 = vector.multi_reduction <add>, %convert_element_type3A_46, %reduce_sum3A_161 [0] : vector<2048x128xf32> to vector<128xf32>
    %broadcast_in_dim3A_163 = vector.shape_cast %reduce_sum3A_162 : vector<128xf32> to vector<1x128xf32>
    %add3A_164 = arith.addf %broadcast_in_dim3A_160, %broadcast_in_dim3A_163 : vector<1x128xf32>
    %div3A_165 = arith.constant 1.280000e+02 : f32
    %div3A_166 = vector.broadcast %div3A_165 : f32 to vector<1x128xf32>
    %div3A_167 = arith.divf %add3A_164, %div3A_166 : vector<1x128xf32>
    %ceil3A = math.ceil %div3A_167 : vector<1x128xf32>
    %mul3A = arith.constant 1.280000e+02 : f32
    %mul3A_168 = vector.broadcast %mul3A : f32 to vector<1x128xf32>
    %mul3A_169 = arith.mulf %ceil3A, %mul3A_168 : vector<1x128xf32>
    %broadcast_in_dim3A_170 = arith.constant 0.000000e+00 : f32
    %broadcast_in_dim3A_171 = vector.broadcast %broadcast_in_dim3A_170 : f32 to vector<1x1xf32>
    %slice3A_172 = vector.extract_strided_slice %mul3A_169 {offsets = [0, 0], sizes = [1, 127], strides = [1, 1]} : vector<1x128xf32> to vector<1x127xf32>
    %concatenate3A_173 = tpu.concatenate %broadcast_in_dim3A_171, %slice3A_172 in 1 : vector<1x1xf32>, vector<1x127xf32> -> vector<1x128xf32>
    %add3A_174 = arith.addf %mul3A_169, %concatenate3A_173 : vector<1x128xf32>
    %broadcast_in_dim3A_175 = arith.constant 0.000000e+00 : f32
    %broadcast_in_dim3A_176 = vector.broadcast %broadcast_in_dim3A_175 : f32 to vector<1x2xf32>
    %slice3A_177 = vector.extract_strided_slice %add3A_174 {offsets = [0, 0], sizes = [1, 126], strides = [1, 1]} : vector<1x128xf32> to vector<1x126xf32>
    %concatenate3A_178 = tpu.concatenate %broadcast_in_dim3A_176, %slice3A_177 in 1 : vector<1x2xf32>, vector<1x126xf32> -> vector<1x128xf32>
    %add3A_179 = arith.addf %add3A_174, %concatenate3A_178 : vector<1x128xf32>
    %broadcast_in_dim3A_180 = arith.constant 0.000000e+00 : f32
    %broadcast_in_dim3A_181 = vector.broadcast %broadcast_in_dim3A_180 : f32 to vector<1x4xf32>
    %slice3A_182 = vector.extract_strided_slice %add3A_179 {offsets = [0, 0], sizes = [1, 124], strides = [1, 1]} : vector<1x128xf32> to vector<1x124xf32>
    %concatenate3A_183 = tpu.concatenate %broadcast_in_dim3A_181, %slice3A_182 in 1 : vector<1x4xf32>, vector<1x124xf32> -> vector<1x128xf32>
    %add3A_184 = arith.addf %add3A_179, %concatenate3A_183 : vector<1x128xf32>
    %broadcast_in_dim3A_185 = arith.constant 0.000000e+00 : f32
    %broadcast_in_dim3A_186 = vector.broadcast %broadcast_in_dim3A_185 : f32 to vector<1x8xf32>
    %slice3A_187 = vector.extract_strided_slice %add3A_184 {offsets = [0, 0], sizes = [1, 120], strides = [1, 1]} : vector<1x128xf32> to vector<1x120xf32>
    %concatenate3A_188 = tpu.concatenate %broadcast_in_dim3A_186, %slice3A_187 in 1 : vector<1x8xf32>, vector<1x120xf32> -> vector<1x128xf32>
    %add3A_189 = arith.addf %add3A_184, %concatenate3A_188 : vector<1x128xf32>
    %broadcast_in_dim3A_190 = arith.constant 0.000000e+00 : f32
    %broadcast_in_dim3A_191 = vector.broadcast %broadcast_in_dim3A_190 : f32 to vector<1x16xf32>
    %slice3A_192 = vector.extract_strided_slice %add3A_189 {offsets = [0, 0], sizes = [1, 112], strides = [1, 1]} : vector<1x128xf32> to vector<1x112xf32>
    %concatenate3A_193 = tpu.concatenate %broadcast_in_dim3A_191, %slice3A_192 in 1 : vector<1x16xf32>, vector<1x112xf32> -> vector<1x128xf32>
    %add3A_194 = arith.addf %add3A_189, %concatenate3A_193 : vector<1x128xf32>
    %broadcast_in_dim3A_195 = arith.constant 0.000000e+00 : f32
    %broadcast_in_dim3A_196 = vector.broadcast %broadcast_in_dim3A_195 : f32 to vector<1x32xf32>
    %slice3A_197 = vector.extract_strided_slice %add3A_194 {offsets = [0, 0], sizes = [1, 96], strides = [1, 1]} : vector<1x128xf32> to vector<1x96xf32>
    %concatenate3A_198 = tpu.concatenate %broadcast_in_dim3A_196, %slice3A_197 in 1 : vector<1x32xf32>, vector<1x96xf32> -> vector<1x128xf32>
    %add3A_199 = arith.addf %add3A_194, %concatenate3A_198 : vector<1x128xf32>
    %broadcast_in_dim3A_200 = arith.constant 0.000000e+00 : f32
    %broadcast_in_dim3A_201 = vector.broadcast %broadcast_in_dim3A_200 : f32 to vector<1x64xf32>
    %slice3A_202 = vector.extract_strided_slice %add3A_199 {offsets = [0, 0], sizes = [1, 64], strides = [1, 1]} : vector<1x128xf32> to vector<1x64xf32>
    %concatenate3A_203 = tpu.concatenate %broadcast_in_dim3A_201, %slice3A_202 in 1 : vector<1x64xf32>, vector<1x64xf32> -> vector<1x128xf32>
    %add3A_204 = arith.addf %add3A_199, %concatenate3A_203 : vector<1x128xf32>
    %sub3A_205 = arith.subf %add3A_204, %mul3A_169 : vector<1x128xf32>
    %add3A_206 = vector.broadcast %sub3A_205 : vector<1x128xf32> to vector<2048x128xf32>
    %add3A_207 = arith.addf %sub3A_101, %add3A_206 : vector<2048x128xf32>
    %mul3A_208 = arith.mulf %add3A_207, %convert_element_type3A_42 : vector<2048x128xf32>
    %reduce_sum3A_209 = arith.constant dense<0.000000e+00> : vector<2048xf32>
    %reduce_sum3A_210 = vector.multi_reduction <add>, %mul3A_208, %reduce_sum3A_209 [1] : vector<2048x128xf32> to vector<2048xf32>
    %broadcast_in_dim3A_211 = vector.shape_cast %reduce_sum3A_210 : vector<2048xf32> to vector<2048x1xf32>
    %add3A_212 = vector.broadcast %sub3A_205 : vector<1x128xf32> to vector<2048x128xf32>
    %add3A_213 = arith.addf %sub3A_157, %add3A_212 : vector<2048x128xf32>
    %add3A_214 = vector.broadcast %broadcast_in_dim3A_160 : vector<1x128xf32> to vector<2048x128xf32>
    %add3A_215 = arith.addf %add3A_213, %add3A_214 : vector<2048x128xf32>
    %mul3A_216 = arith.mulf %add3A_215, %convert_element_type3A_46 : vector<2048x128xf32>
    %reduce_sum3A_217 = arith.constant dense<0.000000e+00> : vector<2048xf32>
    %reduce_sum3A_218 = vector.multi_reduction <add>, %mul3A_216, %reduce_sum3A_217 [1] : vector<2048x128xf32> to vector<2048xf32>
    %broadcast_in_dim3A_219 = vector.shape_cast %reduce_sum3A_218 : vector<2048xf32> to vector<2048x1xf32>
    %convert_element_type3A_220 = arith.fptosi %broadcast_in_dim3A_211 : vector<2048x1xf32> to vector<2048x1xi32>
    %reshape3A = vector.shape_cast %convert_element_type3A_220 : vector<2048x1xi32> to vector<16x128xi32>
    %swap3A = arith.constant 0 : index
    %swap3A_221 = arith.constant 0 : index
    %swap3A_222 = vector.load %arg3[%swap3A, %swap3A_221] : memref<16x128xi32, #tpu.memory_space<vmem>>, vector<16x128xi32>
    tpu.vector_store %arg3[%swap3A, %swap3A_221], %reshape3A {strides = array<i32>} : memref<16x128xi32, #tpu.memory_space<vmem>>, vector<16x128xi32>,
    %convert_element_type3A_223 = arith.fptosi %broadcast_in_dim3A_219 : vector<2048x1xf32> to vector<2048x1xi32>
    %reshape3A_224 = vector.shape_cast %convert_element_type3A_223 : vector<2048x1xi32> to vector<16x128xi32>
    %swap3A_225 = arith.constant 0 : index
    %swap3A_226 = arith.constant 0 : index
    %swap3A_227 = vector.load %arg4[%swap3A_225, %swap3A_226] : memref<16x128xi32, #tpu.memory_space<vmem>>, vector<16x128xi32>
    tpu.vector_store %arg4[%swap3A_225, %swap3A_226], %reshape3A_224 {strides = array<i32>} : memref<16x128xi32, #tpu.memory_space<vmem>>, vector<16x128xi32>,
    %iota3A_228 = tpu.iota {dimensions = array<i32: 0>} : vector<40x128xi32>
    %mul3A_229 = arith.constant 128 : i32
    %mul3A_230 = vector.broadcast %mul3A_229 : i32 to vector<40x128xi32>
    %mul3A_231 = arith.muli %iota3A_228, %mul3A_230 : vector<40x128xi32>
    %convert_element_type3A_232 = arith.sitofp %mul3A_231 : vector<40x128xi32> to vector<40x128xf32>
    %ge3A = vector.broadcast %add3A_204 : vector<1x128xf32> to vector<40x128xf32>
    %ge3A_233 = arith.cmpf oge, %convert_element_type3A_232, %ge3A : vector<40x128xf32>
    %convert_element_type3A_234 = arith.extui %ge3A_233 : vector<40x128xi1> to vector<40x128xi32>
    %reduce_sum3A_235 = arith.constant dense<0> : vector<40xi32>
    %reduce_sum3A_236 = vector.multi_reduction <add>, %convert_element_type3A_234, %reduce_sum3A_235 [1] : vector<40x128xi32> to vector<40xi32>
    %broadcast_in_dim3A_237 = vector.shape_cast %reduce_sum3A_236 : vector<40xi32> to vector<40x1xi32>
    %gt3A = arith.constant 5.000000e-01 : f32
    %gt3A_238 = vector.broadcast %gt3A : f32 to vector<1x128xf32>
    %gt3A_239 = arith.cmpf ogt, %mul3A_169, %gt3A_238 : vector<1x128xf32>
    %iota3A_240 = tpu.iota {dimensions = array<i32: 1>} : vector<40x128xi32>
    %jit3A_241 = arith.constant 0 : i32
    %broadcast_in_dim3A_242 = vector.shape_cast %gt3A_239 : vector<1x128xi1> to vector<1x128xi1>
    %broadcast_in_dim3A_243 = vector.broadcast %broadcast_in_dim3A_242 : vector<1x128xi1> to vector<40x128xi1>
    %broadcast_in_dim3A_244 = vector.broadcast %jit3A_241 : i32 to vector<40x128xi32>
    %select_n3A_245 = arith.select %broadcast_in_dim3A_243, %iota3A_240, %broadcast_in_dim3A_244 : vector<40x128xi1>, vector<40x128xi32>
    %reduce_max3A_246 = arith.constant dense<-2147483648> : vector<40xi32>
    %reduce_max3A_247 = vector.multi_reduction <maxsi>, %select_n3A_245, %reduce_max3A_246 [1] : vector<40x128xi32> to vector<40xi32>
    %broadcast_in_dim3A_248 = vector.shape_cast %reduce_max3A_247 : vector<40xi32> to vector<40x1xi32>
    %min3A = arith.minsi %broadcast_in_dim3A_237, %broadcast_in_dim3A_248 : vector<40x1xi32>
    %swap3A_249 = arith.constant 0 : index
    %swap3A_250 = arith.constant 0 : index
    %swap3A_251 = vector.load %arg5[%swap3A_249, %swap3A_250] : memref<40x1xi32, #tpu.memory_space<vmem>>, vector<40x1xi32>
    tpu.vector_store %arg5[%swap3A_249, %swap3A_250], %min3A {strides = array<i32>} : memref<40x1xi32, #tpu.memory_space<vmem>>, vector<40x1xi32>,
    %broadcast_in_dim3A_252 = arith.constant -1 : i32
    %broadcast_in_dim3A_253 = vector.broadcast %broadcast_in_dim3A_252 : i32 to vector<1x1xi32>
    %slice3A_254 = vector.extract_strided_slice %min3A {offsets = [0, 0], sizes = [39, 1], strides = [1, 1]} : vector<40x1xi32> to vector<39x1xi32>
    %concatenate3A_255 = tpu.concatenate %broadcast_in_dim3A_253, %slice3A_254 in 0 : vector<1x1xi32>, vector<39x1xi32> -> vector<40x1xi32>
    %ne3A = arith.cmpi ne, %min3A, %concatenate3A_255 : vector<40x1xi32>
    %convert_element_type3A_256 = arith.extui %ne3A : vector<40x1xi1> to vector<40x1xi32>
    %broadcast_in_dim3A_257 = arith.constant 0 : i32
    %broadcast_in_dim3A_258 = vector.broadcast %broadcast_in_dim3A_257 : i32 to vector<1x1xi32>
    %slice3A_259 = vector.extract_strided_slice %convert_element_type3A_256 {offsets = [0, 0], sizes = [39, 1], strides = [1, 1]} : vector<40x1xi32> to vector<39x1xi32>
    %concatenate3A_260 = tpu.concatenate %broadcast_in_dim3A_258, %slice3A_259 in 0 : vector<1x1xi32>, vector<39x1xi32> -> vector<40x1xi32>
    %add3A_261 = arith.addi %convert_element_type3A_256, %concatenate3A_260 : vector<40x1xi32>
    %broadcast_in_dim3A_262 = arith.constant 0 : i32
    %broadcast_in_dim3A_263 = vector.broadcast %broadcast_in_dim3A_262 : i32 to vector<2x1xi32>
    %slice3A_264 = vector.extract_strided_slice %add3A_261 {offsets = [0, 0], sizes = [38, 1], strides = [1, 1]} : vector<40x1xi32> to vector<38x1xi32>
    %concatenate3A_265 = tpu.concatenate %broadcast_in_dim3A_263, %slice3A_264 in 0 : vector<2x1xi32>, vector<38x1xi32> -> vector<40x1xi32>
    %add3A_266 = arith.addi %add3A_261, %concatenate3A_265 : vector<40x1xi32>
    %broadcast_in_dim3A_267 = arith.constant 0 : i32
    %broadcast_in_dim3A_268 = vector.broadcast %broadcast_in_dim3A_267 : i32 to vector<4x1xi32>
    %slice3A_269 = vector.extract_strided_slice %add3A_266 {offsets = [0, 0], sizes = [36, 1], strides = [1, 1]} : vector<40x1xi32> to vector<36x1xi32>
    %concatenate3A_270 = tpu.concatenate %broadcast_in_dim3A_268, %slice3A_269 in 0 : vector<4x1xi32>, vector<36x1xi32> -> vector<40x1xi32>
    %add3A_271 = arith.addi %add3A_266, %concatenate3A_270 : vector<40x1xi32>
    %broadcast_in_dim3A_272 = arith.constant 0 : i32
    %broadcast_in_dim3A_273 = vector.broadcast %broadcast_in_dim3A_272 : i32 to vector<8x1xi32>
    %slice3A_274 = vector.extract_strided_slice %add3A_271 {offsets = [0, 0], sizes = [32, 1], strides = [1, 1]} : vector<40x1xi32> to vector<32x1xi32>
    %concatenate3A_275 = tpu.concatenate %broadcast_in_dim3A_273, %slice3A_274 in 0 : vector<8x1xi32>, vector<32x1xi32> -> vector<40x1xi32>
    %add3A_276 = arith.addi %add3A_271, %concatenate3A_275 : vector<40x1xi32>
    %broadcast_in_dim3A_277 = arith.constant 0 : i32
    %broadcast_in_dim3A_278 = vector.broadcast %broadcast_in_dim3A_277 : i32 to vector<16x1xi32>
    %slice3A_279 = vector.extract_strided_slice %add3A_276 {offsets = [0, 0], sizes = [24, 1], strides = [1, 1]} : vector<40x1xi32> to vector<24x1xi32>
    %concatenate3A_280 = tpu.concatenate %broadcast_in_dim3A_278, %slice3A_279 in 0 : vector<16x1xi32>, vector<24x1xi32> -> vector<40x1xi32>
    %add3A_281 = arith.addi %add3A_276, %concatenate3A_280 : vector<40x1xi32>
    %broadcast_in_dim3A_282 = arith.constant 0 : i32
    %broadcast_in_dim3A_283 = vector.broadcast %broadcast_in_dim3A_282 : i32 to vector<32x1xi32>
    %slice3A_284 = vector.extract_strided_slice %add3A_281 {offsets = [0, 0], sizes = [8, 1], strides = [1, 1]} : vector<40x1xi32> to vector<8x1xi32>
    %concatenate3A_285 = tpu.concatenate %broadcast_in_dim3A_283, %slice3A_284 in 0 : vector<32x1xi32>, vector<8x1xi32> -> vector<40x1xi32>
    %add3A_286 = arith.addi %add3A_281, %concatenate3A_285 : vector<40x1xi32>
    %sub3A_287 = arith.constant 1 : i32
    %sub3A_288 = vector.broadcast %sub3A_287 : i32 to vector<40x1xi32>
    %sub3A_289 = arith.subi %add3A_286, %sub3A_288 : vector<40x1xi32>
    %jit3A_290 = arith.constant 2 : i32
    %eq3A_291 = arith.constant 0 : i32
    %eq3A_292 = arith.cmpi eq, %jit3A_290, %eq3A_291 : i32
    %jit3A_293 = arith.constant 1 : i32
    %select_n3A_294 = arith.select %eq3A_292, %jit3A_293, %jit3A_290 : i32
    %rem3A = vector.broadcast %select_n3A_294 : i32 to vector<40x1xi32>
    %rem3A_295 = arith.remsi %sub3A_289, %rem3A : vector<40x1xi32>
    %ne3A_296 = arith.constant 0 : i32
    %ne3A_297 = vector.broadcast %ne3A_296 : i32 to vector<40x1xi32>
    %ne3A_298 = arith.cmpi ne, %rem3A_295, %ne3A_297 : vector<40x1xi32>
    %lt3A = arith.constant 0 : i32
    %lt3A_299 = vector.broadcast %lt3A : i32 to vector<40x1xi32>
    %lt3A_300 = arith.cmpi slt, %rem3A_295, %lt3A_299 : vector<40x1xi32>
    %lt3A_301 = arith.constant 0 : i32
    %lt3A_302 = arith.cmpi slt, %select_n3A_294, %lt3A_301 : i32
    %ne3A_303 = vector.broadcast %lt3A_302 : i1 to vector<40x1xi1>
    %ne3A_304 = vector.broadcast %ne3A_303 : vector<40x1xi1> to vector<40x1xi1>
    %ne3A_305 = arith.xori %lt3A_300, %ne3A_304 : vector<40x1xi1>
    %and3A = arith.andi %ne3A_305, %ne3A_298 : vector<40x1xi1>
    %add3A_306 = vector.broadcast %select_n3A_294 : i32 to vector<40x1xi32>
    %add3A_307 = arith.addi %rem3A_295, %add3A_306 : vector<40x1xi32>
    %select_n3A_308 = arith.select %and3A, %add3A_307, %rem3A_295 : vector<40x1xi1>, vector<40x1xi32>
    %gt3A_309 = vector.broadcast %min3A : vector<40x1xi32> to vector<40x128xi32>
    %gt3A_310 = arith.cmpi sgt, %iota3A_240, %gt3A_309 : vector<40x128xi32>
    %and3A_311 = vector.broadcast %gt3A_239 : vector<1x128xi1> to vector<40x128xi1>
    %and3A_312 = arith.andi %gt3A_310, %and3A_311 : vector<40x128xi1>
    %jit3A_313 = arith.constant 128 : i32
    %broadcast_in_dim3A_314 = vector.broadcast %jit3A_313 : i32 to vector<40x128xi32>
    %select_n3A_315 = arith.select %and3A_312, %iota3A_240, %broadcast_in_dim3A_314 : vector<40x128xi1>, vector<40x128xi32>
    %reduce_min3A_316 = arith.constant dense<2147483647> : vector<40xi32>
    %reduce_min3A_317 = vector.multi_reduction <minsi>, %select_n3A_315, %reduce_min3A_316 [1] : vector<40x128xi32> to vector<40xi32>
    %broadcast_in_dim3A_318 = vector.shape_cast %reduce_min3A_317 : vector<40xi32> to vector<40x1xi32>
    %eq3A_319 = arith.constant 1 : i32
    %eq3A_320 = vector.broadcast %eq3A_319 : i32 to vector<40x1xi32>
    %eq3A_321 = arith.cmpi eq, %convert_element_type3A_256, %eq3A_320 : vector<40x1xi32>
    %lt3A_322 = arith.constant 8 : i32
    %lt3A_323 = vector.broadcast %lt3A_322 : i32 to vector<40x1xi32>
    %lt3A_324 = arith.cmpi slt, %broadcast_in_dim3A_318, %lt3A_323 : vector<40x1xi32>
    %and3A_325 = arith.andi %eq3A_321, %lt3A_324 : vector<40x1xi1>
    %convert_element_type3A_326 = arith.extui %and3A_325 : vector<40x1xi1> to vector<40x1xi32>
    %swap3A_327 = arith.constant 0 : index
    %swap3A_328 = arith.constant 0 : index
    %swap3A_329 = vector.load %arg6[%swap3A_327, %swap3A_328] : memref<40x1xi32, #tpu.memory_space<vmem>>, vector<40x1xi32>
    tpu.vector_store %arg6[%swap3A_327, %swap3A_328], %convert_element_type3A_256 {strides = array<i32>} : memref<40x1xi32, #tpu.memory_space<vmem>>, vector<40x1xi32>,
    %swap3A_330 = arith.constant 0 : index
    %swap3A_331 = arith.constant 0 : index
    %swap3A_332 = vector.load %arg7[%swap3A_330, %swap3A_331] : memref<40x1xi32, #tpu.memory_space<vmem>>, vector<40x1xi32>
    tpu.vector_store %arg7[%swap3A_330, %swap3A_331], %select_n3A_308 {strides = array<i32>} : memref<40x1xi32, #tpu.memory_space<vmem>>, vector<40x1xi32>,
    %min3A_333 = arith.constant 7 : i32
    %min3A_334 = vector.broadcast %min3A_333 : i32 to vector<40x1xi32>
    %min3A_335 = arith.minsi %broadcast_in_dim3A_318, %min3A_334 : vector<40x1xi32>
    %swap3A_336 = arith.constant 0 : index
    %swap3A_337 = arith.constant 0 : index
    %swap3A_338 = vector.load %arg8[%swap3A_336, %swap3A_337] : memref<40x1xi32, #tpu.memory_space<vmem>>, vector<40x1xi32>
    tpu.vector_store %arg8[%swap3A_336, %swap3A_337], %min3A_335 {strides = array<i32>} : memref<40x1xi32, #tpu.memory_space<vmem>>, vector<40x1xi32>,
    %swap3A_339 = arith.constant 0 : index
    %swap3A_340 = arith.constant 0 : index
    %swap3A_341 = vector.load %arg9[%swap3A_339, %swap3A_340] : memref<40x1xi32, #tpu.memory_space<vmem>>, vector<40x1xi32>
    tpu.vector_store %arg9[%swap3A_339, %swap3A_340], %convert_element_type3A_326 {strides = array<i32>} : memref<40x1xi32, #tpu.memory_space<vmem>>, vector<40x1xi32>,
    return
  }
}

module attributes {stable_mosaic.version = 14 : i64} {
  func.func @_mm_body(%arg0: i32, %arg1: memref<40x1xi32, #tpu.memory_space<smem>>, %arg2: memref<40x1xi32, #tpu.memory_space<smem>>, %arg3: memref<40x1xi32, #tpu.memory_space<smem>>, %arg4: memref<40x1xi32, #tpu.memory_space<smem>>, %arg5: memref<40x1xi32, #tpu.memory_space<smem>>, %arg6: memref<640x1024xf32, #tpu.memory_space<vmem>>, %arg7: memref<8x1024x1024xf32, #tpu.memory_space<any>>, %arg8: memref<640x1024xf32, #tpu.memory_space<vmem>>, %arg9: memref<2x1024x1024xf32, #tpu.memory_space<vmem>>, %arg10: memref<2x!tpu.dma_semaphore, #tpu.memory_space<semaphore_mem>>) attributes {dimension_semantics = [#tpu.dimension_semantics<arbitrary>], iteration_bounds = array<i64: 8>, scalar_prefetch = 5 : i64, scratch_operands = 2 : i64, tpu.core_type = #tpu.core_type<tc>, window_params = [{transform_indices = @transform_0, window_bounds = array<i64: 640, 1024>}, {}, {transform_indices = @transform_2, window_bounds = array<i64: 640, 1024>}]} {
    %mul3A = arith.constant 5 : i32
    %mul3A_0 = arith.muli %arg0, %mul3A : i32
    %add3A = arith.constant 1 : i32
    %add3A_1 = arith.addi %arg0, %add3A : i32
    %mul3A_2 = arith.constant 5 : i32
    %mul3A_3 = arith.muli %add3A_1, %mul3A_2 : i32
    %while3A = arith.constant 0 : i32
    %while3A_4 = arith.subi %mul3A_3, %mul3A_0 : i32
    %while3A_5 = arith.addi %mul3A_0, %while3A_4 : i32
    %while3A_6 = arith.constant 1 : i32
    %while3A_7 = arith.divsi %while3A_4, %while3A_6 : i32
    %while3A_8 = arith.muli %while3A_7, %while3A_6 : i32
    %while3A_9 = arith.addi %mul3A_0, %while3A_8 : i32
    %while3A_10 = arith.constant 1 : i32
    scf.for %while3A_12 = %mul3A_0 to %while3A_9 step %while3A_10  : i32 {
      %get3A = arith.index_cast %while3A_12 : i32 to index
      %get3A_13 = arith.constant 0 : index
      %get3A_14 = memref.load %arg1[%get3A, %get3A_13] : memref<40x1xi32, #tpu.memory_space<smem>>
      %get3A_15 = arith.index_cast %while3A_12 : i32 to index
      %get3A_16 = arith.constant 0 : index
      %get3A_17 = memref.load %arg3[%get3A_15, %get3A_16] : memref<40x1xi32, #tpu.memory_space<smem>>
      %get3A_18 = arith.index_cast %while3A_12 : i32 to index
      %get3A_19 = arith.constant 0 : index
      %get3A_20 = memref.load %arg2[%get3A_18, %get3A_19] : memref<40x1xi32, #tpu.memory_space<smem>>
      %eq3A = arith.constant 1 : i32
      %eq3A_21 = arith.cmpi eq, %get3A_20, %eq3A : i32
      %convert_element_type3A = arith.extui %eq3A_21 : i1 to i32
      %cond3A = arith.constant 0 : i32
      %cond3A_22 = arith.cmpi ne, %convert_element_type3A, %cond3A : i32
      scf.if %cond3A_22 {
        %eq3A_50 = arith.constant 0 : i32
        %eq3A_51 = arith.cmpi eq, %while3A_12, %eq3A_50 : i32
        %convert_element_type3A_52 = arith.extui %eq3A_51 : i1 to i32
        %cond3A_53 = arith.constant 0 : i32
        %cond3A_54 = arith.cmpi ne, %convert_element_type3A_52, %cond3A_53 : i32
        scf.if %cond3A_54 {
          %dma_start3A = tpu.memref_slice %arg10[%get3A_17] : memref<2x!tpu.dma_semaphore, #tpu.memory_space<semaphore_mem>> -> memref<1x!tpu.dma_semaphore, #tpu.memory_space<semaphore_mem>>
          %dma_start3A_72 = tpu.memref_squeeze %dma_start3A : memref<1x!tpu.dma_semaphore, #tpu.memory_space<semaphore_mem>> -> memref<!tpu.dma_semaphore, #tpu.memory_space<semaphore_mem>>
          %dma_start3A_73 = arith.constant 0 : i32
          %dma_start3A_74 = arith.constant 0 : i32
          %dma_start3A_75 = tpu.memref_slice %arg9[%get3A_17, %dma_start3A_73, %dma_start3A_74] : memref<2x1024x1024xf32, #tpu.memory_space<vmem>> -> memref<1x1024x1024xf32, #tpu.memory_space<vmem>>
          %dma_start3A_76 = tpu.memref_squeeze %dma_start3A_75 : memref<1x1024x1024xf32, #tpu.memory_space<vmem>> -> memref<1024x1024xf32, #tpu.memory_space<vmem>>
          %dma_start3A_77 = arith.constant 0 : i32
          %dma_start3A_78 = arith.constant 0 : i32
          %dma_start3A_79 = tpu.memref_slice %arg7[%get3A_14, %dma_start3A_77, %dma_start3A_78] : memref<8x1024x1024xf32, #tpu.memory_space<any>> -> memref<1x1024x1024xf32, #tpu.memory_space<any>>
          %dma_start3A_80 = tpu.memref_squeeze %dma_start3A_79 : memref<1x1024x1024xf32, #tpu.memory_space<any>> -> memref<1024x1024xf32, #tpu.memory_space<any>>
          tpu.enqueue_dma source(%dma_start3A_80 : memref<1024x1024xf32, #tpu.memory_space<any>>) target(%dma_start3A_76 : memref<1024x1024xf32, #tpu.memory_space<vmem>>) target_semaphore(%dma_start3A_72 : memref<!tpu.dma_semaphore, #tpu.memory_space<semaphore_mem>>)
        } else {
        }
        %dma_wait3A = tpu.memref_slice %arg10[%get3A_17] : memref<2x!tpu.dma_semaphore, #tpu.memory_space<semaphore_mem>> -> memref<1x!tpu.dma_semaphore, #tpu.memory_space<semaphore_mem>>
        %dma_wait3A_55 = tpu.memref_squeeze %dma_wait3A : memref<1x!tpu.dma_semaphore, #tpu.memory_space<semaphore_mem>> -> memref<!tpu.dma_semaphore, #tpu.memory_space<semaphore_mem>>
        %dma_wait3A_56 = arith.constant 0 : i32
        %dma_wait3A_57 = arith.constant 0 : i32
        %dma_wait3A_58 = tpu.memref_slice %arg9[%get3A_17, %dma_wait3A_56, %dma_wait3A_57] : memref<2x1024x1024xf32, #tpu.memory_space<vmem>> -> memref<1x1024x1024xf32, #tpu.memory_space<vmem>>
        %dma_wait3A_59 = tpu.memref_squeeze %dma_wait3A_58 : memref<1x1024x1024xf32, #tpu.memory_space<vmem>> -> memref<1024x1024xf32, #tpu.memory_space<vmem>>
        %dma_wait3A_60 = arith.constant 0 : i32
        %dma_wait3A_61 = arith.constant 0 : i32
        %dma_wait3A_62 = tpu.memref_slice %arg7[%get3A_14, %dma_wait3A_60, %dma_wait3A_61] : memref<8x1024x1024xf32, #tpu.memory_space<any>> -> memref<1x1024x1024xf32, #tpu.memory_space<any>>
        %dma_wait3A_63 = tpu.memref_squeeze %dma_wait3A_62 : memref<1x1024x1024xf32, #tpu.memory_space<any>> -> memref<1024x1024xf32, #tpu.memory_space<any>>
        tpu.wait_dma2 semaphore(%dma_wait3A_55 : memref<!tpu.dma_semaphore, #tpu.memory_space<semaphore_mem>>) src(%dma_wait3A_63 : memref<1024x1024xf32, #tpu.memory_space<any>>) dst(%dma_wait3A_59 : memref<1024x1024xf32, #tpu.memory_space<vmem>>)
        %get3A_64 = arith.index_cast %while3A_12 : i32 to index
        %get3A_65 = arith.constant 0 : index
        %get3A_66 = memref.load %arg5[%get3A_64, %get3A_65] : memref<40x1xi32, #tpu.memory_space<smem>>
        %eq3A_67 = arith.constant 1 : i32
        %eq3A_68 = arith.cmpi eq, %get3A_66, %eq3A_67 : i32
        %convert_element_type3A_69 = arith.extui %eq3A_68 : i1 to i32
        %cond3A_70 = arith.constant 0 : i32
        %cond3A_71 = arith.cmpi ne, %convert_element_type3A_69, %cond3A_70 : i32
        scf.if %cond3A_71 {
          %get3A_72 = arith.index_cast %while3A_12 : i32 to index
          %get3A_73 = arith.constant 0 : index
          %get3A_74 = memref.load %arg4[%get3A_72, %get3A_73] : memref<40x1xi32, #tpu.memory_space<smem>>
          %sub3A = arith.constant 1 : i32
          %sub3A_75 = arith.subi %sub3A, %get3A_17 : i32
          %dma_start3A = tpu.memref_slice %arg10[%sub3A_75] : memref<2x!tpu.dma_semaphore, #tpu.memory_space<semaphore_mem>> -> memref<1x!tpu.dma_semaphore, #tpu.memory_space<semaphore_mem>>
          %dma_start3A_76 = tpu.memref_squeeze %dma_start3A : memref<1x!tpu.dma_semaphore, #tpu.memory_space<semaphore_mem>> -> memref<!tpu.dma_semaphore, #tpu.memory_space<semaphore_mem>>
          %dma_start3A_77 = arith.constant 0 : i32
          %dma_start3A_78 = arith.constant 0 : i32
          %dma_start3A_79 = tpu.memref_slice %arg9[%sub3A_75, %dma_start3A_77, %dma_start3A_78] : memref<2x1024x1024xf32, #tpu.memory_space<vmem>> -> memref<1x1024x1024xf32, #tpu.memory_space<vmem>>
          %dma_start3A_80 = tpu.memref_squeeze %dma_start3A_79 : memref<1x1024x1024xf32, #tpu.memory_space<vmem>> -> memref<1024x1024xf32, #tpu.memory_space<vmem>>
          %dma_start3A_81 = arith.constant 0 : i32
          %dma_start3A_82 = arith.constant 0 : i32
          %dma_start3A_83 = tpu.memref_slice %arg7[%get3A_74, %dma_start3A_81, %dma_start3A_82] : memref<8x1024x1024xf32, #tpu.memory_space<any>> -> memref<1x1024x1024xf32, #tpu.memory_space<any>>
          %dma_start3A_84 = tpu.memref_squeeze %dma_start3A_83 : memref<1x1024x1024xf32, #tpu.memory_space<any>> -> memref<1024x1024xf32, #tpu.memory_space<any>>
          tpu.enqueue_dma source(%dma_start3A_84 : memref<1024x1024xf32, #tpu.memory_space<any>>) target(%dma_start3A_80 : memref<1024x1024xf32, #tpu.memory_space<vmem>>) target_semaphore(%dma_start3A_76 : memref<!tpu.dma_semaphore, #tpu.memory_space<semaphore_mem>>)
        } else {
        }
      } else {
      }
      %get3A_23 = arith.index_cast %get3A_17 : i32 to index
      %get3A_24 = arith.constant 0 : index
      %get3A_25 = arith.constant 0 : index
      %get3A_26 = vector.load %arg9[%get3A_23, %get3A_24, %get3A_25] : memref<2x1024x1024xf32, #tpu.memory_space<vmem>>, vector<1x1024x1024xf32>
      %get3A_27 = vector.shape_cast %get3A_26 : vector<1x1024x1024xf32> to vector<1024x1024xf32>
      %convert_element_type3A_28 = arith.truncf %get3A_27 : vector<1024x1024xf32> to vector<1024x1024xbf16>
      %jit3A = arith.constant 5 : i32
      %eq3A_29 = arith.constant 0 : i32
      %eq3A_30 = arith.cmpi eq, %jit3A, %eq3A_29 : i32
      %jit3A_31 = arith.constant 1 : i32
      %select_n3A = arith.select %eq3A_30, %jit3A_31, %jit3A : i32
      %rem3A = arith.remsi %while3A_12, %select_n3A : i32
      %ne3A = arith.constant 0 : i32
      %ne3A_32 = arith.cmpi ne, %rem3A, %ne3A : i32
      %lt3A = arith.constant 0 : i32
      %lt3A_33 = arith.cmpi slt, %rem3A, %lt3A : i32
      %lt3A_34 = arith.constant 0 : i32
      %lt3A_35 = arith.cmpi slt, %select_n3A, %lt3A_34 : i32
      %ne3A_36 = arith.xori %lt3A_33, %lt3A_35 : i1
      %and3A = arith.andi %ne3A_36, %ne3A_32 : i1
      %add3A_37 = arith.addi %rem3A, %select_n3A : i32
      %select_n3A_38 = arith.select %and3A, %add3A_37, %rem3A : i32
      %mul3A_39 = arith.constant 128 : i32
      %mul3A_40 = arith.muli %select_n3A_38, %mul3A_39 : i32
      %get3A_41 = arith.index_cast %mul3A_40 : i32 to index
      %get3A_42 = arith.constant 0 : index
      %get3A_43 = vector.load %arg6[%get3A_41, %get3A_42] : memref<640x1024xf32, #tpu.memory_space<vmem>>, vector<128x1024xf32>
      %convert_element_type3A_44 = arith.truncf %get3A_43 : vector<128x1024xf32> to vector<128x1024xbf16>
      %dot_general3A = arith.constant dense<0.000000e+00> : vector<128x1024xf32>
      %dot_general3A_45 = tpu.matmul %convert_element_type3A_44, %convert_element_type3A_28, %dot_general3A {dimension_numbers = #tpu.dot_dimension_numbers<[1], [0], [0], [1], [0, 0, 1, 1], [], []>, transpose_lhs_hint = false} : vector<128x1024xbf16>, vector<1024x1024xbf16>, vector<128x1024xf32> -> vector<128x1024xf32>
      %mul3A_46 = arith.constant 128 : i32
      %mul3A_47 = arith.muli %select_n3A_38, %mul3A_46 : i32
      %swap3A = arith.index_cast %mul3A_47 : i32 to index
      %swap3A_48 = arith.constant 0 : index
      %swap3A_49 = vector.load %arg8[%swap3A, %swap3A_48] : memref<640x1024xf32, #tpu.memory_space<vmem>>, vector<128x1024xf32>
      tpu.vector_store %arg8[%swap3A, %swap3A_48], %dot_general3A_45 {strides = array<i32>} : memref<640x1024xf32, #tpu.memory_space<vmem>>, vector<128x1024xf32>,
    }
    %while3A_11 = arith.constant 1 : i32
    scf.for %while3A_12 = %while3A_9 to %while3A_5 step %while3A_11  : i32 {
      %get3A = arith.index_cast %while3A_12 : i32 to index
      %get3A_13 = arith.constant 0 : index
      %get3A_14 = memref.load %arg1[%get3A, %get3A_13] : memref<40x1xi32, #tpu.memory_space<smem>>
      %get3A_15 = arith.index_cast %while3A_12 : i32 to index
      %get3A_16 = arith.constant 0 : index
      %get3A_17 = memref.load %arg3[%get3A_15, %get3A_16] : memref<40x1xi32, #tpu.memory_space<smem>>
      %get3A_18 = arith.index_cast %while3A_12 : i32 to index
      %get3A_19 = arith.constant 0 : index
      %get3A_20 = memref.load %arg2[%get3A_18, %get3A_19] : memref<40x1xi32, #tpu.memory_space<smem>>
      %eq3A = arith.constant 1 : i32
      %eq3A_21 = arith.cmpi eq, %get3A_20, %eq3A : i32
      %convert_element_type3A = arith.extui %eq3A_21 : i1 to i32
      %cond3A = arith.constant 0 : i32
      %cond3A_22 = arith.cmpi ne, %convert_element_type3A, %cond3A : i32
      scf.if %cond3A_22 {
        %eq3A_50 = arith.constant 0 : i32
        %eq3A_51 = arith.cmpi eq, %while3A_12, %eq3A_50 : i32
        %convert_element_type3A_52 = arith.extui %eq3A_51 : i1 to i32
        %cond3A_53 = arith.constant 0 : i32
        %cond3A_54 = arith.cmpi ne, %convert_element_type3A_52, %cond3A_53 : i32
        scf.if %cond3A_54 {
          %dma_start3A = tpu.memref_slice %arg10[%get3A_17] : memref<2x!tpu.dma_semaphore, #tpu.memory_space<semaphore_mem>> -> memref<1x!tpu.dma_semaphore, #tpu.memory_space<semaphore_mem>>
          %dma_start3A_72 = tpu.memref_squeeze %dma_start3A : memref<1x!tpu.dma_semaphore, #tpu.memory_space<semaphore_mem>> -> memref<!tpu.dma_semaphore, #tpu.memory_space<semaphore_mem>>
          %dma_start3A_73 = arith.constant 0 : i32
          %dma_start3A_74 = arith.constant 0 : i32
          %dma_start3A_75 = tpu.memref_slice %arg9[%get3A_17, %dma_start3A_73, %dma_start3A_74] : memref<2x1024x1024xf32, #tpu.memory_space<vmem>> -> memref<1x1024x1024xf32, #tpu.memory_space<vmem>>
          %dma_start3A_76 = tpu.memref_squeeze %dma_start3A_75 : memref<1x1024x1024xf32, #tpu.memory_space<vmem>> -> memref<1024x1024xf32, #tpu.memory_space<vmem>>
          %dma_start3A_77 = arith.constant 0 : i32
          %dma_start3A_78 = arith.constant 0 : i32
          %dma_start3A_79 = tpu.memref_slice %arg7[%get3A_14, %dma_start3A_77, %dma_start3A_78] : memref<8x1024x1024xf32, #tpu.memory_space<any>> -> memref<1x1024x1024xf32, #tpu.memory_space<any>>
          %dma_start3A_80 = tpu.memref_squeeze %dma_start3A_79 : memref<1x1024x1024xf32, #tpu.memory_space<any>> -> memref<1024x1024xf32, #tpu.memory_space<any>>
          tpu.enqueue_dma source(%dma_start3A_80 : memref<1024x1024xf32, #tpu.memory_space<any>>) target(%dma_start3A_76 : memref<1024x1024xf32, #tpu.memory_space<vmem>>) target_semaphore(%dma_start3A_72 : memref<!tpu.dma_semaphore, #tpu.memory_space<semaphore_mem>>)
        } else {
        }
        %dma_wait3A = tpu.memref_slice %arg10[%get3A_17] : memref<2x!tpu.dma_semaphore, #tpu.memory_space<semaphore_mem>> -> memref<1x!tpu.dma_semaphore, #tpu.memory_space<semaphore_mem>>
        %dma_wait3A_55 = tpu.memref_squeeze %dma_wait3A : memref<1x!tpu.dma_semaphore, #tpu.memory_space<semaphore_mem>> -> memref<!tpu.dma_semaphore, #tpu.memory_space<semaphore_mem>>
        %dma_wait3A_56 = arith.constant 0 : i32
        %dma_wait3A_57 = arith.constant 0 : i32
        %dma_wait3A_58 = tpu.memref_slice %arg9[%get3A_17, %dma_wait3A_56, %dma_wait3A_57] : memref<2x1024x1024xf32, #tpu.memory_space<vmem>> -> memref<1x1024x1024xf32, #tpu.memory_space<vmem>>
        %dma_wait3A_59 = tpu.memref_squeeze %dma_wait3A_58 : memref<1x1024x1024xf32, #tpu.memory_space<vmem>> -> memref<1024x1024xf32, #tpu.memory_space<vmem>>
        %dma_wait3A_60 = arith.constant 0 : i32
        %dma_wait3A_61 = arith.constant 0 : i32
        %dma_wait3A_62 = tpu.memref_slice %arg7[%get3A_14, %dma_wait3A_60, %dma_wait3A_61] : memref<8x1024x1024xf32, #tpu.memory_space<any>> -> memref<1x1024x1024xf32, #tpu.memory_space<any>>
        %dma_wait3A_63 = tpu.memref_squeeze %dma_wait3A_62 : memref<1x1024x1024xf32, #tpu.memory_space<any>> -> memref<1024x1024xf32, #tpu.memory_space<any>>
        tpu.wait_dma2 semaphore(%dma_wait3A_55 : memref<!tpu.dma_semaphore, #tpu.memory_space<semaphore_mem>>) src(%dma_wait3A_63 : memref<1024x1024xf32, #tpu.memory_space<any>>) dst(%dma_wait3A_59 : memref<1024x1024xf32, #tpu.memory_space<vmem>>)
        %get3A_64 = arith.index_cast %while3A_12 : i32 to index
        %get3A_65 = arith.constant 0 : index
        %get3A_66 = memref.load %arg5[%get3A_64, %get3A_65] : memref<40x1xi32, #tpu.memory_space<smem>>
        %eq3A_67 = arith.constant 1 : i32
        %eq3A_68 = arith.cmpi eq, %get3A_66, %eq3A_67 : i32
        %convert_element_type3A_69 = arith.extui %eq3A_68 : i1 to i32
        %cond3A_70 = arith.constant 0 : i32
        %cond3A_71 = arith.cmpi ne, %convert_element_type3A_69, %cond3A_70 : i32
        scf.if %cond3A_71 {
          %get3A_72 = arith.index_cast %while3A_12 : i32 to index
          %get3A_73 = arith.constant 0 : index
          %get3A_74 = memref.load %arg4[%get3A_72, %get3A_73] : memref<40x1xi32, #tpu.memory_space<smem>>
          %sub3A = arith.constant 1 : i32
          %sub3A_75 = arith.subi %sub3A, %get3A_17 : i32
          %dma_start3A = tpu.memref_slice %arg10[%sub3A_75] : memref<2x!tpu.dma_semaphore, #tpu.memory_space<semaphore_mem>> -> memref<1x!tpu.dma_semaphore, #tpu.memory_space<semaphore_mem>>
          %dma_start3A_76 = tpu.memref_squeeze %dma_start3A : memref<1x!tpu.dma_semaphore, #tpu.memory_space<semaphore_mem>> -> memref<!tpu.dma_semaphore, #tpu.memory_space<semaphore_mem>>
          %dma_start3A_77 = arith.constant 0 : i32
          %dma_start3A_78 = arith.constant 0 : i32
          %dma_start3A_79 = tpu.memref_slice %arg9[%sub3A_75, %dma_start3A_77, %dma_start3A_78] : memref<2x1024x1024xf32, #tpu.memory_space<vmem>> -> memref<1x1024x1024xf32, #tpu.memory_space<vmem>>
          %dma_start3A_80 = tpu.memref_squeeze %dma_start3A_79 : memref<1x1024x1024xf32, #tpu.memory_space<vmem>> -> memref<1024x1024xf32, #tpu.memory_space<vmem>>
          %dma_start3A_81 = arith.constant 0 : i32
          %dma_start3A_82 = arith.constant 0 : i32
          %dma_start3A_83 = tpu.memref_slice %arg7[%get3A_74, %dma_start3A_81, %dma_start3A_82] : memref<8x1024x1024xf32, #tpu.memory_space<any>> -> memref<1x1024x1024xf32, #tpu.memory_space<any>>
          %dma_start3A_84 = tpu.memref_squeeze %dma_start3A_83 : memref<1x1024x1024xf32, #tpu.memory_space<any>> -> memref<1024x1024xf32, #tpu.memory_space<any>>
          tpu.enqueue_dma source(%dma_start3A_84 : memref<1024x1024xf32, #tpu.memory_space<any>>) target(%dma_start3A_80 : memref<1024x1024xf32, #tpu.memory_space<vmem>>) target_semaphore(%dma_start3A_76 : memref<!tpu.dma_semaphore, #tpu.memory_space<semaphore_mem>>)
        } else {
        }
      } else {
      }
      %get3A_23 = arith.index_cast %get3A_17 : i32 to index
      %get3A_24 = arith.constant 0 : index
      %get3A_25 = arith.constant 0 : index
      %get3A_26 = vector.load %arg9[%get3A_23, %get3A_24, %get3A_25] : memref<2x1024x1024xf32, #tpu.memory_space<vmem>>, vector<1x1024x1024xf32>
      %get3A_27 = vector.shape_cast %get3A_26 : vector<1x1024x1024xf32> to vector<1024x1024xf32>
      %convert_element_type3A_28 = arith.truncf %get3A_27 : vector<1024x1024xf32> to vector<1024x1024xbf16>
      %jit3A = arith.constant 5 : i32
      %eq3A_29 = arith.constant 0 : i32
      %eq3A_30 = arith.cmpi eq, %jit3A, %eq3A_29 : i32
      %jit3A_31 = arith.constant 1 : i32
      %select_n3A = arith.select %eq3A_30, %jit3A_31, %jit3A : i32
      %rem3A = arith.remsi %while3A_12, %select_n3A : i32
      %ne3A = arith.constant 0 : i32
      %ne3A_32 = arith.cmpi ne, %rem3A, %ne3A : i32
      %lt3A = arith.constant 0 : i32
      %lt3A_33 = arith.cmpi slt, %rem3A, %lt3A : i32
      %lt3A_34 = arith.constant 0 : i32
      %lt3A_35 = arith.cmpi slt, %select_n3A, %lt3A_34 : i32
      %ne3A_36 = arith.xori %lt3A_33, %lt3A_35 : i1
      %and3A = arith.andi %ne3A_36, %ne3A_32 : i1
      %add3A_37 = arith.addi %rem3A, %select_n3A : i32
      %select_n3A_38 = arith.select %and3A, %add3A_37, %rem3A : i32
      %mul3A_39 = arith.constant 128 : i32
      %mul3A_40 = arith.muli %select_n3A_38, %mul3A_39 : i32
      %get3A_41 = arith.index_cast %mul3A_40 : i32 to index
      %get3A_42 = arith.constant 0 : index
      %get3A_43 = vector.load %arg6[%get3A_41, %get3A_42] : memref<640x1024xf32, #tpu.memory_space<vmem>>, vector<128x1024xf32>
      %convert_element_type3A_44 = arith.truncf %get3A_43 : vector<128x1024xf32> to vector<128x1024xbf16>
      %dot_general3A = arith.constant dense<0.000000e+00> : vector<128x1024xf32>
      %dot_general3A_45 = tpu.matmul %convert_element_type3A_44, %convert_element_type3A_28, %dot_general3A {dimension_numbers = #tpu.dot_dimension_numbers<[1], [0], [0], [1], [0, 0, 1, 1], [], []>, transpose_lhs_hint = false} : vector<128x1024xbf16>, vector<1024x1024xbf16>, vector<128x1024xf32> -> vector<128x1024xf32>
      %mul3A_46 = arith.constant 128 : i32
      %mul3A_47 = arith.muli %select_n3A_38, %mul3A_46 : i32
      %swap3A = arith.index_cast %mul3A_47 : i32 to index
      %swap3A_48 = arith.constant 0 : index
      %swap3A_49 = vector.load %arg8[%swap3A, %swap3A_48] : memref<640x1024xf32, #tpu.memory_space<vmem>>, vector<128x1024xf32>
      tpu.vector_store %arg8[%swap3A, %swap3A_48], %dot_general3A_45 {strides = array<i32>} : memref<640x1024xf32, #tpu.memory_space<vmem>>, vector<128x1024xf32>,
    }
    return
  }
  func.func @transform_0(%arg0: i32, %arg1: memref<40x1xi32, #tpu.memory_space<smem>>, %arg2: memref<40x1xi32, #tpu.memory_space<smem>>, %arg3: memref<40x1xi32, #tpu.memory_space<smem>>, %arg4: memref<40x1xi32, #tpu.memory_space<smem>>, %arg5: memref<40x1xi32, #tpu.memory_space<smem>>) -> (i32, i32) {
    %c0_i32 = arith.constant 0 : i32
    %c0_i32_0 = arith.constant 0 : i32
    return %arg0, %c0_i32 : i32, i32
  }
  func.func @transform_2(%arg0: i32, %arg1: memref<40x1xi32, #tpu.memory_space<smem>>, %arg2: memref<40x1xi32, #tpu.memory_space<smem>>, %arg3: memref<40x1xi32, #tpu.memory_space<smem>>, %arg4: memref<40x1xi32, #tpu.memory_space<smem>>, %arg5: memref<40x1xi32, #tpu.memory_space<smem>>) -> (i32, i32) {
    %c0_i32 = arith.constant 0 : i32
    %c0_i32_0 = arith.constant 0 : i32
    return %arg0, %c0_i32 : i32, i32
  }
}

</mosaic_0001>

<sc_bundles>
// kernel: kernel.6.cloned.1.call-start
scs
__scs_entry_jumppad:
0x0: {  	(pc) =	sbr.rel $0x88, $3  }
0x1: {  	(tag) =	ssettag $0x0;
	lr =	simm.s32 $0x1  }
0x2: {  	[smem:$0x3F9D] =	sst lr;
	_ =	strace $0xD0000000  }
0x3: {  	_ = 	snop  }
0x4: {  	_ = 	snop  }
0x5: {  	_ = 	snop  }
0x6: {  	_ = 	snop  }
0x7: {  	_ = 	snop  }
__scs_overlays_trampoline_lowered:
0x8: {  	[smem:$0x3FAC] =	sst s0  }
0x9: {  	[smem:$0x3FAD] =	sst s1  }
0xa: {  	[smem:$0x3FAE] =	sst s2  }
0xb: {  	[smem:$0x3FAF] =	sst s3  }
0xc: {  	[smem:$0x3FB0] =	sst s4  }
0xd: {  	[smem:$0x3FB1] =	sst s5  }
0xe: {  	[smem:$0x3FB2] =	sst s6  }
0xf: {  	[smem:$0x3FB3] =	sst s7  }
0x10: {  	[smem:$0x3FB4] =	sst s8  }
0x11: {  	[smem:$0x3FB5] =	sst s9;
	s0 =	simm.s32 @!p0 $0x0  }
0x12: {  	s1 =	sld [smem:$0x3F9B];
	s0 =	simm.s32 @p0 $0x1  }
0x13: {  	[smem:$0x3FB6] =	sst s0;
	s0 =	simm.s32 @!p1 $0x0  }
0x14: {  	s2 =	sld [smem:$0x3F9A];
	s0 =	simm.s32 @p1 $0x1  }
0x15: {  	[smem:$0x3FB7] =	sst s0;
	s0 =	simm.s32 @!p2 $0x0  }
0x16: {  	s3 =	sld [smem:$0x3FDB];
	s0 =	simm.s32 @p2 $0x1  }
0x17: {  	s4 =	simm.s32 $0x1BF5;
	[smem:$0x3FB9] =	sst s0  }
0x18: {  	s0 =	sld [smem:$0x3F9C];
	_ =	swait.ge [sflag:s4], $0x0  }
0x19: {  	s7 =	sld [smem:$0x3F9D]  }
0x1a: {  	s8 =	sadd.s32 $0xFFFFE003, lr  }
0x1b: {  	s9 =	sadd.s32 $0xFFFFFEF7, lr;
	s5 =	simm.s32 $0xFFFFFFFF;
	p2 =	slt.u32 s8, $0xFFFFF086  }
0x1c: {  	p1 =	slt.u32 s9, $0xF7A;
	s5 =	simm.s32 @!p2 $0x0  }
0x1d: {  	s5 =	simm.s32 @p1 $0x1;
	p0 =	seq.s32 s7, s2  }
0x1e: {  	s7 =	smul.u32 @!p0 $0xF7A, s2;
	p2 =	seq.s32 @!p0 s5, $0x0  }
0x1f: {  	s9 =	smul.u32 $0xF7A, s1;
	s8 =	simm.s32 @!p0 $0x1BF5;
	p2 =	por !p2, p0  }
0x20: {  	[sflag:s8] =	ssyncset.s32 @!p0 $0xFFFFF086;
	s6 =	sadd.s32 @!p0 s3, s7;
	s7 =	simm.s32 @!p0 $0x108  }
0x21: {  	s3 =	sadd.s32 s3, s9;
	s6 =	sadd.s32 @!p0 $0x88, s6;
	s7 =	simm.s32 @p2 $0x1082  }
0x22: {  	[simem:s7], [sflag:s8] =	dma.local @!p0 [hbm:s6], $0xF7A  }
0x23: {  	s9 =	sor.u32 $0xD0000000, s2;
	s6 =	simm.s32 $0x108;
	_ =	swait.ge @!p0 [sflag:s8], $0x0  }
0x24: {  	s3 =	sadd.s32 $0x88, s3;
	s6 =	simm.s32 @!p1 $0x1082;
	[sflag:s4] =	ssyncset.s32 $0xFFFFF086  }
0x25: {  	[simem:s6], [sflag:s4] =	dma.local [hbm:s3], $0xF7A  }
0x26: {  	[smem:$0x3F9D] =	sst s1;
	(tag) =	ssettag s2;
	_ =	strace s9  }
0x27: {  	s1 =	sld [smem:$0x3FAD]  }
0x28: {  	s2 =	sld [smem:$0x3FAE]  }
0x29: {  	s4 =	sld [smem:$0x3FB0]  }
0x2a: {  	p0 =	seq.s32 s5, $0x0;
	s5 =	sld [smem:$0x3FB1]  }
0x2b: {  	s6 =	sld [smem:$0x3FB2]  }
0x2c: {  	s7 =	sld [smem:$0x3FB3]  }
0x2d: {  	s3 =	simm.s32 $0x108;
	s8 =	sld [smem:$0x3FB4]  }
0x2e: {  	s3 =	simm.s32 @!p0 $0x1082;
	s9 =	sld [smem:$0x3FB5]  }
0x2f: {  	lr =	sadd.s32 s0, s3;
	s0 =	sld [smem:$0x3FAC]  }
0x30: {  	s3 =	sld [smem:$0x3FAF]  }
0x31: {  	[smem:$0x3FB8] =	sst s10  }
0x32: {  	s10 =	sld [smem:$0x3FB6];
	_ =	sdelay $0x3  }
0x33: {  	p0 =	seq.s32 s10, $0x1;
	s10 =	sld [smem:$0x3FB8];
	_ =	sdelay $0x3  }
0x34: {  	[smem:$0x3FB8] =	sst s10  }
0x35: {  	s10 =	sld [smem:$0x3FB7];
	_ =	sdelay $0x3  }
0x36: {  	p1 =	seq.s32 s10, $0x1;
	s10 =	sld [smem:$0x3FB8];
	_ =	sdelay $0x3  }
0x37: {  	[smem:$0x3FB8] =	sst s10  }
0x38: {  	s10 =	sld [smem:$0x3FB9]  }
0x39: {  	_ = 	snop;
	(pc) =	sbr.ind lr, $3  }
0x3a: {  	_ = 	snop  }
0x3b: {  	_ = 	snop  }
0x3c: {  	p2 =	seq.s32 s10, $0x1;
	s10 =	sld [smem:$0x3FB8]  }
0x3d: {  	_ =	shalt  }
0x3e: {  	_ =	shalt  }
0x3f: {  	_ =	shalt  }
0x40: {  	_ =	shalt  }
0x41: {  	_ =	shalt  }
0x42: {  	_ =	shalt  }
0x43: {  	_ =	shalt  }
0x44: {  	_ =	shalt  }
0x45: {  	_ =	shalt  }
0x46: {  	_ =	shalt  }
0x47: {  	_ =	shalt  }
0x48: {  	_ =	shalt  }
0x49: {  	_ =	shalt  }
0x4a: {  	_ =	shalt  }
0x4b: {  	_ =	shalt  }
0x4c: {  	_ =	shalt  }
0x4d: {  	_ =	shalt  }
0x4e: {  	_ =	shalt  }
0x4f: {  	_ =	shalt  }
0x50: {  	_ =	shalt  }
0x51: {  	_ =	shalt  }
0x52: {  	_ =	shalt  }
0x53: {  	_ =	shalt  }
0x54: {  	_ =	shalt  }
0x55: {  	_ =	shalt  }
0x56: {  	_ =	shalt  }
0x57: {  	_ =	shalt  }
0x58: {  	_ =	shalt  }
0x59: {  	_ =	shalt  }
0x5a: {  	_ =	shalt  }
0x5b: {  	_ =	shalt  }
0x5c: {  	_ =	shalt  }
0x5d: {  	_ =	shalt  }
0x5e: {  	_ =	shalt  }
0x5f: {  	_ =	shalt  }
0x60: {  	_ =	shalt  }
0x61: {  	_ =	shalt  }
0x62: {  	_ =	shalt  }
0x63: {  	_ =	shalt  }
0x64: {  	_ =	shalt  }
0x65: {  	_ =	shalt  }
0x66: {  	_ =	shalt  }
0x67: {  	_ =	shalt  }
0x68: {  	_ =	shalt  }
0x69: {  	_ =	shalt  }
0x6a: {  	_ =	shalt  }
0x6b: {  	_ =	shalt  }
0x6c: {  	_ =	shalt  }
0x6d: {  	_ =	shalt  }
0x6e: {  	_ =	shalt  }
0x6f: {  	_ =	shalt  }
0x70: {  	_ =	shalt  }
0x71: {  	_ =	shalt  }
0x72: {  	_ =	shalt  }
0x73: {  	_ =	shalt  }
0x74: {  	_ =	shalt  }
0x75: {  	_ =	shalt  }
0x76: {  	_ =	shalt  }
0x77: {  	_ =	shalt  }
0x78: {  	_ =	shalt  }
0x79: {  	_ =	shalt  }
0x7a: {  	_ =	shalt  }
0x7b: {  	_ =	shalt  }
0x7c: {  	_ =	shalt  }
0x7d: {  	_ =	shalt  }
0x7e: {  	_ =	shalt  }
0x7f: {  	_ =	shalt  }
0x80: {  	_ =	shalt  }
0x81: {  	_ =	shalt  }
0x82: {  	_ =	shalt  }
0x83: {  	_ =	shalt  }
0x84: {  	_ =	shalt  }
0x85: {  	_ =	shalt  }
0x86: {  	_ =	shalt  }
0x87: {  	_ =	shalt  }
.Lfunc_end0:
.L_simem_size_0:
called_computation_lowered:
.L_overlay_start_0:
0x88: {  	s2 =	sld [smem:$0x3FD9]  }
0x89: {  	s3 =	sld [smem:$0x3FFE];
	_ =	sdelay $0x1  }
0x8a: {  	s1 =	srdreg.scid  }
0x8b: {  	s0 =	sand.u32 $0x1, s1  }
0x8c: {  	s17 =	sshll.u32 s0, $0xA;
	s2 =	sadd.s32 s3, s2  }
0x8d: {  	s2 =	sadd.s32 s2, s17  }
0x8e: {  	[smem:$0x3FC4] =	sst s2  }
0x8f: {  	_ = 	snop  }
0x90: {  	s2 =	sld [smem:$0x3FC9];
	(tm) =	ssettm $0x1  }
0x91: {  	s18 =	sld [smem:$0x3FFB];
	_ =	sdelay $0x3  }
0x92: {  	_ =	strace s18  }
0x93: {  	s3 =	sld [smem:$0x3FFC];
	_ =	sdelay $0x3  }
0x94: {  	_ =	strace s3  }
0x95: {  	s3 =	sld [smem:$0x3FFD];
	_ =	sdelay $0x3  }
0x96: {  	_ =	strace s3  }
0x97: {  	_ =	strace $0x8FFFFFFF  }
0x98: {  	s19 =	sld [smem:$0x3FDB];
	_ =	sdelay $0x1  }
0x99: {  	s4 =	simm.s32 $_scs_section_size  }
0x9a: {  	s5 =	simm.s32 $_size__tile_overlayer_lowered;
	s6 =	simm.s32 $_tile_overlayer_lowered  }
0x9b: {  	s22 =	simm.s32 $0x1BFF;
	s21 =	sshll.u32 s6, $0x1;
	s3 =	sadd.s32 s4, s19  }
0x9c: {  	s7 =	simm.s32 $0x0;
	s20 =	sshll.u32 s5, $0x1;
	s5 =	sadd.s32 s21, s3  }
0x9d: {  	[timem:s7], [sflag:s22] =	dma.local [hbm:s5], s20  }
0x9e: {  	_ =	swait.ge [sflag:s22], s20  }
0x9f: {  	s4 =	ssub.s32 $0x0, s20;
	[sflag:s22] =	ssyncset.done $0x0  }
0xa0: {  	[sflag:s22] =	ssyncadd.s32 s4;
	_ =	sdelay $0x1  }
0xa1: {  	s23 =	simm.s32 $0x1B8B  }
0xa2: {  	_ =	swait.ge [sflag:s23], $0x1  }
0xa3: {  	[sflag:s23] =	ssyncset.done $0x0  }
0xa4: {  	s25 =	simm.s32 $0x1B8E;
	s24 =	sld [smem:$0x3FFE];
	[sflag:s23] =	ssyncadd.s32 $0xFFFFFFFF  }
0xa5: {  	s26 =	simm.s32 $execute0_lowered;
	[smem:$0x3FD2] =	sst s25  }
0xa6: {  	s5 =	sshll.u32 s26, $0x1;
	_ =	strace $0x80000046;
	[dreg:$0x1] =	wrdreg $0xFFFFFFFF  }
0xa7: {  	s28 =	simm.s32 $_size_execute0_lowered;
	s3 =	sadd.s32 s3, s5;
	[dreg:$0x0] =	wrdreg $0x0  }
0xa8: {  	s5 =	sshll.u32 s28, $0x1;
	[dreg:$0x2] =	wrdreg s3  }
0xa9: {  	[dreg:$0x3] =	wrdreg s5  }
0xaa: {  	[dreg:$0x4] =	wrdreg $0xC0  }
0xab: {  	_ =	task [dreg:s7], $0x5FFFF  }
0xac: {  	[dreg:$0x1] =	wrdreg $0xFFFFFFFF  }
0xad: {  	[dreg:$0x0] =	wrdreg $0x60  }
0xae: {  	[dreg:$0x2] =	wrdreg s2  }
0xaf: {  	[dreg:$0x3] =	wrdreg s24  }
0xb0: {  	[dreg:$0x4] =	wrdreg $0x9  }
0xb1: {  	_ =	task.clear_ibuf [dreg:s7], $0x5FFFF;
	_ =	strace $0x90000046  }
0xb2: {  	s29 =	simm.s32 $0x9;
	_ =	strace $0x80000048  }
0xb3: {  	_ =	swait.ge [sflag:s29], $0x1  }
0xb4: {  	[sflag:s29] =	ssyncadd.s32 $0xFFFFFFFF  }
0xb5: {  	_ =	strace $0x90000048  }
0xb6: {  	_ =	sfence  }
0xb7: {  	s30 =	sld [smem:$0x0];
	_ =	sdelay $0x2  }
0xb8: {  	s31 =	sshll.u32 s1, $0xD;
	s1 =	sshrl.u32 s1, $0x2  }
0xb9: {  	s3 =	sand.u32 $0x4000, s31;
	s1 =	sadd.s32 s1, s30  }
0xba: {  	s0 =	sor.u32 s3, s0;
	s1 =	sshll.u32 s1, $0x11  }
0xbb: {  	s0 =	sor.u32 s1, s0  }
0xbc: {  	s0 =	sadd.s32 $0x8F2B, s0  }
0xbd: {  	[sflag:s0] =	ssyncadd.remote.s32 $0x1  }
0xbe: {  	_ =	sfence.sel $0xFFFF  }
0xbf: {  	[dreg:$0x0] =	wrdreg $0xFFFFFFFF;
	(pc) =	sbr.abs _section_cstart, $3  }
0xc0: {  	[dreg:$0x1] =	wrdreg $0xFFFFFFFF  }
0xc1: {  	_ =	task.clear_ibuf [dreg:s7], $0x2FFFF;
	_ =	strace $0x9FFFFFFF  }
0xc2: {  	(tm) =	ssettm $0x7FFFFFFF  }
0xc3: {  	_ =	shalt  }
tec
execute0_lowered:
.L_overlay_start_1:
0x0: {  	(tag) =	ssettag $0x1  }
0x1: {  	s0 =	srdreg.scid  }
0x2: {  	s1 =	rddreg [dreg:$0x0];
	s2 =	stileid.u32  }
0x3: {  	s6 =	rddreg [dreg:$0x1];
	s26 =	simm.s32 $0x80;
	s18 =	simm.s32 $0x100  }
0x4: {  	s22 =	simm.s32 $0x1900;
	s23 =	simm.s32 $0x2100;
	s24 =	simm.s32 $0x2900  }
0x5: {  	s25 =	simm.s32 $0x3100;
	s28 =	simm.s32 $0x4100;
	s29 =	simm.s32 $0x4900  }
0x6: {  	s30 =	simm.s32 $0x5100;
	s31 =	simm.s32 $0x5900;
	s10 =	simm.s32 $0x7100  }
0x7: {  	s11 =	simm.s32 $0x7900;
	s12 =	simm.s32 $0x8100;
	s13 =	simm.s32 $0x8900  }
0x8: {  	s14 =	simm.s32 $0x9100;
	s15 =	simm.s32 $0x9900;
	s16 =	simm.s32 $0xA100  }
0x9: {  	s17 =	simm.s32 $0xA900;
	s9 =	simm.s32 $0xB100;
	s19 =	simm.s32 $0xB900  }
0xa: {  	s0 =	sand.u32 $0x1, s0;
	s3 =	sshll.u32 s2, $0x7;
	s2 =	simm.s32 $0x0  }
0xb: {  	s4 =	sshll.u32 s0, $0x6;
	[smem:$0x7FF] =	sst s2;
	s0 =	ssub.s32 $0x2, s0  }
0xc: {  	s4 =	sor.u32 s4, s3;
	_ =	strace $0x80000047;
	s7 =	sshrl.u32 s0, $0x1  }
0xd: {  	[dreg:$0x6] =	wrdreg s26;
	s3 =	sshrl.u32 s4, $0x3;
	s4 =	sshll.u32 s4, $0x7  }
0xe: {  	s26 =	simm.s32 $0x3900;
	s5 =	sadd.s32 s3, s6;
	s1 =	sadd.s32 s1, s4  }
0xf: {  	s0 =	ssub.s32 s0, s7;
	s8 =	sadd.s32 $0x1400, s5;
	[dreg:$0x5] =	wrdreg s1  }
0x10: {  	v2 =	vlaneseq.u32;
	s3 =	sadd.s32 $0x1800, s6;
	s5 =	sadd.s32 $0x1600, s5;
	[dreg:$0x3] =	wrdreg s8  }
0x11: {  	vm0 =	vmmov $0xffff;
	v1 =	vshrl.u32 v2, $0x3;
	s4 =	sadd.s32 $0x1900, s6;
	s7 =	smax.u32 s0, $0x1;
	[dreg:$0x4] =	wrdreg s5  }
0x12: {  	v0 =	vand.u32 $0x7, v2;
	v2 =	vor.u32 $0x8, v2;
	v1 =	vmul.u32 $0x8, v1;
	s5 =	sadd.s32 $0x1A00, s6;
	s6 =	sadd.s32 $0x1B00, s6;
	s8 =	simm.s32 $0x3  }
.LBB2_1:
0x13: {  	s20 =	rddreg [dreg:$0x3]  }
0x14: {  	[tilespmem:s2], [sflag:$0x3] =	stream.linear.gather [hbm4b:s20+s2], $0x40, $0x38;
	[tilespmem:$0x10100] =	vst v63  }
0x15: {  	_ =	swait.ge [sflag:s8], $0x40  }
0x16: {  	s0 =	rddreg [dreg:$0x4];
	[sflag:s8] =	ssyncset.done $0x0  }
0x17: {  	s21 =	rddreg [dreg:$0x6];
	[sflag:s8] =	ssyncadd.s32 $0xFFFFFFC0  }
0x18: {  	[tilespmem:s21], [sflag:$0x3] =	stream.linear.gather [hbm4b:s0+s2], $0x40, $0x38;
	[tilespmem:$0x10100] =	vst v63  }
0x19: {  	_ =	swait.ge [sflag:s8], $0x40  }
0x1a: {  	[sflag:s8] =	ssyncset.done $0x0  }
0x1b: {  	s1 =	rddreg [dreg:$0x5];
	[sflag:s8] =	ssyncadd.s32 $0xFFFFFFC0  }
0x1c: {  	[tilespmem:s18], [sflag:$0x3] =	stream.linear.gather [hbm4b:s1+s2], $0x10000, $0x38;
	[tilespmem:$0x10100] =	vst v63  }
0x1d: {  	_ =	swait.ge [sflag:s8], $0x10000  }
0x1e: {  	[sflag:s8] =	ssyncset.done $0x0  }
0x1f: {  	[sflag:s8] =	ssyncadd.s32 $0xFFFF0000  }
0x20: {  	v3 =	vld [tilespmem:$0x0];
	_ =	sdelay $0x4  }
0x21: {  	v4 =	vshll.u32 v3, $0x3  }
0x22: {  	v3 =	vand.u32 $0x7, v3;
	v4 =	vand.u32 $0xFFFFFFC0, v4  }
0x23: {  	v3 =	vor.u32 v3, v4  }
0x24: {  	v4 =	vperm.xlane v3, v0;
	_ =	sdelay $0x1  }
0x25: {  	v4 =	vadd.s32 v1, v4;
	_ =	sdelay $0x4  }
0x26: {  	[hbm4b:s3+s2] =	stream.indirect_vreg.scatter [tilespmem:s18], [sflag:$0x1], $0x80, v4, vm0, $0xb8;
	[tilespmem:$0x10100] =	vst v63  }
0x27: {  	s20 =	simm.s32 $0x900;
	v3 =	vperm.xlane v3, v2  }
0x28: {  	[hbm4b:s4+s2] =	stream.indirect_vreg.scatter [tilespmem:s20], [sflag:$0x1], $0x80, v4, vm0, $0xb8;
	[tilespmem:$0x10100] =	vst v63  }
0x29: {  	s21 =	simm.s32 $0x1100;
	v3 =	vadd.s32 v1, v3  }
0x2a: {  	[hbm4b:s5+s2] =	stream.indirect_vreg.scatter [tilespmem:s21], [sflag:$0x1], $0x80, v4, vm0, $0xb8;
	[tilespmem:$0x10100] =	vst v63  }
0x2b: {  	_ = 	snop  }
0x2c: {  	[hbm4b:s6+s2] =	stream.indirect_vreg.scatter [tilespmem:s22], [sflag:$0x1], $0x80, v4, vm0, $0xb8;
	[tilespmem:$0x10100] =	vst v63  }
0x2d: {  	_ = 	snop  }
0x2e: {  	[hbm4b:s3+s2] =	stream.indirect_vreg.scatter [tilespmem:s23], [sflag:$0x1], $0x80, v3, vm0, $0xb8;
	[tilespmem:$0x10100] =	vst v63  }
0x2f: {  	_ = 	snop  }
0x30: {  	[hbm4b:s4+s2] =	stream.indirect_vreg.scatter [tilespmem:s24], [sflag:$0x1], $0x80, v3, vm0, $0xb8;
	[tilespmem:$0x10100] =	vst v63  }
0x31: {  	_ = 	snop  }
0x32: {  	[hbm4b:s5+s2] =	stream.indirect_vreg.scatter [tilespmem:s25], [sflag:$0x1], $0x80, v3, vm0, $0xb8;
	[tilespmem:$0x10100] =	vst v63  }
0x33: {  	_ = 	snop  }
0x34: {  	[hbm4b:s6+s2] =	stream.indirect_vreg.scatter [tilespmem:s26], [sflag:$0x1], $0x80, v3, vm0, $0xb8;
	[tilespmem:$0x10100] =	vst v63  }
0x35: {  	v3 =	vld [tilespmem:$0x10];
	_ =	sdelay $0x4  }
0x36: {  	v57 =	vshll.u32 v3, $0x3  }
0x37: {  	v3 =	vand.u32 $0x7, v3;
	v4 =	vand.u32 $0xFFFFFFC0, v57  }
0x38: {  	v3 =	vor.u32 v3, v4  }
0x39: {  	v4 =	vperm.xlane v3, v0;
	_ =	sdelay $0x1  }
0x3a: {  	v4 =	vadd.s32 v1, v4;
	_ =	sdelay $0x4  }
0x3b: {  	[hbm4b:s3+s2] =	stream.indirect_vreg.scatter [tilespmem:s28], [sflag:$0x1], $0x80, v4, vm0, $0xb8;
	[tilespmem:$0x10100] =	vst v63  }
0x3c: {  	v3 =	vperm.xlane v3, v2  }
0x3d: {  	[hbm4b:s4+s2] =	stream.indirect_vreg.scatter [tilespmem:s29], [sflag:$0x1], $0x80, v4, vm0, $0xb8;
	[tilespmem:$0x10100] =	vst v63  }
0x3e: {  	v3 =	vadd.s32 v1, v3  }
0x3f: {  	[hbm4b:s5+s2] =	stream.indirect_vreg.scatter [tilespmem:s30], [sflag:$0x1], $0x80, v4, vm0, $0xb8;
	[tilespmem:$0x10100] =	vst v63  }
0x40: {  	_ = 	snop  }
0x41: {  	[hbm4b:s6+s2] =	stream.indirect_vreg.scatter [tilespmem:s31], [sflag:$0x1], $0x80, v4, vm0, $0xb8;
	[tilespmem:$0x10100] =	vst v63  }
0x42: {  	s1 =	simm.s32 $0x6100  }
0x43: {  	[hbm4b:s3+s2] =	stream.indirect_vreg.scatter [tilespmem:s1], [sflag:$0x1], $0x80, v3, vm0, $0xb8;
	[tilespmem:$0x10100] =	vst v63  }
0x44: {  	s0 =	simm.s32 $0x6900  }
0x45: {  	[hbm4b:s4+s2] =	stream.indirect_vreg.scatter [tilespmem:s0], [sflag:$0x1], $0x80, v3, vm0, $0xb8;
	[tilespmem:$0x10100] =	vst v63  }
0x46: {  	_ = 	snop  }
0x47: {  	[hbm4b:s5+s2] =	stream.indirect_vreg.scatter [tilespmem:s10], [sflag:$0x1], $0x80, v3, vm0, $0xb8;
	[tilespmem:$0x10100] =	vst v63  }
0x48: {  	_ = 	snop  }
0x49: {  	[hbm4b:s6+s2] =	stream.indirect_vreg.scatter [tilespmem:s11], [sflag:$0x1], $0x80, v3, vm0, $0xb8;
	[tilespmem:$0x10100] =	vst v63  }
0x4a: {  	v3 =	vld [tilespmem:$0x20];
	_ =	sdelay $0x4  }
0x4b: {  	v58 =	vshll.u32 v3, $0x3  }
0x4c: {  	v3 =	vand.u32 $0x7, v3;
	v4 =	vand.u32 $0xFFFFFFC0, v58  }
0x4d: {  	v3 =	vor.u32 v3, v4  }
0x4e: {  	v4 =	vperm.xlane v3, v0;
	_ =	sdelay $0x1  }
0x4f: {  	v4 =	vadd.s32 v1, v4;
	_ =	sdelay $0x4  }
0x50: {  	[hbm4b:s3+s2] =	stream.indirect_vreg.scatter [tilespmem:s12], [sflag:$0x1], $0x80, v4, vm0, $0xb8;
	[tilespmem:$0x10100] =	vst v63  }
0x51: {  	v3 =	vperm.xlane v3, v2  }
0x52: {  	[hbm4b:s4+s2] =	stream.indirect_vreg.scatter [tilespmem:s13], [sflag:$0x1], $0x80, v4, vm0, $0xb8;
	[tilespmem:$0x10100] =	vst v63  }
0x53: {  	v3 =	vadd.s32 v1, v3  }
0x54: {  	[hbm4b:s5+s2] =	stream.indirect_vreg.scatter [tilespmem:s14], [sflag:$0x1], $0x80, v4, vm0, $0xb8;
	[tilespmem:$0x10100] =	vst v63  }
0x55: {  	_ = 	snop  }
0x56: {  	[hbm4b:s6+s2] =	stream.indirect_vreg.scatter [tilespmem:s15], [sflag:$0x1], $0x80, v4, vm0, $0xb8;
	[tilespmem:$0x10100] =	vst v63  }
0x57: {  	_ = 	snop  }
0x58: {  	[hbm4b:s3+s2] =	stream.indirect_vreg.scatter [tilespmem:s16], [sflag:$0x1], $0x80, v3, vm0, $0xb8;
	[tilespmem:$0x10100] =	vst v63  }
0x59: {  	_ = 	snop  }
0x5a: {  	[hbm4b:s4+s2] =	stream.indirect_vreg.scatter [tilespmem:s17], [sflag:$0x1], $0x80, v3, vm0, $0xb8;
	[tilespmem:$0x10100] =	vst v63  }
0x5b: {  	_ = 	snop  }
0x5c: {  	[hbm4b:s5+s2] =	stream.indirect_vreg.scatter [tilespmem:s9], [sflag:$0x1], $0x80, v3, vm0, $0xb8;
	[tilespmem:$0x10100] =	vst v63  }
0x5d: {  	_ = 	snop  }
0x5e: {  	[hbm4b:s6+s2] =	stream.indirect_vreg.scatter [tilespmem:s19], [sflag:$0x1], $0x80, v3, vm0, $0xb8;
	[tilespmem:$0x10100] =	vst v63  }
0x5f: {  	v3 =	vld [tilespmem:$0x30];
	_ =	sdelay $0x4  }
0x60: {  	v59 =	vshll.u32 v3, $0x3  }
0x61: {  	v3 =	vand.u32 $0x7, v3;
	v4 =	vand.u32 $0xFFFFFFC0, v59  }
0x62: {  	v3 =	vor.u32 v3, v4  }
0x63: {  	v4 =	vperm.xlane v3, v0;
	_ =	sdelay $0x1  }
0x64: {  	v4 =	vadd.s32 v1, v4;
	_ =	sdelay $0x3  }
0x65: {  	s0 =	simm.s32 $0xC100  }
0x66: {  	[hbm4b:s3+s2] =	stream.indirect_vreg.scatter [tilespmem:s0], [sflag:$0x1], $0x80, v4, vm0, $0xb8;
	[tilespmem:$0x10100] =	vst v63  }
0x67: {  	v3 =	vperm.xlane v3, v2;
	s0 =	simm.s32 $0xC900  }
0x68: {  	[hbm4b:s4+s2] =	stream.indirect_vreg.scatter [tilespmem:s0], [sflag:$0x1], $0x80, v4, vm0, $0xb8;
	[tilespmem:$0x10100] =	vst v63  }
0x69: {  	v3 =	vadd.s32 v1, v3;
	s0 =	simm.s32 $0xD100  }
0x6a: {  	[hbm4b:s5+s2] =	stream.indirect_vreg.scatter [tilespmem:s0], [sflag:$0x1], $0x80, v4, vm0, $0xb8;
	[tilespmem:$0x10100] =	vst v63  }
0x6b: {  	s0 =	simm.s32 $0xD900  }
0x6c: {  	[hbm4b:s6+s2] =	stream.indirect_vreg.scatter [tilespmem:s0], [sflag:$0x1], $0x80, v4, vm0, $0xb8;
	[tilespmem:$0x10100] =	vst v63  }
0x6d: {  	s0 =	simm.s32 $0xE100  }
0x6e: {  	[hbm4b:s3+s2] =	stream.indirect_vreg.scatter [tilespmem:s0], [sflag:$0x1], $0x80, v3, vm0, $0xb8;
	[tilespmem:$0x10100] =	vst v63  }
0x6f: {  	s0 =	simm.s32 $0xE900  }
0x70: {  	[hbm4b:s4+s2] =	stream.indirect_vreg.scatter [tilespmem:s0], [sflag:$0x1], $0x80, v3, vm0, $0xb8;
	[tilespmem:$0x10100] =	vst v63  }
0x71: {  	s0 =	simm.s32 $0xF100  }
0x72: {  	[hbm4b:s5+s2] =	stream.indirect_vreg.scatter [tilespmem:s0], [sflag:$0x1], $0x80, v3, vm0, $0xb8;
	[tilespmem:$0x10100] =	vst v63  }
0x73: {  	s0 =	simm.s32 $0xF900  }
0x74: {  	[hbm4b:s6+s2] =	stream.indirect_vreg.scatter [tilespmem:s0], [sflag:$0x1], $0x80, v3, vm0, $0xb8;
	[tilespmem:$0x10100] =	vst v63  }
0x75: {  	v3 =	vld [tilespmem:$0x80];
	_ =	sdelay $0x4  }
0x76: {  	v60 =	vshll.u32 v3, $0x3  }
0x77: {  	v3 =	vand.u32 $0x7, v3;
	v4 =	vand.u32 $0xFFFFFFC0, v60  }
0x78: {  	v3 =	vor.u32 v3, v4  }
0x79: {  	v4 =	vperm.xlane v3, v0;
	_ =	sdelay $0x1  }
0x7a: {  	v4 =	vadd.s32 v1, v4;
	_ =	sdelay $0x4  }
0x7b: {  	[hbm4b:s3+s2] =	stream.indirect_vreg.scatter [tilespmem:s18], [sflag:$0x2], $0x80, v4, vm0, $0xb8;
	[tilespmem:$0x10100] =	vst v63  }
0x7c: {  	v3 =	vperm.xlane v3, v2  }
0x7d: {  	[hbm4b:s4+s2] =	stream.indirect_vreg.scatter [tilespmem:s20], [sflag:$0x2], $0x80, v4, vm0, $0xb8;
	[tilespmem:$0x10100] =	vst v63  }
0x7e: {  	v3 =	vadd.s32 v1, v3  }
0x7f: {  	[hbm4b:s5+s2] =	stream.indirect_vreg.scatter [tilespmem:s21], [sflag:$0x2], $0x80, v4, vm0, $0xb8;
	[tilespmem:$0x10100] =	vst v63  }
0x80: {  	_ = 	snop  }
0x81: {  	[hbm4b:s6+s2] =	stream.indirect_vreg.scatter [tilespmem:s22], [sflag:$0x2], $0x80, v4, vm0, $0xb8;
	[tilespmem:$0x10100] =	vst v63  }
0x82: {  	_ = 	snop  }
0x83: {  	[hbm4b:s3+s2] =	stream.indirect_vreg.scatter [tilespmem:s23], [sflag:$0x2], $0x80, v3, vm0, $0xb8;
	[tilespmem:$0x10100] =	vst v63  }
0x84: {  	_ = 	snop  }
0x85: {  	[hbm4b:s4+s2] =	stream.indirect_vreg.scatter [tilespmem:s24], [sflag:$0x2], $0x80, v3, vm0, $0xb8;
	[tilespmem:$0x10100] =	vst v63  }
0x86: {  	_ = 	snop  }
0x87: {  	[hbm4b:s5+s2] =	stream.indirect_vreg.scatter [tilespmem:s25], [sflag:$0x2], $0x80, v3, vm0, $0xb8;
	[tilespmem:$0x10100] =	vst v63  }
0x88: {  	_ = 	snop  }
0x89: {  	[hbm4b:s6+s2] =	stream.indirect_vreg.scatter [tilespmem:s26], [sflag:$0x2], $0x80, v3, vm0, $0xb8;
	[tilespmem:$0x10100] =	vst v63  }
0x8a: {  	v3 =	vld [tilespmem:$0x90];
	_ =	sdelay $0x4  }
0x8b: {  	v61 =	vshll.u32 v3, $0x3  }
0x8c: {  	v3 =	vand.u32 $0x7, v3;
	v4 =	vand.u32 $0xFFFFFFC0, v61  }
0x8d: {  	v3 =	vor.u32 v3, v4  }
0x8e: {  	v4 =	vperm.xlane v3, v0;
	_ =	sdelay $0x1  }
0x8f: {  	v4 =	vadd.s32 v1, v4;
	_ =	sdelay $0x4  }
0x90: {  	[hbm4b:s3+s2] =	stream.indirect_vreg.scatter [tilespmem:s28], [sflag:$0x2], $0x80, v4, vm0, $0xb8;
	[tilespmem:$0x10100] =	vst v63  }
0x91: {  	v3 =	vperm.xlane v3, v2  }
0x92: {  	[hbm4b:s4+s2] =	stream.indirect_vreg.scatter [tilespmem:s29], [sflag:$0x2], $0x80, v4, vm0, $0xb8;
	[tilespmem:$0x10100] =	vst v63  }
0x93: {  	v3 =	vadd.s32 v1, v3  }
0x94: {  	[hbm4b:s5+s2] =	stream.indirect_vreg.scatter [tilespmem:s30], [sflag:$0x2], $0x80, v4, vm0, $0xb8;
	[tilespmem:$0x10100] =	vst v63  }
0x95: {  	_ = 	snop  }
0x96: {  	[hbm4b:s6+s2] =	stream.indirect_vreg.scatter [tilespmem:s31], [sflag:$0x2], $0x80, v4, vm0, $0xb8;
	[tilespmem:$0x10100] =	vst v63  }
0x97: {  	_ = 	snop  }
0x98: {  	[hbm4b:s3+s2] =	stream.indirect_vreg.scatter [tilespmem:s1], [sflag:$0x2], $0x80, v3, vm0, $0xb8;
	[tilespmem:$0x10100] =	vst v63  }
0x99: {  	s20 =	simm.s32 $0x6900  }
0x9a: {  	[hbm4b:s4+s2] =	stream.indirect_vreg.scatter [tilespmem:s20], [sflag:$0x2], $0x80, v3, vm0, $0xb8;
	[tilespmem:$0x10100] =	vst v63  }
0x9b: {  	_ = 	snop  }
0x9c: {  	[hbm4b:s5+s2] =	stream.indirect_vreg.scatter [tilespmem:s10], [sflag:$0x2], $0x80, v3, vm0, $0xb8;
	[tilespmem:$0x10100] =	vst v63  }
0x9d: {  	_ = 	snop  }
0x9e: {  	[hbm4b:s6+s2] =	stream.indirect_vreg.scatter [tilespmem:s11], [sflag:$0x2], $0x80, v3, vm0, $0xb8;
	[tilespmem:$0x10100] =	vst v63  }
0x9f: {  	v3 =	vld [tilespmem:$0xA0];
	_ =	sdelay $0x4  }
0xa0: {  	v62 =	vshll.u32 v3, $0x3  }
0xa1: {  	v3 =	vand.u32 $0x7, v3;
	v4 =	vand.u32 $0xFFFFFFC0, v62  }
0xa2: {  	v3 =	vor.u32 v3, v4  }
0xa3: {  	v4 =	vperm.xlane v3, v0;
	_ =	sdelay $0x1  }
0xa4: {  	v4 =	vadd.s32 v1, v4;
	_ =	sdelay $0x4  }
0xa5: {  	[hbm4b:s3+s2] =	stream.indirect_vreg.scatter [tilespmem:s12], [sflag:$0x2], $0x80, v4, vm0, $0xb8;
	[tilespmem:$0x10100] =	vst v63  }
0xa6: {  	v3 =	vperm.xlane v3, v2  }
0xa7: {  	[hbm4b:s4+s2] =	stream.indirect_vreg.scatter [tilespmem:s13], [sflag:$0x2], $0x80, v4, vm0, $0xb8;
	[tilespmem:$0x10100] =	vst v63  }
0xa8: {  	v3 =	vadd.s32 v1, v3  }
0xa9: {  	[hbm4b:s5+s2] =	stream.indirect_vreg.scatter [tilespmem:s14], [sflag:$0x2], $0x80, v4, vm0, $0xb8;
	[tilespmem:$0x10100] =	vst v63  }
0xaa: {  	_ = 	snop  }
0xab: {  	[hbm4b:s6+s2] =	stream.indirect_vreg.scatter [tilespmem:s15], [sflag:$0x2], $0x80, v4, vm0, $0xb8;
	[tilespmem:$0x10100] =	vst v63  }
0xac: {  	_ = 	snop  }
0xad: {  	[hbm4b:s3+s2] =	stream.indirect_vreg.scatter [tilespmem:s16], [sflag:$0x2], $0x80, v3, vm0, $0xb8;
	[tilespmem:$0x10100] =	vst v63  }
0xae: {  	_ = 	snop  }
0xaf: {  	[hbm4b:s4+s2] =	stream.indirect_vreg.scatter [tilespmem:s17], [sflag:$0x2], $0x80, v3, vm0, $0xb8;
	[tilespmem:$0x10100] =	vst v63  }
0xb0: {  	_ = 	snop  }
0xb1: {  	[hbm4b:s5+s2] =	stream.indirect_vreg.scatter [tilespmem:s9], [sflag:$0x2], $0x80, v3, vm0, $0xb8;
	[tilespmem:$0x10100] =	vst v63  }
0xb2: {  	_ = 	snop  }
0xb3: {  	[hbm4b:s6+s2] =	stream.indirect_vreg.scatter [tilespmem:s19], [sflag:$0x2], $0x80, v3, vm0, $0xb8;
	[tilespmem:$0x10100] =	vst v63  }
0xb4: {  	v3 =	vld [tilespmem:$0xB0];
	_ =	sdelay $0x4  }
0xb5: {  	v63 =	vshll.u32 v3, $0x3  }
0xb6: {  	v3 =	vand.u32 $0x7, v3;
	v4 =	vand.u32 $0xFFFFFFC0, v63  }
0xb7: {  	v3 =	vor.u32 v3, v4  }
0xb8: {  	v4 =	vperm.xlane v3, v0;
	_ =	sdelay $0x1  }
0xb9: {  	v4 =	vadd.s32 v1, v4;
	_ =	sdelay $0x3  }
0xba: {  	s21 =	simm.s32 $0xC100  }
0xbb: {  	[hbm4b:s3+s2] =	stream.indirect_vreg.scatter [tilespmem:s21], [sflag:$0x2], $0x80, v4, vm0, $0xb8;
	[tilespmem:$0x10100] =	vst v63  }
0xbc: {  	s20 =	simm.s32 $0xC900;
	v3 =	vperm.xlane v3, v2  }
0xbd: {  	[hbm4b:s4+s2] =	stream.indirect_vreg.scatter [tilespmem:s20], [sflag:$0x2], $0x80, v4, vm0, $0xb8;
	[tilespmem:$0x10100] =	vst v63  }
0xbe: {  	v3 =	vadd.s32 v1, v3;
	s21 =	simm.s32 $0xD100  }
0xbf: {  	[hbm4b:s5+s2] =	stream.indirect_vreg.scatter [tilespmem:s21], [sflag:$0x2], $0x80, v4, vm0, $0xb8;
	[tilespmem:$0x10100] =	vst v63  }
0xc0: {  	s20 =	simm.s32 $0xD900  }
0xc1: {  	[hbm4b:s6+s2] =	stream.indirect_vreg.scatter [tilespmem:s20], [sflag:$0x2], $0x80, v4, vm0, $0xb8;
	[tilespmem:$0x10100] =	vst v63  }
0xc2: {  	s21 =	simm.s32 $0xE100  }
0xc3: {  	[hbm4b:s3+s2] =	stream.indirect_vreg.scatter [tilespmem:s21], [sflag:$0x2], $0x80, v3, vm0, $0xb8;
	[tilespmem:$0x10100] =	vst v63  }
0xc4: {  	s20 =	simm.s32 $0xE900  }
0xc5: {  	[hbm4b:s4+s2] =	stream.indirect_vreg.scatter [tilespmem:s20], [sflag:$0x2], $0x80, v3, vm0, $0xb8;
	[tilespmem:$0x10100] =	vst v63  }
0xc6: {  	s21 =	simm.s32 $0xF100  }
0xc7: {  	[hbm4b:s5+s2] =	stream.indirect_vreg.scatter [tilespmem:s21], [sflag:$0x2], $0x80, v3, vm0, $0xb8;
	[tilespmem:$0x10100] =	vst v63  }
0xc8: {  	s20 =	simm.s32 $0x1  }
0xc9: {  	[hbm4b:s6+s2] =	stream.indirect_vreg.scatter [tilespmem:s0], [sflag:$0x2], $0x80, v3, vm0, $0xb8;
	[tilespmem:$0x10100] =	vst v63  }
0xca: {  	p0 =	sne.s32 s7, $0x1;
	_ =	swait.ge [sflag:s20], $0x10000  }
.Ltmp0:
0xcb: {  	[sflag:s20] =	ssyncset.done $0x0;
	(pc) =	sbr.rel @p0 .LBB2_1-.Ltmp0, $4  }
0xcc: {  	s21 =	simm.s32 $0x2;
	[sflag:s20] =	ssyncadd.s32 $0xFFFF0000  }
0xcd: {  	_ =	swait.ge [sflag:s21], $0x10000  }
0xce: {  	[sflag:s21] =	ssyncset.done $0x0  }
0xcf: {  	s7 =	sadd.s32 $0xFFFFFFFF, s7;
	[sflag:s21] =	ssyncadd.s32 $0xFFFF0000  }
0xd0: {  	_ =	sfence.sel $0x180000  }
0xd1: {  	[bflag:$0x0] =	sbarrier.arrive $0xFFFF  }
0xd2: {  	_ =	strace $0x90000047  }
0xd3: {  	s0 =	stileid.u32;
	[bflag:$0x2] =	sbarrier.arrive $0xFFFF  }
0xd4: {  	p0 =	sne.s32 s0, $0x0;
	s0 =	rddreg [dreg:$0x2]  }
0xd5: {  	s0 =	sadd.s32 @!p0 $0x100000, s0  }
0xd6: {  	[sflag:s0] =	ssyncadd.tile.s32 @!p0 $0x1;
	_ =	shalt  }
.Lfunc_end2:
_tile_overlayer_lowered:
.L_overlay_start_2:
0xd7: {  	(tag) =	ssettag $0x2  }
0xd8: {  	s0 =	rddreg [dreg:$0x0];
	s2 =	stileid.u32  }
0xd9: {  	s1 =	rddreg [dreg:$0x1];
	p0 =	sne.s32 s2, $0x0  }
0xda: {  	s3 =	rddreg [dreg:$0x2];
	[bflag:$0x3] =	sbarrier.arrive $0xFFFF;
	s2 =	simm.s32 @!p0 $0x1C03  }
0xdb: {  	[timem:s3], [sflag:s2] =	dma.local @!p0 [hbm:s0], s1  }
0xdc: {  	s0 =	simm.s32 @!p0 $0x3  }
0xdd: {  	_ =	swait.ge @!p0 [sflag:s0], s1  }
0xde: {  	s1 =	ssub.s32 @!p0 $0x0, s1;
	[sflag:s0] =	ssyncset.done @!p0 $0x0  }
0xdf: {  	[sflag:s0] =	ssyncadd.s32 @!p0 s1  }
0xe0: {  	[bflag:$0x3] =	sbarrier.arrive $0xFFFF  }
0xe1: {  	_ =	shalt  }

// kernel: kernel.9.cloned.1.call-start
scs
__scs_entry_jumppad:
0x0: {  	(pc) =	sbr.rel $0x88, $3  }
0x1: {  	(tag) =	ssettag $0x0;
	lr =	simm.s32 $0x1  }
0x2: {  	[smem:$0x3F9D] =	sst lr;
	_ =	strace $0xD0000000  }
0x3: {  	_ = 	snop  }
0x4: {  	_ = 	snop  }
0x5: {  	_ = 	snop  }
0x6: {  	_ = 	snop  }
0x7: {  	_ = 	snop  }
__scs_overlays_trampoline_lowered:
0x8: {  	[smem:$0x3FAC] =	sst s0  }
0x9: {  	[smem:$0x3FAD] =	sst s1  }
0xa: {  	[smem:$0x3FAE] =	sst s2  }
0xb: {  	[smem:$0x3FAF] =	sst s3  }
0xc: {  	[smem:$0x3FB0] =	sst s4  }
0xd: {  	[smem:$0x3FB1] =	sst s5  }
0xe: {  	[smem:$0x3FB2] =	sst s6  }
0xf: {  	[smem:$0x3FB3] =	sst s7  }
0x10: {  	[smem:$0x3FB4] =	sst s8  }
0x11: {  	[smem:$0x3FB5] =	sst s9;
	s0 =	simm.s32 @!p0 $0x0  }
0x12: {  	s1 =	sld [smem:$0x3F9B];
	s0 =	simm.s32 @p0 $0x1  }
0x13: {  	[smem:$0x3FB6] =	sst s0;
	s0 =	simm.s32 @!p1 $0x0  }
0x14: {  	s2 =	sld [smem:$0x3F9A];
	s0 =	simm.s32 @p1 $0x1  }
0x15: {  	[smem:$0x3FB7] =	sst s0;
	s0 =	simm.s32 @!p2 $0x0  }
0x16: {  	s3 =	sld [smem:$0x3FDB];
	s0 =	simm.s32 @p2 $0x1  }
0x17: {  	s4 =	simm.s32 $0x1BF5;
	[smem:$0x3FB9] =	sst s0  }
0x18: {  	s0 =	sld [smem:$0x3F9C];
	_ =	swait.ge [sflag:s4], $0x0  }
0x19: {  	s7 =	sld [smem:$0x3F9D]  }
0x1a: {  	s8 =	sadd.s32 $0xFFFFE003, lr  }
0x1b: {  	s9 =	sadd.s32 $0xFFFFFEF7, lr;
	s5 =	simm.s32 $0xFFFFFFFF;
	p2 =	slt.u32 s8, $0xFFFFF086  }
0x1c: {  	p1 =	slt.u32 s9, $0xF7A;
	s5 =	simm.s32 @!p2 $0x0  }
0x1d: {  	s5 =	simm.s32 @p1 $0x1;
	p0 =	seq.s32 s7, s2  }
0x1e: {  	s7 =	smul.u32 @!p0 $0xF7A, s2;
	p2 =	seq.s32 @!p0 s5, $0x0  }
0x1f: {  	s9 =	smul.u32 $0xF7A, s1;
	s8 =	simm.s32 @!p0 $0x1BF5;
	p2 =	por !p2, p0  }
0x20: {  	[sflag:s8] =	ssyncset.s32 @!p0 $0xFFFFF086;
	s6 =	sadd.s32 @!p0 s3, s7;
	s7 =	simm.s32 @!p0 $0x108  }
0x21: {  	s3 =	sadd.s32 s3, s9;
	s6 =	sadd.s32 @!p0 $0x88, s6;
	s7 =	simm.s32 @p2 $0x1082  }
0x22: {  	[simem:s7], [sflag:s8] =	dma.local @!p0 [hbm:s6], $0xF7A  }
0x23: {  	s9 =	sor.u32 $0xD0000000, s2;
	s6 =	simm.s32 $0x108;
	_ =	swait.ge @!p0 [sflag:s8], $0x0  }
0x24: {  	s3 =	sadd.s32 $0x88, s3;
	s6 =	simm.s32 @!p1 $0x1082;
	[sflag:s4] =	ssyncset.s32 $0xFFFFF086  }
0x25: {  	[simem:s6], [sflag:s4] =	dma.local [hbm:s3], $0xF7A  }
0x26: {  	[smem:$0x3F9D] =	sst s1;
	(tag) =	ssettag s2;
	_ =	strace s9  }
0x27: {  	s1 =	sld [smem:$0x3FAD]  }
0x28: {  	s2 =	sld [smem:$0x3FAE]  }
0x29: {  	s4 =	sld [smem:$0x3FB0]  }
0x2a: {  	p0 =	seq.s32 s5, $0x0;
	s5 =	sld [smem:$0x3FB1]  }
0x2b: {  	s6 =	sld [smem:$0x3FB2]  }
0x2c: {  	s7 =	sld [smem:$0x3FB3]  }
0x2d: {  	s3 =	simm.s32 $0x108;
	s8 =	sld [smem:$0x3FB4]  }
0x2e: {  	s3 =	simm.s32 @!p0 $0x1082;
	s9 =	sld [smem:$0x3FB5]  }
0x2f: {  	lr =	sadd.s32 s0, s3;
	s0 =	sld [smem:$0x3FAC]  }
0x30: {  	s3 =	sld [smem:$0x3FAF]  }
0x31: {  	[smem:$0x3FB8] =	sst s10  }
0x32: {  	s10 =	sld [smem:$0x3FB6];
	_ =	sdelay $0x3  }
0x33: {  	p0 =	seq.s32 s10, $0x1;
	s10 =	sld [smem:$0x3FB8];
	_ =	sdelay $0x3  }
0x34: {  	[smem:$0x3FB8] =	sst s10  }
0x35: {  	s10 =	sld [smem:$0x3FB7];
	_ =	sdelay $0x3  }
0x36: {  	p1 =	seq.s32 s10, $0x1;
	s10 =	sld [smem:$0x3FB8];
	_ =	sdelay $0x3  }
0x37: {  	[smem:$0x3FB8] =	sst s10  }
0x38: {  	s10 =	sld [smem:$0x3FB9]  }
0x39: {  	_ = 	snop;
	(pc) =	sbr.ind lr, $3  }
0x3a: {  	_ = 	snop  }
0x3b: {  	_ = 	snop  }
0x3c: {  	p2 =	seq.s32 s10, $0x1;
	s10 =	sld [smem:$0x3FB8]  }
0x3d: {  	_ =	shalt  }
0x3e: {  	_ =	shalt  }
0x3f: {  	_ =	shalt  }
0x40: {  	_ =	shalt  }
0x41: {  	_ =	shalt  }
0x42: {  	_ =	shalt  }
0x43: {  	_ =	shalt  }
0x44: {  	_ =	shalt  }
0x45: {  	_ =	shalt  }
0x46: {  	_ =	shalt  }
0x47: {  	_ =	shalt  }
0x48: {  	_ =	shalt  }
0x49: {  	_ =	shalt  }
0x4a: {  	_ =	shalt  }
0x4b: {  	_ =	shalt  }
0x4c: {  	_ =	shalt  }
0x4d: {  	_ =	shalt  }
0x4e: {  	_ =	shalt  }
0x4f: {  	_ =	shalt  }
0x50: {  	_ =	shalt  }
0x51: {  	_ =	shalt  }
0x52: {  	_ =	shalt  }
0x53: {  	_ =	shalt  }
0x54: {  	_ =	shalt  }
0x55: {  	_ =	shalt  }
0x56: {  	_ =	shalt  }
0x57: {  	_ =	shalt  }
0x58: {  	_ =	shalt  }
0x59: {  	_ =	shalt  }
0x5a: {  	_ =	shalt  }
0x5b: {  	_ =	shalt  }
0x5c: {  	_ =	shalt  }
0x5d: {  	_ =	shalt  }
0x5e: {  	_ =	shalt  }
0x5f: {  	_ =	shalt  }
0x60: {  	_ =	shalt  }
0x61: {  	_ =	shalt  }
0x62: {  	_ =	shalt  }
0x63: {  	_ =	shalt  }
0x64: {  	_ =	shalt  }
0x65: {  	_ =	shalt  }
0x66: {  	_ =	shalt  }
0x67: {  	_ =	shalt  }
0x68: {  	_ =	shalt  }
0x69: {  	_ =	shalt  }
0x6a: {  	_ =	shalt  }
0x6b: {  	_ =	shalt  }
0x6c: {  	_ =	shalt  }
0x6d: {  	_ =	shalt  }
0x6e: {  	_ =	shalt  }
0x6f: {  	_ =	shalt  }
0x70: {  	_ =	shalt  }
0x71: {  	_ =	shalt  }
0x72: {  	_ =	shalt  }
0x73: {  	_ =	shalt  }
0x74: {  	_ =	shalt  }
0x75: {  	_ =	shalt  }
0x76: {  	_ =	shalt  }
0x77: {  	_ =	shalt  }
0x78: {  	_ =	shalt  }
0x79: {  	_ =	shalt  }
0x7a: {  	_ =	shalt  }
0x7b: {  	_ =	shalt  }
0x7c: {  	_ =	shalt  }
0x7d: {  	_ =	shalt  }
0x7e: {  	_ =	shalt  }
0x7f: {  	_ =	shalt  }
0x80: {  	_ =	shalt  }
0x81: {  	_ =	shalt  }
0x82: {  	_ =	shalt  }
0x83: {  	_ =	shalt  }
0x84: {  	_ =	shalt  }
0x85: {  	_ =	shalt  }
0x86: {  	_ =	shalt  }
0x87: {  	_ =	shalt  }
.Lfunc_end0:
.L_simem_size_0:
called_computation.1_lowered:
.L_overlay_start_0:
0x88: {  	s2 =	sld [smem:$0x3FD9]  }
0x89: {  	s3 =	sld [smem:$0x3FFE];
	_ =	sdelay $0x1  }
0x8a: {  	s1 =	srdreg.scid  }
0x8b: {  	s0 =	sand.u32 $0x1, s1  }
0x8c: {  	s17 =	sshll.u32 s0, $0xA;
	s2 =	sadd.s32 s3, s2  }
0x8d: {  	s2 =	sadd.s32 s2, s17  }
0x8e: {  	[smem:$0x3FC4] =	sst s2  }
0x8f: {  	_ = 	snop  }
0x90: {  	s2 =	sld [smem:$0x3FD0];
	(tm) =	ssettm $0x1  }
0x91: {  	s18 =	sld [smem:$0x3FFB];
	_ =	sdelay $0x3  }
0x92: {  	_ =	strace s18  }
0x93: {  	s3 =	sld [smem:$0x3FFC];
	_ =	sdelay $0x3  }
0x94: {  	_ =	strace s3  }
0x95: {  	s3 =	sld [smem:$0x3FFD];
	_ =	sdelay $0x3  }
0x96: {  	_ =	strace s3  }
0x97: {  	_ =	strace $0x8FFFFFFF  }
0x98: {  	s19 =	sld [smem:$0x3FDB];
	_ =	sdelay $0x1  }
0x99: {  	s4 =	simm.s32 $_scs_section_size  }
0x9a: {  	s5 =	simm.s32 $_size__tile_overlayer_lowered;
	s6 =	simm.s32 $_tile_overlayer_lowered  }
0x9b: {  	s22 =	simm.s32 $0x1BFF;
	s21 =	sshll.u32 s6, $0x1;
	s3 =	sadd.s32 s4, s19  }
0x9c: {  	s7 =	simm.s32 $0x0;
	s20 =	sshll.u32 s5, $0x1;
	s5 =	sadd.s32 s21, s3  }
0x9d: {  	[timem:s7], [sflag:s22] =	dma.local [hbm:s5], s20  }
0x9e: {  	_ =	swait.ge [sflag:s22], s20  }
0x9f: {  	s4 =	ssub.s32 $0x0, s20;
	[sflag:s22] =	ssyncset.done $0x0  }
0xa0: {  	[sflag:s22] =	ssyncadd.s32 s4;
	_ =	sdelay $0x1  }
0xa1: {  	s23 =	simm.s32 $0x1B8B  }
0xa2: {  	_ =	swait.ge [sflag:s23], $0x1  }
0xa3: {  	[sflag:s23] =	ssyncset.done $0x0  }
0xa4: {  	s25 =	simm.s32 $0x1B8E;
	s24 =	sld [smem:$0x3FFE];
	[sflag:s23] =	ssyncadd.s32 $0xFFFFFFFF  }
0xa5: {  	s26 =	simm.s32 $execute0_lowered;
	[smem:$0x3FD2] =	sst s25  }
0xa6: {  	s5 =	sshll.u32 s26, $0x1;
	_ =	strace $0x80000049;
	[dreg:$0x1] =	wrdreg $0xFFFFFFFF  }
0xa7: {  	s28 =	simm.s32 $_size_execute0_lowered;
	s3 =	sadd.s32 s3, s5;
	[dreg:$0x0] =	wrdreg $0x0  }
0xa8: {  	s5 =	sshll.u32 s28, $0x1;
	[dreg:$0x2] =	wrdreg s3  }
0xa9: {  	[dreg:$0x3] =	wrdreg s5  }
0xaa: {  	[dreg:$0x4] =	wrdreg $0xC0  }
0xab: {  	_ =	task [dreg:s7], $0x5FFFF  }
0xac: {  	[dreg:$0x1] =	wrdreg $0xFFFFFFFF  }
0xad: {  	[dreg:$0x0] =	wrdreg $0x60  }
0xae: {  	[dreg:$0x2] =	wrdreg s24  }
0xaf: {  	[dreg:$0x3] =	wrdreg s2  }
0xb0: {  	[dreg:$0x4] =	wrdreg $0x9  }
0xb1: {  	_ =	task.clear_ibuf [dreg:s7], $0x5FFFF;
	_ =	strace $0x90000049  }
0xb2: {  	s29 =	simm.s32 $0x9;
	_ =	strace $0x8000004B  }
0xb3: {  	_ =	swait.ge [sflag:s29], $0x1  }
0xb4: {  	[sflag:s29] =	ssyncadd.s32 $0xFFFFFFFF  }
0xb5: {  	_ =	strace $0x9000004B  }
0xb6: {  	_ =	sfence  }
0xb7: {  	s30 =	sld [smem:$0x0];
	_ =	sdelay $0x2  }
0xb8: {  	s31 =	sshll.u32 s1, $0xD;
	s1 =	sshrl.u32 s1, $0x2  }
0xb9: {  	s3 =	sand.u32 $0x4000, s31;
	s1 =	sadd.s32 s1, s30  }
0xba: {  	s0 =	sor.u32 s3, s0;
	s1 =	sshll.u32 s1, $0x11  }
0xbb: {  	s0 =	sor.u32 s1, s0  }
0xbc: {  	s0 =	sadd.s32 $0x8F2B, s0  }
0xbd: {  	[sflag:s0] =	ssyncadd.remote.s32 $0x1  }
0xbe: {  	_ =	sfence.sel $0xFFFF  }
0xbf: {  	[dreg:$0x0] =	wrdreg $0xFFFFFFFF;
	(pc) =	sbr.abs _section_cstart, $3  }
0xc0: {  	[dreg:$0x1] =	wrdreg $0xFFFFFFFF  }
0xc1: {  	_ =	task.clear_ibuf [dreg:s7], $0x2FFFF;
	_ =	strace $0x9FFFFFFF  }
0xc2: {  	(tm) =	ssettm $0x7FFFFFFF  }
0xc3: {  	_ =	shalt  }
tec
execute0_lowered:
.L_overlay_start_1:
0x0: {  	(tag) =	ssettag $0x1  }
0x1: {  	s0 =	rddreg [dreg:$0x0]  }
0x2: {  	s2 =	rddreg [dreg:$0x1];
	s1 =	simm.s32 $0x0;
	s4 =	srdreg.scid  }
0x3: {  	s6 =	stileid.u32;
	s14 =	simm.s32 $0x3;
	s16 =	simm.s32 $0x100  }
0x4: {  	s15 =	simm.s32 $0x9900;
	s17 =	simm.s32 $0xA100;
	s18 =	simm.s32 $0xA900  }
0x5: {  	s19 =	simm.s32 $0xB100;
	s20 =	simm.s32 $0xC100;
	s21 =	simm.s32 $0xC900  }
0x6: {  	s22 =	simm.s32 $0xD900;
	s23 =	simm.s32 $0xE900;
	s24 =	simm.s32 $0xF100  }
0x7: {  	s12 =	simm.s32 $0xF900;
	s25 =	simm.s32 $0x1;
	s13 =	simm.s32 $0x2  }
0x8: {  	[smem:$0x7FF] =	sst s1;
	s3 =	sadd.s32 $0x1800, s0;
	s4 =	sand.u32 $0x1, s4  }
0x9: {  	s6 =	sshll.u32 s6, $0x7;
	s9 =	sadd.s32 $0x1400, s0;
	s10 =	sadd.s32 $0x1600, s0  }
0xa: {  	s8 =	sadd.s32 $0x1B00, s0;
	s5 =	ssub.s32 $0x2, s4;
	s4 =	sshll.u32 s4, $0x6  }
0xb: {  	_ =	strace $0x8000004A;
	s7 =	sshrl.u32 s5, $0x1;
	s4 =	sor.u32 s4, s6  }
0xc: {  	s5 =	ssub.s32 s5, s7;
	s6 =	sshrl.u32 s4, $0x3;
	s7 =	sadd.s32 $0x1A00, s0  }
0xd: {  	s11 =	sshll.u32 s4, $0x7;
	s4 =	sor.u32 $0x20, s4;
	s26 =	sadd.s32 s9, s6  }
0xe: {  	s6 =	sadd.s32 s10, s6;
	s28 =	sadd.s32 s2, s11;
	[dreg:$0x3] =	wrdreg s26  }
0xf: {  	s29 =	sshrl.u32 s4, $0x3;
	s30 =	sshll.u32 s4, $0x7;
	[dreg:$0x4] =	wrdreg s6  }
0x10: {  	s31 =	smax.u32 s5, $0x1;
	s5 =	simm.s32 $0x9100;
	[dreg:$0x5] =	wrdreg s28  }
0x11: {  	s11 =	simm.s32 $0xE100;
	s9 =	sadd.s32 s9, s29;
	[dreg:$0x9] =	wrdreg s31  }
0x12: {  	v2 =	vlaneseq.u32;
	s6 =	sadd.s32 $0x1900, s0;
	s0 =	sadd.s32 s10, s29;
	[dreg:$0x6] =	wrdreg s9  }
0x13: {  	vm0 =	vmmov $0xffff;
	v1 =	vshrl.u32 v2, $0x3;
	s10 =	simm.s32 $0xD100;
	[dreg:$0x7] =	wrdreg s0;
	s0 =	sadd.s32 s2, s30  }
0x14: {  	v0 =	vand.u32 $0x7, v2;
	v2 =	vor.u32 $0x8, v2;
	v1 =	vmul.u32 $0x8, v1;
	s26 =	simm.s32 $0x0;
	s9 =	simm.s32 $0xB900;
	[dreg:$0x8] =	wrdreg s0  }
.LBB2_1:
0x15: {  	s0 =	rddreg [dreg:$0x3]  }
0x16: {  	[tilespmem:s1], [sflag:$0x3] =	stream.linear.gather [hbm4b:s0+s1], $0x20, $0x38;
	[tilespmem:$0x10100] =	vst v63  }
0x17: {  	_ =	swait.ge [sflag:s14], $0x20  }
0x18: {  	[sflag:s14] =	ssyncset.done $0x0  }
0x19: {  	s2 =	simm.s32 $0x80;
	s4 =	rddreg [dreg:$0x4];
	[sflag:s14] =	ssyncadd.s32 $0xFFFFFFE0  }
0x1a: {  	[tilespmem:s2], [sflag:$0x3] =	stream.linear.gather [hbm4b:s4+s1], $0x20, $0x38;
	[tilespmem:$0x10100] =	vst v63  }
0x1b: {  	_ =	swait.ge [sflag:s14], $0x20  }
0x1c: {  	[sflag:s14] =	ssyncset.done $0x0  }
0x1d: {  	[sflag:s14] =	ssyncadd.s32 $0xFFFFFFE0  }
0x1e: {  	v3 =	vld [tilespmem:$0x0];
	_ =	sdelay $0x4  }
0x1f: {  	v4 =	vshll.u32 v3, $0x3  }
0x20: {  	v3 =	vand.u32 $0x7, v3;
	v4 =	vand.u32 $0xFFFFFFC0, v4  }
0x21: {  	v3 =	vor.u32 v3, v4  }
0x22: {  	v4 =	vperm.xlane v3, v0;
	_ =	sdelay $0x1  }
0x23: {  	v4 =	vadd.s32 v1, v4;
	_ =	sdelay $0x4  }
0x24: {  	[tilespmem:s16], [sflag:$0x1] =	stream.indirect_vreg.gather [hbm4b:s3+s1], $0x80, v4, vm0, $0xb8;
	[tilespmem:$0x10100] =	vst v63  }
0x25: {  	s4 =	simm.s32 $0x900;
	v3 =	vperm.xlane v3, v2  }
0x26: {  	[tilespmem:s4], [sflag:$0x1] =	stream.indirect_vreg.gather [hbm4b:s6+s1], $0x80, v4, vm0, $0xb8;
	[tilespmem:$0x10100] =	vst v63  }
0x27: {  	s2 =	simm.s32 $0x1100;
	v3 =	vadd.s32 v1, v3  }
0x28: {  	[tilespmem:s2], [sflag:$0x1] =	stream.indirect_vreg.gather [hbm4b:s7+s1], $0x80, v4, vm0, $0xb8;
	[tilespmem:$0x10100] =	vst v63  }
0x29: {  	s4 =	simm.s32 $0x1900  }
0x2a: {  	[tilespmem:s4], [sflag:$0x1] =	stream.indirect_vreg.gather [hbm4b:s8+s1], $0x80, v4, vm0, $0xb8;
	[tilespmem:$0x10100] =	vst v63  }
0x2b: {  	s2 =	simm.s32 $0x2100  }
0x2c: {  	[tilespmem:s2], [sflag:$0x1] =	stream.indirect_vreg.gather [hbm4b:s3+s1], $0x80, v3, vm0, $0xb8;
	[tilespmem:$0x10100] =	vst v63  }
0x2d: {  	s4 =	simm.s32 $0x2900  }
0x2e: {  	[tilespmem:s4], [sflag:$0x1] =	stream.indirect_vreg.gather [hbm4b:s6+s1], $0x80, v3, vm0, $0xb8;
	[tilespmem:$0x10100] =	vst v63  }
0x2f: {  	s2 =	simm.s32 $0x3100  }
0x30: {  	[tilespmem:s2], [sflag:$0x1] =	stream.indirect_vreg.gather [hbm4b:s7+s1], $0x80, v3, vm0, $0xb8;
	[tilespmem:$0x10100] =	vst v63  }
0x31: {  	s4 =	simm.s32 $0x3900  }
0x32: {  	[tilespmem:s4], [sflag:$0x1] =	stream.indirect_vreg.gather [hbm4b:s8+s1], $0x80, v3, vm0, $0xb8;
	[tilespmem:$0x10100] =	vst v63  }
0x33: {  	v3 =	vld [tilespmem:$0x10];
	_ =	sdelay $0x4  }
0x34: {  	v61 =	vshll.u32 v3, $0x3  }
0x35: {  	v3 =	vand.u32 $0x7, v3;
	v4 =	vand.u32 $0xFFFFFFC0, v61  }
0x36: {  	v3 =	vor.u32 v3, v4  }
0x37: {  	v4 =	vperm.xlane v3, v0;
	_ =	sdelay $0x1  }
0x38: {  	v4 =	vadd.s32 v1, v4;
	_ =	sdelay $0x3  }
0x39: {  	s2 =	simm.s32 $0x4100  }
0x3a: {  	[tilespmem:s2], [sflag:$0x1] =	stream.indirect_vreg.gather [hbm4b:s3+s1], $0x80, v4, vm0, $0xb8;
	[tilespmem:$0x10100] =	vst v63  }
0x3b: {  	s4 =	simm.s32 $0x4900;
	v3 =	vperm.xlane v3, v2  }
0x3c: {  	[tilespmem:s4], [sflag:$0x1] =	stream.indirect_vreg.gather [hbm4b:s6+s1], $0x80, v4, vm0, $0xb8;
	[tilespmem:$0x10100] =	vst v63  }
0x3d: {  	v3 =	vadd.s32 v1, v3;
	s2 =	simm.s32 $0x5100  }
0x3e: {  	[tilespmem:s2], [sflag:$0x1] =	stream.indirect_vreg.gather [hbm4b:s7+s1], $0x80, v4, vm0, $0xb8;
	[tilespmem:$0x10100] =	vst v63  }
0x3f: {  	s4 =	simm.s32 $0x5900  }
0x40: {  	[tilespmem:s4], [sflag:$0x1] =	stream.indirect_vreg.gather [hbm4b:s8+s1], $0x80, v4, vm0, $0xb8;
	[tilespmem:$0x10100] =	vst v63  }
0x41: {  	s2 =	simm.s32 $0x6100  }
0x42: {  	[tilespmem:s2], [sflag:$0x1] =	stream.indirect_vreg.gather [hbm4b:s3+s1], $0x80, v3, vm0, $0xb8;
	[tilespmem:$0x10100] =	vst v63  }
0x43: {  	s4 =	simm.s32 $0x6900  }
0x44: {  	[tilespmem:s4], [sflag:$0x1] =	stream.indirect_vreg.gather [hbm4b:s6+s1], $0x80, v3, vm0, $0xb8;
	[tilespmem:$0x10100] =	vst v63  }
0x45: {  	s2 =	simm.s32 $0x7100  }
0x46: {  	[tilespmem:s2], [sflag:$0x1] =	stream.indirect_vreg.gather [hbm4b:s7+s1], $0x80, v3, vm0, $0xb8;
	[tilespmem:$0x10100] =	vst v63  }
0x47: {  	s4 =	simm.s32 $0x7900  }
0x48: {  	[tilespmem:s4], [sflag:$0x1] =	stream.indirect_vreg.gather [hbm4b:s8+s1], $0x80, v3, vm0, $0xb8;
	[tilespmem:$0x10100] =	vst v63  }
0x49: {  	v3 =	vld [tilespmem:$0x80];
	_ =	sdelay $0x4  }
0x4a: {  	v62 =	vshll.u32 v3, $0x3  }
0x4b: {  	v3 =	vand.u32 $0x7, v3;
	v4 =	vand.u32 $0xFFFFFFC0, v62  }
0x4c: {  	v3 =	vor.u32 v3, v4  }
0x4d: {  	v4 =	vperm.xlane v3, v0;
	_ =	sdelay $0x1  }
0x4e: {  	v4 =	vadd.s32 v1, v4;
	_ =	sdelay $0x3  }
0x4f: {  	s2 =	simm.s32 $0x8100  }
0x50: {  	[tilespmem:s2], [sflag:$0x2] =	stream.indirect_vreg.gather [hbm4b:s3+s1], $0x80, v4, vm0, $0xb8;
	[tilespmem:$0x10100] =	vst v63  }
0x51: {  	s4 =	simm.s32 $0x8900;
	v3 =	vperm.xlane v3, v2  }
0x52: {  	[tilespmem:s4], [sflag:$0x2] =	stream.indirect_vreg.gather [hbm4b:s6+s1], $0x80, v4, vm0, $0xb8;
	[tilespmem:$0x10100] =	vst v63  }
0x53: {  	v3 =	vadd.s32 v1, v3  }
0x54: {  	[tilespmem:s5], [sflag:$0x2] =	stream.indirect_vreg.gather [hbm4b:s7+s1], $0x80, v4, vm0, $0xb8;
	[tilespmem:$0x10100] =	vst v63  }
0x55: {  	_ = 	snop  }
0x56: {  	[tilespmem:s15], [sflag:$0x2] =	stream.indirect_vreg.gather [hbm4b:s8+s1], $0x80, v4, vm0, $0xb8;
	[tilespmem:$0x10100] =	vst v63  }
0x57: {  	_ = 	snop  }
0x58: {  	[tilespmem:s17], [sflag:$0x2] =	stream.indirect_vreg.gather [hbm4b:s3+s1], $0x80, v3, vm0, $0xb8;
	[tilespmem:$0x10100] =	vst v63  }
0x59: {  	_ = 	snop  }
0x5a: {  	[tilespmem:s18], [sflag:$0x2] =	stream.indirect_vreg.gather [hbm4b:s6+s1], $0x80, v3, vm0, $0xb8;
	[tilespmem:$0x10100] =	vst v63  }
0x5b: {  	_ = 	snop  }
0x5c: {  	[tilespmem:s19], [sflag:$0x2] =	stream.indirect_vreg.gather [hbm4b:s7+s1], $0x80, v3, vm0, $0xb8;
	[tilespmem:$0x10100] =	vst v63  }
0x5d: {  	_ = 	snop  }
0x5e: {  	[tilespmem:s9], [sflag:$0x2] =	stream.indirect_vreg.gather [hbm4b:s8+s1], $0x80, v3, vm0, $0xb8;
	[tilespmem:$0x10100] =	vst v63  }
0x5f: {  	v3 =	vld [tilespmem:$0x90];
	_ =	sdelay $0x4  }
0x60: {  	v63 =	vshll.u32 v3, $0x3  }
0x61: {  	v3 =	vand.u32 $0x7, v3;
	v4 =	vand.u32 $0xFFFFFFC0, v63  }
0x62: {  	v3 =	vor.u32 v3, v4  }
0x63: {  	v4 =	vperm.xlane v3, v0;
	_ =	sdelay $0x1  }
0x64: {  	v4 =	vadd.s32 v1, v4;
	_ =	sdelay $0x4  }
0x65: {  	[tilespmem:s20], [sflag:$0x2] =	stream.indirect_vreg.gather [hbm4b:s3+s1], $0x80, v4, vm0, $0xb8;
	[tilespmem:$0x10100] =	vst v63  }
0x66: {  	v3 =	vperm.xlane v3, v2  }
0x67: {  	[tilespmem:s21], [sflag:$0x2] =	stream.indirect_vreg.gather [hbm4b:s6+s1], $0x80, v4, vm0, $0xb8;
	[tilespmem:$0x10100] =	vst v63  }
0x68: {  	v3 =	vadd.s32 v1, v3  }
0x69: {  	[tilespmem:s10], [sflag:$0x2] =	stream.indirect_vreg.gather [hbm4b:s7+s1], $0x80, v4, vm0, $0xb8;
	[tilespmem:$0x10100] =	vst v63  }
0x6a: {  	_ = 	snop  }
0x6b: {  	[tilespmem:s22], [sflag:$0x2] =	stream.indirect_vreg.gather [hbm4b:s8+s1], $0x80, v4, vm0, $0xb8;
	[tilespmem:$0x10100] =	vst v63  }
0x6c: {  	_ = 	snop  }
0x6d: {  	[tilespmem:s11], [sflag:$0x2] =	stream.indirect_vreg.gather [hbm4b:s3+s1], $0x80, v3, vm0, $0xb8;
	[tilespmem:$0x10100] =	vst v63  }
0x6e: {  	_ = 	snop  }
0x6f: {  	[tilespmem:s23], [sflag:$0x2] =	stream.indirect_vreg.gather [hbm4b:s6+s1], $0x80, v3, vm0, $0xb8;
	[tilespmem:$0x10100] =	vst v63  }
0x70: {  	_ = 	snop  }
0x71: {  	[tilespmem:s24], [sflag:$0x2] =	stream.indirect_vreg.gather [hbm4b:s7+s1], $0x80, v3, vm0, $0xb8;
	[tilespmem:$0x10100] =	vst v63  }
0x72: {  	_ = 	snop  }
0x73: {  	[tilespmem:s12], [sflag:$0x2] =	stream.indirect_vreg.gather [hbm4b:s8+s1], $0x80, v3, vm0, $0xb8;
	[tilespmem:$0x10100] =	vst v63  }
0x74: {  	_ =	swait.ge [sflag:s25], $0x8000  }
0x75: {  	[sflag:s25] =	ssyncset.done $0x0  }
0x76: {  	[sflag:s25] =	ssyncadd.s32 $0xFFFF8000  }
0x77: {  	_ =	swait.ge [sflag:s13], $0x8000  }
0x78: {  	s28 =	simm.s32 $0xFFFF8000;
	s29 =	simm.s32 $0x0;
	[sflag:s13] =	ssyncset.done $0x0  }
0x79: {  	s30 =	simm.s32 $0x0;
	s31 =	simm.s32 $0x0;
	[sflag:s13] =	ssyncadd.s32 $0xFFFF8000  }
.LBB2_2:
0x7a: {  	s0 =	sadd.s32 $0x8000, s28  }
0x7b: {  	s2 =	sand.u32 $0x380, s31;
	s0 =	sand.u32 $0x6000, s0  }
0x7c: {  	s0 =	sor.u32 s2, s0  }
0x7d: {  	v3 =	vld [tilespmem:s0+$0x100]  }
0x7e: {  	v4 =	vld [tilespmem:s0+$0x8100]  }
0x7f: {  	v5 =	vld [tilespmem:s0+$0x110]  }
0x80: {  	v6 =	vld [tilespmem:s0+$0x8110]  }
0x81: {  	v7 =	vld [tilespmem:s0+$0x120]  }
0x82: {  	v8 =	vld [tilespmem:s0+$0x8120]  }
0x83: {  	v9 =	vld [tilespmem:s0+$0x130]  }
0x84: {  	v10 =	vld [tilespmem:s0+$0x8130]  }
0x85: {  	v11 =	vld [tilespmem:s0+$0x140]  }
0x86: {  	v12 =	vld [tilespmem:s0+$0x8140]  }
0x87: {  	v13 =	vld [tilespmem:s0+$0x150]  }
0x88: {  	v14 =	vld [tilespmem:s0+$0x8150]  }
0x89: {  	v15 =	vld [tilespmem:s0+$0x160]  }
0x8a: {  	v16 =	vld [tilespmem:s0+$0x8160]  }
0x8b: {  	v17 =	vld [tilespmem:s0+$0x170]  }
0x8c: {  	v18 =	vld [tilespmem:s0+$0x8170]  }
0x8d: {  	v19 =	vld [tilespmem:s0+$0x500]  }
0x8e: {  	v20 =	vld [tilespmem:s0+$0x8500]  }
0x8f: {  	v21 =	vld [tilespmem:s0+$0x510]  }
0x90: {  	v22 =	vld [tilespmem:s0+$0x8510]  }
0x91: {  	v23 =	vld [tilespmem:s0+$0x520]  }
0x92: {  	v24 =	vld [tilespmem:s0+$0x8520]  }
0x93: {  	v25 =	vld [tilespmem:s0+$0x530]  }
0x94: {  	v26 =	vld [tilespmem:s0+$0x8530]  }
0x95: {  	v27 =	vld [tilespmem:s0+$0x540]  }
0x96: {  	v28 =	vld [tilespmem:s0+$0x8540]  }
0x97: {  	v29 =	vld [tilespmem:s0+$0x550]  }
0x98: {  	v30 =	vld [tilespmem:s0+$0x8550]  }
0x99: {  	v31 =	vld [tilespmem:s0+$0x560]  }
0x9a: {  	v32 =	vld [tilespmem:s0+$0x8560]  }
0x9b: {  	v33 =	vld [tilespmem:s0+$0x570]  }
0x9c: {  	v34 =	vld [tilespmem:s0+$0x8570]  }
0x9d: {  	v35 =	vld [tilespmem:s0+$0x900]  }
0x9e: {  	v36 =	vld [tilespmem:s0+$0x8900]  }
0x9f: {  	v37 =	vld [tilespmem:s0+$0x910]  }
0xa0: {  	v38 =	vld [tilespmem:s0+$0x8910]  }
0xa1: {  	v39 =	vld [tilespmem:s0+$0x920]  }
0xa2: {  	v40 =	vld [tilespmem:s0+$0x8920]  }
0xa3: {  	v41 =	vld [tilespmem:s0+$0x930]  }
0xa4: {  	v42 =	vld [tilespmem:s0+$0x8930]  }
0xa5: {  	v43 =	vld [tilespmem:s0+$0x940]  }
0xa6: {  	v44 =	vld [tilespmem:s0+$0x8940]  }
0xa7: {  	v45 =	vld [tilespmem:s0+$0x950]  }
0xa8: {  	v46 =	vld [tilespmem:s0+$0x8950]  }
0xa9: {  	v47 =	vld [tilespmem:s0+$0x960]  }
0xaa: {  	v48 =	vld [tilespmem:s0+$0x8960]  }
0xab: {  	v49 =	vld [tilespmem:s0+$0x970]  }
0xac: {  	v50 =	vld [tilespmem:s0+$0x8970]  }
0xad: {  	v51 =	vld [tilespmem:s0+$0xD00]  }
0xae: {  	v52 =	vld [tilespmem:s0+$0x8D00]  }
0xaf: {  	v53 =	vld [tilespmem:s0+$0xD10]  }
0xb0: {  	v54 =	vld [tilespmem:s0+$0x8D10]  }
0xb1: {  	v55 =	vld [tilespmem:s0+$0xD20]  }
0xb2: {  	v56 =	vld [tilespmem:s0+$0x8D20]  }
0xb3: {  	v57 =	vld [tilespmem:s0+$0xD30]  }
0xb4: {  	v58 =	vld [tilespmem:s0+$0x8D30]  }
0xb5: {  	v59 =	vld [tilespmem:s0+$0xD40]  }
0xb6: {  	v60 =	vld [tilespmem:s0+$0x8D40]  }
0xb7: {  	v61 =	vld [tilespmem:s0+$0xD50]  }
0xb8: {  	v62 =	vld [tilespmem:s0+$0x8D50]  }
0xb9: {  	v63 =	vld [tilespmem:s0+$0xD60]  }
0xba: {  	v3 =	vadd.f32 v4, v3;
	v4 =	vld [tilespmem:s0+$0x8D60]  }
0xbb: {  	v5 =	vadd.f32 v6, v5;
	v6 =	vld [tilespmem:s0+$0xD70]  }
0xbc: {  	v14 =	vadd.f32 v14, v13;
	v13 =	vld [tilespmem:s0+$0x9120];
	[tilespmem:s0+$0x100] =	vst v3;
	v3 =	vadd.f32 v8, v7  }
0xbd: {  	v18 =	vadd.f32 v18, v17;
	v17 =	vld [tilespmem:s0+$0x9140];
	[tilespmem:s0+$0x110] =	vst v5  }
0xbe: {  	v22 =	vadd.f32 v22, v21;
	v21 =	vld [tilespmem:s0+$0x9160];
	[tilespmem:s0+$0x120] =	vst v3;
	v3 =	vadd.f32 v12, v11  }
0xbf: {  	v7 =	vld [tilespmem:s0+$0x8D70];
	[tilespmem:s0+$0x150] =	vst v14  }
0xc0: {  	v8 =	vld [tilespmem:s0+$0x1100];
	[tilespmem:s0+$0x140] =	vst v3;
	v3 =	vadd.f32 v16, v15  }
0xc1: {  	v5 =	vadd.f32 v10, v9;
	v9 =	vld [tilespmem:s0+$0x9100];
	[tilespmem:s0+$0x170] =	vst v18  }
0xc2: {  	v10 =	vld [tilespmem:s0+$0x1110];
	[tilespmem:s0+$0x160] =	vst v3;
	v3 =	vadd.f32 v20, v19  }
0xc3: {  	v26 =	vadd.f32 v26, v25;
	v14 =	vld [tilespmem:s0+$0x1130];
	[tilespmem:s0+$0x510] =	vst v22  }
0xc4: {  	v18 =	vld [tilespmem:s0+$0x1150];
	[tilespmem:s0+$0x500] =	vst v3;
	v3 =	vadd.f32 v24, v23  }
0xc5: {  	v30 =	vadd.f32 v30, v29;
	[tilespmem:s0+$0x530] =	vst v26;
	v22 =	vld [tilespmem:s0+$0x1170]  }
0xc6: {  	v19 =	vld [tilespmem:s0+$0x9150];
	[tilespmem:s0+$0x520] =	vst v3;
	v3 =	vadd.f32 v28, v27  }
0xc7: {  	v34 =	vadd.f32 v34, v33;
	[tilespmem:s0+$0x550] =	vst v30;
	v11 =	vld [tilespmem:s0+$0x9110]  }
0xc8: {  	v12 =	vld [tilespmem:s0+$0x1120];
	[tilespmem:s0+$0x540] =	vst v3;
	v3 =	vadd.f32 v32, v31  }
0xc9: {  	[tilespmem:s0+$0x570] =	vst v34;
	v15 =	vld [tilespmem:s0+$0x9130]  }
0xca: {  	v16 =	vld [tilespmem:s0+$0x1140];
	[tilespmem:s0+$0x560] =	vst v3;
	v3 =	vadd.f32 v36, v35  }
0xcb: {  	[tilespmem:s0+$0x130] =	vst v5;
	v20 =	vld [tilespmem:s0+$0x1160];
	v19 =	vadd.f32 v19, v18  }
0xcc: {  	v24 =	vld [tilespmem:s0+$0x1500];
	[tilespmem:s0+$0x900] =	vst v3;
	v3 =	vadd.f32 v40, v39  }
0xcd: {  	[tilespmem:s0+$0x1150] =	vst v19;
	v36 =	vadd.f32 v38, v37;
	v37 =	vld [tilespmem:s0+$0x9170]  }
0xce: {  	v38 =	vadd.f32 v42, v41;
	v41 =	vld [tilespmem:s0+$0x1510];
	[tilespmem:s0+$0x920] =	vst v3;
	v3 =	vadd.f32 v44, v43  }
0xcf: {  	v42 =	vld [tilespmem:s0+$0x9510];
	[tilespmem:s0+$0x910] =	vst v36  }
0xd0: {  	v35 =	vld [tilespmem:s0+$0x1910];
	[tilespmem:s0+$0x940] =	vst v3;
	v3 =	vadd.f32 v48, v47  }
0xd1: {  	v39 =	vld [tilespmem:s0+$0x9500];
	[tilespmem:s0+$0x930] =	vst v38;
	v40 =	vadd.f32 v46, v45  }
0xd2: {  	v45 =	vld [tilespmem:s0+$0x9520];
	[tilespmem:s0+$0x960] =	vst v3;
	v3 =	vadd.f32 v52, v51  }
0xd3: {  	v46 =	vadd.f32 v54, v53;
	v53 =	vld [tilespmem:s0+$0x1550];
	[tilespmem:s0+$0x950] =	vst v40  }
0xd4: {  	v54 =	vld [tilespmem:s0+$0x9550];
	[tilespmem:s0+$0xD00] =	vst v3;
	v3 =	vadd.f32 v56, v55  }
0xd5: {  	v36 =	vld [tilespmem:s0+$0x9910];
	v43 =	vadd.f32 v50, v49;
	[tilespmem:s0+$0xD10] =	vst v46  }
0xd6: {  	v38 =	vld [tilespmem:s0+$0x1920];
	[tilespmem:s0+$0xD20] =	vst v3;
	v3 =	vadd.f32 v60, v59  }
0xd7: {  	v44 =	vld [tilespmem:s0+$0x1520];
	v49 =	vadd.f32 v58, v57;
	[tilespmem:s0+$0x970] =	vst v43  }
0xd8: {  	v50 =	vld [tilespmem:s0+$0x1540];
	[tilespmem:s0+$0xD40] =	vst v3;
	v3 =	vadd.f32 v4, v63  }
0xd9: {  	v57 =	vld [tilespmem:s0+$0x9560];
	v58 =	vadd.f32 v11, v10;
	[tilespmem:s0+$0xD30] =	vst v49  }
0xda: {  	v46 =	vld [tilespmem:s0+$0x9950];
	[tilespmem:s0+$0xD60] =	vst v3;
	v3 =	vadd.f32 v9, v8  }
0xdb: {  	v37 =	vadd.f32 v37, v22;
	v40 =	vadd.f32 v42, v41;
	v41 =	vld [tilespmem:s0+$0x1930];
	[tilespmem:s0+$0x1110] =	vst v58  }
0xdc: {  	v42 =	vld [tilespmem:s0+$0x9930];
	[tilespmem:s0+$0x1100] =	vst v3;
	v3 =	vadd.f32 v13, v12  }
0xdd: {  	v47 =	vld [tilespmem:s0+$0x1530];
	[tilespmem:s0+$0x1170] =	vst v37  }
0xde: {  	v48 =	vld [tilespmem:s0+$0x9530];
	[tilespmem:s0+$0x1120] =	vst v3;
	v3 =	vadd.f32 v17, v16  }
0xdf: {  	v49 =	vld [tilespmem:s0+$0x9960];
	[tilespmem:s0+$0x1510] =	vst v40;
	v52 =	vadd.f32 v62, v61  }
0xe0: {  	v51 =	vld [tilespmem:s0+$0x9540];
	[tilespmem:s0+$0x1140] =	vst v3;
	v3 =	vadd.f32 v21, v20  }
0xe1: {  	v61 =	vadd.f32 v15, v14;
	v62 =	vld [tilespmem:s0+$0x1900];
	[tilespmem:s0+$0xD50] =	vst v52  }
0xe2: {  	v56 =	vld [tilespmem:s0+$0x1560];
	[tilespmem:s0+$0x1160] =	vst v3;
	v3 =	vadd.f32 v39, v24  }
0xe3: {  	v55 =	vadd.f32 v7, v6;
	[tilespmem:s0+$0x1130] =	vst v61;
	v52 =	vld [tilespmem:s0+$0x9970]  }
0xe4: {  	v43 =	vadd.f32 v48, v47;
	v47 =	vld [tilespmem:s0+$0x1960];
	[tilespmem:s0+$0x1500] =	vst v3;
	v3 =	vadd.f32 v45, v44  }
0xe5: {  	[tilespmem:s0+$0xD70] =	vst v55;
	v63 =	vld [tilespmem:s0+$0x9900]  }
0xe6: {  	v59 =	vld [tilespmem:s0+$0x1570];
	[tilespmem:s0+$0x1520] =	vst v3;
	v3 =	vadd.f32 v51, v50  }
0xe7: {  	[tilespmem:s0+$0x1530] =	vst v43;
	v4 =	vadd.f32 v54, v53;
	v39 =	vld [tilespmem:s0+$0x9920]  }
0xe8: {  	v60 =	vld [tilespmem:s0+$0x9570];
	[tilespmem:s0+$0x1540] =	vst v3;
	v3 =	vadd.f32 v57, v56  }
0xe9: {  	v54 =	vadd.f32 v42, v41;
	[tilespmem:s0+$0x1550] =	vst v4;
	v45 =	vld [tilespmem:s0+$0x1950]  }
0xea: {  	v53 =	vld [tilespmem:s0+$0x9940];
	[tilespmem:s0+$0x1560] =	vst v3;
	v3 =	vadd.f32 v63, v62  }
0xeb: {  	[tilespmem:s0+$0x1930] =	vst v54;
	v55 =	vadd.f32 v49, v47;
	v50 =	vld [tilespmem:s0+$0x1970]  }
0xec: {  	v44 =	vld [tilespmem:s0+$0x1940];
	[tilespmem:s0+$0x1900] =	vst v3;
	v3 =	vadd.f32 v39, v38  }
0xed: {  	v48 =	vadd.f32 v60, v59;
	[tilespmem:s0+$0x1960] =	vst v55  }
0xee: {  	[tilespmem:s0+$0x1920] =	vst v3;
	v3 =	vadd.f32 v46, v45  }
0xef: {  	s4 =	sand.u32 $0x7, s29;
	[tilespmem:s0+$0x1570] =	vst v48;
	v51 =	vadd.f32 v36, v35  }
0xf0: {  	s2 =	sshll.u32 s4, $0x7;
	[tilespmem:s0+$0x1950] =	vst v3;
	v3 =	vadd.f32 v52, v50  }
0xf1: {  	s2 =	sadd.s32 s2, s30;
	[tilespmem:s0+$0x1910] =	vst v51;
	v56 =	vadd.f32 v53, v44  }
0xf2: {  	s4 =	sor.u32 $0x1C00, s2;
	[tilespmem:s0+$0x1970] =	vst v3  }
0xf3: {  	[tilespmem:s0+$0x1940] =	vst v56;
	v3 =	vld [tilespmem:s4+$0x100]  }
0xf4: {  	v4 =	vld [tilespmem:s4+$0x8100];
	_ =	sdelay $0x4  }
0xf5: {  	v3 =	vadd.f32 v4, v3;
	_ =	sdelay $0x1  }
0xf6: {  	[tilespmem:s4+$0x100] =	vst v3;
	s4 =	sor.u32 $0x1C10, s2  }
0xf7: {  	v3 =	vld [tilespmem:s4+$0x100]  }
0xf8: {  	v57 =	vld [tilespmem:s4+$0x8100];
	_ =	sdelay $0x4  }
0xf9: {  	v3 =	vadd.f32 v57, v3;
	_ =	sdelay $0x1  }
0xfa: {  	[tilespmem:s4+$0x100] =	vst v3;
	s4 =	sor.u32 $0x1C20, s2  }
0xfb: {  	v3 =	vld [tilespmem:s4+$0x100]  }
0xfc: {  	v58 =	vld [tilespmem:s4+$0x8100];
	_ =	sdelay $0x4  }
0xfd: {  	v3 =	vadd.f32 v58, v3;
	_ =	sdelay $0x1  }
0xfe: {  	[tilespmem:s4+$0x100] =	vst v3;
	s4 =	sor.u32 $0x1C30, s2  }
0xff: {  	v3 =	vld [tilespmem:s4+$0x100]  }
0x100: {  	v59 =	vld [tilespmem:s4+$0x8100];
	_ =	sdelay $0x4  }
0x101: {  	v3 =	vadd.f32 v59, v3;
	_ =	sdelay $0x1  }
0x102: {  	[tilespmem:s4+$0x100] =	vst v3;
	s4 =	sor.u32 $0x1C40, s2  }
0x103: {  	v3 =	vld [tilespmem:s4+$0x100]  }
0x104: {  	v60 =	vld [tilespmem:s4+$0x8100];
	_ =	sdelay $0x4  }
0x105: {  	v3 =	vadd.f32 v60, v3;
	_ =	sdelay $0x1  }
0x106: {  	[tilespmem:s4+$0x100] =	vst v3;
	s4 =	sor.u32 $0x1C50, s2  }
0x107: {  	v3 =	vld [tilespmem:s4+$0x100]  }
0x108: {  	v61 =	vld [tilespmem:s4+$0x8100];
	_ =	sdelay $0x4  }
0x109: {  	v3 =	vadd.f32 v61, v3;
	_ =	sdelay $0x1  }
0x10a: {  	[tilespmem:s4+$0x100] =	vst v3;
	s4 =	sor.u32 $0x1C60, s2  }
0x10b: {  	v3 =	vld [tilespmem:s4+$0x100]  }
0x10c: {  	v62 =	vld [tilespmem:s4+$0x8100];
	_ =	sdelay $0x4  }
0x10d: {  	v3 =	vadd.f32 v62, v3;
	_ =	sdelay $0x1  }
0x10e: {  	[tilespmem:s4+$0x100] =	vst v3;
	s4 =	sor.u32 $0x1C70, s2  }
0x10f: {  	v3 =	vld [tilespmem:s4+$0x100]  }
0x110: {  	v63 =	vld [tilespmem:s4+$0x8100];
	_ =	sdelay $0x1  }
0x111: {  	p0 =	sne.s32 s31, $0xF80  }
.Ltmp0:
0x112: {  	_ = 	snop;
	(pc) =	sbr.rel @p0 .LBB2_2-.Ltmp0, $4  }
0x113: {  	_ = 	snop  }
0x114: {  	v3 =	vadd.f32 v63, v3  }
0x115: {  	s29 =	sadd.s32 $0x1, s29  }
0x116: {  	s28 =	sadd.s32 $0x400, s28;
	s31 =	sadd.s32 $0x80, s31;
	s30 =	sadd.s32 $0x400, s30;
	[tilespmem:s4+$0x100] =	vst v3  }
0x117: {  	s28 =	simm.s32 $0x0;
	s0 =	rddreg [dreg:$0x5]  }
0x118: {  	[hbm4b:s0+s28] =	stream.linear.scatter [tilespmem:s16], [sflag:$0x3], $0x8000, $0x38;
	[tilespmem:$0x10100] =	vst v63  }
0x119: {  	_ =	swait.ge [sflag:s14], $0x8000  }
0x11a: {  	[sflag:s14] =	ssyncset.done $0x0  }
0x11b: {  	s2 =	rddreg [dreg:$0x6];
	[sflag:s14] =	ssyncadd.s32 $0xFFFF8000  }
0x11c: {  	[tilespmem:s28], [sflag:$0x3] =	stream.linear.gather [hbm4b:s2+s28], $0x20, $0x38;
	[tilespmem:$0x10100] =	vst v63  }
0x11d: {  	_ =	swait.ge [sflag:s14], $0x20  }
0x11e: {  	[sflag:s14] =	ssyncset.done $0x0  }
0x11f: {  	s2 =	simm.s32 $0x80;
	s4 =	rddreg [dreg:$0x7];
	[sflag:s14] =	ssyncadd.s32 $0xFFFFFFE0  }
0x120: {  	[tilespmem:s2], [sflag:$0x3] =	stream.linear.gather [hbm4b:s4+s28], $0x20, $0x38;
	[tilespmem:$0x10100] =	vst v63  }
0x121: {  	_ =	swait.ge [sflag:s14], $0x20  }
0x122: {  	[sflag:s14] =	ssyncset.done $0x0  }
0x123: {  	[sflag:s14] =	ssyncadd.s32 $0xFFFFFFE0  }
0x124: {  	v3 =	vld [tilespmem:$0x0];
	_ =	sdelay $0x4  }
0x125: {  	v4 =	vshll.u32 v3, $0x3  }
0x126: {  	v3 =	vand.u32 $0x7, v3;
	v4 =	vand.u32 $0xFFFFFFC0, v4  }
0x127: {  	v3 =	vor.u32 v3, v4  }
0x128: {  	v4 =	vperm.xlane v3, v0;
	_ =	sdelay $0x1  }
0x129: {  	v4 =	vadd.s32 v1, v4;
	_ =	sdelay $0x4  }
0x12a: {  	[tilespmem:s16], [sflag:$0x1] =	stream.indirect_vreg.gather [hbm4b:s3+s28], $0x80, v4, vm0, $0xb8;
	[tilespmem:$0x10100] =	vst v63  }
0x12b: {  	s4 =	simm.s32 $0x900;
	v3 =	vperm.xlane v3, v2  }
0x12c: {  	[tilespmem:s4], [sflag:$0x1] =	stream.indirect_vreg.gather [hbm4b:s6+s28], $0x80, v4, vm0, $0xb8;
	[tilespmem:$0x10100] =	vst v63  }
0x12d: {  	s2 =	simm.s32 $0x1100;
	v3 =	vadd.s32 v1, v3  }
0x12e: {  	[tilespmem:s2], [sflag:$0x1] =	stream.indirect_vreg.gather [hbm4b:s7+s28], $0x80, v4, vm0, $0xb8;
	[tilespmem:$0x10100] =	vst v63  }
0x12f: {  	s4 =	simm.s32 $0x1900  }
0x130: {  	[tilespmem:s4], [sflag:$0x1] =	stream.indirect_vreg.gather [hbm4b:s8+s28], $0x80, v4, vm0, $0xb8;
	[tilespmem:$0x10100] =	vst v63  }
0x131: {  	s2 =	simm.s32 $0x2100  }
0x132: {  	[tilespmem:s2], [sflag:$0x1] =	stream.indirect_vreg.gather [hbm4b:s3+s28], $0x80, v3, vm0, $0xb8;
	[tilespmem:$0x10100] =	vst v63  }
0x133: {  	s4 =	simm.s32 $0x2900  }
0x134: {  	[tilespmem:s4], [sflag:$0x1] =	stream.indirect_vreg.gather [hbm4b:s6+s28], $0x80, v3, vm0, $0xb8;
	[tilespmem:$0x10100] =	vst v63  }
0x135: {  	s2 =	simm.s32 $0x3100  }
0x136: {  	[tilespmem:s2], [sflag:$0x1] =	stream.indirect_vreg.gather [hbm4b:s7+s28], $0x80, v3, vm0, $0xb8;
	[tilespmem:$0x10100] =	vst v63  }
0x137: {  	s4 =	simm.s32 $0x3900  }
0x138: {  	[tilespmem:s4], [sflag:$0x1] =	stream.indirect_vreg.gather [hbm4b:s8+s28], $0x80, v3, vm0, $0xb8;
	[tilespmem:$0x10100] =	vst v63  }
0x139: {  	v3 =	vld [tilespmem:$0x10];
	_ =	sdelay $0x4  }
0x13a: {  	v61 =	vshll.u32 v3, $0x3  }
0x13b: {  	v3 =	vand.u32 $0x7, v3;
	v4 =	vand.u32 $0xFFFFFFC0, v61  }
0x13c: {  	v3 =	vor.u32 v3, v4  }
0x13d: {  	v4 =	vperm.xlane v3, v0;
	_ =	sdelay $0x1  }
0x13e: {  	v4 =	vadd.s32 v1, v4;
	_ =	sdelay $0x3  }
0x13f: {  	s2 =	simm.s32 $0x4100  }
0x140: {  	[tilespmem:s2], [sflag:$0x1] =	stream.indirect_vreg.gather [hbm4b:s3+s28], $0x80, v4, vm0, $0xb8;
	[tilespmem:$0x10100] =	vst v63  }
0x141: {  	s4 =	simm.s32 $0x4900;
	v3 =	vperm.xlane v3, v2  }
0x142: {  	[tilespmem:s4], [sflag:$0x1] =	stream.indirect_vreg.gather [hbm4b:s6+s28], $0x80, v4, vm0, $0xb8;
	[tilespmem:$0x10100] =	vst v63  }
0x143: {  	v3 =	vadd.s32 v1, v3;
	s2 =	simm.s32 $0x5100  }
0x144: {  	[tilespmem:s2], [sflag:$0x1] =	stream.indirect_vreg.gather [hbm4b:s7+s28], $0x80, v4, vm0, $0xb8;
	[tilespmem:$0x10100] =	vst v63  }
0x145: {  	s4 =	simm.s32 $0x5900  }
0x146: {  	[tilespmem:s4], [sflag:$0x1] =	stream.indirect_vreg.gather [hbm4b:s8+s28], $0x80, v4, vm0, $0xb8;
	[tilespmem:$0x10100] =	vst v63  }
0x147: {  	s2 =	simm.s32 $0x6100  }
0x148: {  	[tilespmem:s2], [sflag:$0x1] =	stream.indirect_vreg.gather [hbm4b:s3+s28], $0x80, v3, vm0, $0xb8;
	[tilespmem:$0x10100] =	vst v63  }
0x149: {  	s4 =	simm.s32 $0x6900  }
0x14a: {  	[tilespmem:s4], [sflag:$0x1] =	stream.indirect_vreg.gather [hbm4b:s6+s28], $0x80, v3, vm0, $0xb8;
	[tilespmem:$0x10100] =	vst v63  }
0x14b: {  	s2 =	simm.s32 $0x7100  }
0x14c: {  	[tilespmem:s2], [sflag:$0x1] =	stream.indirect_vreg.gather [hbm4b:s7+s28], $0x80, v3, vm0, $0xb8;
	[tilespmem:$0x10100] =	vst v63  }
0x14d: {  	s4 =	simm.s32 $0x7900  }
0x14e: {  	[tilespmem:s4], [sflag:$0x1] =	stream.indirect_vreg.gather [hbm4b:s8+s28], $0x80, v3, vm0, $0xb8;
	[tilespmem:$0x10100] =	vst v63  }
0x14f: {  	v3 =	vld [tilespmem:$0x80];
	_ =	sdelay $0x4  }
0x150: {  	v62 =	vshll.u32 v3, $0x3  }
0x151: {  	v3 =	vand.u32 $0x7, v3;
	v4 =	vand.u32 $0xFFFFFFC0, v62  }
0x152: {  	v3 =	vor.u32 v3, v4  }
0x153: {  	v4 =	vperm.xlane v3, v0;
	_ =	sdelay $0x1  }
0x154: {  	v4 =	vadd.s32 v1, v4;
	_ =	sdelay $0x3  }
0x155: {  	s2 =	simm.s32 $0x8100  }
0x156: {  	[tilespmem:s2], [sflag:$0x2] =	stream.indirect_vreg.gather [hbm4b:s3+s28], $0x80, v4, vm0, $0xb8;
	[tilespmem:$0x10100] =	vst v63  }
0x157: {  	s4 =	simm.s32 $0x8900;
	v3 =	vperm.xlane v3, v2  }
0x158: {  	[tilespmem:s4], [sflag:$0x2] =	stream.indirect_vreg.gather [hbm4b:s6+s28], $0x80, v4, vm0, $0xb8;
	[tilespmem:$0x10100] =	vst v63  }
0x159: {  	v3 =	vadd.s32 v1, v3  }
0x15a: {  	[tilespmem:s5], [sflag:$0x2] =	stream.indirect_vreg.gather [hbm4b:s7+s28], $0x80, v4, vm0, $0xb8;
	[tilespmem:$0x10100] =	vst v63  }
0x15b: {  	_ = 	snop  }
0x15c: {  	[tilespmem:s15], [sflag:$0x2] =	stream.indirect_vreg.gather [hbm4b:s8+s28], $0x80, v4, vm0, $0xb8;
	[tilespmem:$0x10100] =	vst v63  }
0x15d: {  	_ = 	snop  }
0x15e: {  	[tilespmem:s17], [sflag:$0x2] =	stream.indirect_vreg.gather [hbm4b:s3+s28], $0x80, v3, vm0, $0xb8;
	[tilespmem:$0x10100] =	vst v63  }
0x15f: {  	_ = 	snop  }
0x160: {  	[tilespmem:s18], [sflag:$0x2] =	stream.indirect_vreg.gather [hbm4b:s6+s28], $0x80, v3, vm0, $0xb8;
	[tilespmem:$0x10100] =	vst v63  }
0x161: {  	_ = 	snop  }
0x162: {  	[tilespmem:s19], [sflag:$0x2] =	stream.indirect_vreg.gather [hbm4b:s7+s28], $0x80, v3, vm0, $0xb8;
	[tilespmem:$0x10100] =	vst v63  }
0x163: {  	_ = 	snop  }
0x164: {  	[tilespmem:s9], [sflag:$0x2] =	stream.indirect_vreg.gather [hbm4b:s8+s28], $0x80, v3, vm0, $0xb8;
	[tilespmem:$0x10100] =	vst v63  }
0x165: {  	v3 =	vld [tilespmem:$0x90];
	_ =	sdelay $0x4  }
0x166: {  	v63 =	vshll.u32 v3, $0x3  }
0x167: {  	v3 =	vand.u32 $0x7, v3;
	v4 =	vand.u32 $0xFFFFFFC0, v63  }
0x168: {  	v3 =	vor.u32 v3, v4  }
0x169: {  	v4 =	vperm.xlane v3, v0;
	_ =	sdelay $0x1  }
0x16a: {  	v4 =	vadd.s32 v1, v4;
	_ =	sdelay $0x4  }
0x16b: {  	[tilespmem:s20], [sflag:$0x2] =	stream.indirect_vreg.gather [hbm4b:s3+s28], $0x80, v4, vm0, $0xb8;
	[tilespmem:$0x10100] =	vst v63  }
0x16c: {  	v3 =	vperm.xlane v3, v2  }
0x16d: {  	[tilespmem:s21], [sflag:$0x2] =	stream.indirect_vreg.gather [hbm4b:s6+s28], $0x80, v4, vm0, $0xb8;
	[tilespmem:$0x10100] =	vst v63  }
0x16e: {  	v3 =	vadd.s32 v1, v3  }
0x16f: {  	[tilespmem:s10], [sflag:$0x2] =	stream.indirect_vreg.gather [hbm4b:s7+s28], $0x80, v4, vm0, $0xb8;
	[tilespmem:$0x10100] =	vst v63  }
0x170: {  	_ = 	snop  }
0x171: {  	[tilespmem:s22], [sflag:$0x2] =	stream.indirect_vreg.gather [hbm4b:s8+s28], $0x80, v4, vm0, $0xb8;
	[tilespmem:$0x10100] =	vst v63  }
0x172: {  	_ = 	snop  }
0x173: {  	[tilespmem:s11], [sflag:$0x2] =	stream.indirect_vreg.gather [hbm4b:s3+s28], $0x80, v3, vm0, $0xb8;
	[tilespmem:$0x10100] =	vst v63  }
0x174: {  	_ = 	snop  }
0x175: {  	[tilespmem:s23], [sflag:$0x2] =	stream.indirect_vreg.gather [hbm4b:s6+s28], $0x80, v3, vm0, $0xb8;
	[tilespmem:$0x10100] =	vst v63  }
0x176: {  	_ = 	snop  }
0x177: {  	[tilespmem:s24], [sflag:$0x2] =	stream.indirect_vreg.gather [hbm4b:s7+s28], $0x80, v3, vm0, $0xb8;
	[tilespmem:$0x10100] =	vst v63  }
0x178: {  	_ = 	snop  }
0x179: {  	[tilespmem:s12], [sflag:$0x2] =	stream.indirect_vreg.gather [hbm4b:s8+s28], $0x80, v3, vm0, $0xb8;
	[tilespmem:$0x10100] =	vst v63  }
0x17a: {  	_ =	swait.ge [sflag:s25], $0x8000  }
0x17b: {  	[sflag:s25] =	ssyncset.done $0x0  }
0x17c: {  	[sflag:s25] =	ssyncadd.s32 $0xFFFF8000  }
0x17d: {  	_ =	swait.ge [sflag:s13], $0x8000  }
0x17e: {  	s29 =	simm.s32 $0xFFFF8000;
	[sflag:s13] =	ssyncset.done $0x0  }
0x17f: {  	s30 =	simm.s32 $0x0;
	s31 =	simm.s32 $0x0;
	[sflag:s13] =	ssyncadd.s32 $0xFFFF8000  }
.LBB2_4:
0x180: {  	s0 =	sadd.s32 $0x8000, s29  }
0x181: {  	s2 =	sand.u32 $0x380, s31;
	s0 =	sand.u32 $0x6000, s0  }
0x182: {  	s0 =	sor.u32 s2, s0  }
0x183: {  	v3 =	vld [tilespmem:s0+$0x100]  }
0x184: {  	v4 =	vld [tilespmem:s0+$0x8100]  }
0x185: {  	v5 =	vld [tilespmem:s0+$0x110]  }
0x186: {  	v6 =	vld [tilespmem:s0+$0x8110]  }
0x187: {  	v7 =	vld [tilespmem:s0+$0x120]  }
0x188: {  	v8 =	vld [tilespmem:s0+$0x8120]  }
0x189: {  	v9 =	vld [tilespmem:s0+$0x130]  }
0x18a: {  	v10 =	vld [tilespmem:s0+$0x8130]  }
0x18b: {  	v11 =	vld [tilespmem:s0+$0x140]  }
0x18c: {  	v12 =	vld [tilespmem:s0+$0x8140]  }
0x18d: {  	v13 =	vld [tilespmem:s0+$0x150]  }
0x18e: {  	v14 =	vld [tilespmem:s0+$0x8150]  }
0x18f: {  	v15 =	vld [tilespmem:s0+$0x160]  }
0x190: {  	v16 =	vld [tilespmem:s0+$0x8160]  }
0x191: {  	v17 =	vld [tilespmem:s0+$0x170]  }
0x192: {  	v18 =	vld [tilespmem:s0+$0x8170]  }
0x193: {  	v19 =	vld [tilespmem:s0+$0x500]  }
0x194: {  	v20 =	vld [tilespmem:s0+$0x8500]  }
0x195: {  	v21 =	vld [tilespmem:s0+$0x510]  }
0x196: {  	v22 =	vld [tilespmem:s0+$0x8510]  }
0x197: {  	v23 =	vld [tilespmem:s0+$0x520]  }
0x198: {  	v24 =	vld [tilespmem:s0+$0x8520]  }
0x199: {  	v25 =	vld [tilespmem:s0+$0x530]  }
0x19a: {  	v26 =	vld [tilespmem:s0+$0x8530]  }
0x19b: {  	v27 =	vld [tilespmem:s0+$0x540]  }
0x19c: {  	v28 =	vld [tilespmem:s0+$0x8540]  }
0x19d: {  	v29 =	vld [tilespmem:s0+$0x550]  }
0x19e: {  	v30 =	vld [tilespmem:s0+$0x8550]  }
0x19f: {  	v31 =	vld [tilespmem:s0+$0x560]  }
0x1a0: {  	v32 =	vld [tilespmem:s0+$0x8560]  }
0x1a1: {  	v33 =	vld [tilespmem:s0+$0x570]  }
0x1a2: {  	v34 =	vld [tilespmem:s0+$0x8570]  }
0x1a3: {  	v35 =	vld [tilespmem:s0+$0x900]  }
0x1a4: {  	v36 =	vld [tilespmem:s0+$0x8900]  }
0x1a5: {  	v37 =	vld [tilespmem:s0+$0x910]  }
0x1a6: {  	v38 =	vld [tilespmem:s0+$0x8910]  }
0x1a7: {  	v39 =	vld [tilespmem:s0+$0x920]  }
0x1a8: {  	v40 =	vld [tilespmem:s0+$0x8920]  }
0x1a9: {  	v41 =	vld [tilespmem:s0+$0x930]  }
0x1aa: {  	v42 =	vld [tilespmem:s0+$0x8930]  }
0x1ab: {  	v43 =	vld [tilespmem:s0+$0x940]  }
0x1ac: {  	v44 =	vld [tilespmem:s0+$0x8940]  }
0x1ad: {  	v45 =	vld [tilespmem:s0+$0x950]  }
0x1ae: {  	v46 =	vld [tilespmem:s0+$0x8950]  }
0x1af: {  	v47 =	vld [tilespmem:s0+$0x960]  }
0x1b0: {  	v48 =	vld [tilespmem:s0+$0x8960]  }
0x1b1: {  	v49 =	vld [tilespmem:s0+$0x970]  }
0x1b2: {  	v50 =	vld [tilespmem:s0+$0x8970]  }
0x1b3: {  	v51 =	vld [tilespmem:s0+$0xD00]  }
0x1b4: {  	v52 =	vld [tilespmem:s0+$0x8D00]  }
0x1b5: {  	v53 =	vld [tilespmem:s0+$0xD10]  }
0x1b6: {  	v54 =	vld [tilespmem:s0+$0x8D10]  }
0x1b7: {  	v55 =	vld [tilespmem:s0+$0xD20]  }
0x1b8: {  	v56 =	vld [tilespmem:s0+$0x8D20]  }
0x1b9: {  	v57 =	vld [tilespmem:s0+$0xD30]  }
0x1ba: {  	v58 =	vld [tilespmem:s0+$0x8D30]  }
0x1bb: {  	v59 =	vld [tilespmem:s0+$0xD40]  }
0x1bc: {  	v60 =	vld [tilespmem:s0+$0x8D40]  }
0x1bd: {  	v61 =	vld [tilespmem:s0+$0xD50]  }
0x1be: {  	v62 =	vld [tilespmem:s0+$0x8D50]  }
0x1bf: {  	v63 =	vld [tilespmem:s0+$0xD60]  }
0x1c0: {  	v3 =	vadd.f32 v4, v3;
	v4 =	vld [tilespmem:s0+$0x8D60]  }
0x1c1: {  	v5 =	vadd.f32 v6, v5;
	v6 =	vld [tilespmem:s0+$0xD70]  }
0x1c2: {  	v14 =	vadd.f32 v14, v13;
	v13 =	vld [tilespmem:s0+$0x9120];
	[tilespmem:s0+$0x100] =	vst v3;
	v3 =	vadd.f32 v8, v7  }
0x1c3: {  	v18 =	vadd.f32 v18, v17;
	v17 =	vld [tilespmem:s0+$0x9140];
	[tilespmem:s0+$0x110] =	vst v5  }
0x1c4: {  	v22 =	vadd.f32 v22, v21;
	v21 =	vld [tilespmem:s0+$0x9160];
	[tilespmem:s0+$0x120] =	vst v3;
	v3 =	vadd.f32 v12, v11  }
0x1c5: {  	v7 =	vld [tilespmem:s0+$0x8D70];
	[tilespmem:s0+$0x150] =	vst v14  }
0x1c6: {  	v8 =	vld [tilespmem:s0+$0x1100];
	[tilespmem:s0+$0x140] =	vst v3;
	v3 =	vadd.f32 v16, v15  }
0x1c7: {  	v5 =	vadd.f32 v10, v9;
	v9 =	vld [tilespmem:s0+$0x9100];
	[tilespmem:s0+$0x170] =	vst v18  }
0x1c8: {  	v10 =	vld [tilespmem:s0+$0x1110];
	[tilespmem:s0+$0x160] =	vst v3;
	v3 =	vadd.f32 v20, v19  }
0x1c9: {  	v26 =	vadd.f32 v26, v25;
	v14 =	vld [tilespmem:s0+$0x1130];
	[tilespmem:s0+$0x510] =	vst v22  }
0x1ca: {  	v18 =	vld [tilespmem:s0+$0x1150];
	[tilespmem:s0+$0x500] =	vst v3;
	v3 =	vadd.f32 v24, v23  }
0x1cb: {  	v30 =	vadd.f32 v30, v29;
	[tilespmem:s0+$0x530] =	vst v26;
	v22 =	vld [tilespmem:s0+$0x1170]  }
0x1cc: {  	v19 =	vld [tilespmem:s0+$0x9150];
	[tilespmem:s0+$0x520] =	vst v3;
	v3 =	vadd.f32 v28, v27  }
0x1cd: {  	v34 =	vadd.f32 v34, v33;
	[tilespmem:s0+$0x550] =	vst v30;
	v11 =	vld [tilespmem:s0+$0x9110]  }
0x1ce: {  	v12 =	vld [tilespmem:s0+$0x1120];
	[tilespmem:s0+$0x540] =	vst v3;
	v3 =	vadd.f32 v32, v31  }
0x1cf: {  	[tilespmem:s0+$0x570] =	vst v34;
	v15 =	vld [tilespmem:s0+$0x9130]  }
0x1d0: {  	v16 =	vld [tilespmem:s0+$0x1140];
	[tilespmem:s0+$0x560] =	vst v3;
	v3 =	vadd.f32 v36, v35  }
0x1d1: {  	[tilespmem:s0+$0x130] =	vst v5;
	v20 =	vld [tilespmem:s0+$0x1160];
	v19 =	vadd.f32 v19, v18  }
0x1d2: {  	v24 =	vld [tilespmem:s0+$0x1500];
	[tilespmem:s0+$0x900] =	vst v3;
	v3 =	vadd.f32 v40, v39  }
0x1d3: {  	[tilespmem:s0+$0x1150] =	vst v19;
	v36 =	vadd.f32 v38, v37;
	v37 =	vld [tilespmem:s0+$0x9170]  }
0x1d4: {  	v38 =	vadd.f32 v42, v41;
	v41 =	vld [tilespmem:s0+$0x1510];
	[tilespmem:s0+$0x920] =	vst v3;
	v3 =	vadd.f32 v44, v43  }
0x1d5: {  	v42 =	vld [tilespmem:s0+$0x9510];
	[tilespmem:s0+$0x910] =	vst v36  }
0x1d6: {  	v35 =	vld [tilespmem:s0+$0x1910];
	[tilespmem:s0+$0x940] =	vst v3;
	v3 =	vadd.f32 v48, v47  }
0x1d7: {  	v39 =	vld [tilespmem:s0+$0x9500];
	[tilespmem:s0+$0x930] =	vst v38;
	v40 =	vadd.f32 v46, v45  }
0x1d8: {  	v45 =	vld [tilespmem:s0+$0x9520];
	[tilespmem:s0+$0x960] =	vst v3;
	v3 =	vadd.f32 v52, v51  }
0x1d9: {  	v46 =	vadd.f32 v54, v53;
	v53 =	vld [tilespmem:s0+$0x1550];
	[tilespmem:s0+$0x950] =	vst v40  }
0x1da: {  	v54 =	vld [tilespmem:s0+$0x9550];
	[tilespmem:s0+$0xD00] =	vst v3;
	v3 =	vadd.f32 v56, v55  }
0x1db: {  	v36 =	vld [tilespmem:s0+$0x9910];
	v43 =	vadd.f32 v50, v49;
	[tilespmem:s0+$0xD10] =	vst v46  }
0x1dc: {  	v38 =	vld [tilespmem:s0+$0x1920];
	[tilespmem:s0+$0xD20] =	vst v3;
	v3 =	vadd.f32 v60, v59  }
0x1dd: {  	v44 =	vld [tilespmem:s0+$0x1520];
	v49 =	vadd.f32 v58, v57;
	[tilespmem:s0+$0x970] =	vst v43  }
0x1de: {  	v50 =	vld [tilespmem:s0+$0x1540];
	[tilespmem:s0+$0xD40] =	vst v3;
	v3 =	vadd.f32 v4, v63  }
0x1df: {  	v57 =	vld [tilespmem:s0+$0x9560];
	v58 =	vadd.f32 v11, v10;
	[tilespmem:s0+$0xD30] =	vst v49  }
0x1e0: {  	v46 =	vld [tilespmem:s0+$0x9950];
	[tilespmem:s0+$0xD60] =	vst v3;
	v3 =	vadd.f32 v9, v8  }
0x1e1: {  	v37 =	vadd.f32 v37, v22;
	v40 =	vadd.f32 v42, v41;
	v41 =	vld [tilespmem:s0+$0x1930];
	[tilespmem:s0+$0x1110] =	vst v58  }
0x1e2: {  	v42 =	vld [tilespmem:s0+$0x9930];
	[tilespmem:s0+$0x1100] =	vst v3;
	v3 =	vadd.f32 v13, v12  }
0x1e3: {  	v47 =	vld [tilespmem:s0+$0x1530];
	[tilespmem:s0+$0x1170] =	vst v37  }
0x1e4: {  	v48 =	vld [tilespmem:s0+$0x9530];
	[tilespmem:s0+$0x1120] =	vst v3;
	v3 =	vadd.f32 v17, v16  }
0x1e5: {  	v49 =	vld [tilespmem:s0+$0x9960];
	[tilespmem:s0+$0x1510] =	vst v40;
	v52 =	vadd.f32 v62, v61  }
0x1e6: {  	v51 =	vld [tilespmem:s0+$0x9540];
	[tilespmem:s0+$0x1140] =	vst v3;
	v3 =	vadd.f32 v21, v20  }
0x1e7: {  	v61 =	vadd.f32 v15, v14;
	v62 =	vld [tilespmem:s0+$0x1900];
	[tilespmem:s0+$0xD50] =	vst v52  }
0x1e8: {  	v56 =	vld [tilespmem:s0+$0x1560];
	[tilespmem:s0+$0x1160] =	vst v3;
	v3 =	vadd.f32 v39, v24  }
0x1e9: {  	v55 =	vadd.f32 v7, v6;
	[tilespmem:s0+$0x1130] =	vst v61;
	v52 =	vld [tilespmem:s0+$0x9970]  }
0x1ea: {  	v43 =	vadd.f32 v48, v47;
	v47 =	vld [tilespmem:s0+$0x1960];
	[tilespmem:s0+$0x1500] =	vst v3;
	v3 =	vadd.f32 v45, v44  }
0x1eb: {  	[tilespmem:s0+$0xD70] =	vst v55;
	v63 =	vld [tilespmem:s0+$0x9900]  }
0x1ec: {  	v59 =	vld [tilespmem:s0+$0x1570];
	[tilespmem:s0+$0x1520] =	vst v3;
	v3 =	vadd.f32 v51, v50  }
0x1ed: {  	[tilespmem:s0+$0x1530] =	vst v43;
	v4 =	vadd.f32 v54, v53;
	v39 =	vld [tilespmem:s0+$0x9920]  }
0x1ee: {  	v60 =	vld [tilespmem:s0+$0x9570];
	[tilespmem:s0+$0x1540] =	vst v3;
	v3 =	vadd.f32 v57, v56  }
0x1ef: {  	v54 =	vadd.f32 v42, v41;
	[tilespmem:s0+$0x1550] =	vst v4;
	v45 =	vld [tilespmem:s0+$0x1950]  }
0x1f0: {  	v53 =	vld [tilespmem:s0+$0x9940];
	[tilespmem:s0+$0x1560] =	vst v3;
	v3 =	vadd.f32 v63, v62  }
0x1f1: {  	[tilespmem:s0+$0x1930] =	vst v54;
	v55 =	vadd.f32 v49, v47;
	v50 =	vld [tilespmem:s0+$0x1970]  }
0x1f2: {  	v44 =	vld [tilespmem:s0+$0x1940];
	[tilespmem:s0+$0x1900] =	vst v3;
	v3 =	vadd.f32 v39, v38  }
0x1f3: {  	v48 =	vadd.f32 v60, v59;
	[tilespmem:s0+$0x1960] =	vst v55  }
0x1f4: {  	[tilespmem:s0+$0x1920] =	vst v3;
	v3 =	vadd.f32 v46, v45  }
0x1f5: {  	s4 =	sand.u32 $0x7, s28;
	[tilespmem:s0+$0x1570] =	vst v48;
	v51 =	vadd.f32 v36, v35  }
0x1f6: {  	s2 =	sshll.u32 s4, $0x7;
	[tilespmem:s0+$0x1950] =	vst v3;
	v3 =	vadd.f32 v52, v50  }
0x1f7: {  	s2 =	sadd.s32 s2, s30;
	[tilespmem:s0+$0x1910] =	vst v51;
	v56 =	vadd.f32 v53, v44  }
0x1f8: {  	s4 =	sor.u32 $0x1C00, s2;
	[tilespmem:s0+$0x1970] =	vst v3  }
0x1f9: {  	[tilespmem:s0+$0x1940] =	vst v56;
	v3 =	vld [tilespmem:s4+$0x100]  }
0x1fa: {  	v4 =	vld [tilespmem:s4+$0x8100];
	_ =	sdelay $0x4  }
0x1fb: {  	v3 =	vadd.f32 v4, v3;
	_ =	sdelay $0x1  }
0x1fc: {  	[tilespmem:s4+$0x100] =	vst v3;
	s4 =	sor.u32 $0x1C10, s2  }
0x1fd: {  	v3 =	vld [tilespmem:s4+$0x100]  }
0x1fe: {  	v57 =	vld [tilespmem:s4+$0x8100];
	_ =	sdelay $0x4  }
0x1ff: {  	v3 =	vadd.f32 v57, v3;
	_ =	sdelay $0x1  }
0x200: {  	[tilespmem:s4+$0x100] =	vst v3;
	s4 =	sor.u32 $0x1C20, s2  }
0x201: {  	v3 =	vld [tilespmem:s4+$0x100]  }
0x202: {  	v58 =	vld [tilespmem:s4+$0x8100];
	_ =	sdelay $0x4  }
0x203: {  	v3 =	vadd.f32 v58, v3;
	_ =	sdelay $0x1  }
0x204: {  	[tilespmem:s4+$0x100] =	vst v3;
	s4 =	sor.u32 $0x1C30, s2  }
0x205: {  	v3 =	vld [tilespmem:s4+$0x100]  }
0x206: {  	v59 =	vld [tilespmem:s4+$0x8100];
	_ =	sdelay $0x4  }
0x207: {  	v3 =	vadd.f32 v59, v3;
	_ =	sdelay $0x1  }
0x208: {  	[tilespmem:s4+$0x100] =	vst v3;
	s4 =	sor.u32 $0x1C40, s2  }
0x209: {  	v3 =	vld [tilespmem:s4+$0x100]  }
0x20a: {  	v60 =	vld [tilespmem:s4+$0x8100];
	_ =	sdelay $0x4  }
0x20b: {  	v3 =	vadd.f32 v60, v3;
	_ =	sdelay $0x1  }
0x20c: {  	[tilespmem:s4+$0x100] =	vst v3;
	s4 =	sor.u32 $0x1C50, s2  }
0x20d: {  	v3 =	vld [tilespmem:s4+$0x100]  }
0x20e: {  	v61 =	vld [tilespmem:s4+$0x8100];
	_ =	sdelay $0x4  }
0x20f: {  	v3 =	vadd.f32 v61, v3;
	_ =	sdelay $0x1  }
0x210: {  	[tilespmem:s4+$0x100] =	vst v3;
	s4 =	sor.u32 $0x1C60, s2  }
0x211: {  	v3 =	vld [tilespmem:s4+$0x100]  }
0x212: {  	v62 =	vld [tilespmem:s4+$0x8100];
	_ =	sdelay $0x4  }
0x213: {  	v3 =	vadd.f32 v62, v3;
	_ =	sdelay $0x1  }
0x214: {  	[tilespmem:s4+$0x100] =	vst v3;
	s4 =	sor.u32 $0x1C70, s2  }
0x215: {  	v3 =	vld [tilespmem:s4+$0x100]  }
0x216: {  	v63 =	vld [tilespmem:s4+$0x8100];
	_ =	sdelay $0x1  }
0x217: {  	p0 =	sne.s32 s31, $0xF80  }
.Ltmp1:
0x218: {  	_ = 	snop;
	(pc) =	sbr.rel @p0 .LBB2_4-.Ltmp1, $4  }
0x219: {  	_ = 	snop  }
0x21a: {  	v3 =	vadd.f32 v63, v3  }
0x21b: {  	s28 =	sadd.s32 $0x1, s28  }
0x21c: {  	s29 =	sadd.s32 $0x400, s29;
	s31 =	sadd.s32 $0x80, s31;
	s30 =	sadd.s32 $0x400, s30;
	[tilespmem:s4+$0x100] =	vst v3  }
0x21d: {  	s0 =	rddreg [dreg:$0x8]  }
0x21e: {  	[hbm4b:s0+s1] =	stream.linear.scatter [tilespmem:s16], [sflag:$0x3], $0x8000, $0x38;
	[tilespmem:$0x10100] =	vst v63  }
0x21f: {  	_ =	swait.ge [sflag:s14], $0x8000  }
0x220: {  	s26 =	sadd.s32 $0x1, s26;
	s31 =	rddreg [dreg:$0x9]  }
0x221: {  	p0 =	sne.s32 s26, s31  }
.Ltmp2:
0x222: {  	_ = 	snop;
	(pc) =	sbr.rel @p0 .LBB2_1-.Ltmp2, $3  }
0x223: {  	_ =	sdelay $0x1  }
0x224: {  	[sflag:s14] =	ssyncset.done $0x0  }
0x225: {  	[sflag:s14] =	ssyncadd.s32 $0xFFFF8000  }
0x226: {  	_ =	sfence.sel $0x180000  }
0x227: {  	[bflag:$0x0] =	sbarrier.arrive $0xFFFF  }
0x228: {  	_ =	strace $0x9000004A  }
0x229: {  	s0 =	stileid.u32;
	[bflag:$0x2] =	sbarrier.arrive $0xFFFF  }
0x22a: {  	p0 =	sne.s32 s0, $0x0;
	s0 =	rddreg [dreg:$0x2]  }
0x22b: {  	s0 =	sadd.s32 @!p0 $0x100000, s0  }
0x22c: {  	[sflag:s0] =	ssyncadd.tile.s32 @!p0 $0x1;
	_ =	shalt  }
.Lfunc_end2:
_tile_overlayer_lowered:
.L_overlay_start_2:
0x22d: {  	(tag) =	ssettag $0x2  }
0x22e: {  	s0 =	rddreg [dreg:$0x0];
	s2 =	stileid.u32  }
0x22f: {  	s1 =	rddreg [dreg:$0x1];
	p0 =	sne.s32 s2, $0x0  }
0x230: {  	s3 =	rddreg [dreg:$0x2];
	[bflag:$0x3] =	sbarrier.arrive $0xFFFF;
	s2 =	simm.s32 @!p0 $0x1C03  }
0x231: {  	[timem:s3], [sflag:s2] =	dma.local @!p0 [hbm:s0], s1  }
0x232: {  	s0 =	simm.s32 @!p0 $0x3  }
0x233: {  	_ =	swait.ge @!p0 [sflag:s0], s1  }
0x234: {  	s1 =	ssub.s32 @!p0 $0x0, s1;
	[sflag:s0] =	ssyncset.done @!p0 $0x0  }
0x235: {  	[sflag:s0] =	ssyncadd.s32 @!p0 s1  }
0x236: {  	[bflag:$0x3] =	sbarrier.arrive $0xFFFF  }
0x237: {  	_ =	shalt  }

</sc_bundles>
